<compile_context>
chip_gen: v7x
topology: tpu7x:2x2x1
jax: 0.10.2.dev20260603
libtpu: 0.0.44.dev20260713+nightly
codegen_flags: <defaults>
</compile_context>

<pallas_src>
import functools

import jax
import jax.numpy as jnp
from jax import lax
from jax.experimental import pallas as pl
from jax.experimental.pallas import tpu as pltpu
from jax.experimental.pallas import tpu_sc as plsc

NUM_F = 9
VOCAB = 100
HIDDEN = 128
NWORKERS = 32
CHUNK = 32
TAB_WORDS = NUM_F * VOCAB * HIDDEN // 2
ROW_W = HIDDEN // 2


def _tree_sum9(vals):
    s01 = vals[0] + vals[1]
    s23 = vals[2] + vals[3]
    s45 = vals[4] + vals[5]
    s67 = vals[6] + vals[7]
    a = s01 + s23
    b = s45 + s67
    return (a + b) + vals[8]


def _pack_table(tab):
    r, c = tab.shape
    t = tab.astype(jnp.bfloat16).reshape(r, c // 32, 2, 16).transpose(0, 1, 3, 2)
    return lax.bitcast_convert_type(t, jnp.int32).reshape(-1)


def _body(rows_per_worker, last_rows, nrows, x_hbm, tab_hbm, out_hbm,
          tab_v, xtv, xrm, ob0, ob1, so0, so1, st, sx):
    wid = lax.axis_index("s") * 2 + lax.axis_index("c")
    base_row = wid * rows_per_worker
    is_last = wid == NWORKERS - 1

    @pl.when(jnp.logical_not(is_last))
    def _():
        for i in range(NUM_F):
            pltpu.async_copy(
                x_hbm.at[pl.ds(i * nrows + base_row, rows_per_worker)],
                xtv.at[pl.ds(i * rows_per_worker, rows_per_worker)], sx)

    @pl.when(is_last)
    def _():
        for i in range(NUM_F):
            pltpu.async_copy(
                x_hbm.at[pl.ds(i * nrows + base_row, last_rows)],
                xtv.at[pl.ds(i * rows_per_worker, last_rows)], sx)

    pltpu.async_copy(tab_hbm, tab_v, st)

    @pl.when(jnp.logical_not(is_last))
    def _():
        for i in range(NUM_F):
            pltpu.make_async_copy(
                x_hbm.at[pl.ds(i * nrows + base_row, rows_per_worker)],
                xtv.at[pl.ds(i * rows_per_worker, rows_per_worker)], sx).wait()

    @pl.when(is_last)
    def _():
        for i in range(NUM_F):
            pltpu.make_async_copy(
                x_hbm.at[pl.ds(i * nrows + base_row, last_rows)],
                xtv.at[pl.ds(i * rows_per_worker, last_rows)], sx).wait()

    my_rows = jnp.where(is_last, last_rows, rows_per_worker)
    num_chunks = my_rows // CHUNK
    npairs = num_chunks // 2

    iota = lax.iota(jnp.int32, 16)

    @plsc.parallel_loop(0, my_rows // 16, 1, unroll=2)
    def transpose_body(g):
        for i in range(NUM_F):
            col = xtv[pl.ds(i * rows_per_worker + g * 16, 16)]
            plsc.store_scatter(xrm, [iota * NUM_F + (g * 16 * NUM_F + i)], col)

    pltpu.make_async_copy(tab_hbm, tab_v, st).wait()

    def o_slice(c):
        return out_hbm.at[pl.ds(base_row + c * CHUNK, CHUNK), :]

    def compute(c, outbuf):
        @plsc.parallel_loop(0, CHUNK, 1, unroll=4)
        def row_body(r):
            xv = xrm[pl.ds((c * CHUNK + r) * NUM_F, 16)]
            bases = [xv[i] * ROW_W + i * (VOCAB * ROW_W)
                     for i in range(NUM_F)]
            for sb in range(HIDDEN // 32):
                loads = [plsc.bitcast(
                    tab_v[pl.ds(bases[i] + sb * 16, 16)], jnp.bfloat16)
                    for i in range(NUM_F)]
                lo, hi = plsc.unpack(_tree_sum9(loads),
                                     format=plsc.PackFormat.INTERLEAVED)
                outbuf[r, pl.ds(sb * 32, 16)] = lo
                outbuf[r, pl.ds(sb * 32 + 16, 16)] = hi

    def pair_body(p, _):
        ca = 2 * p
        cb = ca + 1

        @pl.when(p > 0)
        def _():
            pltpu.make_async_copy(ob0, o_slice(ca), so0).wait()

        compute(ca, ob0)
        pltpu.async_copy(ob0, o_slice(ca), so0)

        @pl.when(p > 0)
        def _():
            pltpu.make_async_copy(ob1, o_slice(cb), so1).wait()

        compute(cb, ob1)
        pltpu.async_copy(ob1, o_slice(cb), so1)
        return 0

    lax.fori_loop(0, npairs, pair_body, 0)

    @pl.when(npairs > 0)
    def _():
        pltpu.make_async_copy(ob0, o_slice(0), so0).wait()
        pltpu.make_async_copy(ob1, o_slice(0), so1).wait()

    @pl.when(num_chunks % 2 == 1)
    def _():
        compute(num_chunks - 1, ob0)
        pltpu.sync_copy(ob0, o_slice(num_chunks - 1))


def kernel(x, tables):
    n = x.shape[0]
    n32 = ((n + CHUNK - 1) // CHUNK) * CHUNK
    if n32 != n:
        x = jnp.pad(x, ((0, n32 - n), (0, 0)))
    rows_per_worker = ((n32 + NWORKERS * CHUNK - 1) // (NWORKERS * CHUNK)) * CHUNK
    last_rows = n32 - (NWORKERS - 1) * rows_per_worker
    assert last_rows >= 0

    x_flat = lax.reshape(x.astype(jnp.int32), (n32 * NUM_F,), dimensions=(1, 0))
    tab_flat = _pack_table(tables.reshape(NUM_F * VOCAB, HIDDEN))

    mesh = plsc.VectorSubcoreMesh(
        core_axis_name="c", subcore_axis_name="s", num_cores=2, num_subcores=16
    )
    run = pl.kernel(
        functools.partial(_body, rows_per_worker, last_rows, n32),
        out_type=jax.ShapeDtypeStruct((n32, HIDDEN), jnp.float32),
        mesh=mesh,
        compiler_params=pltpu.CompilerParams(needs_layout_passes=False),
        scratch_types=[
            pltpu.VMEM((TAB_WORDS,), jnp.int32),
            pltpu.VMEM((NUM_F * rows_per_worker,), jnp.int32),
            pltpu.VMEM((NUM_F * rows_per_worker + 16,), jnp.int32),
            pltpu.VMEM((CHUNK, HIDDEN), jnp.float32),
            pltpu.VMEM((CHUNK, HIDDEN), jnp.float32),
            pltpu.SemaphoreType.DMA,
            pltpu.SemaphoreType.DMA,
            pltpu.SemaphoreType.DMA,
            pltpu.SemaphoreType.DMA,
        ],
    )
    out = run(x_flat, tab_flat)
    return out[:n] if n32 != n else out

# --- scband reference (transcript-rebuilt; emitter-appended) ---
"""Pipeline reference for scband-atom-encoder-48137993454162 (READ-ONLY COPY).

The authoritative reference and input builder live on the scoring server;
editing this copy changes nothing except your own understanding.
"""

import jax, jax.numpy as jnp
import numpy as np

NUM_FEATURES = 9
VOCAB = 100
HIDDEN = 128
N = 100000

def setup_inputs(seed: int = 0) -> dict:
    key = jax.random.key(seed)
    kx, kw = jax.random.split(key)
    x = jax.random.randint(kx, (N, NUM_FEATURES), 0, VOCAB, dtype=jnp.int64 if jax.config.jax_enable_x64 else jnp.int32)
    # 9 embedding tables of shape [100, hidden_channels], stacked
    tables = jax.random.normal(kw, (NUM_FEATURES, VOCAB, HIDDEN), dtype=jnp.float32)
    return {"x": x, "tables": tables}

def reference(x, tables):
    # output = sum_i embeddings[i](x[:, i])
    output = jnp.zeros((x.shape[0], tables.shape[-1]), dtype=tables.dtype)
    for i in range(x.shape[1]):
        output = output + jnp.take(tables[i], x[:, i], axis=0)
    return output

if __name__ == "__main__":
    import jax
    _d = setup_inputs()
    print(jax.jit(kernel)(*tuple(_d.values())))

</pallas_src>

<mosaic_0001>
#map = affine_map<(d0, d1) -> (0)>
#map1 = affine_map<(d0, d1) -> (0, 0)>
module attributes {stable_mosaic.version = 14 : i64} {
  func.func @_body(%arg0: i32, %arg1: i32, %arg2: memref<900000xi32, #tpu.memory_space<hbm>>, %arg3: memref<57600xi32, #tpu.memory_space<hbm>>, %arg4: memref<100000x128xf32, #tpu.memory_space<hbm>>, %arg5: memref<57600xi32, #tpu.memory_space<vmem>>, %arg6: memref<28224xi32, #tpu.memory_space<vmem>>, %arg7: memref<28240xi32, #tpu.memory_space<vmem>>, %arg8: memref<32x128xf32, #tpu.memory_space<vmem>>, %arg9: memref<32x128xf32, #tpu.memory_space<vmem>>, %arg10: memref<!tpu.dma_semaphore, #tpu.memory_space<semaphore_mem>>, %arg11: memref<!tpu.dma_semaphore, #tpu.memory_space<semaphore_mem>>, %arg12: memref<!tpu.dma_semaphore, #tpu.memory_space<semaphore_mem>>, %arg13: memref<!tpu.dma_semaphore, #tpu.memory_space<semaphore_mem>>) attributes {dimension_semantics = [#tpu.dimension_semantics<core_parallel>, #tpu.dimension_semantics<subcore_parallel>], iteration_bounds = array<i64: 2, 16>, scalar_prefetch = 0 : i64, scratch_operands = 9 : i64, tpu.core_type = #tpu.core_type<sc_vector_subcore>, window_params = [{transform_indices = #map}, {transform_indices = #map}, {transform_indices = #map1}]} {
    %mul3A = arith.constant 2 : i32
    %mul3A_0 = arith.muli %arg1, %mul3A : i32
    %add3A = arith.addi %mul3A_0, %arg0 : i32
    %mul3A_1 = arith.constant 3136 : i32
    %mul3A_2 = arith.muli %add3A, %mul3A_1 : i32
    %eq3A = arith.constant 31 : i32
    %eq3A_3 = arith.cmpi eq, %add3A, %eq3A : i32
    %not3A = arith.constant true
    %not3A_4 = arith.xori %eq3A_3, %not3A : i1
    %convert_element_type3A = arith.extui %not3A_4 : i1 to i32
    %cond3A = arith.constant 0 : i32
    %cond3A_5 = arith.cmpi ne, %convert_element_type3A, %cond3A : i32
    scf.if %cond3A_5 {
      %add3A_120 = arith.constant 0 : i32
      %add3A_121 = arith.addi %add3A_120, %mul3A_2 : i32
      %dma_start3A = arith.constant 0 : i32
      %dma_start3A_122 = tpu.memref_slice %arg6[%dma_start3A] : memref<28224xi32, #tpu.memory_space<vmem>> -> memref<3136xi32, #tpu.memory_space<vmem>>
      %dma_start3A_123 = tpu.memref_slice %arg2[%add3A_121] : memref<900000xi32, #tpu.memory_space<hbm>> -> memref<3136xi32, #tpu.memory_space<hbm>>
      %dma_start3A_124 = arith.constant 0 : i32
      %dma_start3A_125 = tpu.memref_slice %arg6[%dma_start3A_124] : memref<28224xi32, #tpu.memory_space<vmem>> -> memref<3136xi32, #tpu.memory_space<vmem>>
      %dma_start3A_126 = tpu.memref_slice %arg2[%add3A_121] : memref<900000xi32, #tpu.memory_space<hbm>> -> memref<3136xi32, #tpu.memory_space<hbm>>
      tpu.enqueue_dma source(%dma_start3A_126 : memref<3136xi32, #tpu.memory_space<hbm>>) target(%dma_start3A_125 : memref<3136xi32, #tpu.memory_space<vmem>>) target_semaphore(%arg13 : memref<!tpu.dma_semaphore, #tpu.memory_space<semaphore_mem>>)
      %add3A_127 = arith.constant 100000 : i32
      %add3A_128 = arith.addi %add3A_127, %mul3A_2 : i32
      %dma_start3A_129 = arith.constant 3136 : i32
      %dma_start3A_130 = tpu.memref_slice %arg6[%dma_start3A_129] : memref<28224xi32, #tpu.memory_space<vmem>> -> memref<3136xi32, #tpu.memory_space<vmem>>
      %dma_start3A_131 = tpu.memref_slice %arg2[%add3A_128] : memref<900000xi32, #tpu.memory_space<hbm>> -> memref<3136xi32, #tpu.memory_space<hbm>>
      %dma_start3A_132 = arith.constant 3136 : i32
      %dma_start3A_133 = tpu.memref_slice %arg6[%dma_start3A_132] : memref<28224xi32, #tpu.memory_space<vmem>> -> memref<3136xi32, #tpu.memory_space<vmem>>
      %dma_start3A_134 = tpu.memref_slice %arg2[%add3A_128] : memref<900000xi32, #tpu.memory_space<hbm>> -> memref<3136xi32, #tpu.memory_space<hbm>>
      tpu.enqueue_dma source(%dma_start3A_134 : memref<3136xi32, #tpu.memory_space<hbm>>) target(%dma_start3A_133 : memref<3136xi32, #tpu.memory_space<vmem>>) target_semaphore(%arg13 : memref<!tpu.dma_semaphore, #tpu.memory_space<semaphore_mem>>)
      %add3A_135 = arith.constant 200000 : i32
      %add3A_136 = arith.addi %add3A_135, %mul3A_2 : i32
      %dma_start3A_137 = arith.constant 6272 : i32
      %dma_start3A_138 = tpu.memref_slice %arg6[%dma_start3A_137] : memref<28224xi32, #tpu.memory_space<vmem>> -> memref<3136xi32, #tpu.memory_space<vmem>>
      %dma_start3A_139 = tpu.memref_slice %arg2[%add3A_136] : memref<900000xi32, #tpu.memory_space<hbm>> -> memref<3136xi32, #tpu.memory_space<hbm>>
      %dma_start3A_140 = arith.constant 6272 : i32
      %dma_start3A_141 = tpu.memref_slice %arg6[%dma_start3A_140] : memref<28224xi32, #tpu.memory_space<vmem>> -> memref<3136xi32, #tpu.memory_space<vmem>>
      %dma_start3A_142 = tpu.memref_slice %arg2[%add3A_136] : memref<900000xi32, #tpu.memory_space<hbm>> -> memref<3136xi32, #tpu.memory_space<hbm>>
      tpu.enqueue_dma source(%dma_start3A_142 : memref<3136xi32, #tpu.memory_space<hbm>>) target(%dma_start3A_141 : memref<3136xi32, #tpu.memory_space<vmem>>) target_semaphore(%arg13 : memref<!tpu.dma_semaphore, #tpu.memory_space<semaphore_mem>>)
      %add3A_143 = arith.constant 300000 : i32
      %add3A_144 = arith.addi %add3A_143, %mul3A_2 : i32
      %dma_start3A_145 = arith.constant 9408 : i32
      %dma_start3A_146 = tpu.memref_slice %arg6[%dma_start3A_145] : memref<28224xi32, #tpu.memory_space<vmem>> -> memref<3136xi32, #tpu.memory_space<vmem>>
      %dma_start3A_147 = tpu.memref_slice %arg2[%add3A_144] : memref<900000xi32, #tpu.memory_space<hbm>> -> memref<3136xi32, #tpu.memory_space<hbm>>
      %dma_start3A_148 = arith.constant 9408 : i32
      %dma_start3A_149 = tpu.memref_slice %arg6[%dma_start3A_148] : memref<28224xi32, #tpu.memory_space<vmem>> -> memref<3136xi32, #tpu.memory_space<vmem>>
      %dma_start3A_150 = tpu.memref_slice %arg2[%add3A_144] : memref<900000xi32, #tpu.memory_space<hbm>> -> memref<3136xi32, #tpu.memory_space<hbm>>
      tpu.enqueue_dma source(%dma_start3A_150 : memref<3136xi32, #tpu.memory_space<hbm>>) target(%dma_start3A_149 : memref<3136xi32, #tpu.memory_space<vmem>>) target_semaphore(%arg13 : memref<!tpu.dma_semaphore, #tpu.memory_space<semaphore_mem>>)
      %add3A_151 = arith.constant 400000 : i32
      %add3A_152 = arith.addi %add3A_151, %mul3A_2 : i32
      %dma_start3A_153 = arith.constant 12544 : i32
      %dma_start3A_154 = tpu.memref_slice %arg6[%dma_start3A_153] : memref<28224xi32, #tpu.memory_space<vmem>> -> memref<3136xi32, #tpu.memory_space<vmem>>
      %dma_start3A_155 = tpu.memref_slice %arg2[%add3A_152] : memref<900000xi32, #tpu.memory_space<hbm>> -> memref<3136xi32, #tpu.memory_space<hbm>>
      %dma_start3A_156 = arith.constant 12544 : i32
      %dma_start3A_157 = tpu.memref_slice %arg6[%dma_start3A_156] : memref<28224xi32, #tpu.memory_space<vmem>> -> memref<3136xi32, #tpu.memory_space<vmem>>
      %dma_start3A_158 = tpu.memref_slice %arg2[%add3A_152] : memref<900000xi32, #tpu.memory_space<hbm>> -> memref<3136xi32, #tpu.memory_space<hbm>>
      tpu.enqueue_dma source(%dma_start3A_158 : memref<3136xi32, #tpu.memory_space<hbm>>) target(%dma_start3A_157 : memref<3136xi32, #tpu.memory_space<vmem>>) target_semaphore(%arg13 : memref<!tpu.dma_semaphore, #tpu.memory_space<semaphore_mem>>)
      %add3A_159 = arith.constant 500000 : i32
      %add3A_160 = arith.addi %add3A_159, %mul3A_2 : i32
      %dma_start3A_161 = arith.constant 15680 : i32
      %dma_start3A_162 = tpu.memref_slice %arg6[%dma_start3A_161] : memref<28224xi32, #tpu.memory_space<vmem>> -> memref<3136xi32, #tpu.memory_space<vmem>>
      %dma_start3A_163 = tpu.memref_slice %arg2[%add3A_160] : memref<900000xi32, #tpu.memory_space<hbm>> -> memref<3136xi32, #tpu.memory_space<hbm>>
      %dma_start3A_164 = arith.constant 15680 : i32
      %dma_start3A_165 = tpu.memref_slice %arg6[%dma_start3A_164] : memref<28224xi32, #tpu.memory_space<vmem>> -> memref<3136xi32, #tpu.memory_space<vmem>>
      %dma_start3A_166 = tpu.memref_slice %arg2[%add3A_160] : memref<900000xi32, #tpu.memory_space<hbm>> -> memref<3136xi32, #tpu.memory_space<hbm>>
      tpu.enqueue_dma source(%dma_start3A_166 : memref<3136xi32, #tpu.memory_space<hbm>>) target(%dma_start3A_165 : memref<3136xi32, #tpu.memory_space<vmem>>) target_semaphore(%arg13 : memref<!tpu.dma_semaphore, #tpu.memory_space<semaphore_mem>>)
      %add3A_167 = arith.constant 600000 : i32
      %add3A_168 = arith.addi %add3A_167, %mul3A_2 : i32
      %dma_start3A_169 = arith.constant 18816 : i32
      %dma_start3A_170 = tpu.memref_slice %arg6[%dma_start3A_169] : memref<28224xi32, #tpu.memory_space<vmem>> -> memref<3136xi32, #tpu.memory_space<vmem>>
      %dma_start3A_171 = tpu.memref_slice %arg2[%add3A_168] : memref<900000xi32, #tpu.memory_space<hbm>> -> memref<3136xi32, #tpu.memory_space<hbm>>
      %dma_start3A_172 = arith.constant 18816 : i32
      %dma_start3A_173 = tpu.memref_slice %arg6[%dma_start3A_172] : memref<28224xi32, #tpu.memory_space<vmem>> -> memref<3136xi32, #tpu.memory_space<vmem>>
      %dma_start3A_174 = tpu.memref_slice %arg2[%add3A_168] : memref<900000xi32, #tpu.memory_space<hbm>> -> memref<3136xi32, #tpu.memory_space<hbm>>
      tpu.enqueue_dma source(%dma_start3A_174 : memref<3136xi32, #tpu.memory_space<hbm>>) target(%dma_start3A_173 : memref<3136xi32, #tpu.memory_space<vmem>>) target_semaphore(%arg13 : memref<!tpu.dma_semaphore, #tpu.memory_space<semaphore_mem>>)
      %add3A_175 = arith.constant 700000 : i32
      %add3A_176 = arith.addi %add3A_175, %mul3A_2 : i32
      %dma_start3A_177 = arith.constant 21952 : i32
      %dma_start3A_178 = tpu.memref_slice %arg6[%dma_start3A_177] : memref<28224xi32, #tpu.memory_space<vmem>> -> memref<3136xi32, #tpu.memory_space<vmem>>
      %dma_start3A_179 = tpu.memref_slice %arg2[%add3A_176] : memref<900000xi32, #tpu.memory_space<hbm>> -> memref<3136xi32, #tpu.memory_space<hbm>>
      %dma_start3A_180 = arith.constant 21952 : i32
      %dma_start3A_181 = tpu.memref_slice %arg6[%dma_start3A_180] : memref<28224xi32, #tpu.memory_space<vmem>> -> memref<3136xi32, #tpu.memory_space<vmem>>
      %dma_start3A_182 = tpu.memref_slice %arg2[%add3A_176] : memref<900000xi32, #tpu.memory_space<hbm>> -> memref<3136xi32, #tpu.memory_space<hbm>>
      tpu.enqueue_dma source(%dma_start3A_182 : memref<3136xi32, #tpu.memory_space<hbm>>) target(%dma_start3A_181 : memref<3136xi32, #tpu.memory_space<vmem>>) target_semaphore(%arg13 : memref<!tpu.dma_semaphore, #tpu.memory_space<semaphore_mem>>)
      %add3A_183 = arith.constant 800000 : i32
      %add3A_184 = arith.addi %add3A_183, %mul3A_2 : i32
      %dma_start3A_185 = arith.constant 25088 : i32
      %dma_start3A_186 = tpu.memref_slice %arg6[%dma_start3A_185] : memref<28224xi32, #tpu.memory_space<vmem>> -> memref<3136xi32, #tpu.memory_space<vmem>>
      %dma_start3A_187 = tpu.memref_slice %arg2[%add3A_184] : memref<900000xi32, #tpu.memory_space<hbm>> -> memref<3136xi32, #tpu.memory_space<hbm>>
      %dma_start3A_188 = arith.constant 25088 : i32
      %dma_start3A_189 = tpu.memref_slice %arg6[%dma_start3A_188] : memref<28224xi32, #tpu.memory_space<vmem>> -> memref<3136xi32, #tpu.memory_space<vmem>>
      %dma_start3A_190 = tpu.memref_slice %arg2[%add3A_184] : memref<900000xi32, #tpu.memory_space<hbm>> -> memref<3136xi32, #tpu.memory_space<hbm>>
      tpu.enqueue_dma source(%dma_start3A_190 : memref<3136xi32, #tpu.memory_space<hbm>>) target(%dma_start3A_189 : memref<3136xi32, #tpu.memory_space<vmem>>) target_semaphore(%arg13 : memref<!tpu.dma_semaphore, #tpu.memory_space<semaphore_mem>>)
    } else {
    }
    %convert_element_type3A_6 = arith.extui %eq3A_3 : i1 to i32
    %cond3A_7 = arith.constant 0 : i32
    %cond3A_8 = arith.cmpi ne, %convert_element_type3A_6, %cond3A_7 : i32
    scf.if %cond3A_8 {
      %add3A_120 = arith.constant 0 : i32
      %add3A_121 = arith.addi %add3A_120, %mul3A_2 : i32
      %dma_start3A = arith.constant 0 : i32
      %dma_start3A_122 = tpu.memref_slice %arg6[%dma_start3A] : memref<28224xi32, #tpu.memory_space<vmem>> -> memref<2784xi32, #tpu.memory_space<vmem>>
      %dma_start3A_123 = tpu.memref_slice %arg2[%add3A_121] : memref<900000xi32, #tpu.memory_space<hbm>> -> memref<2784xi32, #tpu.memory_space<hbm>>
      %dma_start3A_124 = arith.constant 0 : i32
      %dma_start3A_125 = tpu.memref_slice %arg6[%dma_start3A_124] : memref<28224xi32, #tpu.memory_space<vmem>> -> memref<2784xi32, #tpu.memory_space<vmem>>
      %dma_start3A_126 = tpu.memref_slice %arg2[%add3A_121] : memref<900000xi32, #tpu.memory_space<hbm>> -> memref<2784xi32, #tpu.memory_space<hbm>>
      tpu.enqueue_dma source(%dma_start3A_126 : memref<2784xi32, #tpu.memory_space<hbm>>) target(%dma_start3A_125 : memref<2784xi32, #tpu.memory_space<vmem>>) target_semaphore(%arg13 : memref<!tpu.dma_semaphore, #tpu.memory_space<semaphore_mem>>)
      %add3A_127 = arith.constant 100000 : i32
      %add3A_128 = arith.addi %add3A_127, %mul3A_2 : i32
      %dma_start3A_129 = arith.constant 3136 : i32
      %dma_start3A_130 = tpu.memref_slice %arg6[%dma_start3A_129] : memref<28224xi32, #tpu.memory_space<vmem>> -> memref<2784xi32, #tpu.memory_space<vmem>>
      %dma_start3A_131 = tpu.memref_slice %arg2[%add3A_128] : memref<900000xi32, #tpu.memory_space<hbm>> -> memref<2784xi32, #tpu.memory_space<hbm>>
      %dma_start3A_132 = arith.constant 3136 : i32
      %dma_start3A_133 = tpu.memref_slice %arg6[%dma_start3A_132] : memref<28224xi32, #tpu.memory_space<vmem>> -> memref<2784xi32, #tpu.memory_space<vmem>>
      %dma_start3A_134 = tpu.memref_slice %arg2[%add3A_128] : memref<900000xi32, #tpu.memory_space<hbm>> -> memref<2784xi32, #tpu.memory_space<hbm>>
      tpu.enqueue_dma source(%dma_start3A_134 : memref<2784xi32, #tpu.memory_space<hbm>>) target(%dma_start3A_133 : memref<2784xi32, #tpu.memory_space<vmem>>) target_semaphore(%arg13 : memref<!tpu.dma_semaphore, #tpu.memory_space<semaphore_mem>>)
      %add3A_135 = arith.constant 200000 : i32
      %add3A_136 = arith.addi %add3A_135, %mul3A_2 : i32
      %dma_start3A_137 = arith.constant 6272 : i32
      %dma_start3A_138 = tpu.memref_slice %arg6[%dma_start3A_137] : memref<28224xi32, #tpu.memory_space<vmem>> -> memref<2784xi32, #tpu.memory_space<vmem>>
      %dma_start3A_139 = tpu.memref_slice %arg2[%add3A_136] : memref<900000xi32, #tpu.memory_space<hbm>> -> memref<2784xi32, #tpu.memory_space<hbm>>
      %dma_start3A_140 = arith.constant 6272 : i32
      %dma_start3A_141 = tpu.memref_slice %arg6[%dma_start3A_140] : memref<28224xi32, #tpu.memory_space<vmem>> -> memref<2784xi32, #tpu.memory_space<vmem>>
      %dma_start3A_142 = tpu.memref_slice %arg2[%add3A_136] : memref<900000xi32, #tpu.memory_space<hbm>> -> memref<2784xi32, #tpu.memory_space<hbm>>
      tpu.enqueue_dma source(%dma_start3A_142 : memref<2784xi32, #tpu.memory_space<hbm>>) target(%dma_start3A_141 : memref<2784xi32, #tpu.memory_space<vmem>>) target_semaphore(%arg13 : memref<!tpu.dma_semaphore, #tpu.memory_space<semaphore_mem>>)
      %add3A_143 = arith.constant 300000 : i32
      %add3A_144 = arith.addi %add3A_143, %mul3A_2 : i32
      %dma_start3A_145 = arith.constant 9408 : i32
      %dma_start3A_146 = tpu.memref_slice %arg6[%dma_start3A_145] : memref<28224xi32, #tpu.memory_space<vmem>> -> memref<2784xi32, #tpu.memory_space<vmem>>
      %dma_start3A_147 = tpu.memref_slice %arg2[%add3A_144] : memref<900000xi32, #tpu.memory_space<hbm>> -> memref<2784xi32, #tpu.memory_space<hbm>>
      %dma_start3A_148 = arith.constant 9408 : i32
      %dma_start3A_149 = tpu.memref_slice %arg6[%dma_start3A_148] : memref<28224xi32, #tpu.memory_space<vmem>> -> memref<2784xi32, #tpu.memory_space<vmem>>
      %dma_start3A_150 = tpu.memref_slice %arg2[%add3A_144] : memref<900000xi32, #tpu.memory_space<hbm>> -> memref<2784xi32, #tpu.memory_space<hbm>>
      tpu.enqueue_dma source(%dma_start3A_150 : memref<2784xi32, #tpu.memory_space<hbm>>) target(%dma_start3A_149 : memref<2784xi32, #tpu.memory_space<vmem>>) target_semaphore(%arg13 : memref<!tpu.dma_semaphore, #tpu.memory_space<semaphore_mem>>)
      %add3A_151 = arith.constant 400000 : i32
      %add3A_152 = arith.addi %add3A_151, %mul3A_2 : i32
      %dma_start3A_153 = arith.constant 12544 : i32
      %dma_start3A_154 = tpu.memref_slice %arg6[%dma_start3A_153] : memref<28224xi32, #tpu.memory_space<vmem>> -> memref<2784xi32, #tpu.memory_space<vmem>>
      %dma_start3A_155 = tpu.memref_slice %arg2[%add3A_152] : memref<900000xi32, #tpu.memory_space<hbm>> -> memref<2784xi32, #tpu.memory_space<hbm>>
      %dma_start3A_156 = arith.constant 12544 : i32
      %dma_start3A_157 = tpu.memref_slice %arg6[%dma_start3A_156] : memref<28224xi32, #tpu.memory_space<vmem>> -> memref<2784xi32, #tpu.memory_space<vmem>>
      %dma_start3A_158 = tpu.memref_slice %arg2[%add3A_152] : memref<900000xi32, #tpu.memory_space<hbm>> -> memref<2784xi32, #tpu.memory_space<hbm>>
      tpu.enqueue_dma source(%dma_start3A_158 : memref<2784xi32, #tpu.memory_space<hbm>>) target(%dma_start3A_157 : memref<2784xi32, #tpu.memory_space<vmem>>) target_semaphore(%arg13 : memref<!tpu.dma_semaphore, #tpu.memory_space<semaphore_mem>>)
      %add3A_159 = arith.constant 500000 : i32
      %add3A_160 = arith.addi %add3A_159, %mul3A_2 : i32
      %dma_start3A_161 = arith.constant 15680 : i32
      %dma_start3A_162 = tpu.memref_slice %arg6[%dma_start3A_161] : memref<28224xi32, #tpu.memory_space<vmem>> -> memref<2784xi32, #tpu.memory_space<vmem>>
      %dma_start3A_163 = tpu.memref_slice %arg2[%add3A_160] : memref<900000xi32, #tpu.memory_space<hbm>> -> memref<2784xi32, #tpu.memory_space<hbm>>
      %dma_start3A_164 = arith.constant 15680 : i32
      %dma_start3A_165 = tpu.memref_slice %arg6[%dma_start3A_164] : memref<28224xi32, #tpu.memory_space<vmem>> -> memref<2784xi32, #tpu.memory_space<vmem>>
      %dma_start3A_166 = tpu.memref_slice %arg2[%add3A_160] : memref<900000xi32, #tpu.memory_space<hbm>> -> memref<2784xi32, #tpu.memory_space<hbm>>
      tpu.enqueue_dma source(%dma_start3A_166 : memref<2784xi32, #tpu.memory_space<hbm>>) target(%dma_start3A_165 : memref<2784xi32, #tpu.memory_space<vmem>>) target_semaphore(%arg13 : memref<!tpu.dma_semaphore, #tpu.memory_space<semaphore_mem>>)
      %add3A_167 = arith.constant 600000 : i32
      %add3A_168 = arith.addi %add3A_167, %mul3A_2 : i32
      %dma_start3A_169 = arith.constant 18816 : i32
      %dma_start3A_170 = tpu.memref_slice %arg6[%dma_start3A_169] : memref<28224xi32, #tpu.memory_space<vmem>> -> memref<2784xi32, #tpu.memory_space<vmem>>
      %dma_start3A_171 = tpu.memref_slice %arg2[%add3A_168] : memref<900000xi32, #tpu.memory_space<hbm>> -> memref<2784xi32, #tpu.memory_space<hbm>>
      %dma_start3A_172 = arith.constant 18816 : i32
      %dma_start3A_173 = tpu.memref_slice %arg6[%dma_start3A_172] : memref<28224xi32, #tpu.memory_space<vmem>> -> memref<2784xi32, #tpu.memory_space<vmem>>
      %dma_start3A_174 = tpu.memref_slice %arg2[%add3A_168] : memref<900000xi32, #tpu.memory_space<hbm>> -> memref<2784xi32, #tpu.memory_space<hbm>>
      tpu.enqueue_dma source(%dma_start3A_174 : memref<2784xi32, #tpu.memory_space<hbm>>) target(%dma_start3A_173 : memref<2784xi32, #tpu.memory_space<vmem>>) target_semaphore(%arg13 : memref<!tpu.dma_semaphore, #tpu.memory_space<semaphore_mem>>)
      %add3A_175 = arith.constant 700000 : i32
      %add3A_176 = arith.addi %add3A_175, %mul3A_2 : i32
      %dma_start3A_177 = arith.constant 21952 : i32
      %dma_start3A_178 = tpu.memref_slice %arg6[%dma_start3A_177] : memref<28224xi32, #tpu.memory_space<vmem>> -> memref<2784xi32, #tpu.memory_space<vmem>>
      %dma_start3A_179 = tpu.memref_slice %arg2[%add3A_176] : memref<900000xi32, #tpu.memory_space<hbm>> -> memref<2784xi32, #tpu.memory_space<hbm>>
      %dma_start3A_180 = arith.constant 21952 : i32
      %dma_start3A_181 = tpu.memref_slice %arg6[%dma_start3A_180] : memref<28224xi32, #tpu.memory_space<vmem>> -> memref<2784xi32, #tpu.memory_space<vmem>>
      %dma_start3A_182 = tpu.memref_slice %arg2[%add3A_176] : memref<900000xi32, #tpu.memory_space<hbm>> -> memref<2784xi32, #tpu.memory_space<hbm>>
      tpu.enqueue_dma source(%dma_start3A_182 : memref<2784xi32, #tpu.memory_space<hbm>>) target(%dma_start3A_181 : memref<2784xi32, #tpu.memory_space<vmem>>) target_semaphore(%arg13 : memref<!tpu.dma_semaphore, #tpu.memory_space<semaphore_mem>>)
      %add3A_183 = arith.constant 800000 : i32
      %add3A_184 = arith.addi %add3A_183, %mul3A_2 : i32
      %dma_start3A_185 = arith.constant 25088 : i32
      %dma_start3A_186 = tpu.memref_slice %arg6[%dma_start3A_185] : memref<28224xi32, #tpu.memory_space<vmem>> -> memref<2784xi32, #tpu.memory_space<vmem>>
      %dma_start3A_187 = tpu.memref_slice %arg2[%add3A_184] : memref<900000xi32, #tpu.memory_space<hbm>> -> memref<2784xi32, #tpu.memory_space<hbm>>
      %dma_start3A_188 = arith.constant 25088 : i32
      %dma_start3A_189 = tpu.memref_slice %arg6[%dma_start3A_188] : memref<28224xi32, #tpu.memory_space<vmem>> -> memref<2784xi32, #tpu.memory_space<vmem>>
      %dma_start3A_190 = tpu.memref_slice %arg2[%add3A_184] : memref<900000xi32, #tpu.memory_space<hbm>> -> memref<2784xi32, #tpu.memory_space<hbm>>
      tpu.enqueue_dma source(%dma_start3A_190 : memref<2784xi32, #tpu.memory_space<hbm>>) target(%dma_start3A_189 : memref<2784xi32, #tpu.memory_space<vmem>>) target_semaphore(%arg13 : memref<!tpu.dma_semaphore, #tpu.memory_space<semaphore_mem>>)
    } else {
    }
    tpu.enqueue_dma source(%arg3 : memref<57600xi32, #tpu.memory_space<hbm>>) target(%arg5 : memref<57600xi32, #tpu.memory_space<vmem>>) target_semaphore(%arg12 : memref<!tpu.dma_semaphore, #tpu.memory_space<semaphore_mem>>)
    %not3A_9 = arith.constant true
    %not3A_10 = arith.xori %eq3A_3, %not3A_9 : i1
    %convert_element_type3A_11 = arith.extui %not3A_10 : i1 to i32
    %cond3A_12 = arith.constant 0 : i32
    %cond3A_13 = arith.cmpi ne, %convert_element_type3A_11, %cond3A_12 : i32
    scf.if %cond3A_13 {
      %add3A_120 = arith.constant 0 : i32
      %add3A_121 = arith.addi %add3A_120, %mul3A_2 : i32
      %dma_wait3A = arith.constant 0 : i32
      %dma_wait3A_122 = tpu.memref_slice %arg6[%dma_wait3A] : memref<28224xi32, #tpu.memory_space<vmem>> -> memref<3136xi32, #tpu.memory_space<vmem>>
      %dma_wait3A_123 = tpu.memref_slice %arg2[%add3A_121] : memref<900000xi32, #tpu.memory_space<hbm>> -> memref<3136xi32, #tpu.memory_space<hbm>>
      %dma_wait3A_124 = arith.constant 0 : i32
      %dma_wait3A_125 = tpu.memref_slice %arg6[%dma_wait3A_124] : memref<28224xi32, #tpu.memory_space<vmem>> -> memref<3136xi32, #tpu.memory_space<vmem>>
      %dma_wait3A_126 = tpu.memref_slice %arg2[%add3A_121] : memref<900000xi32, #tpu.memory_space<hbm>> -> memref<3136xi32, #tpu.memory_space<hbm>>
      tpu.wait_dma2 semaphore(%arg13 : memref<!tpu.dma_semaphore, #tpu.memory_space<semaphore_mem>>) src(%dma_wait3A_126 : memref<3136xi32, #tpu.memory_space<hbm>>) dst(%dma_wait3A_125 : memref<3136xi32, #tpu.memory_space<vmem>>)
      %add3A_127 = arith.constant 100000 : i32
      %add3A_128 = arith.addi %add3A_127, %mul3A_2 : i32
      %dma_wait3A_129 = arith.constant 3136 : i32
      %dma_wait3A_130 = tpu.memref_slice %arg6[%dma_wait3A_129] : memref<28224xi32, #tpu.memory_space<vmem>> -> memref<3136xi32, #tpu.memory_space<vmem>>
      %dma_wait3A_131 = tpu.memref_slice %arg2[%add3A_128] : memref<900000xi32, #tpu.memory_space<hbm>> -> memref<3136xi32, #tpu.memory_space<hbm>>
      %dma_wait3A_132 = arith.constant 3136 : i32
      %dma_wait3A_133 = tpu.memref_slice %arg6[%dma_wait3A_132] : memref<28224xi32, #tpu.memory_space<vmem>> -> memref<3136xi32, #tpu.memory_space<vmem>>
      %dma_wait3A_134 = tpu.memref_slice %arg2[%add3A_128] : memref<900000xi32, #tpu.memory_space<hbm>> -> memref<3136xi32, #tpu.memory_space<hbm>>
      tpu.wait_dma2 semaphore(%arg13 : memref<!tpu.dma_semaphore, #tpu.memory_space<semaphore_mem>>) src(%dma_wait3A_134 : memref<3136xi32, #tpu.memory_space<hbm>>) dst(%dma_wait3A_133 : memref<3136xi32, #tpu.memory_space<vmem>>)
      %add3A_135 = arith.constant 200000 : i32
      %add3A_136 = arith.addi %add3A_135, %mul3A_2 : i32
      %dma_wait3A_137 = arith.constant 6272 : i32
      %dma_wait3A_138 = tpu.memref_slice %arg6[%dma_wait3A_137] : memref<28224xi32, #tpu.memory_space<vmem>> -> memref<3136xi32, #tpu.memory_space<vmem>>
      %dma_wait3A_139 = tpu.memref_slice %arg2[%add3A_136] : memref<900000xi32, #tpu.memory_space<hbm>> -> memref<3136xi32, #tpu.memory_space<hbm>>
      %dma_wait3A_140 = arith.constant 6272 : i32
      %dma_wait3A_141 = tpu.memref_slice %arg6[%dma_wait3A_140] : memref<28224xi32, #tpu.memory_space<vmem>> -> memref<3136xi32, #tpu.memory_space<vmem>>
      %dma_wait3A_142 = tpu.memref_slice %arg2[%add3A_136] : memref<900000xi32, #tpu.memory_space<hbm>> -> memref<3136xi32, #tpu.memory_space<hbm>>
      tpu.wait_dma2 semaphore(%arg13 : memref<!tpu.dma_semaphore, #tpu.memory_space<semaphore_mem>>) src(%dma_wait3A_142 : memref<3136xi32, #tpu.memory_space<hbm>>) dst(%dma_wait3A_141 : memref<3136xi32, #tpu.memory_space<vmem>>)
      %add3A_143 = arith.constant 300000 : i32
      %add3A_144 = arith.addi %add3A_143, %mul3A_2 : i32
      %dma_wait3A_145 = arith.constant 9408 : i32
      %dma_wait3A_146 = tpu.memref_slice %arg6[%dma_wait3A_145] : memref<28224xi32, #tpu.memory_space<vmem>> -> memref<3136xi32, #tpu.memory_space<vmem>>
      %dma_wait3A_147 = tpu.memref_slice %arg2[%add3A_144] : memref<900000xi32, #tpu.memory_space<hbm>> -> memref<3136xi32, #tpu.memory_space<hbm>>
      %dma_wait3A_148 = arith.constant 9408 : i32
      %dma_wait3A_149 = tpu.memref_slice %arg6[%dma_wait3A_148] : memref<28224xi32, #tpu.memory_space<vmem>> -> memref<3136xi32, #tpu.memory_space<vmem>>
      %dma_wait3A_150 = tpu.memref_slice %arg2[%add3A_144] : memref<900000xi32, #tpu.memory_space<hbm>> -> memref<3136xi32, #tpu.memory_space<hbm>>
      tpu.wait_dma2 semaphore(%arg13 : memref<!tpu.dma_semaphore, #tpu.memory_space<semaphore_mem>>) src(%dma_wait3A_150 : memref<3136xi32, #tpu.memory_space<hbm>>) dst(%dma_wait3A_149 : memref<3136xi32, #tpu.memory_space<vmem>>)
      %add3A_151 = arith.constant 400000 : i32
      %add3A_152 = arith.addi %add3A_151, %mul3A_2 : i32
      %dma_wait3A_153 = arith.constant 12544 : i32
      %dma_wait3A_154 = tpu.memref_slice %arg6[%dma_wait3A_153] : memref<28224xi32, #tpu.memory_space<vmem>> -> memref<3136xi32, #tpu.memory_space<vmem>>
      %dma_wait3A_155 = tpu.memref_slice %arg2[%add3A_152] : memref<900000xi32, #tpu.memory_space<hbm>> -> memref<3136xi32, #tpu.memory_space<hbm>>
      %dma_wait3A_156 = arith.constant 12544 : i32
      %dma_wait3A_157 = tpu.memref_slice %arg6[%dma_wait3A_156] : memref<28224xi32, #tpu.memory_space<vmem>> -> memref<3136xi32, #tpu.memory_space<vmem>>
      %dma_wait3A_158 = tpu.memref_slice %arg2[%add3A_152] : memref<900000xi32, #tpu.memory_space<hbm>> -> memref<3136xi32, #tpu.memory_space<hbm>>
      tpu.wait_dma2 semaphore(%arg13 : memref<!tpu.dma_semaphore, #tpu.memory_space<semaphore_mem>>) src(%dma_wait3A_158 : memref<3136xi32, #tpu.memory_space<hbm>>) dst(%dma_wait3A_157 : memref<3136xi32, #tpu.memory_space<vmem>>)
      %add3A_159 = arith.constant 500000 : i32
      %add3A_160 = arith.addi %add3A_159, %mul3A_2 : i32
      %dma_wait3A_161 = arith.constant 15680 : i32
      %dma_wait3A_162 = tpu.memref_slice %arg6[%dma_wait3A_161] : memref<28224xi32, #tpu.memory_space<vmem>> -> memref<3136xi32, #tpu.memory_space<vmem>>
      %dma_wait3A_163 = tpu.memref_slice %arg2[%add3A_160] : memref<900000xi32, #tpu.memory_space<hbm>> -> memref<3136xi32, #tpu.memory_space<hbm>>
      %dma_wait3A_164 = arith.constant 15680 : i32
      %dma_wait3A_165 = tpu.memref_slice %arg6[%dma_wait3A_164] : memref<28224xi32, #tpu.memory_space<vmem>> -> memref<3136xi32, #tpu.memory_space<vmem>>
      %dma_wait3A_166 = tpu.memref_slice %arg2[%add3A_160] : memref<900000xi32, #tpu.memory_space<hbm>> -> memref<3136xi32, #tpu.memory_space<hbm>>
      tpu.wait_dma2 semaphore(%arg13 : memref<!tpu.dma_semaphore, #tpu.memory_space<semaphore_mem>>) src(%dma_wait3A_166 : memref<3136xi32, #tpu.memory_space<hbm>>) dst(%dma_wait3A_165 : memref<3136xi32, #tpu.memory_space<vmem>>)
      %add3A_167 = arith.constant 600000 : i32
      %add3A_168 = arith.addi %add3A_167, %mul3A_2 : i32
      %dma_wait3A_169 = arith.constant 18816 : i32
      %dma_wait3A_170 = tpu.memref_slice %arg6[%dma_wait3A_169] : memref<28224xi32, #tpu.memory_space<vmem>> -> memref<3136xi32, #tpu.memory_space<vmem>>
      %dma_wait3A_171 = tpu.memref_slice %arg2[%add3A_168] : memref<900000xi32, #tpu.memory_space<hbm>> -> memref<3136xi32, #tpu.memory_space<hbm>>
      %dma_wait3A_172 = arith.constant 18816 : i32
      %dma_wait3A_173 = tpu.memref_slice %arg6[%dma_wait3A_172] : memref<28224xi32, #tpu.memory_space<vmem>> -> memref<3136xi32, #tpu.memory_space<vmem>>
      %dma_wait3A_174 = tpu.memref_slice %arg2[%add3A_168] : memref<900000xi32, #tpu.memory_space<hbm>> -> memref<3136xi32, #tpu.memory_space<hbm>>
      tpu.wait_dma2 semaphore(%arg13 : memref<!tpu.dma_semaphore, #tpu.memory_space<semaphore_mem>>) src(%dma_wait3A_174 : memref<3136xi32, #tpu.memory_space<hbm>>) dst(%dma_wait3A_173 : memref<3136xi32, #tpu.memory_space<vmem>>)
      %add3A_175 = arith.constant 700000 : i32
      %add3A_176 = arith.addi %add3A_175, %mul3A_2 : i32
      %dma_wait3A_177 = arith.constant 21952 : i32
      %dma_wait3A_178 = tpu.memref_slice %arg6[%dma_wait3A_177] : memref<28224xi32, #tpu.memory_space<vmem>> -> memref<3136xi32, #tpu.memory_space<vmem>>
      %dma_wait3A_179 = tpu.memref_slice %arg2[%add3A_176] : memref<900000xi32, #tpu.memory_space<hbm>> -> memref<3136xi32, #tpu.memory_space<hbm>>
      %dma_wait3A_180 = arith.constant 21952 : i32
      %dma_wait3A_181 = tpu.memref_slice %arg6[%dma_wait3A_180] : memref<28224xi32, #tpu.memory_space<vmem>> -> memref<3136xi32, #tpu.memory_space<vmem>>
      %dma_wait3A_182 = tpu.memref_slice %arg2[%add3A_176] : memref<900000xi32, #tpu.memory_space<hbm>> -> memref<3136xi32, #tpu.memory_space<hbm>>
      tpu.wait_dma2 semaphore(%arg13 : memref<!tpu.dma_semaphore, #tpu.memory_space<semaphore_mem>>) src(%dma_wait3A_182 : memref<3136xi32, #tpu.memory_space<hbm>>) dst(%dma_wait3A_181 : memref<3136xi32, #tpu.memory_space<vmem>>)
      %add3A_183 = arith.constant 800000 : i32
      %add3A_184 = arith.addi %add3A_183, %mul3A_2 : i32
      %dma_wait3A_185 = arith.constant 25088 : i32
      %dma_wait3A_186 = tpu.memref_slice %arg6[%dma_wait3A_185] : memref<28224xi32, #tpu.memory_space<vmem>> -> memref<3136xi32, #tpu.memory_space<vmem>>
      %dma_wait3A_187 = tpu.memref_slice %arg2[%add3A_184] : memref<900000xi32, #tpu.memory_space<hbm>> -> memref<3136xi32, #tpu.memory_space<hbm>>
      %dma_wait3A_188 = arith.constant 25088 : i32
      %dma_wait3A_189 = tpu.memref_slice %arg6[%dma_wait3A_188] : memref<28224xi32, #tpu.memory_space<vmem>> -> memref<3136xi32, #tpu.memory_space<vmem>>
      %dma_wait3A_190 = tpu.memref_slice %arg2[%add3A_184] : memref<900000xi32, #tpu.memory_space<hbm>> -> memref<3136xi32, #tpu.memory_space<hbm>>
      tpu.wait_dma2 semaphore(%arg13 : memref<!tpu.dma_semaphore, #tpu.memory_space<semaphore_mem>>) src(%dma_wait3A_190 : memref<3136xi32, #tpu.memory_space<hbm>>) dst(%dma_wait3A_189 : memref<3136xi32, #tpu.memory_space<vmem>>)
    } else {
    }
    %convert_element_type3A_14 = arith.extui %eq3A_3 : i1 to i32
    %cond3A_15 = arith.constant 0 : i32
    %cond3A_16 = arith.cmpi ne, %convert_element_type3A_14, %cond3A_15 : i32
    scf.if %cond3A_16 {
      %add3A_120 = arith.constant 0 : i32
      %add3A_121 = arith.addi %add3A_120, %mul3A_2 : i32
      %dma_wait3A = arith.constant 0 : i32
      %dma_wait3A_122 = tpu.memref_slice %arg6[%dma_wait3A] : memref<28224xi32, #tpu.memory_space<vmem>> -> memref<2784xi32, #tpu.memory_space<vmem>>
      %dma_wait3A_123 = tpu.memref_slice %arg2[%add3A_121] : memref<900000xi32, #tpu.memory_space<hbm>> -> memref<2784xi32, #tpu.memory_space<hbm>>
      %dma_wait3A_124 = arith.constant 0 : i32
      %dma_wait3A_125 = tpu.memref_slice %arg6[%dma_wait3A_124] : memref<28224xi32, #tpu.memory_space<vmem>> -> memref<2784xi32, #tpu.memory_space<vmem>>
      %dma_wait3A_126 = tpu.memref_slice %arg2[%add3A_121] : memref<900000xi32, #tpu.memory_space<hbm>> -> memref<2784xi32, #tpu.memory_space<hbm>>
      tpu.wait_dma2 semaphore(%arg13 : memref<!tpu.dma_semaphore, #tpu.memory_space<semaphore_mem>>) src(%dma_wait3A_126 : memref<2784xi32, #tpu.memory_space<hbm>>) dst(%dma_wait3A_125 : memref<2784xi32, #tpu.memory_space<vmem>>)
      %add3A_127 = arith.constant 100000 : i32
      %add3A_128 = arith.addi %add3A_127, %mul3A_2 : i32
      %dma_wait3A_129 = arith.constant 3136 : i32
      %dma_wait3A_130 = tpu.memref_slice %arg6[%dma_wait3A_129] : memref<28224xi32, #tpu.memory_space<vmem>> -> memref<2784xi32, #tpu.memory_space<vmem>>
      %dma_wait3A_131 = tpu.memref_slice %arg2[%add3A_128] : memref<900000xi32, #tpu.memory_space<hbm>> -> memref<2784xi32, #tpu.memory_space<hbm>>
      %dma_wait3A_132 = arith.constant 3136 : i32
      %dma_wait3A_133 = tpu.memref_slice %arg6[%dma_wait3A_132] : memref<28224xi32, #tpu.memory_space<vmem>> -> memref<2784xi32, #tpu.memory_space<vmem>>
      %dma_wait3A_134 = tpu.memref_slice %arg2[%add3A_128] : memref<900000xi32, #tpu.memory_space<hbm>> -> memref<2784xi32, #tpu.memory_space<hbm>>
      tpu.wait_dma2 semaphore(%arg13 : memref<!tpu.dma_semaphore, #tpu.memory_space<semaphore_mem>>) src(%dma_wait3A_134 : memref<2784xi32, #tpu.memory_space<hbm>>) dst(%dma_wait3A_133 : memref<2784xi32, #tpu.memory_space<vmem>>)
      %add3A_135 = arith.constant 200000 : i32
      %add3A_136 = arith.addi %add3A_135, %mul3A_2 : i32
      %dma_wait3A_137 = arith.constant 6272 : i32
      %dma_wait3A_138 = tpu.memref_slice %arg6[%dma_wait3A_137] : memref<28224xi32, #tpu.memory_space<vmem>> -> memref<2784xi32, #tpu.memory_space<vmem>>
      %dma_wait3A_139 = tpu.memref_slice %arg2[%add3A_136] : memref<900000xi32, #tpu.memory_space<hbm>> -> memref<2784xi32, #tpu.memory_space<hbm>>
      %dma_wait3A_140 = arith.constant 6272 : i32
      %dma_wait3A_141 = tpu.memref_slice %arg6[%dma_wait3A_140] : memref<28224xi32, #tpu.memory_space<vmem>> -> memref<2784xi32, #tpu.memory_space<vmem>>
      %dma_wait3A_142 = tpu.memref_slice %arg2[%add3A_136] : memref<900000xi32, #tpu.memory_space<hbm>> -> memref<2784xi32, #tpu.memory_space<hbm>>
      tpu.wait_dma2 semaphore(%arg13 : memref<!tpu.dma_semaphore, #tpu.memory_space<semaphore_mem>>) src(%dma_wait3A_142 : memref<2784xi32, #tpu.memory_space<hbm>>) dst(%dma_wait3A_141 : memref<2784xi32, #tpu.memory_space<vmem>>)
      %add3A_143 = arith.constant 300000 : i32
      %add3A_144 = arith.addi %add3A_143, %mul3A_2 : i32
      %dma_wait3A_145 = arith.constant 9408 : i32
      %dma_wait3A_146 = tpu.memref_slice %arg6[%dma_wait3A_145] : memref<28224xi32, #tpu.memory_space<vmem>> -> memref<2784xi32, #tpu.memory_space<vmem>>
      %dma_wait3A_147 = tpu.memref_slice %arg2[%add3A_144] : memref<900000xi32, #tpu.memory_space<hbm>> -> memref<2784xi32, #tpu.memory_space<hbm>>
      %dma_wait3A_148 = arith.constant 9408 : i32
      %dma_wait3A_149 = tpu.memref_slice %arg6[%dma_wait3A_148] : memref<28224xi32, #tpu.memory_space<vmem>> -> memref<2784xi32, #tpu.memory_space<vmem>>
      %dma_wait3A_150 = tpu.memref_slice %arg2[%add3A_144] : memref<900000xi32, #tpu.memory_space<hbm>> -> memref<2784xi32, #tpu.memory_space<hbm>>
      tpu.wait_dma2 semaphore(%arg13 : memref<!tpu.dma_semaphore, #tpu.memory_space<semaphore_mem>>) src(%dma_wait3A_150 : memref<2784xi32, #tpu.memory_space<hbm>>) dst(%dma_wait3A_149 : memref<2784xi32, #tpu.memory_space<vmem>>)
      %add3A_151 = arith.constant 400000 : i32
      %add3A_152 = arith.addi %add3A_151, %mul3A_2 : i32
      %dma_wait3A_153 = arith.constant 12544 : i32
      %dma_wait3A_154 = tpu.memref_slice %arg6[%dma_wait3A_153] : memref<28224xi32, #tpu.memory_space<vmem>> -> memref<2784xi32, #tpu.memory_space<vmem>>
      %dma_wait3A_155 = tpu.memref_slice %arg2[%add3A_152] : memref<900000xi32, #tpu.memory_space<hbm>> -> memref<2784xi32, #tpu.memory_space<hbm>>
      %dma_wait3A_156 = arith.constant 12544 : i32
      %dma_wait3A_157 = tpu.memref_slice %arg6[%dma_wait3A_156] : memref<28224xi32, #tpu.memory_space<vmem>> -> memref<2784xi32, #tpu.memory_space<vmem>>
      %dma_wait3A_158 = tpu.memref_slice %arg2[%add3A_152] : memref<900000xi32, #tpu.memory_space<hbm>> -> memref<2784xi32, #tpu.memory_space<hbm>>
      tpu.wait_dma2 semaphore(%arg13 : memref<!tpu.dma_semaphore, #tpu.memory_space<semaphore_mem>>) src(%dma_wait3A_158 : memref<2784xi32, #tpu.memory_space<hbm>>) dst(%dma_wait3A_157 : memref<2784xi32, #tpu.memory_space<vmem>>)
      %add3A_159 = arith.constant 500000 : i32
      %add3A_160 = arith.addi %add3A_159, %mul3A_2 : i32
      %dma_wait3A_161 = arith.constant 15680 : i32
      %dma_wait3A_162 = tpu.memref_slice %arg6[%dma_wait3A_161] : memref<28224xi32, #tpu.memory_space<vmem>> -> memref<2784xi32, #tpu.memory_space<vmem>>
      %dma_wait3A_163 = tpu.memref_slice %arg2[%add3A_160] : memref<900000xi32, #tpu.memory_space<hbm>> -> memref<2784xi32, #tpu.memory_space<hbm>>
      %dma_wait3A_164 = arith.constant 15680 : i32
      %dma_wait3A_165 = tpu.memref_slice %arg6[%dma_wait3A_164] : memref<28224xi32, #tpu.memory_space<vmem>> -> memref<2784xi32, #tpu.memory_space<vmem>>
      %dma_wait3A_166 = tpu.memref_slice %arg2[%add3A_160] : memref<900000xi32, #tpu.memory_space<hbm>> -> memref<2784xi32, #tpu.memory_space<hbm>>
      tpu.wait_dma2 semaphore(%arg13 : memref<!tpu.dma_semaphore, #tpu.memory_space<semaphore_mem>>) src(%dma_wait3A_166 : memref<2784xi32, #tpu.memory_space<hbm>>) dst(%dma_wait3A_165 : memref<2784xi32, #tpu.memory_space<vmem>>)
      %add3A_167 = arith.constant 600000 : i32
      %add3A_168 = arith.addi %add3A_167, %mul3A_2 : i32
      %dma_wait3A_169 = arith.constant 18816 : i32
      %dma_wait3A_170 = tpu.memref_slice %arg6[%dma_wait3A_169] : memref<28224xi32, #tpu.memory_space<vmem>> -> memref<2784xi32, #tpu.memory_space<vmem>>
      %dma_wait3A_171 = tpu.memref_slice %arg2[%add3A_168] : memref<900000xi32, #tpu.memory_space<hbm>> -> memref<2784xi32, #tpu.memory_space<hbm>>
      %dma_wait3A_172 = arith.constant 18816 : i32
      %dma_wait3A_173 = tpu.memref_slice %arg6[%dma_wait3A_172] : memref<28224xi32, #tpu.memory_space<vmem>> -> memref<2784xi32, #tpu.memory_space<vmem>>
      %dma_wait3A_174 = tpu.memref_slice %arg2[%add3A_168] : memref<900000xi32, #tpu.memory_space<hbm>> -> memref<2784xi32, #tpu.memory_space<hbm>>
      tpu.wait_dma2 semaphore(%arg13 : memref<!tpu.dma_semaphore, #tpu.memory_space<semaphore_mem>>) src(%dma_wait3A_174 : memref<2784xi32, #tpu.memory_space<hbm>>) dst(%dma_wait3A_173 : memref<2784xi32, #tpu.memory_space<vmem>>)
      %add3A_175 = arith.constant 700000 : i32
      %add3A_176 = arith.addi %add3A_175, %mul3A_2 : i32
      %dma_wait3A_177 = arith.constant 21952 : i32
      %dma_wait3A_178 = tpu.memref_slice %arg6[%dma_wait3A_177] : memref<28224xi32, #tpu.memory_space<vmem>> -> memref<2784xi32, #tpu.memory_space<vmem>>
      %dma_wait3A_179 = tpu.memref_slice %arg2[%add3A_176] : memref<900000xi32, #tpu.memory_space<hbm>> -> memref<2784xi32, #tpu.memory_space<hbm>>
      %dma_wait3A_180 = arith.constant 21952 : i32
      %dma_wait3A_181 = tpu.memref_slice %arg6[%dma_wait3A_180] : memref<28224xi32, #tpu.memory_space<vmem>> -> memref<2784xi32, #tpu.memory_space<vmem>>
      %dma_wait3A_182 = tpu.memref_slice %arg2[%add3A_176] : memref<900000xi32, #tpu.memory_space<hbm>> -> memref<2784xi32, #tpu.memory_space<hbm>>
      tpu.wait_dma2 semaphore(%arg13 : memref<!tpu.dma_semaphore, #tpu.memory_space<semaphore_mem>>) src(%dma_wait3A_182 : memref<2784xi32, #tpu.memory_space<hbm>>) dst(%dma_wait3A_181 : memref<2784xi32, #tpu.memory_space<vmem>>)
      %add3A_183 = arith.constant 800000 : i32
      %add3A_184 = arith.addi %add3A_183, %mul3A_2 : i32
      %dma_wait3A_185 = arith.constant 25088 : i32
      %dma_wait3A_186 = tpu.memref_slice %arg6[%dma_wait3A_185] : memref<28224xi32, #tpu.memory_space<vmem>> -> memref<2784xi32, #tpu.memory_space<vmem>>
      %dma_wait3A_187 = tpu.memref_slice %arg2[%add3A_184] : memref<900000xi32, #tpu.memory_space<hbm>> -> memref<2784xi32, #tpu.memory_space<hbm>>
      %dma_wait3A_188 = arith.constant 25088 : i32
      %dma_wait3A_189 = tpu.memref_slice %arg6[%dma_wait3A_188] : memref<28224xi32, #tpu.memory_space<vmem>> -> memref<2784xi32, #tpu.memory_space<vmem>>
      %dma_wait3A_190 = tpu.memref_slice %arg2[%add3A_184] : memref<900000xi32, #tpu.memory_space<hbm>> -> memref<2784xi32, #tpu.memory_space<hbm>>
      tpu.wait_dma2 semaphore(%arg13 : memref<!tpu.dma_semaphore, #tpu.memory_space<semaphore_mem>>) src(%dma_wait3A_190 : memref<2784xi32, #tpu.memory_space<hbm>>) dst(%dma_wait3A_189 : memref<2784xi32, #tpu.memory_space<vmem>>)
    } else {
    }
    %jit3A = arith.constant 2784 : i32
    %jit3A_17 = arith.constant 3136 : i32
    %select_n3A = arith.select %eq3A_3, %jit3A, %jit3A_17 : i32
    %jit3A_18 = arith.constant 32 : i32
    %div3A = arith.divsi %select_n3A, %jit3A_18 : i32
    %sign3A = arith.constant 0 : i32
    %sign3A_19 = arith.cmpi sgt, %select_n3A, %sign3A : i32
    %sign3A_20 = arith.extui %sign3A_19 : i1 to i32
    %sign3A_21 = arith.constant 0 : i32
    %sign3A_22 = arith.cmpi slt, %select_n3A, %sign3A_21 : i32
    %sign3A_23 = arith.extui %sign3A_22 : i1 to i32
    %sign3A_24 = arith.subi %sign3A_20, %sign3A_23 : i32
    %sign3A_25 = arith.constant 0 : i32
    %sign3A_26 = arith.cmpi sgt, %jit3A_18, %sign3A_25 : i32
    %sign3A_27 = arith.extui %sign3A_26 : i1 to i32
    %sign3A_28 = arith.constant 0 : i32
    %sign3A_29 = arith.cmpi slt, %jit3A_18, %sign3A_28 : i32
    %sign3A_30 = arith.extui %sign3A_29 : i1 to i32
    %sign3A_31 = arith.subi %sign3A_27, %sign3A_30 : i32
    %ne3A = arith.cmpi ne, %sign3A_24, %sign3A_31 : i32
    %rem3A = arith.remsi %select_n3A, %jit3A_18 : i32
    %ne3A_32 = arith.constant 0 : i32
    %ne3A_33 = arith.cmpi ne, %rem3A, %ne3A_32 : i32
    %and3A = arith.andi %ne3A, %ne3A_33 : i1
    %sub3A = arith.constant 1 : i32
    %sub3A_34 = arith.subi %div3A, %sub3A : i32
    %select_n3A_35 = arith.select %and3A, %sub3A_34, %div3A : i32
    %jit3A_36 = arith.constant 2 : i32
    %div3A_37 = arith.divsi %select_n3A_35, %jit3A_36 : i32
    %sign3A_38 = arith.constant 0 : i32
    %sign3A_39 = arith.cmpi sgt, %select_n3A_35, %sign3A_38 : i32
    %sign3A_40 = arith.extui %sign3A_39 : i1 to i32
    %sign3A_41 = arith.constant 0 : i32
    %sign3A_42 = arith.cmpi slt, %select_n3A_35, %sign3A_41 : i32
    %sign3A_43 = arith.extui %sign3A_42 : i1 to i32
    %sign3A_44 = arith.subi %sign3A_40, %sign3A_43 : i32
    %sign3A_45 = arith.constant 0 : i32
    %sign3A_46 = arith.cmpi sgt, %jit3A_36, %sign3A_45 : i32
    %sign3A_47 = arith.extui %sign3A_46 : i1 to i32
    %sign3A_48 = arith.constant 0 : i32
    %sign3A_49 = arith.cmpi slt, %jit3A_36, %sign3A_48 : i32
    %sign3A_50 = arith.extui %sign3A_49 : i1 to i32
    %sign3A_51 = arith.subi %sign3A_47, %sign3A_50 : i32
    %ne3A_52 = arith.cmpi ne, %sign3A_44, %sign3A_51 : i32
    %rem3A_53 = arith.remsi %select_n3A_35, %jit3A_36 : i32
    %ne3A_54 = arith.constant 0 : i32
    %ne3A_55 = arith.cmpi ne, %rem3A_53, %ne3A_54 : i32
    %and3A_56 = arith.andi %ne3A_52, %ne3A_55 : i1
    %sub3A_57 = arith.constant 1 : i32
    %sub3A_58 = arith.subi %div3A_37, %sub3A_57 : i32
    %select_n3A_59 = arith.select %and3A_56, %sub3A_58, %div3A_37 : i32
    %iota3A = tpu.iota {dimensions = array<i32: 0>} : vector<16xi32>
    %jit3A_60 = arith.constant 16 : i32
    %div3A_61 = arith.divsi %select_n3A, %jit3A_60 : i32
    %sign3A_62 = arith.constant 0 : i32
    %sign3A_63 = arith.cmpi sgt, %select_n3A, %sign3A_62 : i32
    %sign3A_64 = arith.extui %sign3A_63 : i1 to i32
    %sign3A_65 = arith.constant 0 : i32
    %sign3A_66 = arith.cmpi slt, %select_n3A, %sign3A_65 : i32
    %sign3A_67 = arith.extui %sign3A_66 : i1 to i32
    %sign3A_68 = arith.subi %sign3A_64, %sign3A_67 : i32
    %sign3A_69 = arith.constant 0 : i32
    %sign3A_70 = arith.cmpi sgt, %jit3A_60, %sign3A_69 : i32
    %sign3A_71 = arith.extui %sign3A_70 : i1 to i32
    %sign3A_72 = arith.constant 0 : i32
    %sign3A_73 = arith.cmpi slt, %jit3A_60, %sign3A_72 : i32
    %sign3A_74 = arith.extui %sign3A_73 : i1 to i32
    %sign3A_75 = arith.subi %sign3A_71, %sign3A_74 : i32
    %ne3A_76 = arith.cmpi ne, %sign3A_68, %sign3A_75 : i32
    %rem3A_77 = arith.remsi %select_n3A, %jit3A_60 : i32
    %ne3A_78 = arith.constant 0 : i32
    %ne3A_79 = arith.cmpi ne, %rem3A_77, %ne3A_78 : i32
    %and3A_80 = arith.andi %ne3A_76, %ne3A_79 : i1
    %sub3A_81 = arith.constant 1 : i32
    %sub3A_82 = arith.subi %div3A_61, %sub3A_81 : i32
    %select_n3A_83 = arith.select %and3A_80, %sub3A_82, %div3A_61 : i32
    %parallel_loop3A = arith.constant 0 : i32
    %parallel_loop3A_84 = arith.constant 1 : i32
    scf.for %parallel_loop3A_120 = %parallel_loop3A to %select_n3A_83 step %parallel_loop3A_84  : i32 {
      %parallel_loop3A_121 = arith.constant 16 : i32
      %parallel_loop3A_122 = arith.muli %parallel_loop3A_120, %parallel_loop3A_121 : i32
      %parallel_loop3A_123 = arith.constant 0 : i32
      %parallel_loop3A_124 = arith.addi %parallel_loop3A_123, %parallel_loop3A_122 : i32
      %parallel_loop3A_125 = arith.index_cast %parallel_loop3A_124 : i32 to index
      %parallel_loop3A_126 = tpu.vector_load %arg6[%parallel_loop3A_125] {strides = array<i32>} : memref<28224xi32, #tpu.memory_space<vmem>>, vector<16xi32>,
      %parallel_loop3A_127 = arith.constant 9 : i32
      %parallel_loop3A_128 = vector.broadcast %parallel_loop3A_127 : i32 to vector<16xi32>
      %parallel_loop3A_129 = arith.muli %iota3A, %parallel_loop3A_128 : vector<16xi32>
      %parallel_loop3A_130 = arith.constant 16 : i32
      %parallel_loop3A_131 = arith.muli %parallel_loop3A_120, %parallel_loop3A_130 : i32
      %parallel_loop3A_132 = arith.constant 9 : i32
      %parallel_loop3A_133 = arith.muli %parallel_loop3A_131, %parallel_loop3A_132 : i32
      %parallel_loop3A_134 = arith.constant 0 : i32
      %parallel_loop3A_135 = arith.addi %parallel_loop3A_133, %parallel_loop3A_134 : i32
      %parallel_loop3A_136 = vector.broadcast %parallel_loop3A_135 : i32 to vector<16xi32>
      %parallel_loop3A_137 = arith.addi %parallel_loop3A_129, %parallel_loop3A_136 : vector<16xi32>
      tpu.vector_store_idx %arg7[%parallel_loop3A_137], %parallel_loop3A_126 : memref<28240xi32, #tpu.memory_space<vmem>>[vector<16xi32>], vector<16xi32>,
      %parallel_loop3A_138 = arith.constant 16 : i32
      %parallel_loop3A_139 = arith.muli %parallel_loop3A_120, %parallel_loop3A_138 : i32
      %parallel_loop3A_140 = arith.constant 3136 : i32
      %parallel_loop3A_141 = arith.addi %parallel_loop3A_140, %parallel_loop3A_139 : i32
      %parallel_loop3A_142 = arith.index_cast %parallel_loop3A_141 : i32 to index
      %parallel_loop3A_143 = tpu.vector_load %arg6[%parallel_loop3A_142] {strides = array<i32>} : memref<28224xi32, #tpu.memory_space<vmem>>, vector<16xi32>,
      %parallel_loop3A_144 = arith.constant 9 : i32
      %parallel_loop3A_145 = vector.broadcast %parallel_loop3A_144 : i32 to vector<16xi32>
      %parallel_loop3A_146 = arith.muli %iota3A, %parallel_loop3A_145 : vector<16xi32>
      %parallel_loop3A_147 = arith.constant 16 : i32
      %parallel_loop3A_148 = arith.muli %parallel_loop3A_120, %parallel_loop3A_147 : i32
      %parallel_loop3A_149 = arith.constant 9 : i32
      %parallel_loop3A_150 = arith.muli %parallel_loop3A_148, %parallel_loop3A_149 : i32
      %parallel_loop3A_151 = arith.constant 1 : i32
      %parallel_loop3A_152 = arith.addi %parallel_loop3A_150, %parallel_loop3A_151 : i32
      %parallel_loop3A_153 = vector.broadcast %parallel_loop3A_152 : i32 to vector<16xi32>
      %parallel_loop3A_154 = arith.addi %parallel_loop3A_146, %parallel_loop3A_153 : vector<16xi32>
      tpu.vector_store_idx %arg7[%parallel_loop3A_154], %parallel_loop3A_143 : memref<28240xi32, #tpu.memory_space<vmem>>[vector<16xi32>], vector<16xi32>,
      %parallel_loop3A_155 = arith.constant 16 : i32
      %parallel_loop3A_156 = arith.muli %parallel_loop3A_120, %parallel_loop3A_155 : i32
      %parallel_loop3A_157 = arith.constant 6272 : i32
      %parallel_loop3A_158 = arith.addi %parallel_loop3A_157, %parallel_loop3A_156 : i32
      %parallel_loop3A_159 = arith.index_cast %parallel_loop3A_158 : i32 to index
      %parallel_loop3A_160 = tpu.vector_load %arg6[%parallel_loop3A_159] {strides = array<i32>} : memref<28224xi32, #tpu.memory_space<vmem>>, vector<16xi32>,
      %parallel_loop3A_161 = arith.constant 9 : i32
      %parallel_loop3A_162 = vector.broadcast %parallel_loop3A_161 : i32 to vector<16xi32>
      %parallel_loop3A_163 = arith.muli %iota3A, %parallel_loop3A_162 : vector<16xi32>
      %parallel_loop3A_164 = arith.constant 16 : i32
      %parallel_loop3A_165 = arith.muli %parallel_loop3A_120, %parallel_loop3A_164 : i32
      %parallel_loop3A_166 = arith.constant 9 : i32
      %parallel_loop3A_167 = arith.muli %parallel_loop3A_165, %parallel_loop3A_166 : i32
      %parallel_loop3A_168 = arith.constant 2 : i32
      %parallel_loop3A_169 = arith.addi %parallel_loop3A_167, %parallel_loop3A_168 : i32
      %parallel_loop3A_170 = vector.broadcast %parallel_loop3A_169 : i32 to vector<16xi32>
      %parallel_loop3A_171 = arith.addi %parallel_loop3A_163, %parallel_loop3A_170 : vector<16xi32>
      tpu.vector_store_idx %arg7[%parallel_loop3A_171], %parallel_loop3A_160 : memref<28240xi32, #tpu.memory_space<vmem>>[vector<16xi32>], vector<16xi32>,
      %parallel_loop3A_172 = arith.constant 16 : i32
      %parallel_loop3A_173 = arith.muli %parallel_loop3A_120, %parallel_loop3A_172 : i32
      %parallel_loop3A_174 = arith.constant 9408 : i32
      %parallel_loop3A_175 = arith.addi %parallel_loop3A_174, %parallel_loop3A_173 : i32
      %parallel_loop3A_176 = arith.index_cast %parallel_loop3A_175 : i32 to index
      %parallel_loop3A_177 = tpu.vector_load %arg6[%parallel_loop3A_176] {strides = array<i32>} : memref<28224xi32, #tpu.memory_space<vmem>>, vector<16xi32>,
      %parallel_loop3A_178 = arith.constant 9 : i32
      %parallel_loop3A_179 = vector.broadcast %parallel_loop3A_178 : i32 to vector<16xi32>
      %parallel_loop3A_180 = arith.muli %iota3A, %parallel_loop3A_179 : vector<16xi32>
      %parallel_loop3A_181 = arith.constant 16 : i32
      %parallel_loop3A_182 = arith.muli %parallel_loop3A_120, %parallel_loop3A_181 : i32
      %parallel_loop3A_183 = arith.constant 9 : i32
      %parallel_loop3A_184 = arith.muli %parallel_loop3A_182, %parallel_loop3A_183 : i32
      %parallel_loop3A_185 = arith.constant 3 : i32
      %parallel_loop3A_186 = arith.addi %parallel_loop3A_184, %parallel_loop3A_185 : i32
      %parallel_loop3A_187 = vector.broadcast %parallel_loop3A_186 : i32 to vector<16xi32>
      %parallel_loop3A_188 = arith.addi %parallel_loop3A_180, %parallel_loop3A_187 : vector<16xi32>
      tpu.vector_store_idx %arg7[%parallel_loop3A_188], %parallel_loop3A_177 : memref<28240xi32, #tpu.memory_space<vmem>>[vector<16xi32>], vector<16xi32>,
      %parallel_loop3A_189 = arith.constant 16 : i32
      %parallel_loop3A_190 = arith.muli %parallel_loop3A_120, %parallel_loop3A_189 : i32
      %parallel_loop3A_191 = arith.constant 12544 : i32
      %parallel_loop3A_192 = arith.addi %parallel_loop3A_191, %parallel_loop3A_190 : i32
      %parallel_loop3A_193 = arith.index_cast %parallel_loop3A_192 : i32 to index
      %parallel_loop3A_194 = tpu.vector_load %arg6[%parallel_loop3A_193] {strides = array<i32>} : memref<28224xi32, #tpu.memory_space<vmem>>, vector<16xi32>,
      %parallel_loop3A_195 = arith.constant 9 : i32
      %parallel_loop3A_196 = vector.broadcast %parallel_loop3A_195 : i32 to vector<16xi32>
      %parallel_loop3A_197 = arith.muli %iota3A, %parallel_loop3A_196 : vector<16xi32>
      %parallel_loop3A_198 = arith.constant 16 : i32
      %parallel_loop3A_199 = arith.muli %parallel_loop3A_120, %parallel_loop3A_198 : i32
      %parallel_loop3A_200 = arith.constant 9 : i32
      %parallel_loop3A_201 = arith.muli %parallel_loop3A_199, %parallel_loop3A_200 : i32
      %parallel_loop3A_202 = arith.constant 4 : i32
      %parallel_loop3A_203 = arith.addi %parallel_loop3A_201, %parallel_loop3A_202 : i32
      %parallel_loop3A_204 = vector.broadcast %parallel_loop3A_203 : i32 to vector<16xi32>
      %parallel_loop3A_205 = arith.addi %parallel_loop3A_197, %parallel_loop3A_204 : vector<16xi32>
      tpu.vector_store_idx %arg7[%parallel_loop3A_205], %parallel_loop3A_194 : memref<28240xi32, #tpu.memory_space<vmem>>[vector<16xi32>], vector<16xi32>,
      %parallel_loop3A_206 = arith.constant 16 : i32
      %parallel_loop3A_207 = arith.muli %parallel_loop3A_120, %parallel_loop3A_206 : i32
      %parallel_loop3A_208 = arith.constant 15680 : i32
      %parallel_loop3A_209 = arith.addi %parallel_loop3A_208, %parallel_loop3A_207 : i32
      %parallel_loop3A_210 = arith.index_cast %parallel_loop3A_209 : i32 to index
      %parallel_loop3A_211 = tpu.vector_load %arg6[%parallel_loop3A_210] {strides = array<i32>} : memref<28224xi32, #tpu.memory_space<vmem>>, vector<16xi32>,
      %parallel_loop3A_212 = arith.constant 9 : i32
      %parallel_loop3A_213 = vector.broadcast %parallel_loop3A_212 : i32 to vector<16xi32>
      %parallel_loop3A_214 = arith.muli %iota3A, %parallel_loop3A_213 : vector<16xi32>
      %parallel_loop3A_215 = arith.constant 16 : i32
      %parallel_loop3A_216 = arith.muli %parallel_loop3A_120, %parallel_loop3A_215 : i32
      %parallel_loop3A_217 = arith.constant 9 : i32
      %parallel_loop3A_218 = arith.muli %parallel_loop3A_216, %parallel_loop3A_217 : i32
      %parallel_loop3A_219 = arith.constant 5 : i32
      %parallel_loop3A_220 = arith.addi %parallel_loop3A_218, %parallel_loop3A_219 : i32
      %parallel_loop3A_221 = vector.broadcast %parallel_loop3A_220 : i32 to vector<16xi32>
      %parallel_loop3A_222 = arith.addi %parallel_loop3A_214, %parallel_loop3A_221 : vector<16xi32>
      tpu.vector_store_idx %arg7[%parallel_loop3A_222], %parallel_loop3A_211 : memref<28240xi32, #tpu.memory_space<vmem>>[vector<16xi32>], vector<16xi32>,
      %parallel_loop3A_223 = arith.constant 16 : i32
      %parallel_loop3A_224 = arith.muli %parallel_loop3A_120, %parallel_loop3A_223 : i32
      %parallel_loop3A_225 = arith.constant 18816 : i32
      %parallel_loop3A_226 = arith.addi %parallel_loop3A_225, %parallel_loop3A_224 : i32
      %parallel_loop3A_227 = arith.index_cast %parallel_loop3A_226 : i32 to index
      %parallel_loop3A_228 = tpu.vector_load %arg6[%parallel_loop3A_227] {strides = array<i32>} : memref<28224xi32, #tpu.memory_space<vmem>>, vector<16xi32>,
      %parallel_loop3A_229 = arith.constant 9 : i32
      %parallel_loop3A_230 = vector.broadcast %parallel_loop3A_229 : i32 to vector<16xi32>
      %parallel_loop3A_231 = arith.muli %iota3A, %parallel_loop3A_230 : vector<16xi32>
      %parallel_loop3A_232 = arith.constant 16 : i32
      %parallel_loop3A_233 = arith.muli %parallel_loop3A_120, %parallel_loop3A_232 : i32
      %parallel_loop3A_234 = arith.constant 9 : i32
      %parallel_loop3A_235 = arith.muli %parallel_loop3A_233, %parallel_loop3A_234 : i32
      %parallel_loop3A_236 = arith.constant 6 : i32
      %parallel_loop3A_237 = arith.addi %parallel_loop3A_235, %parallel_loop3A_236 : i32
      %parallel_loop3A_238 = vector.broadcast %parallel_loop3A_237 : i32 to vector<16xi32>
      %parallel_loop3A_239 = arith.addi %parallel_loop3A_231, %parallel_loop3A_238 : vector<16xi32>
      tpu.vector_store_idx %arg7[%parallel_loop3A_239], %parallel_loop3A_228 : memref<28240xi32, #tpu.memory_space<vmem>>[vector<16xi32>], vector<16xi32>,
      %parallel_loop3A_240 = arith.constant 16 : i32
      %parallel_loop3A_241 = arith.muli %parallel_loop3A_120, %parallel_loop3A_240 : i32
      %parallel_loop3A_242 = arith.constant 21952 : i32
      %parallel_loop3A_243 = arith.addi %parallel_loop3A_242, %parallel_loop3A_241 : i32
      %parallel_loop3A_244 = arith.index_cast %parallel_loop3A_243 : i32 to index
      %parallel_loop3A_245 = tpu.vector_load %arg6[%parallel_loop3A_244] {strides = array<i32>} : memref<28224xi32, #tpu.memory_space<vmem>>, vector<16xi32>,
      %parallel_loop3A_246 = arith.constant 9 : i32
      %parallel_loop3A_247 = vector.broadcast %parallel_loop3A_246 : i32 to vector<16xi32>
      %parallel_loop3A_248 = arith.muli %iota3A, %parallel_loop3A_247 : vector<16xi32>
      %parallel_loop3A_249 = arith.constant 16 : i32
      %parallel_loop3A_250 = arith.muli %parallel_loop3A_120, %parallel_loop3A_249 : i32
      %parallel_loop3A_251 = arith.constant 9 : i32
      %parallel_loop3A_252 = arith.muli %parallel_loop3A_250, %parallel_loop3A_251 : i32
      %parallel_loop3A_253 = arith.constant 7 : i32
      %parallel_loop3A_254 = arith.addi %parallel_loop3A_252, %parallel_loop3A_253 : i32
      %parallel_loop3A_255 = vector.broadcast %parallel_loop3A_254 : i32 to vector<16xi32>
      %parallel_loop3A_256 = arith.addi %parallel_loop3A_248, %parallel_loop3A_255 : vector<16xi32>
      tpu.vector_store_idx %arg7[%parallel_loop3A_256], %parallel_loop3A_245 : memref<28240xi32, #tpu.memory_space<vmem>>[vector<16xi32>], vector<16xi32>,
      %parallel_loop3A_257 = arith.constant 16 : i32
      %parallel_loop3A_258 = arith.muli %parallel_loop3A_120, %parallel_loop3A_257 : i32
      %parallel_loop3A_259 = arith.constant 25088 : i32
      %parallel_loop3A_260 = arith.addi %parallel_loop3A_259, %parallel_loop3A_258 : i32
      %parallel_loop3A_261 = arith.index_cast %parallel_loop3A_260 : i32 to index
      %parallel_loop3A_262 = tpu.vector_load %arg6[%parallel_loop3A_261] {strides = array<i32>} : memref<28224xi32, #tpu.memory_space<vmem>>, vector<16xi32>,
      %parallel_loop3A_263 = arith.constant 9 : i32
      %parallel_loop3A_264 = vector.broadcast %parallel_loop3A_263 : i32 to vector<16xi32>
      %parallel_loop3A_265 = arith.muli %iota3A, %parallel_loop3A_264 : vector<16xi32>
      %parallel_loop3A_266 = arith.constant 16 : i32
      %parallel_loop3A_267 = arith.muli %parallel_loop3A_120, %parallel_loop3A_266 : i32
      %parallel_loop3A_268 = arith.constant 9 : i32
      %parallel_loop3A_269 = arith.muli %parallel_loop3A_267, %parallel_loop3A_268 : i32
      %parallel_loop3A_270 = arith.constant 8 : i32
      %parallel_loop3A_271 = arith.addi %parallel_loop3A_269, %parallel_loop3A_270 : i32
      %parallel_loop3A_272 = vector.broadcast %parallel_loop3A_271 : i32 to vector<16xi32>
      %parallel_loop3A_273 = arith.addi %parallel_loop3A_265, %parallel_loop3A_272 : vector<16xi32>
      tpu.vector_store_idx %arg7[%parallel_loop3A_273], %parallel_loop3A_262 : memref<28240xi32, #tpu.memory_space<vmem>>[vector<16xi32>], vector<16xi32>,
    } {sc.loop_unroll_factor = 2 : i64, sc.parallel_access}
    tpu.wait_dma2 semaphore(%arg12 : memref<!tpu.dma_semaphore, #tpu.memory_space<semaphore_mem>>) src(%arg3 : memref<57600xi32, #tpu.memory_space<hbm>>) dst(%arg5 : memref<57600xi32, #tpu.memory_space<vmem>>)
    %while3A = arith.constant 0 : i32
    %while3A_85 = arith.constant 0 : i32
    %while3A_86 = arith.subi %select_n3A_59, %while3A : i32
    %while3A_87 = arith.addi %while3A, %while3A_86 : i32
    %while3A_88 = arith.constant 1 : i32
    %while3A_89 = arith.divsi %while3A_86, %while3A_88 : i32
    %while3A_90 = arith.muli %while3A_89, %while3A_88 : i32
    %while3A_91 = arith.addi %while3A, %while3A_90 : i32
    %while3A_92 = arith.constant 1 : i32
    %while3A_93 = scf.for %while3A_120 = %while3A to %while3A_91 step %while3A_92 iter_args(%while3A_121 = %while3A_85) -> (i32)  : i32 {
      %mul3A_122 = arith.constant 2 : i32
      %mul3A_123 = arith.muli %mul3A_122, %while3A_120 : i32
      %add3A_124 = arith.constant 1 : i32
      %add3A_125 = arith.addi %mul3A_123, %add3A_124 : i32
      %gt3A_126 = arith.constant 0 : i32
      %gt3A_127 = arith.cmpi sgt, %while3A_120, %gt3A_126 : i32
      %convert_element_type3A_128 = arith.extui %gt3A_127 : i1 to i32
      %cond3A_129 = arith.constant 0 : i32
      %cond3A_130 = arith.cmpi ne, %convert_element_type3A_128, %cond3A_129 : i32
      scf.if %cond3A_130 {
        %mul3A_156 = arith.constant 32 : i32
        %mul3A_157 = arith.muli %mul3A_123, %mul3A_156 : i32
        %add3A_158 = arith.addi %mul3A_2, %mul3A_157 : i32
        %dma_wait3A = arith.constant 0 : i32
        %dma_wait3A_159 = tpu.memref_slice %arg4[%add3A_158, %dma_wait3A] : memref<100000x128xf32, #tpu.memory_space<hbm>> -> memref<32x128xf32, #tpu.memory_space<hbm>>
        %dma_wait3A_160 = arith.constant 0 : i32
        %dma_wait3A_161 = tpu.memref_slice %arg4[%add3A_158, %dma_wait3A_160] : memref<100000x128xf32, #tpu.memory_space<hbm>> -> memref<32x128xf32, #tpu.memory_space<hbm>>
        tpu.wait_dma2 semaphore(%arg10 : memref<!tpu.dma_semaphore, #tpu.memory_space<semaphore_mem>>) src(%arg8 : memref<32x128xf32, #tpu.memory_space<vmem>>) dst(%dma_wait3A_161 : memref<32x128xf32, #tpu.memory_space<hbm>>)
      } else {
      }
      %parallel_loop3A_131 = arith.constant 0 : i32
      %parallel_loop3A_132 = arith.constant 32 : i32
      %parallel_loop3A_133 = arith.constant 1 : i32
      scf.for %parallel_loop3A_156 = %parallel_loop3A_131 to %parallel_loop3A_132 step %parallel_loop3A_133  : i32 {
        %parallel_loop3A_157 = arith.constant 32 : i32
        %parallel_loop3A_158 = arith.muli %mul3A_123, %parallel_loop3A_157 : i32
        %parallel_loop3A_159 = arith.addi %parallel_loop3A_158, %parallel_loop3A_156 : i32
        %parallel_loop3A_160 = arith.constant 9 : i32
        %parallel_loop3A_161 = arith.muli %parallel_loop3A_159, %parallel_loop3A_160 : i32
        %parallel_loop3A_162 = arith.index_cast %parallel_loop3A_161 : i32 to index
        %parallel_loop3A_163 = tpu.vector_load %arg7[%parallel_loop3A_162] {strides = array<i32>} : memref<28240xi32, #tpu.memory_space<vmem>>, vector<16xi32>,
        %parallel_loop3A_164 = vector.extract_strided_slice %parallel_loop3A_163 {offsets = [0], sizes = [1], strides = [1]} : vector<16xi32> to vector<1xi32>
        %parallel_loop3A_165 = vector.extract %parallel_loop3A_164[0] : i32 from vector<1xi32>
        %parallel_loop3A_166 = arith.constant 64 : i32
        %parallel_loop3A_167 = arith.muli %parallel_loop3A_165, %parallel_loop3A_166 : i32
        %parallel_loop3A_168 = arith.constant 0 : i32
        %parallel_loop3A_169 = arith.addi %parallel_loop3A_167, %parallel_loop3A_168 : i32
        %parallel_loop3A_170 = vector.extract_strided_slice %parallel_loop3A_163 {offsets = [1], sizes = [1], strides = [1]} : vector<16xi32> to vector<1xi32>
        %parallel_loop3A_171 = vector.extract %parallel_loop3A_170[0] : i32 from vector<1xi32>
        %parallel_loop3A_172 = arith.constant 64 : i32
        %parallel_loop3A_173 = arith.muli %parallel_loop3A_171, %parallel_loop3A_172 : i32
        %parallel_loop3A_174 = arith.constant 6400 : i32
        %parallel_loop3A_175 = arith.addi %parallel_loop3A_173, %parallel_loop3A_174 : i32
        %parallel_loop3A_176 = vector.extract_strided_slice %parallel_loop3A_163 {offsets = [2], sizes = [1], strides = [1]} : vector<16xi32> to vector<1xi32>
        %parallel_loop3A_177 = vector.extract %parallel_loop3A_176[0] : i32 from vector<1xi32>
        %parallel_loop3A_178 = arith.constant 64 : i32
        %parallel_loop3A_179 = arith.muli %parallel_loop3A_177, %parallel_loop3A_178 : i32
        %parallel_loop3A_180 = arith.constant 12800 : i32
        %parallel_loop3A_181 = arith.addi %parallel_loop3A_179, %parallel_loop3A_180 : i32
        %parallel_loop3A_182 = vector.extract_strided_slice %parallel_loop3A_163 {offsets = [3], sizes = [1], strides = [1]} : vector<16xi32> to vector<1xi32>
        %parallel_loop3A_183 = vector.extract %parallel_loop3A_182[0] : i32 from vector<1xi32>
        %parallel_loop3A_184 = arith.constant 64 : i32
        %parallel_loop3A_185 = arith.muli %parallel_loop3A_183, %parallel_loop3A_184 : i32
        %parallel_loop3A_186 = arith.constant 19200 : i32
        %parallel_loop3A_187 = arith.addi %parallel_loop3A_185, %parallel_loop3A_186 : i32
        %parallel_loop3A_188 = vector.extract_strided_slice %parallel_loop3A_163 {offsets = [4], sizes = [1], strides = [1]} : vector<16xi32> to vector<1xi32>
        %parallel_loop3A_189 = vector.extract %parallel_loop3A_188[0] : i32 from vector<1xi32>
        %parallel_loop3A_190 = arith.constant 64 : i32
        %parallel_loop3A_191 = arith.muli %parallel_loop3A_189, %parallel_loop3A_190 : i32
        %parallel_loop3A_192 = arith.constant 25600 : i32
        %parallel_loop3A_193 = arith.addi %parallel_loop3A_191, %parallel_loop3A_192 : i32
        %parallel_loop3A_194 = vector.extract_strided_slice %parallel_loop3A_163 {offsets = [5], sizes = [1], strides = [1]} : vector<16xi32> to vector<1xi32>
        %parallel_loop3A_195 = vector.extract %parallel_loop3A_194[0] : i32 from vector<1xi32>
        %parallel_loop3A_196 = arith.constant 64 : i32
        %parallel_loop3A_197 = arith.muli %parallel_loop3A_195, %parallel_loop3A_196 : i32
        %parallel_loop3A_198 = arith.constant 32000 : i32
        %parallel_loop3A_199 = arith.addi %parallel_loop3A_197, %parallel_loop3A_198 : i32
        %parallel_loop3A_200 = vector.extract_strided_slice %parallel_loop3A_163 {offsets = [6], sizes = [1], strides = [1]} : vector<16xi32> to vector<1xi32>
        %parallel_loop3A_201 = vector.extract %parallel_loop3A_200[0] : i32 from vector<1xi32>
        %parallel_loop3A_202 = arith.constant 64 : i32
        %parallel_loop3A_203 = arith.muli %parallel_loop3A_201, %parallel_loop3A_202 : i32
        %parallel_loop3A_204 = arith.constant 38400 : i32
        %parallel_loop3A_205 = arith.addi %parallel_loop3A_203, %parallel_loop3A_204 : i32
        %parallel_loop3A_206 = vector.extract_strided_slice %parallel_loop3A_163 {offsets = [7], sizes = [1], strides = [1]} : vector<16xi32> to vector<1xi32>
        %parallel_loop3A_207 = vector.extract %parallel_loop3A_206[0] : i32 from vector<1xi32>
        %parallel_loop3A_208 = arith.constant 64 : i32
        %parallel_loop3A_209 = arith.muli %parallel_loop3A_207, %parallel_loop3A_208 : i32
        %parallel_loop3A_210 = arith.constant 44800 : i32
        %parallel_loop3A_211 = arith.addi %parallel_loop3A_209, %parallel_loop3A_210 : i32
        %parallel_loop3A_212 = vector.extract_strided_slice %parallel_loop3A_163 {offsets = [8], sizes = [1], strides = [1]} : vector<16xi32> to vector<1xi32>
        %parallel_loop3A_213 = vector.extract %parallel_loop3A_212[0] : i32 from vector<1xi32>
        %parallel_loop3A_214 = arith.constant 64 : i32
        %parallel_loop3A_215 = arith.muli %parallel_loop3A_213, %parallel_loop3A_214 : i32
        %parallel_loop3A_216 = arith.constant 51200 : i32
        %parallel_loop3A_217 = arith.addi %parallel_loop3A_215, %parallel_loop3A_216 : i32
        %parallel_loop3A_218 = arith.constant 0 : i32
        %parallel_loop3A_219 = arith.addi %parallel_loop3A_169, %parallel_loop3A_218 : i32
        %parallel_loop3A_220 = arith.index_cast %parallel_loop3A_219 : i32 to index
        %parallel_loop3A_221 = tpu.vector_load %arg5[%parallel_loop3A_220] {strides = array<i32>} : memref<57600xi32, #tpu.memory_space<vmem>>, vector<16xi32>,
        %parallel_loop3A_222 = vector.bitcast %parallel_loop3A_221 : vector<16xi32> to vector<32xbf16>
        %parallel_loop3A_223 = arith.constant 0 : i32
        %parallel_loop3A_224 = arith.addi %parallel_loop3A_175, %parallel_loop3A_223 : i32
        %parallel_loop3A_225 = arith.index_cast %parallel_loop3A_224 : i32 to index
        %parallel_loop3A_226 = tpu.vector_load %arg5[%parallel_loop3A_225] {strides = array<i32>} : memref<57600xi32, #tpu.memory_space<vmem>>, vector<16xi32>,
        %parallel_loop3A_227 = vector.bitcast %parallel_loop3A_226 : vector<16xi32> to vector<32xbf16>
        %parallel_loop3A_228 = arith.constant 0 : i32
        %parallel_loop3A_229 = arith.addi %parallel_loop3A_181, %parallel_loop3A_228 : i32
        %parallel_loop3A_230 = arith.index_cast %parallel_loop3A_229 : i32 to index
        %parallel_loop3A_231 = tpu.vector_load %arg5[%parallel_loop3A_230] {strides = array<i32>} : memref<57600xi32, #tpu.memory_space<vmem>>, vector<16xi32>,
        %parallel_loop3A_232 = vector.bitcast %parallel_loop3A_231 : vector<16xi32> to vector<32xbf16>
        %parallel_loop3A_233 = arith.constant 0 : i32
        %parallel_loop3A_234 = arith.addi %parallel_loop3A_187, %parallel_loop3A_233 : i32
        %parallel_loop3A_235 = arith.index_cast %parallel_loop3A_234 : i32 to index
        %parallel_loop3A_236 = tpu.vector_load %arg5[%parallel_loop3A_235] {strides = array<i32>} : memref<57600xi32, #tpu.memory_space<vmem>>, vector<16xi32>,
        %parallel_loop3A_237 = vector.bitcast %parallel_loop3A_236 : vector<16xi32> to vector<32xbf16>
        %parallel_loop3A_238 = arith.constant 0 : i32
        %parallel_loop3A_239 = arith.addi %parallel_loop3A_193, %parallel_loop3A_238 : i32
        %parallel_loop3A_240 = arith.index_cast %parallel_loop3A_239 : i32 to index
        %parallel_loop3A_241 = tpu.vector_load %arg5[%parallel_loop3A_240] {strides = array<i32>} : memref<57600xi32, #tpu.memory_space<vmem>>, vector<16xi32>,
        %parallel_loop3A_242 = vector.bitcast %parallel_loop3A_241 : vector<16xi32> to vector<32xbf16>
        %parallel_loop3A_243 = arith.constant 0 : i32
        %parallel_loop3A_244 = arith.addi %parallel_loop3A_199, %parallel_loop3A_243 : i32
        %parallel_loop3A_245 = arith.index_cast %parallel_loop3A_244 : i32 to index
        %parallel_loop3A_246 = tpu.vector_load %arg5[%parallel_loop3A_245] {strides = array<i32>} : memref<57600xi32, #tpu.memory_space<vmem>>, vector<16xi32>,
        %parallel_loop3A_247 = vector.bitcast %parallel_loop3A_246 : vector<16xi32> to vector<32xbf16>
        %parallel_loop3A_248 = arith.constant 0 : i32
        %parallel_loop3A_249 = arith.addi %parallel_loop3A_205, %parallel_loop3A_248 : i32
        %parallel_loop3A_250 = arith.index_cast %parallel_loop3A_249 : i32 to index
        %parallel_loop3A_251 = tpu.vector_load %arg5[%parallel_loop3A_250] {strides = array<i32>} : memref<57600xi32, #tpu.memory_space<vmem>>, vector<16xi32>,
        %parallel_loop3A_252 = vector.bitcast %parallel_loop3A_251 : vector<16xi32> to vector<32xbf16>
        %parallel_loop3A_253 = arith.constant 0 : i32
        %parallel_loop3A_254 = arith.addi %parallel_loop3A_211, %parallel_loop3A_253 : i32
        %parallel_loop3A_255 = arith.index_cast %parallel_loop3A_254 : i32 to index
        %parallel_loop3A_256 = tpu.vector_load %arg5[%parallel_loop3A_255] {strides = array<i32>} : memref<57600xi32, #tpu.memory_space<vmem>>, vector<16xi32>,
        %parallel_loop3A_257 = vector.bitcast %parallel_loop3A_256 : vector<16xi32> to vector<32xbf16>
        %parallel_loop3A_258 = arith.constant 0 : i32
        %parallel_loop3A_259 = arith.addi %parallel_loop3A_217, %parallel_loop3A_258 : i32
        %parallel_loop3A_260 = arith.index_cast %parallel_loop3A_259 : i32 to index
        %parallel_loop3A_261 = tpu.vector_load %arg5[%parallel_loop3A_260] {strides = array<i32>} : memref<57600xi32, #tpu.memory_space<vmem>>, vector<16xi32>,
        %parallel_loop3A_262 = vector.bitcast %parallel_loop3A_261 : vector<16xi32> to vector<32xbf16>
        %parallel_loop3A_263 = arith.addf %parallel_loop3A_222, %parallel_loop3A_227 : vector<32xbf16>
        %parallel_loop3A_264 = arith.addf %parallel_loop3A_232, %parallel_loop3A_237 : vector<32xbf16>
        %parallel_loop3A_265 = arith.addf %parallel_loop3A_242, %parallel_loop3A_247 : vector<32xbf16>
        %parallel_loop3A_266 = arith.addf %parallel_loop3A_252, %parallel_loop3A_257 : vector<32xbf16>
        %parallel_loop3A_267 = arith.addf %parallel_loop3A_263, %parallel_loop3A_264 : vector<32xbf16>
        %parallel_loop3A_268 = arith.addf %parallel_loop3A_265, %parallel_loop3A_266 : vector<32xbf16>
        %parallel_loop3A_269 = arith.addf %parallel_loop3A_267, %parallel_loop3A_268 : vector<32xbf16>
        %parallel_loop3A_270 = arith.addf %parallel_loop3A_269, %parallel_loop3A_262 : vector<32xbf16>
        %parallel_loop3A_271 = tpu.unpack_subelements %parallel_loop3A_270, 0 {pack_format = #tpu.pack_format<interleaved>} : vector<32xbf16> -> vector<16xf32>
        %parallel_loop3A_272 = tpu.unpack_subelements %parallel_loop3A_270, 1 {pack_format = #tpu.pack_format<interleaved>} : vector<32xbf16> -> vector<16xf32>
        %parallel_loop3A_273 = arith.index_cast %parallel_loop3A_156 : i32 to index
        %parallel_loop3A_274 = arith.constant 0 : index
        %parallel_loop3A_275 = tpu.vector_load %arg8[%parallel_loop3A_273, %parallel_loop3A_274] {strides = array<i32>} : memref<32x128xf32, #tpu.memory_space<vmem>>, vector<16xf32>,
        tpu.vector_store %arg8[%parallel_loop3A_273, %parallel_loop3A_274], %parallel_loop3A_271 {strides = array<i32>} : memref<32x128xf32, #tpu.memory_space<vmem>>, vector<16xf32>,
        %parallel_loop3A_276 = arith.index_cast %parallel_loop3A_156 : i32 to index
        %parallel_loop3A_277 = arith.constant 16 : index
        %parallel_loop3A_278 = tpu.vector_load %arg8[%parallel_loop3A_276, %parallel_loop3A_277] {strides = array<i32>} : memref<32x128xf32, #tpu.memory_space<vmem>>, vector<16xf32>,
        tpu.vector_store %arg8[%parallel_loop3A_276, %parallel_loop3A_277], %parallel_loop3A_272 {strides = array<i32>} : memref<32x128xf32, #tpu.memory_space<vmem>>, vector<16xf32>,
        %parallel_loop3A_279 = arith.constant 16 : i32
        %parallel_loop3A_280 = arith.addi %parallel_loop3A_169, %parallel_loop3A_279 : i32
        %parallel_loop3A_281 = arith.index_cast %parallel_loop3A_280 : i32 to index
        %parallel_loop3A_282 = tpu.vector_load %arg5[%parallel_loop3A_281] {strides = array<i32>} : memref<57600xi32, #tpu.memory_space<vmem>>, vector<16xi32>,
        %parallel_loop3A_283 = vector.bitcast %parallel_loop3A_282 : vector<16xi32> to vector<32xbf16>
        %parallel_loop3A_284 = arith.constant 16 : i32
        %parallel_loop3A_285 = arith.addi %parallel_loop3A_175, %parallel_loop3A_284 : i32
        %parallel_loop3A_286 = arith.index_cast %parallel_loop3A_285 : i32 to index
        %parallel_loop3A_287 = tpu.vector_load %arg5[%parallel_loop3A_286] {strides = array<i32>} : memref<57600xi32, #tpu.memory_space<vmem>>, vector<16xi32>,
        %parallel_loop3A_288 = vector.bitcast %parallel_loop3A_287 : vector<16xi32> to vector<32xbf16>
        %parallel_loop3A_289 = arith.constant 16 : i32
        %parallel_loop3A_290 = arith.addi %parallel_loop3A_181, %parallel_loop3A_289 : i32
        %parallel_loop3A_291 = arith.index_cast %parallel_loop3A_290 : i32 to index
        %parallel_loop3A_292 = tpu.vector_load %arg5[%parallel_loop3A_291] {strides = array<i32>} : memref<57600xi32, #tpu.memory_space<vmem>>, vector<16xi32>,
        %parallel_loop3A_293 = vector.bitcast %parallel_loop3A_292 : vector<16xi32> to vector<32xbf16>
        %parallel_loop3A_294 = arith.constant 16 : i32
        %parallel_loop3A_295 = arith.addi %parallel_loop3A_187, %parallel_loop3A_294 : i32
        %parallel_loop3A_296 = arith.index_cast %parallel_loop3A_295 : i32 to index
        %parallel_loop3A_297 = tpu.vector_load %arg5[%parallel_loop3A_296] {strides = array<i32>} : memref<57600xi32, #tpu.memory_space<vmem>>, vector<16xi32>,
        %parallel_loop3A_298 = vector.bitcast %parallel_loop3A_297 : vector<16xi32> to vector<32xbf16>
        %parallel_loop3A_299 = arith.constant 16 : i32
        %parallel_loop3A_300 = arith.addi %parallel_loop3A_193, %parallel_loop3A_299 : i32
        %parallel_loop3A_301 = arith.index_cast %parallel_loop3A_300 : i32 to index
        %parallel_loop3A_302 = tpu.vector_load %arg5[%parallel_loop3A_301] {strides = array<i32>} : memref<57600xi32, #tpu.memory_space<vmem>>, vector<16xi32>,
        %parallel_loop3A_303 = vector.bitcast %parallel_loop3A_302 : vector<16xi32> to vector<32xbf16>
        %parallel_loop3A_304 = arith.constant 16 : i32
        %parallel_loop3A_305 = arith.addi %parallel_loop3A_199, %parallel_loop3A_304 : i32
        %parallel_loop3A_306 = arith.index_cast %parallel_loop3A_305 : i32 to index
        %parallel_loop3A_307 = tpu.vector_load %arg5[%parallel_loop3A_306] {strides = array<i32>} : memref<57600xi32, #tpu.memory_space<vmem>>, vector<16xi32>,
        %parallel_loop3A_308 = vector.bitcast %parallel_loop3A_307 : vector<16xi32> to vector<32xbf16>
        %parallel_loop3A_309 = arith.constant 16 : i32
        %parallel_loop3A_310 = arith.addi %parallel_loop3A_205, %parallel_loop3A_309 : i32
        %parallel_loop3A_311 = arith.index_cast %parallel_loop3A_310 : i32 to index
        %parallel_loop3A_312 = tpu.vector_load %arg5[%parallel_loop3A_311] {strides = array<i32>} : memref<57600xi32, #tpu.memory_space<vmem>>, vector<16xi32>,
        %parallel_loop3A_313 = vector.bitcast %parallel_loop3A_312 : vector<16xi32> to vector<32xbf16>
        %parallel_loop3A_314 = arith.constant 16 : i32
        %parallel_loop3A_315 = arith.addi %parallel_loop3A_211, %parallel_loop3A_314 : i32
        %parallel_loop3A_316 = arith.index_cast %parallel_loop3A_315 : i32 to index
        %parallel_loop3A_317 = tpu.vector_load %arg5[%parallel_loop3A_316] {strides = array<i32>} : memref<57600xi32, #tpu.memory_space<vmem>>, vector<16xi32>,
        %parallel_loop3A_318 = vector.bitcast %parallel_loop3A_317 : vector<16xi32> to vector<32xbf16>
        %parallel_loop3A_319 = arith.constant 16 : i32
        %parallel_loop3A_320 = arith.addi %parallel_loop3A_217, %parallel_loop3A_319 : i32
        %parallel_loop3A_321 = arith.index_cast %parallel_loop3A_320 : i32 to index
        %parallel_loop3A_322 = tpu.vector_load %arg5[%parallel_loop3A_321] {strides = array<i32>} : memref<57600xi32, #tpu.memory_space<vmem>>, vector<16xi32>,
        %parallel_loop3A_323 = vector.bitcast %parallel_loop3A_322 : vector<16xi32> to vector<32xbf16>
        %parallel_loop3A_324 = arith.addf %parallel_loop3A_283, %parallel_loop3A_288 : vector<32xbf16>
        %parallel_loop3A_325 = arith.addf %parallel_loop3A_293, %parallel_loop3A_298 : vector<32xbf16>
        %parallel_loop3A_326 = arith.addf %parallel_loop3A_303, %parallel_loop3A_308 : vector<32xbf16>
        %parallel_loop3A_327 = arith.addf %parallel_loop3A_313, %parallel_loop3A_318 : vector<32xbf16>
        %parallel_loop3A_328 = arith.addf %parallel_loop3A_324, %parallel_loop3A_325 : vector<32xbf16>
        %parallel_loop3A_329 = arith.addf %parallel_loop3A_326, %parallel_loop3A_327 : vector<32xbf16>
        %parallel_loop3A_330 = arith.addf %parallel_loop3A_328, %parallel_loop3A_329 : vector<32xbf16>
        %parallel_loop3A_331 = arith.addf %parallel_loop3A_330, %parallel_loop3A_323 : vector<32xbf16>
        %parallel_loop3A_332 = tpu.unpack_subelements %parallel_loop3A_331, 0 {pack_format = #tpu.pack_format<interleaved>} : vector<32xbf16> -> vector<16xf32>
        %parallel_loop3A_333 = tpu.unpack_subelements %parallel_loop3A_331, 1 {pack_format = #tpu.pack_format<interleaved>} : vector<32xbf16> -> vector<16xf32>
        %parallel_loop3A_334 = arith.index_cast %parallel_loop3A_156 : i32 to index
        %parallel_loop3A_335 = arith.constant 32 : index
        %parallel_loop3A_336 = tpu.vector_load %arg8[%parallel_loop3A_334, %parallel_loop3A_335] {strides = array<i32>} : memref<32x128xf32, #tpu.memory_space<vmem>>, vector<16xf32>,
        tpu.vector_store %arg8[%parallel_loop3A_334, %parallel_loop3A_335], %parallel_loop3A_332 {strides = array<i32>} : memref<32x128xf32, #tpu.memory_space<vmem>>, vector<16xf32>,
        %parallel_loop3A_337 = arith.index_cast %parallel_loop3A_156 : i32 to index
        %parallel_loop3A_338 = arith.constant 48 : index
        %parallel_loop3A_339 = tpu.vector_load %arg8[%parallel_loop3A_337, %parallel_loop3A_338] {strides = array<i32>} : memref<32x128xf32, #tpu.memory_space<vmem>>, vector<16xf32>,
        tpu.vector_store %arg8[%parallel_loop3A_337, %parallel_loop3A_338], %parallel_loop3A_333 {strides = array<i32>} : memref<32x128xf32, #tpu.memory_space<vmem>>, vector<16xf32>,
        %parallel_loop3A_340 = arith.constant 32 : i32
        %parallel_loop3A_341 = arith.addi %parallel_loop3A_169, %parallel_loop3A_340 : i32
        %parallel_loop3A_342 = arith.index_cast %parallel_loop3A_341 : i32 to index
        %parallel_loop3A_343 = tpu.vector_load %arg5[%parallel_loop3A_342] {strides = array<i32>} : memref<57600xi32, #tpu.memory_space<vmem>>, vector<16xi32>,
        %parallel_loop3A_344 = vector.bitcast %parallel_loop3A_343 : vector<16xi32> to vector<32xbf16>
        %parallel_loop3A_345 = arith.constant 32 : i32
        %parallel_loop3A_346 = arith.addi %parallel_loop3A_175, %parallel_loop3A_345 : i32
        %parallel_loop3A_347 = arith.index_cast %parallel_loop3A_346 : i32 to index
        %parallel_loop3A_348 = tpu.vector_load %arg5[%parallel_loop3A_347] {strides = array<i32>} : memref<57600xi32, #tpu.memory_space<vmem>>, vector<16xi32>,
        %parallel_loop3A_349 = vector.bitcast %parallel_loop3A_348 : vector<16xi32> to vector<32xbf16>
        %parallel_loop3A_350 = arith.constant 32 : i32
        %parallel_loop3A_351 = arith.addi %parallel_loop3A_181, %parallel_loop3A_350 : i32
        %parallel_loop3A_352 = arith.index_cast %parallel_loop3A_351 : i32 to index
        %parallel_loop3A_353 = tpu.vector_load %arg5[%parallel_loop3A_352] {strides = array<i32>} : memref<57600xi32, #tpu.memory_space<vmem>>, vector<16xi32>,
        %parallel_loop3A_354 = vector.bitcast %parallel_loop3A_353 : vector<16xi32> to vector<32xbf16>
        %parallel_loop3A_355 = arith.constant 32 : i32
        %parallel_loop3A_356 = arith.addi %parallel_loop3A_187, %parallel_loop3A_355 : i32
        %parallel_loop3A_357 = arith.index_cast %parallel_loop3A_356 : i32 to index
        %parallel_loop3A_358 = tpu.vector_load %arg5[%parallel_loop3A_357] {strides = array<i32>} : memref<57600xi32, #tpu.memory_space<vmem>>, vector<16xi32>,
        %parallel_loop3A_359 = vector.bitcast %parallel_loop3A_358 : vector<16xi32> to vector<32xbf16>
        %parallel_loop3A_360 = arith.constant 32 : i32
        %parallel_loop3A_361 = arith.addi %parallel_loop3A_193, %parallel_loop3A_360 : i32
        %parallel_loop3A_362 = arith.index_cast %parallel_loop3A_361 : i32 to index
        %parallel_loop3A_363 = tpu.vector_load %arg5[%parallel_loop3A_362] {strides = array<i32>} : memref<57600xi32, #tpu.memory_space<vmem>>, vector<16xi32>,
        %parallel_loop3A_364 = vector.bitcast %parallel_loop3A_363 : vector<16xi32> to vector<32xbf16>
        %parallel_loop3A_365 = arith.constant 32 : i32
        %parallel_loop3A_366 = arith.addi %parallel_loop3A_199, %parallel_loop3A_365 : i32
        %parallel_loop3A_367 = arith.index_cast %parallel_loop3A_366 : i32 to index
        %parallel_loop3A_368 = tpu.vector_load %arg5[%parallel_loop3A_367] {strides = array<i32>} : memref<57600xi32, #tpu.memory_space<vmem>>, vector<16xi32>,
        %parallel_loop3A_369 = vector.bitcast %parallel_loop3A_368 : vector<16xi32> to vector<32xbf16>
        %parallel_loop3A_370 = arith.constant 32 : i32
        %parallel_loop3A_371 = arith.addi %parallel_loop3A_205, %parallel_loop3A_370 : i32
        %parallel_loop3A_372 = arith.index_cast %parallel_loop3A_371 : i32 to index
        %parallel_loop3A_373 = tpu.vector_load %arg5[%parallel_loop3A_372] {strides = array<i32>} : memref<57600xi32, #tpu.memory_space<vmem>>, vector<16xi32>,
        %parallel_loop3A_374 = vector.bitcast %parallel_loop3A_373 : vector<16xi32> to vector<32xbf16>
        %parallel_loop3A_375 = arith.constant 32 : i32
        %parallel_loop3A_376 = arith.addi %parallel_loop3A_211, %parallel_loop3A_375 : i32
        %parallel_loop3A_377 = arith.index_cast %parallel_loop3A_376 : i32 to index
        %parallel_loop3A_378 = tpu.vector_load %arg5[%parallel_loop3A_377] {strides = array<i32>} : memref<57600xi32, #tpu.memory_space<vmem>>, vector<16xi32>,
        %parallel_loop3A_379 = vector.bitcast %parallel_loop3A_378 : vector<16xi32> to vector<32xbf16>
        %parallel_loop3A_380 = arith.constant 32 : i32
        %parallel_loop3A_381 = arith.addi %parallel_loop3A_217, %parallel_loop3A_380 : i32
        %parallel_loop3A_382 = arith.index_cast %parallel_loop3A_381 : i32 to index
        %parallel_loop3A_383 = tpu.vector_load %arg5[%parallel_loop3A_382] {strides = array<i32>} : memref<57600xi32, #tpu.memory_space<vmem>>, vector<16xi32>,
        %parallel_loop3A_384 = vector.bitcast %parallel_loop3A_383 : vector<16xi32> to vector<32xbf16>
        %parallel_loop3A_385 = arith.addf %parallel_loop3A_344, %parallel_loop3A_349 : vector<32xbf16>
        %parallel_loop3A_386 = arith.addf %parallel_loop3A_354, %parallel_loop3A_359 : vector<32xbf16>
        %parallel_loop3A_387 = arith.addf %parallel_loop3A_364, %parallel_loop3A_369 : vector<32xbf16>
        %parallel_loop3A_388 = arith.addf %parallel_loop3A_374, %parallel_loop3A_379 : vector<32xbf16>
        %parallel_loop3A_389 = arith.addf %parallel_loop3A_385, %parallel_loop3A_386 : vector<32xbf16>
        %parallel_loop3A_390 = arith.addf %parallel_loop3A_387, %parallel_loop3A_388 : vector<32xbf16>
        %parallel_loop3A_391 = arith.addf %parallel_loop3A_389, %parallel_loop3A_390 : vector<32xbf16>
        %parallel_loop3A_392 = arith.addf %parallel_loop3A_391, %parallel_loop3A_384 : vector<32xbf16>
        %parallel_loop3A_393 = tpu.unpack_subelements %parallel_loop3A_392, 0 {pack_format = #tpu.pack_format<interleaved>} : vector<32xbf16> -> vector<16xf32>
        %parallel_loop3A_394 = tpu.unpack_subelements %parallel_loop3A_392, 1 {pack_format = #tpu.pack_format<interleaved>} : vector<32xbf16> -> vector<16xf32>
        %parallel_loop3A_395 = arith.index_cast %parallel_loop3A_156 : i32 to index
        %parallel_loop3A_396 = arith.constant 64 : index
        %parallel_loop3A_397 = tpu.vector_load %arg8[%parallel_loop3A_395, %parallel_loop3A_396] {strides = array<i32>} : memref<32x128xf32, #tpu.memory_space<vmem>>, vector<16xf32>,
        tpu.vector_store %arg8[%parallel_loop3A_395, %parallel_loop3A_396], %parallel_loop3A_393 {strides = array<i32>} : memref<32x128xf32, #tpu.memory_space<vmem>>, vector<16xf32>,
        %parallel_loop3A_398 = arith.index_cast %parallel_loop3A_156 : i32 to index
        %parallel_loop3A_399 = arith.constant 80 : index
        %parallel_loop3A_400 = tpu.vector_load %arg8[%parallel_loop3A_398, %parallel_loop3A_399] {strides = array<i32>} : memref<32x128xf32, #tpu.memory_space<vmem>>, vector<16xf32>,
        tpu.vector_store %arg8[%parallel_loop3A_398, %parallel_loop3A_399], %parallel_loop3A_394 {strides = array<i32>} : memref<32x128xf32, #tpu.memory_space<vmem>>, vector<16xf32>,
        %parallel_loop3A_401 = arith.constant 48 : i32
        %parallel_loop3A_402 = arith.addi %parallel_loop3A_169, %parallel_loop3A_401 : i32
        %parallel_loop3A_403 = arith.index_cast %parallel_loop3A_402 : i32 to index
        %parallel_loop3A_404 = tpu.vector_load %arg5[%parallel_loop3A_403] {strides = array<i32>} : memref<57600xi32, #tpu.memory_space<vmem>>, vector<16xi32>,
        %parallel_loop3A_405 = vector.bitcast %parallel_loop3A_404 : vector<16xi32> to vector<32xbf16>
        %parallel_loop3A_406 = arith.constant 48 : i32
        %parallel_loop3A_407 = arith.addi %parallel_loop3A_175, %parallel_loop3A_406 : i32
        %parallel_loop3A_408 = arith.index_cast %parallel_loop3A_407 : i32 to index
        %parallel_loop3A_409 = tpu.vector_load %arg5[%parallel_loop3A_408] {strides = array<i32>} : memref<57600xi32, #tpu.memory_space<vmem>>, vector<16xi32>,
        %parallel_loop3A_410 = vector.bitcast %parallel_loop3A_409 : vector<16xi32> to vector<32xbf16>
        %parallel_loop3A_411 = arith.constant 48 : i32
        %parallel_loop3A_412 = arith.addi %parallel_loop3A_181, %parallel_loop3A_411 : i32
        %parallel_loop3A_413 = arith.index_cast %parallel_loop3A_412 : i32 to index
        %parallel_loop3A_414 = tpu.vector_load %arg5[%parallel_loop3A_413] {strides = array<i32>} : memref<57600xi32, #tpu.memory_space<vmem>>, vector<16xi32>,
        %parallel_loop3A_415 = vector.bitcast %parallel_loop3A_414 : vector<16xi32> to vector<32xbf16>
        %parallel_loop3A_416 = arith.constant 48 : i32
        %parallel_loop3A_417 = arith.addi %parallel_loop3A_187, %parallel_loop3A_416 : i32
        %parallel_loop3A_418 = arith.index_cast %parallel_loop3A_417 : i32 to index
        %parallel_loop3A_419 = tpu.vector_load %arg5[%parallel_loop3A_418] {strides = array<i32>} : memref<57600xi32, #tpu.memory_space<vmem>>, vector<16xi32>,
        %parallel_loop3A_420 = vector.bitcast %parallel_loop3A_419 : vector<16xi32> to vector<32xbf16>
        %parallel_loop3A_421 = arith.constant 48 : i32
        %parallel_loop3A_422 = arith.addi %parallel_loop3A_193, %parallel_loop3A_421 : i32
        %parallel_loop3A_423 = arith.index_cast %parallel_loop3A_422 : i32 to index
        %parallel_loop3A_424 = tpu.vector_load %arg5[%parallel_loop3A_423] {strides = array<i32>} : memref<57600xi32, #tpu.memory_space<vmem>>, vector<16xi32>,
        %parallel_loop3A_425 = vector.bitcast %parallel_loop3A_424 : vector<16xi32> to vector<32xbf16>
        %parallel_loop3A_426 = arith.constant 48 : i32
        %parallel_loop3A_427 = arith.addi %parallel_loop3A_199, %parallel_loop3A_426 : i32
        %parallel_loop3A_428 = arith.index_cast %parallel_loop3A_427 : i32 to index
        %parallel_loop3A_429 = tpu.vector_load %arg5[%parallel_loop3A_428] {strides = array<i32>} : memref<57600xi32, #tpu.memory_space<vmem>>, vector<16xi32>,
        %parallel_loop3A_430 = vector.bitcast %parallel_loop3A_429 : vector<16xi32> to vector<32xbf16>
        %parallel_loop3A_431 = arith.constant 48 : i32
        %parallel_loop3A_432 = arith.addi %parallel_loop3A_205, %parallel_loop3A_431 : i32
        %parallel_loop3A_433 = arith.index_cast %parallel_loop3A_432 : i32 to index
        %parallel_loop3A_434 = tpu.vector_load %arg5[%parallel_loop3A_433] {strides = array<i32>} : memref<57600xi32, #tpu.memory_space<vmem>>, vector<16xi32>,
        %parallel_loop3A_435 = vector.bitcast %parallel_loop3A_434 : vector<16xi32> to vector<32xbf16>
        %parallel_loop3A_436 = arith.constant 48 : i32
        %parallel_loop3A_437 = arith.addi %parallel_loop3A_211, %parallel_loop3A_436 : i32
        %parallel_loop3A_438 = arith.index_cast %parallel_loop3A_437 : i32 to index
        %parallel_loop3A_439 = tpu.vector_load %arg5[%parallel_loop3A_438] {strides = array<i32>} : memref<57600xi32, #tpu.memory_space<vmem>>, vector<16xi32>,
        %parallel_loop3A_440 = vector.bitcast %parallel_loop3A_439 : vector<16xi32> to vector<32xbf16>
        %parallel_loop3A_441 = arith.constant 48 : i32
        %parallel_loop3A_442 = arith.addi %parallel_loop3A_217, %parallel_loop3A_441 : i32
        %parallel_loop3A_443 = arith.index_cast %parallel_loop3A_442 : i32 to index
        %parallel_loop3A_444 = tpu.vector_load %arg5[%parallel_loop3A_443] {strides = array<i32>} : memref<57600xi32, #tpu.memory_space<vmem>>, vector<16xi32>,
        %parallel_loop3A_445 = vector.bitcast %parallel_loop3A_444 : vector<16xi32> to vector<32xbf16>
        %parallel_loop3A_446 = arith.addf %parallel_loop3A_405, %parallel_loop3A_410 : vector<32xbf16>
        %parallel_loop3A_447 = arith.addf %parallel_loop3A_415, %parallel_loop3A_420 : vector<32xbf16>
        %parallel_loop3A_448 = arith.addf %parallel_loop3A_425, %parallel_loop3A_430 : vector<32xbf16>
        %parallel_loop3A_449 = arith.addf %parallel_loop3A_435, %parallel_loop3A_440 : vector<32xbf16>
        %parallel_loop3A_450 = arith.addf %parallel_loop3A_446, %parallel_loop3A_447 : vector<32xbf16>
        %parallel_loop3A_451 = arith.addf %parallel_loop3A_448, %parallel_loop3A_449 : vector<32xbf16>
        %parallel_loop3A_452 = arith.addf %parallel_loop3A_450, %parallel_loop3A_451 : vector<32xbf16>
        %parallel_loop3A_453 = arith.addf %parallel_loop3A_452, %parallel_loop3A_445 : vector<32xbf16>
        %parallel_loop3A_454 = tpu.unpack_subelements %parallel_loop3A_453, 0 {pack_format = #tpu.pack_format<interleaved>} : vector<32xbf16> -> vector<16xf32>
        %parallel_loop3A_455 = tpu.unpack_subelements %parallel_loop3A_453, 1 {pack_format = #tpu.pack_format<interleaved>} : vector<32xbf16> -> vector<16xf32>
        %parallel_loop3A_456 = arith.index_cast %parallel_loop3A_156 : i32 to index
        %parallel_loop3A_457 = arith.constant 96 : index
        %parallel_loop3A_458 = tpu.vector_load %arg8[%parallel_loop3A_456, %parallel_loop3A_457] {strides = array<i32>} : memref<32x128xf32, #tpu.memory_space<vmem>>, vector<16xf32>,
        tpu.vector_store %arg8[%parallel_loop3A_456, %parallel_loop3A_457], %parallel_loop3A_454 {strides = array<i32>} : memref<32x128xf32, #tpu.memory_space<vmem>>, vector<16xf32>,
        %parallel_loop3A_459 = arith.index_cast %parallel_loop3A_156 : i32 to index
        %parallel_loop3A_460 = arith.constant 112 : index
        %parallel_loop3A_461 = tpu.vector_load %arg8[%parallel_loop3A_459, %parallel_loop3A_460] {strides = array<i32>} : memref<32x128xf32, #tpu.memory_space<vmem>>, vector<16xf32>,
        tpu.vector_store %arg8[%parallel_loop3A_459, %parallel_loop3A_460], %parallel_loop3A_455 {strides = array<i32>} : memref<32x128xf32, #tpu.memory_space<vmem>>, vector<16xf32>,
      } {sc.loop_unroll_factor = 4 : i64, sc.parallel_access}
      %mul3A_134 = arith.constant 32 : i32
      %mul3A_135 = arith.muli %mul3A_123, %mul3A_134 : i32
      %add3A_136 = arith.addi %mul3A_2, %mul3A_135 : i32
      %dma_start3A = arith.constant 0 : i32
      %dma_start3A_137 = tpu.memref_slice %arg4[%add3A_136, %dma_start3A] : memref<100000x128xf32, #tpu.memory_space<hbm>> -> memref<32x128xf32, #tpu.memory_space<hbm>>
      %dma_start3A_138 = arith.constant 0 : i32
      %dma_start3A_139 = tpu.memref_slice %arg4[%add3A_136, %dma_start3A_138] : memref<100000x128xf32, #tpu.memory_space<hbm>> -> memref<32x128xf32, #tpu.memory_space<hbm>>
      tpu.enqueue_dma source(%arg8 : memref<32x128xf32, #tpu.memory_space<vmem>>) target(%dma_start3A_139 : memref<32x128xf32, #tpu.memory_space<hbm>>) target_semaphore(%arg10 : memref<!tpu.dma_semaphore, #tpu.memory_space<semaphore_mem>>)
      %gt3A_140 = arith.constant 0 : i32
      %gt3A_141 = arith.cmpi sgt, %while3A_120, %gt3A_140 : i32
      %convert_element_type3A_142 = arith.extui %gt3A_141 : i1 to i32
      %cond3A_143 = arith.constant 0 : i32
      %cond3A_144 = arith.cmpi ne, %convert_element_type3A_142, %cond3A_143 : i32
      scf.if %cond3A_144 {
        %mul3A_156 = arith.constant 32 : i32
        %mul3A_157 = arith.muli %add3A_125, %mul3A_156 : i32
        %add3A_158 = arith.addi %mul3A_2, %mul3A_157 : i32
        %dma_wait3A = arith.constant 0 : i32
        %dma_wait3A_159 = tpu.memref_slice %arg4[%add3A_158, %dma_wait3A] : memref<100000x128xf32, #tpu.memory_space<hbm>> -> memref<32x128xf32, #tpu.memory_space<hbm>>
        %dma_wait3A_160 = arith.constant 0 : i32
        %dma_wait3A_161 = tpu.memref_slice %arg4[%add3A_158, %dma_wait3A_160] : memref<100000x128xf32, #tpu.memory_space<hbm>> -> memref<32x128xf32, #tpu.memory_space<hbm>>
        tpu.wait_dma2 semaphore(%arg11 : memref<!tpu.dma_semaphore, #tpu.memory_space<semaphore_mem>>) src(%arg9 : memref<32x128xf32, #tpu.memory_space<vmem>>) dst(%dma_wait3A_161 : memref<32x128xf32, #tpu.memory_space<hbm>>)
      } else {
      }
      %parallel_loop3A_145 = arith.constant 0 : i32
      %parallel_loop3A_146 = arith.constant 32 : i32
      %parallel_loop3A_147 = arith.constant 1 : i32
      scf.for %parallel_loop3A_156 = %parallel_loop3A_145 to %parallel_loop3A_146 step %parallel_loop3A_147  : i32 {
        %parallel_loop3A_157 = arith.constant 32 : i32
        %parallel_loop3A_158 = arith.muli %add3A_125, %parallel_loop3A_157 : i32
        %parallel_loop3A_159 = arith.addi %parallel_loop3A_158, %parallel_loop3A_156 : i32
        %parallel_loop3A_160 = arith.constant 9 : i32
        %parallel_loop3A_161 = arith.muli %parallel_loop3A_159, %parallel_loop3A_160 : i32
        %parallel_loop3A_162 = arith.index_cast %parallel_loop3A_161 : i32 to index
        %parallel_loop3A_163 = tpu.vector_load %arg7[%parallel_loop3A_162] {strides = array<i32>} : memref<28240xi32, #tpu.memory_space<vmem>>, vector<16xi32>,
        %parallel_loop3A_164 = vector.extract_strided_slice %parallel_loop3A_163 {offsets = [0], sizes = [1], strides = [1]} : vector<16xi32> to vector<1xi32>
        %parallel_loop3A_165 = vector.extract %parallel_loop3A_164[0] : i32 from vector<1xi32>
        %parallel_loop3A_166 = arith.constant 64 : i32
        %parallel_loop3A_167 = arith.muli %parallel_loop3A_165, %parallel_loop3A_166 : i32
        %parallel_loop3A_168 = arith.constant 0 : i32
        %parallel_loop3A_169 = arith.addi %parallel_loop3A_167, %parallel_loop3A_168 : i32
        %parallel_loop3A_170 = vector.extract_strided_slice %parallel_loop3A_163 {offsets = [1], sizes = [1], strides = [1]} : vector<16xi32> to vector<1xi32>
        %parallel_loop3A_171 = vector.extract %parallel_loop3A_170[0] : i32 from vector<1xi32>
        %parallel_loop3A_172 = arith.constant 64 : i32
        %parallel_loop3A_173 = arith.muli %parallel_loop3A_171, %parallel_loop3A_172 : i32
        %parallel_loop3A_174 = arith.constant 6400 : i32
        %parallel_loop3A_175 = arith.addi %parallel_loop3A_173, %parallel_loop3A_174 : i32
        %parallel_loop3A_176 = vector.extract_strided_slice %parallel_loop3A_163 {offsets = [2], sizes = [1], strides = [1]} : vector<16xi32> to vector<1xi32>
        %parallel_loop3A_177 = vector.extract %parallel_loop3A_176[0] : i32 from vector<1xi32>
        %parallel_loop3A_178 = arith.constant 64 : i32
        %parallel_loop3A_179 = arith.muli %parallel_loop3A_177, %parallel_loop3A_178 : i32
        %parallel_loop3A_180 = arith.constant 12800 : i32
        %parallel_loop3A_181 = arith.addi %parallel_loop3A_179, %parallel_loop3A_180 : i32
        %parallel_loop3A_182 = vector.extract_strided_slice %parallel_loop3A_163 {offsets = [3], sizes = [1], strides = [1]} : vector<16xi32> to vector<1xi32>
        %parallel_loop3A_183 = vector.extract %parallel_loop3A_182[0] : i32 from vector<1xi32>
        %parallel_loop3A_184 = arith.constant 64 : i32
        %parallel_loop3A_185 = arith.muli %parallel_loop3A_183, %parallel_loop3A_184 : i32
        %parallel_loop3A_186 = arith.constant 19200 : i32
        %parallel_loop3A_187 = arith.addi %parallel_loop3A_185, %parallel_loop3A_186 : i32
        %parallel_loop3A_188 = vector.extract_strided_slice %parallel_loop3A_163 {offsets = [4], sizes = [1], strides = [1]} : vector<16xi32> to vector<1xi32>
        %parallel_loop3A_189 = vector.extract %parallel_loop3A_188[0] : i32 from vector<1xi32>
        %parallel_loop3A_190 = arith.constant 64 : i32
        %parallel_loop3A_191 = arith.muli %parallel_loop3A_189, %parallel_loop3A_190 : i32
        %parallel_loop3A_192 = arith.constant 25600 : i32
        %parallel_loop3A_193 = arith.addi %parallel_loop3A_191, %parallel_loop3A_192 : i32
        %parallel_loop3A_194 = vector.extract_strided_slice %parallel_loop3A_163 {offsets = [5], sizes = [1], strides = [1]} : vector<16xi32> to vector<1xi32>
        %parallel_loop3A_195 = vector.extract %parallel_loop3A_194[0] : i32 from vector<1xi32>
        %parallel_loop3A_196 = arith.constant 64 : i32
        %parallel_loop3A_197 = arith.muli %parallel_loop3A_195, %parallel_loop3A_196 : i32
        %parallel_loop3A_198 = arith.constant 32000 : i32
        %parallel_loop3A_199 = arith.addi %parallel_loop3A_197, %parallel_loop3A_198 : i32
        %parallel_loop3A_200 = vector.extract_strided_slice %parallel_loop3A_163 {offsets = [6], sizes = [1], strides = [1]} : vector<16xi32> to vector<1xi32>
        %parallel_loop3A_201 = vector.extract %parallel_loop3A_200[0] : i32 from vector<1xi32>
        %parallel_loop3A_202 = arith.constant 64 : i32
        %parallel_loop3A_203 = arith.muli %parallel_loop3A_201, %parallel_loop3A_202 : i32
        %parallel_loop3A_204 = arith.constant 38400 : i32
        %parallel_loop3A_205 = arith.addi %parallel_loop3A_203, %parallel_loop3A_204 : i32
        %parallel_loop3A_206 = vector.extract_strided_slice %parallel_loop3A_163 {offsets = [7], sizes = [1], strides = [1]} : vector<16xi32> to vector<1xi32>
        %parallel_loop3A_207 = vector.extract %parallel_loop3A_206[0] : i32 from vector<1xi32>
        %parallel_loop3A_208 = arith.constant 64 : i32
        %parallel_loop3A_209 = arith.muli %parallel_loop3A_207, %parallel_loop3A_208 : i32
        %parallel_loop3A_210 = arith.constant 44800 : i32
        %parallel_loop3A_211 = arith.addi %parallel_loop3A_209, %parallel_loop3A_210 : i32
        %parallel_loop3A_212 = vector.extract_strided_slice %parallel_loop3A_163 {offsets = [8], sizes = [1], strides = [1]} : vector<16xi32> to vector<1xi32>
        %parallel_loop3A_213 = vector.extract %parallel_loop3A_212[0] : i32 from vector<1xi32>
        %parallel_loop3A_214 = arith.constant 64 : i32
        %parallel_loop3A_215 = arith.muli %parallel_loop3A_213, %parallel_loop3A_214 : i32
        %parallel_loop3A_216 = arith.constant 51200 : i32
        %parallel_loop3A_217 = arith.addi %parallel_loop3A_215, %parallel_loop3A_216 : i32
        %parallel_loop3A_218 = arith.constant 0 : i32
        %parallel_loop3A_219 = arith.addi %parallel_loop3A_169, %parallel_loop3A_218 : i32
        %parallel_loop3A_220 = arith.index_cast %parallel_loop3A_219 : i32 to index
        %parallel_loop3A_221 = tpu.vector_load %arg5[%parallel_loop3A_220] {strides = array<i32>} : memref<57600xi32, #tpu.memory_space<vmem>>, vector<16xi32>,
        %parallel_loop3A_222 = vector.bitcast %parallel_loop3A_221 : vector<16xi32> to vector<32xbf16>
        %parallel_loop3A_223 = arith.constant 0 : i32
        %parallel_loop3A_224 = arith.addi %parallel_loop3A_175, %parallel_loop3A_223 : i32
        %parallel_loop3A_225 = arith.index_cast %parallel_loop3A_224 : i32 to index
        %parallel_loop3A_226 = tpu.vector_load %arg5[%parallel_loop3A_225] {strides = array<i32>} : memref<57600xi32, #tpu.memory_space<vmem>>, vector<16xi32>,
        %parallel_loop3A_227 = vector.bitcast %parallel_loop3A_226 : vector<16xi32> to vector<32xbf16>
        %parallel_loop3A_228 = arith.constant 0 : i32
        %parallel_loop3A_229 = arith.addi %parallel_loop3A_181, %parallel_loop3A_228 : i32
        %parallel_loop3A_230 = arith.index_cast %parallel_loop3A_229 : i32 to index
        %parallel_loop3A_231 = tpu.vector_load %arg5[%parallel_loop3A_230] {strides = array<i32>} : memref<57600xi32, #tpu.memory_space<vmem>>, vector<16xi32>,
        %parallel_loop3A_232 = vector.bitcast %parallel_loop3A_231 : vector<16xi32> to vector<32xbf16>
        %parallel_loop3A_233 = arith.constant 0 : i32
        %parallel_loop3A_234 = arith.addi %parallel_loop3A_187, %parallel_loop3A_233 : i32
        %parallel_loop3A_235 = arith.index_cast %parallel_loop3A_234 : i32 to index
        %parallel_loop3A_236 = tpu.vector_load %arg5[%parallel_loop3A_235] {strides = array<i32>} : memref<57600xi32, #tpu.memory_space<vmem>>, vector<16xi32>,
        %parallel_loop3A_237 = vector.bitcast %parallel_loop3A_236 : vector<16xi32> to vector<32xbf16>
        %parallel_loop3A_238 = arith.constant 0 : i32
        %parallel_loop3A_239 = arith.addi %parallel_loop3A_193, %parallel_loop3A_238 : i32
        %parallel_loop3A_240 = arith.index_cast %parallel_loop3A_239 : i32 to index
        %parallel_loop3A_241 = tpu.vector_load %arg5[%parallel_loop3A_240] {strides = array<i32>} : memref<57600xi32, #tpu.memory_space<vmem>>, vector<16xi32>,
        %parallel_loop3A_242 = vector.bitcast %parallel_loop3A_241 : vector<16xi32> to vector<32xbf16>
        %parallel_loop3A_243 = arith.constant 0 : i32
        %parallel_loop3A_244 = arith.addi %parallel_loop3A_199, %parallel_loop3A_243 : i32
        %parallel_loop3A_245 = arith.index_cast %parallel_loop3A_244 : i32 to index
        %parallel_loop3A_246 = tpu.vector_load %arg5[%parallel_loop3A_245] {strides = array<i32>} : memref<57600xi32, #tpu.memory_space<vmem>>, vector<16xi32>,
        %parallel_loop3A_247 = vector.bitcast %parallel_loop3A_246 : vector<16xi32> to vector<32xbf16>
        %parallel_loop3A_248 = arith.constant 0 : i32
        %parallel_loop3A_249 = arith.addi %parallel_loop3A_205, %parallel_loop3A_248 : i32
        %parallel_loop3A_250 = arith.index_cast %parallel_loop3A_249 : i32 to index
        %parallel_loop3A_251 = tpu.vector_load %arg5[%parallel_loop3A_250] {strides = array<i32>} : memref<57600xi32, #tpu.memory_space<vmem>>, vector<16xi32>,
        %parallel_loop3A_252 = vector.bitcast %parallel_loop3A_251 : vector<16xi32> to vector<32xbf16>
        %parallel_loop3A_253 = arith.constant 0 : i32
        %parallel_loop3A_254 = arith.addi %parallel_loop3A_211, %parallel_loop3A_253 : i32
        %parallel_loop3A_255 = arith.index_cast %parallel_loop3A_254 : i32 to index
        %parallel_loop3A_256 = tpu.vector_load %arg5[%parallel_loop3A_255] {strides = array<i32>} : memref<57600xi32, #tpu.memory_space<vmem>>, vector<16xi32>,
        %parallel_loop3A_257 = vector.bitcast %parallel_loop3A_256 : vector<16xi32> to vector<32xbf16>
        %parallel_loop3A_258 = arith.constant 0 : i32
        %parallel_loop3A_259 = arith.addi %parallel_loop3A_217, %parallel_loop3A_258 : i32
        %parallel_loop3A_260 = arith.index_cast %parallel_loop3A_259 : i32 to index
        %parallel_loop3A_261 = tpu.vector_load %arg5[%parallel_loop3A_260] {strides = array<i32>} : memref<57600xi32, #tpu.memory_space<vmem>>, vector<16xi32>,
        %parallel_loop3A_262 = vector.bitcast %parallel_loop3A_261 : vector<16xi32> to vector<32xbf16>
        %parallel_loop3A_263 = arith.addf %parallel_loop3A_222, %parallel_loop3A_227 : vector<32xbf16>
        %parallel_loop3A_264 = arith.addf %parallel_loop3A_232, %parallel_loop3A_237 : vector<32xbf16>
        %parallel_loop3A_265 = arith.addf %parallel_loop3A_242, %parallel_loop3A_247 : vector<32xbf16>
        %parallel_loop3A_266 = arith.addf %parallel_loop3A_252, %parallel_loop3A_257 : vector<32xbf16>
        %parallel_loop3A_267 = arith.addf %parallel_loop3A_263, %parallel_loop3A_264 : vector<32xbf16>
        %parallel_loop3A_268 = arith.addf %parallel_loop3A_265, %parallel_loop3A_266 : vector<32xbf16>
        %parallel_loop3A_269 = arith.addf %parallel_loop3A_267, %parallel_loop3A_268 : vector<32xbf16>
        %parallel_loop3A_270 = arith.addf %parallel_loop3A_269, %parallel_loop3A_262 : vector<32xbf16>
        %parallel_loop3A_271 = tpu.unpack_subelements %parallel_loop3A_270, 0 {pack_format = #tpu.pack_format<interleaved>} : vector<32xbf16> -> vector<16xf32>
        %parallel_loop3A_272 = tpu.unpack_subelements %parallel_loop3A_270, 1 {pack_format = #tpu.pack_format<interleaved>} : vector<32xbf16> -> vector<16xf32>
        %parallel_loop3A_273 = arith.index_cast %parallel_loop3A_156 : i32 to index
        %parallel_loop3A_274 = arith.constant 0 : index
        %parallel_loop3A_275 = tpu.vector_load %arg9[%parallel_loop3A_273, %parallel_loop3A_274] {strides = array<i32>} : memref<32x128xf32, #tpu.memory_space<vmem>>, vector<16xf32>,
        tpu.vector_store %arg9[%parallel_loop3A_273, %parallel_loop3A_274], %parallel_loop3A_271 {strides = array<i32>} : memref<32x128xf32, #tpu.memory_space<vmem>>, vector<16xf32>,
        %parallel_loop3A_276 = arith.index_cast %parallel_loop3A_156 : i32 to index
        %parallel_loop3A_277 = arith.constant 16 : index
        %parallel_loop3A_278 = tpu.vector_load %arg9[%parallel_loop3A_276, %parallel_loop3A_277] {strides = array<i32>} : memref<32x128xf32, #tpu.memory_space<vmem>>, vector<16xf32>,
        tpu.vector_store %arg9[%parallel_loop3A_276, %parallel_loop3A_277], %parallel_loop3A_272 {strides = array<i32>} : memref<32x128xf32, #tpu.memory_space<vmem>>, vector<16xf32>,
        %parallel_loop3A_279 = arith.constant 16 : i32
        %parallel_loop3A_280 = arith.addi %parallel_loop3A_169, %parallel_loop3A_279 : i32
        %parallel_loop3A_281 = arith.index_cast %parallel_loop3A_280 : i32 to index
        %parallel_loop3A_282 = tpu.vector_load %arg5[%parallel_loop3A_281] {strides = array<i32>} : memref<57600xi32, #tpu.memory_space<vmem>>, vector<16xi32>,
        %parallel_loop3A_283 = vector.bitcast %parallel_loop3A_282 : vector<16xi32> to vector<32xbf16>
        %parallel_loop3A_284 = arith.constant 16 : i32
        %parallel_loop3A_285 = arith.addi %parallel_loop3A_175, %parallel_loop3A_284 : i32
        %parallel_loop3A_286 = arith.index_cast %parallel_loop3A_285 : i32 to index
        %parallel_loop3A_287 = tpu.vector_load %arg5[%parallel_loop3A_286] {strides = array<i32>} : memref<57600xi32, #tpu.memory_space<vmem>>, vector<16xi32>,
        %parallel_loop3A_288 = vector.bitcast %parallel_loop3A_287 : vector<16xi32> to vector<32xbf16>
        %parallel_loop3A_289 = arith.constant 16 : i32
        %parallel_loop3A_290 = arith.addi %parallel_loop3A_181, %parallel_loop3A_289 : i32
        %parallel_loop3A_291 = arith.index_cast %parallel_loop3A_290 : i32 to index
        %parallel_loop3A_292 = tpu.vector_load %arg5[%parallel_loop3A_291] {strides = array<i32>} : memref<57600xi32, #tpu.memory_space<vmem>>, vector<16xi32>,
        %parallel_loop3A_293 = vector.bitcast %parallel_loop3A_292 : vector<16xi32> to vector<32xbf16>
        %parallel_loop3A_294 = arith.constant 16 : i32
        %parallel_loop3A_295 = arith.addi %parallel_loop3A_187, %parallel_loop3A_294 : i32
        %parallel_loop3A_296 = arith.index_cast %parallel_loop3A_295 : i32 to index
        %parallel_loop3A_297 = tpu.vector_load %arg5[%parallel_loop3A_296] {strides = array<i32>} : memref<57600xi32, #tpu.memory_space<vmem>>, vector<16xi32>,
        %parallel_loop3A_298 = vector.bitcast %parallel_loop3A_297 : vector<16xi32> to vector<32xbf16>
        %parallel_loop3A_299 = arith.constant 16 : i32
        %parallel_loop3A_300 = arith.addi %parallel_loop3A_193, %parallel_loop3A_299 : i32
        %parallel_loop3A_301 = arith.index_cast %parallel_loop3A_300 : i32 to index
        %parallel_loop3A_302 = tpu.vector_load %arg5[%parallel_loop3A_301] {strides = array<i32>} : memref<57600xi32, #tpu.memory_space<vmem>>, vector<16xi32>,
        %parallel_loop3A_303 = vector.bitcast %parallel_loop3A_302 : vector<16xi32> to vector<32xbf16>
        %parallel_loop3A_304 = arith.constant 16 : i32
        %parallel_loop3A_305 = arith.addi %parallel_loop3A_199, %parallel_loop3A_304 : i32
        %parallel_loop3A_306 = arith.index_cast %parallel_loop3A_305 : i32 to index
        %parallel_loop3A_307 = tpu.vector_load %arg5[%parallel_loop3A_306] {strides = array<i32>} : memref<57600xi32, #tpu.memory_space<vmem>>, vector<16xi32>,
        %parallel_loop3A_308 = vector.bitcast %parallel_loop3A_307 : vector<16xi32> to vector<32xbf16>
        %parallel_loop3A_309 = arith.constant 16 : i32
        %parallel_loop3A_310 = arith.addi %parallel_loop3A_205, %parallel_loop3A_309 : i32
        %parallel_loop3A_311 = arith.index_cast %parallel_loop3A_310 : i32 to index
        %parallel_loop3A_312 = tpu.vector_load %arg5[%parallel_loop3A_311] {strides = array<i32>} : memref<57600xi32, #tpu.memory_space<vmem>>, vector<16xi32>,
        %parallel_loop3A_313 = vector.bitcast %parallel_loop3A_312 : vector<16xi32> to vector<32xbf16>
        %parallel_loop3A_314 = arith.constant 16 : i32
        %parallel_loop3A_315 = arith.addi %parallel_loop3A_211, %parallel_loop3A_314 : i32
        %parallel_loop3A_316 = arith.index_cast %parallel_loop3A_315 : i32 to index
        %parallel_loop3A_317 = tpu.vector_load %arg5[%parallel_loop3A_316] {strides = array<i32>} : memref<57600xi32, #tpu.memory_space<vmem>>, vector<16xi32>,
        %parallel_loop3A_318 = vector.bitcast %parallel_loop3A_317 : vector<16xi32> to vector<32xbf16>
        %parallel_loop3A_319 = arith.constant 16 : i32
        %parallel_loop3A_320 = arith.addi %parallel_loop3A_217, %parallel_loop3A_319 : i32
        %parallel_loop3A_321 = arith.index_cast %parallel_loop3A_320 : i32 to index
        %parallel_loop3A_322 = tpu.vector_load %arg5[%parallel_loop3A_321] {strides = array<i32>} : memref<57600xi32, #tpu.memory_space<vmem>>, vector<16xi32>,
        %parallel_loop3A_323 = vector.bitcast %parallel_loop3A_322 : vector<16xi32> to vector<32xbf16>
        %parallel_loop3A_324 = arith.addf %parallel_loop3A_283, %parallel_loop3A_288 : vector<32xbf16>
        %parallel_loop3A_325 = arith.addf %parallel_loop3A_293, %parallel_loop3A_298 : vector<32xbf16>
        %parallel_loop3A_326 = arith.addf %parallel_loop3A_303, %parallel_loop3A_308 : vector<32xbf16>
        %parallel_loop3A_327 = arith.addf %parallel_loop3A_313, %parallel_loop3A_318 : vector<32xbf16>
        %parallel_loop3A_328 = arith.addf %parallel_loop3A_324, %parallel_loop3A_325 : vector<32xbf16>
        %parallel_loop3A_329 = arith.addf %parallel_loop3A_326, %parallel_loop3A_327 : vector<32xbf16>
        %parallel_loop3A_330 = arith.addf %parallel_loop3A_328, %parallel_loop3A_329 : vector<32xbf16>
        %parallel_loop3A_331 = arith.addf %parallel_loop3A_330, %parallel_loop3A_323 : vector<32xbf16>
        %parallel_loop3A_332 = tpu.unpack_subelements %parallel_loop3A_331, 0 {pack_format = #tpu.pack_format<interleaved>} : vector<32xbf16> -> vector<16xf32>
        %parallel_loop3A_333 = tpu.unpack_subelements %parallel_loop3A_331, 1 {pack_format = #tpu.pack_format<interleaved>} : vector<32xbf16> -> vector<16xf32>
        %parallel_loop3A_334 = arith.index_cast %parallel_loop3A_156 : i32 to index
        %parallel_loop3A_335 = arith.constant 32 : index
        %parallel_loop3A_336 = tpu.vector_load %arg9[%parallel_loop3A_334, %parallel_loop3A_335] {strides = array<i32>} : memref<32x128xf32, #tpu.memory_space<vmem>>, vector<16xf32>,
        tpu.vector_store %arg9[%parallel_loop3A_334, %parallel_loop3A_335], %parallel_loop3A_332 {strides = array<i32>} : memref<32x128xf32, #tpu.memory_space<vmem>>, vector<16xf32>,
        %parallel_loop3A_337 = arith.index_cast %parallel_loop3A_156 : i32 to index
        %parallel_loop3A_338 = arith.constant 48 : index
        %parallel_loop3A_339 = tpu.vector_load %arg9[%parallel_loop3A_337, %parallel_loop3A_338] {strides = array<i32>} : memref<32x128xf32, #tpu.memory_space<vmem>>, vector<16xf32>,
        tpu.vector_store %arg9[%parallel_loop3A_337, %parallel_loop3A_338], %parallel_loop3A_333 {strides = array<i32>} : memref<32x128xf32, #tpu.memory_space<vmem>>, vector<16xf32>,
        %parallel_loop3A_340 = arith.constant 32 : i32
        %parallel_loop3A_341 = arith.addi %parallel_loop3A_169, %parallel_loop3A_340 : i32
        %parallel_loop3A_342 = arith.index_cast %parallel_loop3A_341 : i32 to index
        %parallel_loop3A_343 = tpu.vector_load %arg5[%parallel_loop3A_342] {strides = array<i32>} : memref<57600xi32, #tpu.memory_space<vmem>>, vector<16xi32>,
        %parallel_loop3A_344 = vector.bitcast %parallel_loop3A_343 : vector<16xi32> to vector<32xbf16>
        %parallel_loop3A_345 = arith.constant 32 : i32
        %parallel_loop3A_346 = arith.addi %parallel_loop3A_175, %parallel_loop3A_345 : i32
        %parallel_loop3A_347 = arith.index_cast %parallel_loop3A_346 : i32 to index
        %parallel_loop3A_348 = tpu.vector_load %arg5[%parallel_loop3A_347] {strides = array<i32>} : memref<57600xi32, #tpu.memory_space<vmem>>, vector<16xi32>,
        %parallel_loop3A_349 = vector.bitcast %parallel_loop3A_348 : vector<16xi32> to vector<32xbf16>
        %parallel_loop3A_350 = arith.constant 32 : i32
        %parallel_loop3A_351 = arith.addi %parallel_loop3A_181, %parallel_loop3A_350 : i32
        %parallel_loop3A_352 = arith.index_cast %parallel_loop3A_351 : i32 to index
        %parallel_loop3A_353 = tpu.vector_load %arg5[%parallel_loop3A_352] {strides = array<i32>} : memref<57600xi32, #tpu.memory_space<vmem>>, vector<16xi32>,
        %parallel_loop3A_354 = vector.bitcast %parallel_loop3A_353 : vector<16xi32> to vector<32xbf16>
        %parallel_loop3A_355 = arith.constant 32 : i32
        %parallel_loop3A_356 = arith.addi %parallel_loop3A_187, %parallel_loop3A_355 : i32
        %parallel_loop3A_357 = arith.index_cast %parallel_loop3A_356 : i32 to index
        %parallel_loop3A_358 = tpu.vector_load %arg5[%parallel_loop3A_357] {strides = array<i32>} : memref<57600xi32, #tpu.memory_space<vmem>>, vector<16xi32>,
        %parallel_loop3A_359 = vector.bitcast %parallel_loop3A_358 : vector<16xi32> to vector<32xbf16>
        %parallel_loop3A_360 = arith.constant 32 : i32
        %parallel_loop3A_361 = arith.addi %parallel_loop3A_193, %parallel_loop3A_360 : i32
        %parallel_loop3A_362 = arith.index_cast %parallel_loop3A_361 : i32 to index
        %parallel_loop3A_363 = tpu.vector_load %arg5[%parallel_loop3A_362] {strides = array<i32>} : memref<57600xi32, #tpu.memory_space<vmem>>, vector<16xi32>,
        %parallel_loop3A_364 = vector.bitcast %parallel_loop3A_363 : vector<16xi32> to vector<32xbf16>
        %parallel_loop3A_365 = arith.constant 32 : i32
        %parallel_loop3A_366 = arith.addi %parallel_loop3A_199, %parallel_loop3A_365 : i32
        %parallel_loop3A_367 = arith.index_cast %parallel_loop3A_366 : i32 to index
        %parallel_loop3A_368 = tpu.vector_load %arg5[%parallel_loop3A_367] {strides = array<i32>} : memref<57600xi32, #tpu.memory_space<vmem>>, vector<16xi32>,
        %parallel_loop3A_369 = vector.bitcast %parallel_loop3A_368 : vector<16xi32> to vector<32xbf16>
        %parallel_loop3A_370 = arith.constant 32 : i32
        %parallel_loop3A_371 = arith.addi %parallel_loop3A_205, %parallel_loop3A_370 : i32
        %parallel_loop3A_372 = arith.index_cast %parallel_loop3A_371 : i32 to index
        %parallel_loop3A_373 = tpu.vector_load %arg5[%parallel_loop3A_372] {strides = array<i32>} : memref<57600xi32, #tpu.memory_space<vmem>>, vector<16xi32>,
        %parallel_loop3A_374 = vector.bitcast %parallel_loop3A_373 : vector<16xi32> to vector<32xbf16>
        %parallel_loop3A_375 = arith.constant 32 : i32
        %parallel_loop3A_376 = arith.addi %parallel_loop3A_211, %parallel_loop3A_375 : i32
        %parallel_loop3A_377 = arith.index_cast %parallel_loop3A_376 : i32 to index
        %parallel_loop3A_378 = tpu.vector_load %arg5[%parallel_loop3A_377] {strides = array<i32>} : memref<57600xi32, #tpu.memory_space<vmem>>, vector<16xi32>,
        %parallel_loop3A_379 = vector.bitcast %parallel_loop3A_378 : vector<16xi32> to vector<32xbf16>
        %parallel_loop3A_380 = arith.constant 32 : i32
        %parallel_loop3A_381 = arith.addi %parallel_loop3A_217, %parallel_loop3A_380 : i32
        %parallel_loop3A_382 = arith.index_cast %parallel_loop3A_381 : i32 to index
        %parallel_loop3A_383 = tpu.vector_load %arg5[%parallel_loop3A_382] {strides = array<i32>} : memref<57600xi32, #tpu.memory_space<vmem>>, vector<16xi32>,
        %parallel_loop3A_384 = vector.bitcast %parallel_loop3A_383 : vector<16xi32> to vector<32xbf16>
        %parallel_loop3A_385 = arith.addf %parallel_loop3A_344, %parallel_loop3A_349 : vector<32xbf16>
        %parallel_loop3A_386 = arith.addf %parallel_loop3A_354, %parallel_loop3A_359 : vector<32xbf16>
        %parallel_loop3A_387 = arith.addf %parallel_loop3A_364, %parallel_loop3A_369 : vector<32xbf16>
        %parallel_loop3A_388 = arith.addf %parallel_loop3A_374, %parallel_loop3A_379 : vector<32xbf16>
        %parallel_loop3A_389 = arith.addf %parallel_loop3A_385, %parallel_loop3A_386 : vector<32xbf16>
        %parallel_loop3A_390 = arith.addf %parallel_loop3A_387, %parallel_loop3A_388 : vector<32xbf16>
        %parallel_loop3A_391 = arith.addf %parallel_loop3A_389, %parallel_loop3A_390 : vector<32xbf16>
        %parallel_loop3A_392 = arith.addf %parallel_loop3A_391, %parallel_loop3A_384 : vector<32xbf16>
        %parallel_loop3A_393 = tpu.unpack_subelements %parallel_loop3A_392, 0 {pack_format = #tpu.pack_format<interleaved>} : vector<32xbf16> -> vector<16xf32>
        %parallel_loop3A_394 = tpu.unpack_subelements %parallel_loop3A_392, 1 {pack_format = #tpu.pack_format<interleaved>} : vector<32xbf16> -> vector<16xf32>
        %parallel_loop3A_395 = arith.index_cast %parallel_loop3A_156 : i32 to index
        %parallel_loop3A_396 = arith.constant 64 : index
        %parallel_loop3A_397 = tpu.vector_load %arg9[%parallel_loop3A_395, %parallel_loop3A_396] {strides = array<i32>} : memref<32x128xf32, #tpu.memory_space<vmem>>, vector<16xf32>,
        tpu.vector_store %arg9[%parallel_loop3A_395, %parallel_loop3A_396], %parallel_loop3A_393 {strides = array<i32>} : memref<32x128xf32, #tpu.memory_space<vmem>>, vector<16xf32>,
        %parallel_loop3A_398 = arith.index_cast %parallel_loop3A_156 : i32 to index
        %parallel_loop3A_399 = arith.constant 80 : index
        %parallel_loop3A_400 = tpu.vector_load %arg9[%parallel_loop3A_398, %parallel_loop3A_399] {strides = array<i32>} : memref<32x128xf32, #tpu.memory_space<vmem>>, vector<16xf32>,
        tpu.vector_store %arg9[%parallel_loop3A_398, %parallel_loop3A_399], %parallel_loop3A_394 {strides = array<i32>} : memref<32x128xf32, #tpu.memory_space<vmem>>, vector<16xf32>,
        %parallel_loop3A_401 = arith.constant 48 : i32
        %parallel_loop3A_402 = arith.addi %parallel_loop3A_169, %parallel_loop3A_401 : i32
        %parallel_loop3A_403 = arith.index_cast %parallel_loop3A_402 : i32 to index
        %parallel_loop3A_404 = tpu.vector_load %arg5[%parallel_loop3A_403] {strides = array<i32>} : memref<57600xi32, #tpu.memory_space<vmem>>, vector<16xi32>,
        %parallel_loop3A_405 = vector.bitcast %parallel_loop3A_404 : vector<16xi32> to vector<32xbf16>
        %parallel_loop3A_406 = arith.constant 48 : i32
        %parallel_loop3A_407 = arith.addi %parallel_loop3A_175, %parallel_loop3A_406 : i32
        %parallel_loop3A_408 = arith.index_cast %parallel_loop3A_407 : i32 to index
        %parallel_loop3A_409 = tpu.vector_load %arg5[%parallel_loop3A_408] {strides = array<i32>} : memref<57600xi32, #tpu.memory_space<vmem>>, vector<16xi32>,
        %parallel_loop3A_410 = vector.bitcast %parallel_loop3A_409 : vector<16xi32> to vector<32xbf16>
        %parallel_loop3A_411 = arith.constant 48 : i32
        %parallel_loop3A_412 = arith.addi %parallel_loop3A_181, %parallel_loop3A_411 : i32
        %parallel_loop3A_413 = arith.index_cast %parallel_loop3A_412 : i32 to index
        %parallel_loop3A_414 = tpu.vector_load %arg5[%parallel_loop3A_413] {strides = array<i32>} : memref<57600xi32, #tpu.memory_space<vmem>>, vector<16xi32>,
        %parallel_loop3A_415 = vector.bitcast %parallel_loop3A_414 : vector<16xi32> to vector<32xbf16>
        %parallel_loop3A_416 = arith.constant 48 : i32
        %parallel_loop3A_417 = arith.addi %parallel_loop3A_187, %parallel_loop3A_416 : i32
        %parallel_loop3A_418 = arith.index_cast %parallel_loop3A_417 : i32 to index
        %parallel_loop3A_419 = tpu.vector_load %arg5[%parallel_loop3A_418] {strides = array<i32>} : memref<57600xi32, #tpu.memory_space<vmem>>, vector<16xi32>,
        %parallel_loop3A_420 = vector.bitcast %parallel_loop3A_419 : vector<16xi32> to vector<32xbf16>
        %parallel_loop3A_421 = arith.constant 48 : i32
        %parallel_loop3A_422 = arith.addi %parallel_loop3A_193, %parallel_loop3A_421 : i32
        %parallel_loop3A_423 = arith.index_cast %parallel_loop3A_422 : i32 to index
        %parallel_loop3A_424 = tpu.vector_load %arg5[%parallel_loop3A_423] {strides = array<i32>} : memref<57600xi32, #tpu.memory_space<vmem>>, vector<16xi32>,
        %parallel_loop3A_425 = vector.bitcast %parallel_loop3A_424 : vector<16xi32> to vector<32xbf16>
        %parallel_loop3A_426 = arith.constant 48 : i32
        %parallel_loop3A_427 = arith.addi %parallel_loop3A_199, %parallel_loop3A_426 : i32
        %parallel_loop3A_428 = arith.index_cast %parallel_loop3A_427 : i32 to index
        %parallel_loop3A_429 = tpu.vector_load %arg5[%parallel_loop3A_428] {strides = array<i32>} : memref<57600xi32, #tpu.memory_space<vmem>>, vector<16xi32>,
        %parallel_loop3A_430 = vector.bitcast %parallel_loop3A_429 : vector<16xi32> to vector<32xbf16>
        %parallel_loop3A_431 = arith.constant 48 : i32
        %parallel_loop3A_432 = arith.addi %parallel_loop3A_205, %parallel_loop3A_431 : i32
        %parallel_loop3A_433 = arith.index_cast %parallel_loop3A_432 : i32 to index
        %parallel_loop3A_434 = tpu.vector_load %arg5[%parallel_loop3A_433] {strides = array<i32>} : memref<57600xi32, #tpu.memory_space<vmem>>, vector<16xi32>,
        %parallel_loop3A_435 = vector.bitcast %parallel_loop3A_434 : vector<16xi32> to vector<32xbf16>
        %parallel_loop3A_436 = arith.constant 48 : i32
        %parallel_loop3A_437 = arith.addi %parallel_loop3A_211, %parallel_loop3A_436 : i32
        %parallel_loop3A_438 = arith.index_cast %parallel_loop3A_437 : i32 to index
        %parallel_loop3A_439 = tpu.vector_load %arg5[%parallel_loop3A_438] {strides = array<i32>} : memref<57600xi32, #tpu.memory_space<vmem>>, vector<16xi32>,
        %parallel_loop3A_440 = vector.bitcast %parallel_loop3A_439 : vector<16xi32> to vector<32xbf16>
        %parallel_loop3A_441 = arith.constant 48 : i32
        %parallel_loop3A_442 = arith.addi %parallel_loop3A_217, %parallel_loop3A_441 : i32
        %parallel_loop3A_443 = arith.index_cast %parallel_loop3A_442 : i32 to index
        %parallel_loop3A_444 = tpu.vector_load %arg5[%parallel_loop3A_443] {strides = array<i32>} : memref<57600xi32, #tpu.memory_space<vmem>>, vector<16xi32>,
        %parallel_loop3A_445 = vector.bitcast %parallel_loop3A_444 : vector<16xi32> to vector<32xbf16>
        %parallel_loop3A_446 = arith.addf %parallel_loop3A_405, %parallel_loop3A_410 : vector<32xbf16>
        %parallel_loop3A_447 = arith.addf %parallel_loop3A_415, %parallel_loop3A_420 : vector<32xbf16>
        %parallel_loop3A_448 = arith.addf %parallel_loop3A_425, %parallel_loop3A_430 : vector<32xbf16>
        %parallel_loop3A_449 = arith.addf %parallel_loop3A_435, %parallel_loop3A_440 : vector<32xbf16>
        %parallel_loop3A_450 = arith.addf %parallel_loop3A_446, %parallel_loop3A_447 : vector<32xbf16>
        %parallel_loop3A_451 = arith.addf %parallel_loop3A_448, %parallel_loop3A_449 : vector<32xbf16>
        %parallel_loop3A_452 = arith.addf %parallel_loop3A_450, %parallel_loop3A_451 : vector<32xbf16>
        %parallel_loop3A_453 = arith.addf %parallel_loop3A_452, %parallel_loop3A_445 : vector<32xbf16>
        %parallel_loop3A_454 = tpu.unpack_subelements %parallel_loop3A_453, 0 {pack_format = #tpu.pack_format<interleaved>} : vector<32xbf16> -> vector<16xf32>
        %parallel_loop3A_455 = tpu.unpack_subelements %parallel_loop3A_453, 1 {pack_format = #tpu.pack_format<interleaved>} : vector<32xbf16> -> vector<16xf32>
        %parallel_loop3A_456 = arith.index_cast %parallel_loop3A_156 : i32 to index
        %parallel_loop3A_457 = arith.constant 96 : index
        %parallel_loop3A_458 = tpu.vector_load %arg9[%parallel_loop3A_456, %parallel_loop3A_457] {strides = array<i32>} : memref<32x128xf32, #tpu.memory_space<vmem>>, vector<16xf32>,
        tpu.vector_store %arg9[%parallel_loop3A_456, %parallel_loop3A_457], %parallel_loop3A_454 {strides = array<i32>} : memref<32x128xf32, #tpu.memory_space<vmem>>, vector<16xf32>,
        %parallel_loop3A_459 = arith.index_cast %parallel_loop3A_156 : i32 to index
        %parallel_loop3A_460 = arith.constant 112 : index
        %parallel_loop3A_461 = tpu.vector_load %arg9[%parallel_loop3A_459, %parallel_loop3A_460] {strides = array<i32>} : memref<32x128xf32, #tpu.memory_space<vmem>>, vector<16xf32>,
        tpu.vector_store %arg9[%parallel_loop3A_459, %parallel_loop3A_460], %parallel_loop3A_455 {strides = array<i32>} : memref<32x128xf32, #tpu.memory_space<vmem>>, vector<16xf32>,
      } {sc.loop_unroll_factor = 4 : i64, sc.parallel_access}
      %mul3A_148 = arith.constant 32 : i32
      %mul3A_149 = arith.muli %add3A_125, %mul3A_148 : i32
      %add3A_150 = arith.addi %mul3A_2, %mul3A_149 : i32
      %dma_start3A_151 = arith.constant 0 : i32
      %dma_start3A_152 = tpu.memref_slice %arg4[%add3A_150, %dma_start3A_151] : memref<100000x128xf32, #tpu.memory_space<hbm>> -> memref<32x128xf32, #tpu.memory_space<hbm>>
      %dma_start3A_153 = arith.constant 0 : i32
      %dma_start3A_154 = tpu.memref_slice %arg4[%add3A_150, %dma_start3A_153] : memref<100000x128xf32, #tpu.memory_space<hbm>> -> memref<32x128xf32, #tpu.memory_space<hbm>>
      tpu.enqueue_dma source(%arg9 : memref<32x128xf32, #tpu.memory_space<vmem>>) target(%dma_start3A_154 : memref<32x128xf32, #tpu.memory_space<hbm>>) target_semaphore(%arg11 : memref<!tpu.dma_semaphore, #tpu.memory_space<semaphore_mem>>)
      %while3A_155 = arith.constant 0 : i32
      scf.yield %while3A_155 : i32
    }
    %while3A_94 = arith.constant 1 : i32
    %while3A_95 = scf.for %while3A_120 = %while3A_91 to %while3A_87 step %while3A_94 iter_args(%while3A_121 = %while3A_93) -> (i32)  : i32 {
      %mul3A_122 = arith.constant 2 : i32
      %mul3A_123 = arith.muli %mul3A_122, %while3A_120 : i32
      %add3A_124 = arith.constant 1 : i32
      %add3A_125 = arith.addi %mul3A_123, %add3A_124 : i32
      %gt3A_126 = arith.constant 0 : i32
      %gt3A_127 = arith.cmpi sgt, %while3A_120, %gt3A_126 : i32
      %convert_element_type3A_128 = arith.extui %gt3A_127 : i1 to i32
      %cond3A_129 = arith.constant 0 : i32
      %cond3A_130 = arith.cmpi ne, %convert_element_type3A_128, %cond3A_129 : i32
      scf.if %cond3A_130 {
        %mul3A_156 = arith.constant 32 : i32
        %mul3A_157 = arith.muli %mul3A_123, %mul3A_156 : i32
        %add3A_158 = arith.addi %mul3A_2, %mul3A_157 : i32
        %dma_wait3A = arith.constant 0 : i32
        %dma_wait3A_159 = tpu.memref_slice %arg4[%add3A_158, %dma_wait3A] : memref<100000x128xf32, #tpu.memory_space<hbm>> -> memref<32x128xf32, #tpu.memory_space<hbm>>
        %dma_wait3A_160 = arith.constant 0 : i32
        %dma_wait3A_161 = tpu.memref_slice %arg4[%add3A_158, %dma_wait3A_160] : memref<100000x128xf32, #tpu.memory_space<hbm>> -> memref<32x128xf32, #tpu.memory_space<hbm>>
        tpu.wait_dma2 semaphore(%arg10 : memref<!tpu.dma_semaphore, #tpu.memory_space<semaphore_mem>>) src(%arg8 : memref<32x128xf32, #tpu.memory_space<vmem>>) dst(%dma_wait3A_161 : memref<32x128xf32, #tpu.memory_space<hbm>>)
      } else {
      }
      %parallel_loop3A_131 = arith.constant 0 : i32
      %parallel_loop3A_132 = arith.constant 32 : i32
      %parallel_loop3A_133 = arith.constant 1 : i32
      scf.for %parallel_loop3A_156 = %parallel_loop3A_131 to %parallel_loop3A_132 step %parallel_loop3A_133  : i32 {
        %parallel_loop3A_157 = arith.constant 32 : i32
        %parallel_loop3A_158 = arith.muli %mul3A_123, %parallel_loop3A_157 : i32
        %parallel_loop3A_159 = arith.addi %parallel_loop3A_158, %parallel_loop3A_156 : i32
        %parallel_loop3A_160 = arith.constant 9 : i32
        %parallel_loop3A_161 = arith.muli %parallel_loop3A_159, %parallel_loop3A_160 : i32
        %parallel_loop3A_162 = arith.index_cast %parallel_loop3A_161 : i32 to index
        %parallel_loop3A_163 = tpu.vector_load %arg7[%parallel_loop3A_162] {strides = array<i32>} : memref<28240xi32, #tpu.memory_space<vmem>>, vector<16xi32>,
        %parallel_loop3A_164 = vector.extract_strided_slice %parallel_loop3A_163 {offsets = [0], sizes = [1], strides = [1]} : vector<16xi32> to vector<1xi32>
        %parallel_loop3A_165 = vector.extract %parallel_loop3A_164[0] : i32 from vector<1xi32>
        %parallel_loop3A_166 = arith.constant 64 : i32
        %parallel_loop3A_167 = arith.muli %parallel_loop3A_165, %parallel_loop3A_166 : i32
        %parallel_loop3A_168 = arith.constant 0 : i32
        %parallel_loop3A_169 = arith.addi %parallel_loop3A_167, %parallel_loop3A_168 : i32
        %parallel_loop3A_170 = vector.extract_strided_slice %parallel_loop3A_163 {offsets = [1], sizes = [1], strides = [1]} : vector<16xi32> to vector<1xi32>
        %parallel_loop3A_171 = vector.extract %parallel_loop3A_170[0] : i32 from vector<1xi32>
        %parallel_loop3A_172 = arith.constant 64 : i32
        %parallel_loop3A_173 = arith.muli %parallel_loop3A_171, %parallel_loop3A_172 : i32
        %parallel_loop3A_174 = arith.constant 6400 : i32
        %parallel_loop3A_175 = arith.addi %parallel_loop3A_173, %parallel_loop3A_174 : i32
        %parallel_loop3A_176 = vector.extract_strided_slice %parallel_loop3A_163 {offsets = [2], sizes = [1], strides = [1]} : vector<16xi32> to vector<1xi32>
        %parallel_loop3A_177 = vector.extract %parallel_loop3A_176[0] : i32 from vector<1xi32>
        %parallel_loop3A_178 = arith.constant 64 : i32
        %parallel_loop3A_179 = arith.muli %parallel_loop3A_177, %parallel_loop3A_178 : i32
        %parallel_loop3A_180 = arith.constant 12800 : i32
        %parallel_loop3A_181 = arith.addi %parallel_loop3A_179, %parallel_loop3A_180 : i32
        %parallel_loop3A_182 = vector.extract_strided_slice %parallel_loop3A_163 {offsets = [3], sizes = [1], strides = [1]} : vector<16xi32> to vector<1xi32>
        %parallel_loop3A_183 = vector.extract %parallel_loop3A_182[0] : i32 from vector<1xi32>
        %parallel_loop3A_184 = arith.constant 64 : i32
        %parallel_loop3A_185 = arith.muli %parallel_loop3A_183, %parallel_loop3A_184 : i32
        %parallel_loop3A_186 = arith.constant 19200 : i32
        %parallel_loop3A_187 = arith.addi %parallel_loop3A_185, %parallel_loop3A_186 : i32
        %parallel_loop3A_188 = vector.extract_strided_slice %parallel_loop3A_163 {offsets = [4], sizes = [1], strides = [1]} : vector<16xi32> to vector<1xi32>
        %parallel_loop3A_189 = vector.extract %parallel_loop3A_188[0] : i32 from vector<1xi32>
        %parallel_loop3A_190 = arith.constant 64 : i32
        %parallel_loop3A_191 = arith.muli %parallel_loop3A_189, %parallel_loop3A_190 : i32
        %parallel_loop3A_192 = arith.constant 25600 : i32
        %parallel_loop3A_193 = arith.addi %parallel_loop3A_191, %parallel_loop3A_192 : i32
        %parallel_loop3A_194 = vector.extract_strided_slice %parallel_loop3A_163 {offsets = [5], sizes = [1], strides = [1]} : vector<16xi32> to vector<1xi32>
        %parallel_loop3A_195 = vector.extract %parallel_loop3A_194[0] : i32 from vector<1xi32>
        %parallel_loop3A_196 = arith.constant 64 : i32
        %parallel_loop3A_197 = arith.muli %parallel_loop3A_195, %parallel_loop3A_196 : i32
        %parallel_loop3A_198 = arith.constant 32000 : i32
        %parallel_loop3A_199 = arith.addi %parallel_loop3A_197, %parallel_loop3A_198 : i32
        %parallel_loop3A_200 = vector.extract_strided_slice %parallel_loop3A_163 {offsets = [6], sizes = [1], strides = [1]} : vector<16xi32> to vector<1xi32>
        %parallel_loop3A_201 = vector.extract %parallel_loop3A_200[0] : i32 from vector<1xi32>
        %parallel_loop3A_202 = arith.constant 64 : i32
        %parallel_loop3A_203 = arith.muli %parallel_loop3A_201, %parallel_loop3A_202 : i32
        %parallel_loop3A_204 = arith.constant 38400 : i32
        %parallel_loop3A_205 = arith.addi %parallel_loop3A_203, %parallel_loop3A_204 : i32
        %parallel_loop3A_206 = vector.extract_strided_slice %parallel_loop3A_163 {offsets = [7], sizes = [1], strides = [1]} : vector<16xi32> to vector<1xi32>
        %parallel_loop3A_207 = vector.extract %parallel_loop3A_206[0] : i32 from vector<1xi32>
        %parallel_loop3A_208 = arith.constant 64 : i32
        %parallel_loop3A_209 = arith.muli %parallel_loop3A_207, %parallel_loop3A_208 : i32
        %parallel_loop3A_210 = arith.constant 44800 : i32
        %parallel_loop3A_211 = arith.addi %parallel_loop3A_209, %parallel_loop3A_210 : i32
        %parallel_loop3A_212 = vector.extract_strided_slice %parallel_loop3A_163 {offsets = [8], sizes = [1], strides = [1]} : vector<16xi32> to vector<1xi32>
        %parallel_loop3A_213 = vector.extract %parallel_loop3A_212[0] : i32 from vector<1xi32>
        %parallel_loop3A_214 = arith.constant 64 : i32
        %parallel_loop3A_215 = arith.muli %parallel_loop3A_213, %parallel_loop3A_214 : i32
        %parallel_loop3A_216 = arith.constant 51200 : i32
        %parallel_loop3A_217 = arith.addi %parallel_loop3A_215, %parallel_loop3A_216 : i32
        %parallel_loop3A_218 = arith.constant 0 : i32
        %parallel_loop3A_219 = arith.addi %parallel_loop3A_169, %parallel_loop3A_218 : i32
        %parallel_loop3A_220 = arith.index_cast %parallel_loop3A_219 : i32 to index
        %parallel_loop3A_221 = tpu.vector_load %arg5[%parallel_loop3A_220] {strides = array<i32>} : memref<57600xi32, #tpu.memory_space<vmem>>, vector<16xi32>,
        %parallel_loop3A_222 = vector.bitcast %parallel_loop3A_221 : vector<16xi32> to vector<32xbf16>
        %parallel_loop3A_223 = arith.constant 0 : i32
        %parallel_loop3A_224 = arith.addi %parallel_loop3A_175, %parallel_loop3A_223 : i32
        %parallel_loop3A_225 = arith.index_cast %parallel_loop3A_224 : i32 to index
        %parallel_loop3A_226 = tpu.vector_load %arg5[%parallel_loop3A_225] {strides = array<i32>} : memref<57600xi32, #tpu.memory_space<vmem>>, vector<16xi32>,
        %parallel_loop3A_227 = vector.bitcast %parallel_loop3A_226 : vector<16xi32> to vector<32xbf16>
        %parallel_loop3A_228 = arith.constant 0 : i32
        %parallel_loop3A_229 = arith.addi %parallel_loop3A_181, %parallel_loop3A_228 : i32
        %parallel_loop3A_230 = arith.index_cast %parallel_loop3A_229 : i32 to index
        %parallel_loop3A_231 = tpu.vector_load %arg5[%parallel_loop3A_230] {strides = array<i32>} : memref<57600xi32, #tpu.memory_space<vmem>>, vector<16xi32>,
        %parallel_loop3A_232 = vector.bitcast %parallel_loop3A_231 : vector<16xi32> to vector<32xbf16>
        %parallel_loop3A_233 = arith.constant 0 : i32
        %parallel_loop3A_234 = arith.addi %parallel_loop3A_187, %parallel_loop3A_233 : i32
        %parallel_loop3A_235 = arith.index_cast %parallel_loop3A_234 : i32 to index
        %parallel_loop3A_236 = tpu.vector_load %arg5[%parallel_loop3A_235] {strides = array<i32>} : memref<57600xi32, #tpu.memory_space<vmem>>, vector<16xi32>,
        %parallel_loop3A_237 = vector.bitcast %parallel_loop3A_236 : vector<16xi32> to vector<32xbf16>
        %parallel_loop3A_238 = arith.constant 0 : i32
        %parallel_loop3A_239 = arith.addi %parallel_loop3A_193, %parallel_loop3A_238 : i32
        %parallel_loop3A_240 = arith.index_cast %parallel_loop3A_239 : i32 to index
        %parallel_loop3A_241 = tpu.vector_load %arg5[%parallel_loop3A_240] {strides = array<i32>} : memref<57600xi32, #tpu.memory_space<vmem>>, vector<16xi32>,
        %parallel_loop3A_242 = vector.bitcast %parallel_loop3A_241 : vector<16xi32> to vector<32xbf16>
        %parallel_loop3A_243 = arith.constant 0 : i32
        %parallel_loop3A_244 = arith.addi %parallel_loop3A_199, %parallel_loop3A_243 : i32
        %parallel_loop3A_245 = arith.index_cast %parallel_loop3A_244 : i32 to index
        %parallel_loop3A_246 = tpu.vector_load %arg5[%parallel_loop3A_245] {strides = array<i32>} : memref<57600xi32, #tpu.memory_space<vmem>>, vector<16xi32>,
        %parallel_loop3A_247 = vector.bitcast %parallel_loop3A_246 : vector<16xi32> to vector<32xbf16>
        %parallel_loop3A_248 = arith.constant 0 : i32
        %parallel_loop3A_249 = arith.addi %parallel_loop3A_205, %parallel_loop3A_248 : i32
        %parallel_loop3A_250 = arith.index_cast %parallel_loop3A_249 : i32 to index
        %parallel_loop3A_251 = tpu.vector_load %arg5[%parallel_loop3A_250] {strides = array<i32>} : memref<57600xi32, #tpu.memory_space<vmem>>, vector<16xi32>,
        %parallel_loop3A_252 = vector.bitcast %parallel_loop3A_251 : vector<16xi32> to vector<32xbf16>
        %parallel_loop3A_253 = arith.constant 0 : i32
        %parallel_loop3A_254 = arith.addi %parallel_loop3A_211, %parallel_loop3A_253 : i32
        %parallel_loop3A_255 = arith.index_cast %parallel_loop3A_254 : i32 to index
        %parallel_loop3A_256 = tpu.vector_load %arg5[%parallel_loop3A_255] {strides = array<i32>} : memref<57600xi32, #tpu.memory_space<vmem>>, vector<16xi32>,
        %parallel_loop3A_257 = vector.bitcast %parallel_loop3A_256 : vector<16xi32> to vector<32xbf16>
        %parallel_loop3A_258 = arith.constant 0 : i32
        %parallel_loop3A_259 = arith.addi %parallel_loop3A_217, %parallel_loop3A_258 : i32
        %parallel_loop3A_260 = arith.index_cast %parallel_loop3A_259 : i32 to index
        %parallel_loop3A_261 = tpu.vector_load %arg5[%parallel_loop3A_260] {strides = array<i32>} : memref<57600xi32, #tpu.memory_space<vmem>>, vector<16xi32>,
        %parallel_loop3A_262 = vector.bitcast %parallel_loop3A_261 : vector<16xi32> to vector<32xbf16>
        %parallel_loop3A_263 = arith.addf %parallel_loop3A_222, %parallel_loop3A_227 : vector<32xbf16>
        %parallel_loop3A_264 = arith.addf %parallel_loop3A_232, %parallel_loop3A_237 : vector<32xbf16>
        %parallel_loop3A_265 = arith.addf %parallel_loop3A_242, %parallel_loop3A_247 : vector<32xbf16>
        %parallel_loop3A_266 = arith.addf %parallel_loop3A_252, %parallel_loop3A_257 : vector<32xbf16>
        %parallel_loop3A_267 = arith.addf %parallel_loop3A_263, %parallel_loop3A_264 : vector<32xbf16>
        %parallel_loop3A_268 = arith.addf %parallel_loop3A_265, %parallel_loop3A_266 : vector<32xbf16>
        %parallel_loop3A_269 = arith.addf %parallel_loop3A_267, %parallel_loop3A_268 : vector<32xbf16>
        %parallel_loop3A_270 = arith.addf %parallel_loop3A_269, %parallel_loop3A_262 : vector<32xbf16>
        %parallel_loop3A_271 = tpu.unpack_subelements %parallel_loop3A_270, 0 {pack_format = #tpu.pack_format<interleaved>} : vector<32xbf16> -> vector<16xf32>
        %parallel_loop3A_272 = tpu.unpack_subelements %parallel_loop3A_270, 1 {pack_format = #tpu.pack_format<interleaved>} : vector<32xbf16> -> vector<16xf32>
        %parallel_loop3A_273 = arith.index_cast %parallel_loop3A_156 : i32 to index
        %parallel_loop3A_274 = arith.constant 0 : index
        %parallel_loop3A_275 = tpu.vector_load %arg8[%parallel_loop3A_273, %parallel_loop3A_274] {strides = array<i32>} : memref<32x128xf32, #tpu.memory_space<vmem>>, vector<16xf32>,
        tpu.vector_store %arg8[%parallel_loop3A_273, %parallel_loop3A_274], %parallel_loop3A_271 {strides = array<i32>} : memref<32x128xf32, #tpu.memory_space<vmem>>, vector<16xf32>,
        %parallel_loop3A_276 = arith.index_cast %parallel_loop3A_156 : i32 to index
        %parallel_loop3A_277 = arith.constant 16 : index
        %parallel_loop3A_278 = tpu.vector_load %arg8[%parallel_loop3A_276, %parallel_loop3A_277] {strides = array<i32>} : memref<32x128xf32, #tpu.memory_space<vmem>>, vector<16xf32>,
        tpu.vector_store %arg8[%parallel_loop3A_276, %parallel_loop3A_277], %parallel_loop3A_272 {strides = array<i32>} : memref<32x128xf32, #tpu.memory_space<vmem>>, vector<16xf32>,
        %parallel_loop3A_279 = arith.constant 16 : i32
        %parallel_loop3A_280 = arith.addi %parallel_loop3A_169, %parallel_loop3A_279 : i32
        %parallel_loop3A_281 = arith.index_cast %parallel_loop3A_280 : i32 to index
        %parallel_loop3A_282 = tpu.vector_load %arg5[%parallel_loop3A_281] {strides = array<i32>} : memref<57600xi32, #tpu.memory_space<vmem>>, vector<16xi32>,
        %parallel_loop3A_283 = vector.bitcast %parallel_loop3A_282 : vector<16xi32> to vector<32xbf16>
        %parallel_loop3A_284 = arith.constant 16 : i32
        %parallel_loop3A_285 = arith.addi %parallel_loop3A_175, %parallel_loop3A_284 : i32
        %parallel_loop3A_286 = arith.index_cast %parallel_loop3A_285 : i32 to index
        %parallel_loop3A_287 = tpu.vector_load %arg5[%parallel_loop3A_286] {strides = array<i32>} : memref<57600xi32, #tpu.memory_space<vmem>>, vector<16xi32>,
        %parallel_loop3A_288 = vector.bitcast %parallel_loop3A_287 : vector<16xi32> to vector<32xbf16>
        %parallel_loop3A_289 = arith.constant 16 : i32
        %parallel_loop3A_290 = arith.addi %parallel_loop3A_181, %parallel_loop3A_289 : i32
        %parallel_loop3A_291 = arith.index_cast %parallel_loop3A_290 : i32 to index
        %parallel_loop3A_292 = tpu.vector_load %arg5[%parallel_loop3A_291] {strides = array<i32>} : memref<57600xi32, #tpu.memory_space<vmem>>, vector<16xi32>,
        %parallel_loop3A_293 = vector.bitcast %parallel_loop3A_292 : vector<16xi32> to vector<32xbf16>
        %parallel_loop3A_294 = arith.constant 16 : i32
        %parallel_loop3A_295 = arith.addi %parallel_loop3A_187, %parallel_loop3A_294 : i32
        %parallel_loop3A_296 = arith.index_cast %parallel_loop3A_295 : i32 to index
        %parallel_loop3A_297 = tpu.vector_load %arg5[%parallel_loop3A_296] {strides = array<i32>} : memref<57600xi32, #tpu.memory_space<vmem>>, vector<16xi32>,
        %parallel_loop3A_298 = vector.bitcast %parallel_loop3A_297 : vector<16xi32> to vector<32xbf16>
        %parallel_loop3A_299 = arith.constant 16 : i32
        %parallel_loop3A_300 = arith.addi %parallel_loop3A_193, %parallel_loop3A_299 : i32
        %parallel_loop3A_301 = arith.index_cast %parallel_loop3A_300 : i32 to index
        %parallel_loop3A_302 = tpu.vector_load %arg5[%parallel_loop3A_301] {strides = array<i32>} : memref<57600xi32, #tpu.memory_space<vmem>>, vector<16xi32>,
        %parallel_loop3A_303 = vector.bitcast %parallel_loop3A_302 : vector<16xi32> to vector<32xbf16>
        %parallel_loop3A_304 = arith.constant 16 : i32
        %parallel_loop3A_305 = arith.addi %parallel_loop3A_199, %parallel_loop3A_304 : i32
        %parallel_loop3A_306 = arith.index_cast %parallel_loop3A_305 : i32 to index
        %parallel_loop3A_307 = tpu.vector_load %arg5[%parallel_loop3A_306] {strides = array<i32>} : memref<57600xi32, #tpu.memory_space<vmem>>, vector<16xi32>,
        %parallel_loop3A_308 = vector.bitcast %parallel_loop3A_307 : vector<16xi32> to vector<32xbf16>
        %parallel_loop3A_309 = arith.constant 16 : i32
        %parallel_loop3A_310 = arith.addi %parallel_loop3A_205, %parallel_loop3A_309 : i32
        %parallel_loop3A_311 = arith.index_cast %parallel_loop3A_310 : i32 to index
        %parallel_loop3A_312 = tpu.vector_load %arg5[%parallel_loop3A_311] {strides = array<i32>} : memref<57600xi32, #tpu.memory_space<vmem>>, vector<16xi32>,
        %parallel_loop3A_313 = vector.bitcast %parallel_loop3A_312 : vector<16xi32> to vector<32xbf16>
        %parallel_loop3A_314 = arith.constant 16 : i32
        %parallel_loop3A_315 = arith.addi %parallel_loop3A_211, %parallel_loop3A_314 : i32
        %parallel_loop3A_316 = arith.index_cast %parallel_loop3A_315 : i32 to index
        %parallel_loop3A_317 = tpu.vector_load %arg5[%parallel_loop3A_316] {strides = array<i32>} : memref<57600xi32, #tpu.memory_space<vmem>>, vector<16xi32>,
        %parallel_loop3A_318 = vector.bitcast %parallel_loop3A_317 : vector<16xi32> to vector<32xbf16>
        %parallel_loop3A_319 = arith.constant 16 : i32
        %parallel_loop3A_320 = arith.addi %parallel_loop3A_217, %parallel_loop3A_319 : i32
        %parallel_loop3A_321 = arith.index_cast %parallel_loop3A_320 : i32 to index
        %parallel_loop3A_322 = tpu.vector_load %arg5[%parallel_loop3A_321] {strides = array<i32>} : memref<57600xi32, #tpu.memory_space<vmem>>, vector<16xi32>,
        %parallel_loop3A_323 = vector.bitcast %parallel_loop3A_322 : vector<16xi32> to vector<32xbf16>
        %parallel_loop3A_324 = arith.addf %parallel_loop3A_283, %parallel_loop3A_288 : vector<32xbf16>
        %parallel_loop3A_325 = arith.addf %parallel_loop3A_293, %parallel_loop3A_298 : vector<32xbf16>
        %parallel_loop3A_326 = arith.addf %parallel_loop3A_303, %parallel_loop3A_308 : vector<32xbf16>
        %parallel_loop3A_327 = arith.addf %parallel_loop3A_313, %parallel_loop3A_318 : vector<32xbf16>
        %parallel_loop3A_328 = arith.addf %parallel_loop3A_324, %parallel_loop3A_325 : vector<32xbf16>
        %parallel_loop3A_329 = arith.addf %parallel_loop3A_326, %parallel_loop3A_327 : vector<32xbf16>
        %parallel_loop3A_330 = arith.addf %parallel_loop3A_328, %parallel_loop3A_329 : vector<32xbf16>
        %parallel_loop3A_331 = arith.addf %parallel_loop3A_330, %parallel_loop3A_323 : vector<32xbf16>
        %parallel_loop3A_332 = tpu.unpack_subelements %parallel_loop3A_331, 0 {pack_format = #tpu.pack_format<interleaved>} : vector<32xbf16> -> vector<16xf32>
        %parallel_loop3A_333 = tpu.unpack_subelements %parallel_loop3A_331, 1 {pack_format = #tpu.pack_format<interleaved>} : vector<32xbf16> -> vector<16xf32>
        %parallel_loop3A_334 = arith.index_cast %parallel_loop3A_156 : i32 to index
        %parallel_loop3A_335 = arith.constant 32 : index
        %parallel_loop3A_336 = tpu.vector_load %arg8[%parallel_loop3A_334, %parallel_loop3A_335] {strides = array<i32>} : memref<32x128xf32, #tpu.memory_space<vmem>>, vector<16xf32>,
        tpu.vector_store %arg8[%parallel_loop3A_334, %parallel_loop3A_335], %parallel_loop3A_332 {strides = array<i32>} : memref<32x128xf32, #tpu.memory_space<vmem>>, vector<16xf32>,
        %parallel_loop3A_337 = arith.index_cast %parallel_loop3A_156 : i32 to index
        %parallel_loop3A_338 = arith.constant 48 : index
        %parallel_loop3A_339 = tpu.vector_load %arg8[%parallel_loop3A_337, %parallel_loop3A_338] {strides = array<i32>} : memref<32x128xf32, #tpu.memory_space<vmem>>, vector<16xf32>,
        tpu.vector_store %arg8[%parallel_loop3A_337, %parallel_loop3A_338], %parallel_loop3A_333 {strides = array<i32>} : memref<32x128xf32, #tpu.memory_space<vmem>>, vector<16xf32>,
        %parallel_loop3A_340 = arith.constant 32 : i32
        %parallel_loop3A_341 = arith.addi %parallel_loop3A_169, %parallel_loop3A_340 : i32
        %parallel_loop3A_342 = arith.index_cast %parallel_loop3A_341 : i32 to index
        %parallel_loop3A_343 = tpu.vector_load %arg5[%parallel_loop3A_342] {strides = array<i32>} : memref<57600xi32, #tpu.memory_space<vmem>>, vector<16xi32>,
        %parallel_loop3A_344 = vector.bitcast %parallel_loop3A_343 : vector<16xi32> to vector<32xbf16>
        %parallel_loop3A_345 = arith.constant 32 : i32
        %parallel_loop3A_346 = arith.addi %parallel_loop3A_175, %parallel_loop3A_345 : i32
        %parallel_loop3A_347 = arith.index_cast %parallel_loop3A_346 : i32 to index
        %parallel_loop3A_348 = tpu.vector_load %arg5[%parallel_loop3A_347] {strides = array<i32>} : memref<57600xi32, #tpu.memory_space<vmem>>, vector<16xi32>,
        %parallel_loop3A_349 = vector.bitcast %parallel_loop3A_348 : vector<16xi32> to vector<32xbf16>
        %parallel_loop3A_350 = arith.constant 32 : i32
        %parallel_loop3A_351 = arith.addi %parallel_loop3A_181, %parallel_loop3A_350 : i32
        %parallel_loop3A_352 = arith.index_cast %parallel_loop3A_351 : i32 to index
        %parallel_loop3A_353 = tpu.vector_load %arg5[%parallel_loop3A_352] {strides = array<i32>} : memref<57600xi32, #tpu.memory_space<vmem>>, vector<16xi32>,
        %parallel_loop3A_354 = vector.bitcast %parallel_loop3A_353 : vector<16xi32> to vector<32xbf16>
        %parallel_loop3A_355 = arith.constant 32 : i32
        %parallel_loop3A_356 = arith.addi %parallel_loop3A_187, %parallel_loop3A_355 : i32
        %parallel_loop3A_357 = arith.index_cast %parallel_loop3A_356 : i32 to index
        %parallel_loop3A_358 = tpu.vector_load %arg5[%parallel_loop3A_357] {strides = array<i32>} : memref<57600xi32, #tpu.memory_space<vmem>>, vector<16xi32>,
        %parallel_loop3A_359 = vector.bitcast %parallel_loop3A_358 : vector<16xi32> to vector<32xbf16>
        %parallel_loop3A_360 = arith.constant 32 : i32
        %parallel_loop3A_361 = arith.addi %parallel_loop3A_193, %parallel_loop3A_360 : i32
        %parallel_loop3A_362 = arith.index_cast %parallel_loop3A_361 : i32 to index
        %parallel_loop3A_363 = tpu.vector_load %arg5[%parallel_loop3A_362] {strides = array<i32>} : memref<57600xi32, #tpu.memory_space<vmem>>, vector<16xi32>,
        %parallel_loop3A_364 = vector.bitcast %parallel_loop3A_363 : vector<16xi32> to vector<32xbf16>
        %parallel_loop3A_365 = arith.constant 32 : i32
        %parallel_loop3A_366 = arith.addi %parallel_loop3A_199, %parallel_loop3A_365 : i32
        %parallel_loop3A_367 = arith.index_cast %parallel_loop3A_366 : i32 to index
        %parallel_loop3A_368 = tpu.vector_load %arg5[%parallel_loop3A_367] {strides = array<i32>} : memref<57600xi32, #tpu.memory_space<vmem>>, vector<16xi32>,
        %parallel_loop3A_369 = vector.bitcast %parallel_loop3A_368 : vector<16xi32> to vector<32xbf16>
        %parallel_loop3A_370 = arith.constant 32 : i32
        %parallel_loop3A_371 = arith.addi %parallel_loop3A_205, %parallel_loop3A_370 : i32
        %parallel_loop3A_372 = arith.index_cast %parallel_loop3A_371 : i32 to index
        %parallel_loop3A_373 = tpu.vector_load %arg5[%parallel_loop3A_372] {strides = array<i32>} : memref<57600xi32, #tpu.memory_space<vmem>>, vector<16xi32>,
        %parallel_loop3A_374 = vector.bitcast %parallel_loop3A_373 : vector<16xi32> to vector<32xbf16>
        %parallel_loop3A_375 = arith.constant 32 : i32
        %parallel_loop3A_376 = arith.addi %parallel_loop3A_211, %parallel_loop3A_375 : i32
        %parallel_loop3A_377 = arith.index_cast %parallel_loop3A_376 : i32 to index
        %parallel_loop3A_378 = tpu.vector_load %arg5[%parallel_loop3A_377] {strides = array<i32>} : memref<57600xi32, #tpu.memory_space<vmem>>, vector<16xi32>,
        %parallel_loop3A_379 = vector.bitcast %parallel_loop3A_378 : vector<16xi32> to vector<32xbf16>
        %parallel_loop3A_380 = arith.constant 32 : i32
        %parallel_loop3A_381 = arith.addi %parallel_loop3A_217, %parallel_loop3A_380 : i32
        %parallel_loop3A_382 = arith.index_cast %parallel_loop3A_381 : i32 to index
        %parallel_loop3A_383 = tpu.vector_load %arg5[%parallel_loop3A_382] {strides = array<i32>} : memref<57600xi32, #tpu.memory_space<vmem>>, vector<16xi32>,
        %parallel_loop3A_384 = vector.bitcast %parallel_loop3A_383 : vector<16xi32> to vector<32xbf16>
        %parallel_loop3A_385 = arith.addf %parallel_loop3A_344, %parallel_loop3A_349 : vector<32xbf16>
        %parallel_loop3A_386 = arith.addf %parallel_loop3A_354, %parallel_loop3A_359 : vector<32xbf16>
        %parallel_loop3A_387 = arith.addf %parallel_loop3A_364, %parallel_loop3A_369 : vector<32xbf16>
        %parallel_loop3A_388 = arith.addf %parallel_loop3A_374, %parallel_loop3A_379 : vector<32xbf16>
        %parallel_loop3A_389 = arith.addf %parallel_loop3A_385, %parallel_loop3A_386 : vector<32xbf16>
        %parallel_loop3A_390 = arith.addf %parallel_loop3A_387, %parallel_loop3A_388 : vector<32xbf16>
        %parallel_loop3A_391 = arith.addf %parallel_loop3A_389, %parallel_loop3A_390 : vector<32xbf16>
        %parallel_loop3A_392 = arith.addf %parallel_loop3A_391, %parallel_loop3A_384 : vector<32xbf16>
        %parallel_loop3A_393 = tpu.unpack_subelements %parallel_loop3A_392, 0 {pack_format = #tpu.pack_format<interleaved>} : vector<32xbf16> -> vector<16xf32>
        %parallel_loop3A_394 = tpu.unpack_subelements %parallel_loop3A_392, 1 {pack_format = #tpu.pack_format<interleaved>} : vector<32xbf16> -> vector<16xf32>
        %parallel_loop3A_395 = arith.index_cast %parallel_loop3A_156 : i32 to index
        %parallel_loop3A_396 = arith.constant 64 : index
        %parallel_loop3A_397 = tpu.vector_load %arg8[%parallel_loop3A_395, %parallel_loop3A_396] {strides = array<i32>} : memref<32x128xf32, #tpu.memory_space<vmem>>, vector<16xf32>,
        tpu.vector_store %arg8[%parallel_loop3A_395, %parallel_loop3A_396], %parallel_loop3A_393 {strides = array<i32>} : memref<32x128xf32, #tpu.memory_space<vmem>>, vector<16xf32>,
        %parallel_loop3A_398 = arith.index_cast %parallel_loop3A_156 : i32 to index
        %parallel_loop3A_399 = arith.constant 80 : index
        %parallel_loop3A_400 = tpu.vector_load %arg8[%parallel_loop3A_398, %parallel_loop3A_399] {strides = array<i32>} : memref<32x128xf32, #tpu.memory_space<vmem>>, vector<16xf32>,
        tpu.vector_store %arg8[%parallel_loop3A_398, %parallel_loop3A_399], %parallel_loop3A_394 {strides = array<i32>} : memref<32x128xf32, #tpu.memory_space<vmem>>, vector<16xf32>,
        %parallel_loop3A_401 = arith.constant 48 : i32
        %parallel_loop3A_402 = arith.addi %parallel_loop3A_169, %parallel_loop3A_401 : i32
        %parallel_loop3A_403 = arith.index_cast %parallel_loop3A_402 : i32 to index
        %parallel_loop3A_404 = tpu.vector_load %arg5[%parallel_loop3A_403] {strides = array<i32>} : memref<57600xi32, #tpu.memory_space<vmem>>, vector<16xi32>,
        %parallel_loop3A_405 = vector.bitcast %parallel_loop3A_404 : vector<16xi32> to vector<32xbf16>
        %parallel_loop3A_406 = arith.constant 48 : i32
        %parallel_loop3A_407 = arith.addi %parallel_loop3A_175, %parallel_loop3A_406 : i32
        %parallel_loop3A_408 = arith.index_cast %parallel_loop3A_407 : i32 to index
        %parallel_loop3A_409 = tpu.vector_load %arg5[%parallel_loop3A_408] {strides = array<i32>} : memref<57600xi32, #tpu.memory_space<vmem>>, vector<16xi32>,
        %parallel_loop3A_410 = vector.bitcast %parallel_loop3A_409 : vector<16xi32> to vector<32xbf16>
        %parallel_loop3A_411 = arith.constant 48 : i32
        %parallel_loop3A_412 = arith.addi %parallel_loop3A_181, %parallel_loop3A_411 : i32
        %parallel_loop3A_413 = arith.index_cast %parallel_loop3A_412 : i32 to index
        %parallel_loop3A_414 = tpu.vector_load %arg5[%parallel_loop3A_413] {strides = array<i32>} : memref<57600xi32, #tpu.memory_space<vmem>>, vector<16xi32>,
        %parallel_loop3A_415 = vector.bitcast %parallel_loop3A_414 : vector<16xi32> to vector<32xbf16>
        %parallel_loop3A_416 = arith.constant 48 : i32
        %parallel_loop3A_417 = arith.addi %parallel_loop3A_187, %parallel_loop3A_416 : i32
        %parallel_loop3A_418 = arith.index_cast %parallel_loop3A_417 : i32 to index
        %parallel_loop3A_419 = tpu.vector_load %arg5[%parallel_loop3A_418] {strides = array<i32>} : memref<57600xi32, #tpu.memory_space<vmem>>, vector<16xi32>,
        %parallel_loop3A_420 = vector.bitcast %parallel_loop3A_419 : vector<16xi32> to vector<32xbf16>
        %parallel_loop3A_421 = arith.constant 48 : i32
        %parallel_loop3A_422 = arith.addi %parallel_loop3A_193, %parallel_loop3A_421 : i32
        %parallel_loop3A_423 = arith.index_cast %parallel_loop3A_422 : i32 to index
        %parallel_loop3A_424 = tpu.vector_load %arg5[%parallel_loop3A_423] {strides = array<i32>} : memref<57600xi32, #tpu.memory_space<vmem>>, vector<16xi32>,
        %parallel_loop3A_425 = vector.bitcast %parallel_loop3A_424 : vector<16xi32> to vector<32xbf16>
        %parallel_loop3A_426 = arith.constant 48 : i32
        %parallel_loop3A_427 = arith.addi %parallel_loop3A_199, %parallel_loop3A_426 : i32
        %parallel_loop3A_428 = arith.index_cast %parallel_loop3A_427 : i32 to index
        %parallel_loop3A_429 = tpu.vector_load %arg5[%parallel_loop3A_428] {strides = array<i32>} : memref<57600xi32, #tpu.memory_space<vmem>>, vector<16xi32>,
        %parallel_loop3A_430 = vector.bitcast %parallel_loop3A_429 : vector<16xi32> to vector<32xbf16>
        %parallel_loop3A_431 = arith.constant 48 : i32
        %parallel_loop3A_432 = arith.addi %parallel_loop3A_205, %parallel_loop3A_431 : i32
        %parallel_loop3A_433 = arith.index_cast %parallel_loop3A_432 : i32 to index
        %parallel_loop3A_434 = tpu.vector_load %arg5[%parallel_loop3A_433] {strides = array<i32>} : memref<57600xi32, #tpu.memory_space<vmem>>, vector<16xi32>,
        %parallel_loop3A_435 = vector.bitcast %parallel_loop3A_434 : vector<16xi32> to vector<32xbf16>
        %parallel_loop3A_436 = arith.constant 48 : i32
        %parallel_loop3A_437 = arith.addi %parallel_loop3A_211, %parallel_loop3A_436 : i32
        %parallel_loop3A_438 = arith.index_cast %parallel_loop3A_437 : i32 to index
        %parallel_loop3A_439 = tpu.vector_load %arg5[%parallel_loop3A_438] {strides = array<i32>} : memref<57600xi32, #tpu.memory_space<vmem>>, vector<16xi32>,
        %parallel_loop3A_440 = vector.bitcast %parallel_loop3A_439 : vector<16xi32> to vector<32xbf16>
        %parallel_loop3A_441 = arith.constant 48 : i32
        %parallel_loop3A_442 = arith.addi %parallel_loop3A_217, %parallel_loop3A_441 : i32
        %parallel_loop3A_443 = arith.index_cast %parallel_loop3A_442 : i32 to index
        %parallel_loop3A_444 = tpu.vector_load %arg5[%parallel_loop3A_443] {strides = array<i32>} : memref<57600xi32, #tpu.memory_space<vmem>>, vector<16xi32>,
        %parallel_loop3A_445 = vector.bitcast %parallel_loop3A_444 : vector<16xi32> to vector<32xbf16>
        %parallel_loop3A_446 = arith.addf %parallel_loop3A_405, %parallel_loop3A_410 : vector<32xbf16>
        %parallel_loop3A_447 = arith.addf %parallel_loop3A_415, %parallel_loop3A_420 : vector<32xbf16>
        %parallel_loop3A_448 = arith.addf %parallel_loop3A_425, %parallel_loop3A_430 : vector<32xbf16>
        %parallel_loop3A_449 = arith.addf %parallel_loop3A_435, %parallel_loop3A_440 : vector<32xbf16>
        %parallel_loop3A_450 = arith.addf %parallel_loop3A_446, %parallel_loop3A_447 : vector<32xbf16>
        %parallel_loop3A_451 = arith.addf %parallel_loop3A_448, %parallel_loop3A_449 : vector<32xbf16>
        %parallel_loop3A_452 = arith.addf %parallel_loop3A_450, %parallel_loop3A_451 : vector<32xbf16>
        %parallel_loop3A_453 = arith.addf %parallel_loop3A_452, %parallel_loop3A_445 : vector<32xbf16>
        %parallel_loop3A_454 = tpu.unpack_subelements %parallel_loop3A_453, 0 {pack_format = #tpu.pack_format<interleaved>} : vector<32xbf16> -> vector<16xf32>
        %parallel_loop3A_455 = tpu.unpack_subelements %parallel_loop3A_453, 1 {pack_format = #tpu.pack_format<interleaved>} : vector<32xbf16> -> vector<16xf32>
        %parallel_loop3A_456 = arith.index_cast %parallel_loop3A_156 : i32 to index
        %parallel_loop3A_457 = arith.constant 96 : index
        %parallel_loop3A_458 = tpu.vector_load %arg8[%parallel_loop3A_456, %parallel_loop3A_457] {strides = array<i32>} : memref<32x128xf32, #tpu.memory_space<vmem>>, vector<16xf32>,
        tpu.vector_store %arg8[%parallel_loop3A_456, %parallel_loop3A_457], %parallel_loop3A_454 {strides = array<i32>} : memref<32x128xf32, #tpu.memory_space<vmem>>, vector<16xf32>,
        %parallel_loop3A_459 = arith.index_cast %parallel_loop3A_156 : i32 to index
        %parallel_loop3A_460 = arith.constant 112 : index
        %parallel_loop3A_461 = tpu.vector_load %arg8[%parallel_loop3A_459, %parallel_loop3A_460] {strides = array<i32>} : memref<32x128xf32, #tpu.memory_space<vmem>>, vector<16xf32>,
        tpu.vector_store %arg8[%parallel_loop3A_459, %parallel_loop3A_460], %parallel_loop3A_455 {strides = array<i32>} : memref<32x128xf32, #tpu.memory_space<vmem>>, vector<16xf32>,
      } {sc.loop_unroll_factor = 4 : i64, sc.parallel_access}
      %mul3A_134 = arith.constant 32 : i32
      %mul3A_135 = arith.muli %mul3A_123, %mul3A_134 : i32
      %add3A_136 = arith.addi %mul3A_2, %mul3A_135 : i32
      %dma_start3A = arith.constant 0 : i32
      %dma_start3A_137 = tpu.memref_slice %arg4[%add3A_136, %dma_start3A] : memref<100000x128xf32, #tpu.memory_space<hbm>> -> memref<32x128xf32, #tpu.memory_space<hbm>>
      %dma_start3A_138 = arith.constant 0 : i32
      %dma_start3A_139 = tpu.memref_slice %arg4[%add3A_136, %dma_start3A_138] : memref<100000x128xf32, #tpu.memory_space<hbm>> -> memref<32x128xf32, #tpu.memory_space<hbm>>
      tpu.enqueue_dma source(%arg8 : memref<32x128xf32, #tpu.memory_space<vmem>>) target(%dma_start3A_139 : memref<32x128xf32, #tpu.memory_space<hbm>>) target_semaphore(%arg10 : memref<!tpu.dma_semaphore, #tpu.memory_space<semaphore_mem>>)
      %gt3A_140 = arith.constant 0 : i32
      %gt3A_141 = arith.cmpi sgt, %while3A_120, %gt3A_140 : i32
      %convert_element_type3A_142 = arith.extui %gt3A_141 : i1 to i32
      %cond3A_143 = arith.constant 0 : i32
      %cond3A_144 = arith.cmpi ne, %convert_element_type3A_142, %cond3A_143 : i32
      scf.if %cond3A_144 {
        %mul3A_156 = arith.constant 32 : i32
        %mul3A_157 = arith.muli %add3A_125, %mul3A_156 : i32
        %add3A_158 = arith.addi %mul3A_2, %mul3A_157 : i32
        %dma_wait3A = arith.constant 0 : i32
        %dma_wait3A_159 = tpu.memref_slice %arg4[%add3A_158, %dma_wait3A] : memref<100000x128xf32, #tpu.memory_space<hbm>> -> memref<32x128xf32, #tpu.memory_space<hbm>>
        %dma_wait3A_160 = arith.constant 0 : i32
        %dma_wait3A_161 = tpu.memref_slice %arg4[%add3A_158, %dma_wait3A_160] : memref<100000x128xf32, #tpu.memory_space<hbm>> -> memref<32x128xf32, #tpu.memory_space<hbm>>
        tpu.wait_dma2 semaphore(%arg11 : memref<!tpu.dma_semaphore, #tpu.memory_space<semaphore_mem>>) src(%arg9 : memref<32x128xf32, #tpu.memory_space<vmem>>) dst(%dma_wait3A_161 : memref<32x128xf32, #tpu.memory_space<hbm>>)
      } else {
      }
      %parallel_loop3A_145 = arith.constant 0 : i32
      %parallel_loop3A_146 = arith.constant 32 : i32
      %parallel_loop3A_147 = arith.constant 1 : i32
      scf.for %parallel_loop3A_156 = %parallel_loop3A_145 to %parallel_loop3A_146 step %parallel_loop3A_147  : i32 {
        %parallel_loop3A_157 = arith.constant 32 : i32
        %parallel_loop3A_158 = arith.muli %add3A_125, %parallel_loop3A_157 : i32
        %parallel_loop3A_159 = arith.addi %parallel_loop3A_158, %parallel_loop3A_156 : i32
        %parallel_loop3A_160 = arith.constant 9 : i32
        %parallel_loop3A_161 = arith.muli %parallel_loop3A_159, %parallel_loop3A_160 : i32
        %parallel_loop3A_162 = arith.index_cast %parallel_loop3A_161 : i32 to index
        %parallel_loop3A_163 = tpu.vector_load %arg7[%parallel_loop3A_162] {strides = array<i32>} : memref<28240xi32, #tpu.memory_space<vmem>>, vector<16xi32>,
        %parallel_loop3A_164 = vector.extract_strided_slice %parallel_loop3A_163 {offsets = [0], sizes = [1], strides = [1]} : vector<16xi32> to vector<1xi32>
        %parallel_loop3A_165 = vector.extract %parallel_loop3A_164[0] : i32 from vector<1xi32>
        %parallel_loop3A_166 = arith.constant 64 : i32
        %parallel_loop3A_167 = arith.muli %parallel_loop3A_165, %parallel_loop3A_166 : i32
        %parallel_loop3A_168 = arith.constant 0 : i32
        %parallel_loop3A_169 = arith.addi %parallel_loop3A_167, %parallel_loop3A_168 : i32
        %parallel_loop3A_170 = vector.extract_strided_slice %parallel_loop3A_163 {offsets = [1], sizes = [1], strides = [1]} : vector<16xi32> to vector<1xi32>
        %parallel_loop3A_171 = vector.extract %parallel_loop3A_170[0] : i32 from vector<1xi32>
        %parallel_loop3A_172 = arith.constant 64 : i32
        %parallel_loop3A_173 = arith.muli %parallel_loop3A_171, %parallel_loop3A_172 : i32
        %parallel_loop3A_174 = arith.constant 6400 : i32
        %parallel_loop3A_175 = arith.addi %parallel_loop3A_173, %parallel_loop3A_174 : i32
        %parallel_loop3A_176 = vector.extract_strided_slice %parallel_loop3A_163 {offsets = [2], sizes = [1], strides = [1]} : vector<16xi32> to vector<1xi32>
        %parallel_loop3A_177 = vector.extract %parallel_loop3A_176[0] : i32 from vector<1xi32>
        %parallel_loop3A_178 = arith.constant 64 : i32
        %parallel_loop3A_179 = arith.muli %parallel_loop3A_177, %parallel_loop3A_178 : i32
        %parallel_loop3A_180 = arith.constant 12800 : i32
        %parallel_loop3A_181 = arith.addi %parallel_loop3A_179, %parallel_loop3A_180 : i32
        %parallel_loop3A_182 = vector.extract_strided_slice %parallel_loop3A_163 {offsets = [3], sizes = [1], strides = [1]} : vector<16xi32> to vector<1xi32>
        %parallel_loop3A_183 = vector.extract %parallel_loop3A_182[0] : i32 from vector<1xi32>
        %parallel_loop3A_184 = arith.constant 64 : i32
        %parallel_loop3A_185 = arith.muli %parallel_loop3A_183, %parallel_loop3A_184 : i32
        %parallel_loop3A_186 = arith.constant 19200 : i32
        %parallel_loop3A_187 = arith.addi %parallel_loop3A_185, %parallel_loop3A_186 : i32
        %parallel_loop3A_188 = vector.extract_strided_slice %parallel_loop3A_163 {offsets = [4], sizes = [1], strides = [1]} : vector<16xi32> to vector<1xi32>
        %parallel_loop3A_189 = vector.extract %parallel_loop3A_188[0] : i32 from vector<1xi32>
        %parallel_loop3A_190 = arith.constant 64 : i32
        %parallel_loop3A_191 = arith.muli %parallel_loop3A_189, %parallel_loop3A_190 : i32
        %parallel_loop3A_192 = arith.constant 25600 : i32
        %parallel_loop3A_193 = arith.addi %parallel_loop3A_191, %parallel_loop3A_192 : i32
        %parallel_loop3A_194 = vector.extract_strided_slice %parallel_loop3A_163 {offsets = [5], sizes = [1], strides = [1]} : vector<16xi32> to vector<1xi32>
        %parallel_loop3A_195 = vector.extract %parallel_loop3A_194[0] : i32 from vector<1xi32>
        %parallel_loop3A_196 = arith.constant 64 : i32
        %parallel_loop3A_197 = arith.muli %parallel_loop3A_195, %parallel_loop3A_196 : i32
        %parallel_loop3A_198 = arith.constant 32000 : i32
        %parallel_loop3A_199 = arith.addi %parallel_loop3A_197, %parallel_loop3A_198 : i32
        %parallel_loop3A_200 = vector.extract_strided_slice %parallel_loop3A_163 {offsets = [6], sizes = [1], strides = [1]} : vector<16xi32> to vector<1xi32>
        %parallel_loop3A_201 = vector.extract %parallel_loop3A_200[0] : i32 from vector<1xi32>
        %parallel_loop3A_202 = arith.constant 64 : i32
        %parallel_loop3A_203 = arith.muli %parallel_loop3A_201, %parallel_loop3A_202 : i32
        %parallel_loop3A_204 = arith.constant 38400 : i32
        %parallel_loop3A_205 = arith.addi %parallel_loop3A_203, %parallel_loop3A_204 : i32
        %parallel_loop3A_206 = vector.extract_strided_slice %parallel_loop3A_163 {offsets = [7], sizes = [1], strides = [1]} : vector<16xi32> to vector<1xi32>
        %parallel_loop3A_207 = vector.extract %parallel_loop3A_206[0] : i32 from vector<1xi32>
        %parallel_loop3A_208 = arith.constant 64 : i32
        %parallel_loop3A_209 = arith.muli %parallel_loop3A_207, %parallel_loop3A_208 : i32
        %parallel_loop3A_210 = arith.constant 44800 : i32
        %parallel_loop3A_211 = arith.addi %parallel_loop3A_209, %parallel_loop3A_210 : i32
        %parallel_loop3A_212 = vector.extract_strided_slice %parallel_loop3A_163 {offsets = [8], sizes = [1], strides = [1]} : vector<16xi32> to vector<1xi32>
        %parallel_loop3A_213 = vector.extract %parallel_loop3A_212[0] : i32 from vector<1xi32>
        %parallel_loop3A_214 = arith.constant 64 : i32
        %parallel_loop3A_215 = arith.muli %parallel_loop3A_213, %parallel_loop3A_214 : i32
        %parallel_loop3A_216 = arith.constant 51200 : i32
        %parallel_loop3A_217 = arith.addi %parallel_loop3A_215, %parallel_loop3A_216 : i32
        %parallel_loop3A_218 = arith.constant 0 : i32
        %parallel_loop3A_219 = arith.addi %parallel_loop3A_169, %parallel_loop3A_218 : i32
        %parallel_loop3A_220 = arith.index_cast %parallel_loop3A_219 : i32 to index
        %parallel_loop3A_221 = tpu.vector_load %arg5[%parallel_loop3A_220] {strides = array<i32>} : memref<57600xi32, #tpu.memory_space<vmem>>, vector<16xi32>,
        %parallel_loop3A_222 = vector.bitcast %parallel_loop3A_221 : vector<16xi32> to vector<32xbf16>
        %parallel_loop3A_223 = arith.constant 0 : i32
        %parallel_loop3A_224 = arith.addi %parallel_loop3A_175, %parallel_loop3A_223 : i32
        %parallel_loop3A_225 = arith.index_cast %parallel_loop3A_224 : i32 to index
        %parallel_loop3A_226 = tpu.vector_load %arg5[%parallel_loop3A_225] {strides = array<i32>} : memref<57600xi32, #tpu.memory_space<vmem>>, vector<16xi32>,
        %parallel_loop3A_227 = vector.bitcast %parallel_loop3A_226 : vector<16xi32> to vector<32xbf16>
        %parallel_loop3A_228 = arith.constant 0 : i32
        %parallel_loop3A_229 = arith.addi %parallel_loop3A_181, %parallel_loop3A_228 : i32
        %parallel_loop3A_230 = arith.index_cast %parallel_loop3A_229 : i32 to index
        %parallel_loop3A_231 = tpu.vector_load %arg5[%parallel_loop3A_230] {strides = array<i32>} : memref<57600xi32, #tpu.memory_space<vmem>>, vector<16xi32>,
        %parallel_loop3A_232 = vector.bitcast %parallel_loop3A_231 : vector<16xi32> to vector<32xbf16>
        %parallel_loop3A_233 = arith.constant 0 : i32
        %parallel_loop3A_234 = arith.addi %parallel_loop3A_187, %parallel_loop3A_233 : i32
        %parallel_loop3A_235 = arith.index_cast %parallel_loop3A_234 : i32 to index
        %parallel_loop3A_236 = tpu.vector_load %arg5[%parallel_loop3A_235] {strides = array<i32>} : memref<57600xi32, #tpu.memory_space<vmem>>, vector<16xi32>,
        %parallel_loop3A_237 = vector.bitcast %parallel_loop3A_236 : vector<16xi32> to vector<32xbf16>
        %parallel_loop3A_238 = arith.constant 0 : i32
        %parallel_loop3A_239 = arith.addi %parallel_loop3A_193, %parallel_loop3A_238 : i32
        %parallel_loop3A_240 = arith.index_cast %parallel_loop3A_239 : i32 to index
        %parallel_loop3A_241 = tpu.vector_load %arg5[%parallel_loop3A_240] {strides = array<i32>} : memref<57600xi32, #tpu.memory_space<vmem>>, vector<16xi32>,
        %parallel_loop3A_242 = vector.bitcast %parallel_loop3A_241 : vector<16xi32> to vector<32xbf16>
        %parallel_loop3A_243 = arith.constant 0 : i32
        %parallel_loop3A_244 = arith.addi %parallel_loop3A_199, %parallel_loop3A_243 : i32
        %parallel_loop3A_245 = arith.index_cast %parallel_loop3A_244 : i32 to index
        %parallel_loop3A_246 = tpu.vector_load %arg5[%parallel_loop3A_245] {strides = array<i32>} : memref<57600xi32, #tpu.memory_space<vmem>>, vector<16xi32>,
        %parallel_loop3A_247 = vector.bitcast %parallel_loop3A_246 : vector<16xi32> to vector<32xbf16>
        %parallel_loop3A_248 = arith.constant 0 : i32
        %parallel_loop3A_249 = arith.addi %parallel_loop3A_205, %parallel_loop3A_248 : i32
        %parallel_loop3A_250 = arith.index_cast %parallel_loop3A_249 : i32 to index
        %parallel_loop3A_251 = tpu.vector_load %arg5[%parallel_loop3A_250] {strides = array<i32>} : memref<57600xi32, #tpu.memory_space<vmem>>, vector<16xi32>,
        %parallel_loop3A_252 = vector.bitcast %parallel_loop3A_251 : vector<16xi32> to vector<32xbf16>
        %parallel_loop3A_253 = arith.constant 0 : i32
        %parallel_loop3A_254 = arith.addi %parallel_loop3A_211, %parallel_loop3A_253 : i32
        %parallel_loop3A_255 = arith.index_cast %parallel_loop3A_254 : i32 to index
        %parallel_loop3A_256 = tpu.vector_load %arg5[%parallel_loop3A_255] {strides = array<i32>} : memref<57600xi32, #tpu.memory_space<vmem>>, vector<16xi32>,
        %parallel_loop3A_257 = vector.bitcast %parallel_loop3A_256 : vector<16xi32> to vector<32xbf16>
        %parallel_loop3A_258 = arith.constant 0 : i32
        %parallel_loop3A_259 = arith.addi %parallel_loop3A_217, %parallel_loop3A_258 : i32
        %parallel_loop3A_260 = arith.index_cast %parallel_loop3A_259 : i32 to index
        %parallel_loop3A_261 = tpu.vector_load %arg5[%parallel_loop3A_260] {strides = array<i32>} : memref<57600xi32, #tpu.memory_space<vmem>>, vector<16xi32>,
        %parallel_loop3A_262 = vector.bitcast %parallel_loop3A_261 : vector<16xi32> to vector<32xbf16>
        %parallel_loop3A_263 = arith.addf %parallel_loop3A_222, %parallel_loop3A_227 : vector<32xbf16>
        %parallel_loop3A_264 = arith.addf %parallel_loop3A_232, %parallel_loop3A_237 : vector<32xbf16>
        %parallel_loop3A_265 = arith.addf %parallel_loop3A_242, %parallel_loop3A_247 : vector<32xbf16>
        %parallel_loop3A_266 = arith.addf %parallel_loop3A_252, %parallel_loop3A_257 : vector<32xbf16>
        %parallel_loop3A_267 = arith.addf %parallel_loop3A_263, %parallel_loop3A_264 : vector<32xbf16>
        %parallel_loop3A_268 = arith.addf %parallel_loop3A_265, %parallel_loop3A_266 : vector<32xbf16>
        %parallel_loop3A_269 = arith.addf %parallel_loop3A_267, %parallel_loop3A_268 : vector<32xbf16>
        %parallel_loop3A_270 = arith.addf %parallel_loop3A_269, %parallel_loop3A_262 : vector<32xbf16>
        %parallel_loop3A_271 = tpu.unpack_subelements %parallel_loop3A_270, 0 {pack_format = #tpu.pack_format<interleaved>} : vector<32xbf16> -> vector<16xf32>
        %parallel_loop3A_272 = tpu.unpack_subelements %parallel_loop3A_270, 1 {pack_format = #tpu.pack_format<interleaved>} : vector<32xbf16> -> vector<16xf32>
        %parallel_loop3A_273 = arith.index_cast %parallel_loop3A_156 : i32 to index
        %parallel_loop3A_274 = arith.constant 0 : index
        %parallel_loop3A_275 = tpu.vector_load %arg9[%parallel_loop3A_273, %parallel_loop3A_274] {strides = array<i32>} : memref<32x128xf32, #tpu.memory_space<vmem>>, vector<16xf32>,
        tpu.vector_store %arg9[%parallel_loop3A_273, %parallel_loop3A_274], %parallel_loop3A_271 {strides = array<i32>} : memref<32x128xf32, #tpu.memory_space<vmem>>, vector<16xf32>,
        %parallel_loop3A_276 = arith.index_cast %parallel_loop3A_156 : i32 to index
        %parallel_loop3A_277 = arith.constant 16 : index
        %parallel_loop3A_278 = tpu.vector_load %arg9[%parallel_loop3A_276, %parallel_loop3A_277] {strides = array<i32>} : memref<32x128xf32, #tpu.memory_space<vmem>>, vector<16xf32>,
        tpu.vector_store %arg9[%parallel_loop3A_276, %parallel_loop3A_277], %parallel_loop3A_272 {strides = array<i32>} : memref<32x128xf32, #tpu.memory_space<vmem>>, vector<16xf32>,
        %parallel_loop3A_279 = arith.constant 16 : i32
        %parallel_loop3A_280 = arith.addi %parallel_loop3A_169, %parallel_loop3A_279 : i32
        %parallel_loop3A_281 = arith.index_cast %parallel_loop3A_280 : i32 to index
        %parallel_loop3A_282 = tpu.vector_load %arg5[%parallel_loop3A_281] {strides = array<i32>} : memref<57600xi32, #tpu.memory_space<vmem>>, vector<16xi32>,
        %parallel_loop3A_283 = vector.bitcast %parallel_loop3A_282 : vector<16xi32> to vector<32xbf16>
        %parallel_loop3A_284 = arith.constant 16 : i32
        %parallel_loop3A_285 = arith.addi %parallel_loop3A_175, %parallel_loop3A_284 : i32
        %parallel_loop3A_286 = arith.index_cast %parallel_loop3A_285 : i32 to index
        %parallel_loop3A_287 = tpu.vector_load %arg5[%parallel_loop3A_286] {strides = array<i32>} : memref<57600xi32, #tpu.memory_space<vmem>>, vector<16xi32>,
        %parallel_loop3A_288 = vector.bitcast %parallel_loop3A_287 : vector<16xi32> to vector<32xbf16>
        %parallel_loop3A_289 = arith.constant 16 : i32
        %parallel_loop3A_290 = arith.addi %parallel_loop3A_181, %parallel_loop3A_289 : i32
        %parallel_loop3A_291 = arith.index_cast %parallel_loop3A_290 : i32 to index
        %parallel_loop3A_292 = tpu.vector_load %arg5[%parallel_loop3A_291] {strides = array<i32>} : memref<57600xi32, #tpu.memory_space<vmem>>, vector<16xi32>,
        %parallel_loop3A_293 = vector.bitcast %parallel_loop3A_292 : vector<16xi32> to vector<32xbf16>
        %parallel_loop3A_294 = arith.constant 16 : i32
        %parallel_loop3A_295 = arith.addi %parallel_loop3A_187, %parallel_loop3A_294 : i32
        %parallel_loop3A_296 = arith.index_cast %parallel_loop3A_295 : i32 to index
        %parallel_loop3A_297 = tpu.vector_load %arg5[%parallel_loop3A_296] {strides = array<i32>} : memref<57600xi32, #tpu.memory_space<vmem>>, vector<16xi32>,
        %parallel_loop3A_298 = vector.bitcast %parallel_loop3A_297 : vector<16xi32> to vector<32xbf16>
        %parallel_loop3A_299 = arith.constant 16 : i32
        %parallel_loop3A_300 = arith.addi %parallel_loop3A_193, %parallel_loop3A_299 : i32
        %parallel_loop3A_301 = arith.index_cast %parallel_loop3A_300 : i32 to index
        %parallel_loop3A_302 = tpu.vector_load %arg5[%parallel_loop3A_301] {strides = array<i32>} : memref<57600xi32, #tpu.memory_space<vmem>>, vector<16xi32>,
        %parallel_loop3A_303 = vector.bitcast %parallel_loop3A_302 : vector<16xi32> to vector<32xbf16>
        %parallel_loop3A_304 = arith.constant 16 : i32
        %parallel_loop3A_305 = arith.addi %parallel_loop3A_199, %parallel_loop3A_304 : i32
        %parallel_loop3A_306 = arith.index_cast %parallel_loop3A_305 : i32 to index
        %parallel_loop3A_307 = tpu.vector_load %arg5[%parallel_loop3A_306] {strides = array<i32>} : memref<57600xi32, #tpu.memory_space<vmem>>, vector<16xi32>,
        %parallel_loop3A_308 = vector.bitcast %parallel_loop3A_307 : vector<16xi32> to vector<32xbf16>
        %parallel_loop3A_309 = arith.constant 16 : i32
        %parallel_loop3A_310 = arith.addi %parallel_loop3A_205, %parallel_loop3A_309 : i32
        %parallel_loop3A_311 = arith.index_cast %parallel_loop3A_310 : i32 to index
        %parallel_loop3A_312 = tpu.vector_load %arg5[%parallel_loop3A_311] {strides = array<i32>} : memref<57600xi32, #tpu.memory_space<vmem>>, vector<16xi32>,
        %parallel_loop3A_313 = vector.bitcast %parallel_loop3A_312 : vector<16xi32> to vector<32xbf16>
        %parallel_loop3A_314 = arith.constant 16 : i32
        %parallel_loop3A_315 = arith.addi %parallel_loop3A_211, %parallel_loop3A_314 : i32
        %parallel_loop3A_316 = arith.index_cast %parallel_loop3A_315 : i32 to index
        %parallel_loop3A_317 = tpu.vector_load %arg5[%parallel_loop3A_316] {strides = array<i32>} : memref<57600xi32, #tpu.memory_space<vmem>>, vector<16xi32>,
        %parallel_loop3A_318 = vector.bitcast %parallel_loop3A_317 : vector<16xi32> to vector<32xbf16>
        %parallel_loop3A_319 = arith.constant 16 : i32
        %parallel_loop3A_320 = arith.addi %parallel_loop3A_217, %parallel_loop3A_319 : i32
        %parallel_loop3A_321 = arith.index_cast %parallel_loop3A_320 : i32 to index
        %parallel_loop3A_322 = tpu.vector_load %arg5[%parallel_loop3A_321] {strides = array<i32>} : memref<57600xi32, #tpu.memory_space<vmem>>, vector<16xi32>,
        %parallel_loop3A_323 = vector.bitcast %parallel_loop3A_322 : vector<16xi32> to vector<32xbf16>
        %parallel_loop3A_324 = arith.addf %parallel_loop3A_283, %parallel_loop3A_288 : vector<32xbf16>
        %parallel_loop3A_325 = arith.addf %parallel_loop3A_293, %parallel_loop3A_298 : vector<32xbf16>
        %parallel_loop3A_326 = arith.addf %parallel_loop3A_303, %parallel_loop3A_308 : vector<32xbf16>
        %parallel_loop3A_327 = arith.addf %parallel_loop3A_313, %parallel_loop3A_318 : vector<32xbf16>
        %parallel_loop3A_328 = arith.addf %parallel_loop3A_324, %parallel_loop3A_325 : vector<32xbf16>
        %parallel_loop3A_329 = arith.addf %parallel_loop3A_326, %parallel_loop3A_327 : vector<32xbf16>
        %parallel_loop3A_330 = arith.addf %parallel_loop3A_328, %parallel_loop3A_329 : vector<32xbf16>
        %parallel_loop3A_331 = arith.addf %parallel_loop3A_330, %parallel_loop3A_323 : vector<32xbf16>
        %parallel_loop3A_332 = tpu.unpack_subelements %parallel_loop3A_331, 0 {pack_format = #tpu.pack_format<interleaved>} : vector<32xbf16> -> vector<16xf32>
        %parallel_loop3A_333 = tpu.unpack_subelements %parallel_loop3A_331, 1 {pack_format = #tpu.pack_format<interleaved>} : vector<32xbf16> -> vector<16xf32>
        %parallel_loop3A_334 = arith.index_cast %parallel_loop3A_156 : i32 to index
        %parallel_loop3A_335 = arith.constant 32 : index
        %parallel_loop3A_336 = tpu.vector_load %arg9[%parallel_loop3A_334, %parallel_loop3A_335] {strides = array<i32>} : memref<32x128xf32, #tpu.memory_space<vmem>>, vector<16xf32>,
        tpu.vector_store %arg9[%parallel_loop3A_334, %parallel_loop3A_335], %parallel_loop3A_332 {strides = array<i32>} : memref<32x128xf32, #tpu.memory_space<vmem>>, vector<16xf32>,
        %parallel_loop3A_337 = arith.index_cast %parallel_loop3A_156 : i32 to index
        %parallel_loop3A_338 = arith.constant 48 : index
        %parallel_loop3A_339 = tpu.vector_load %arg9[%parallel_loop3A_337, %parallel_loop3A_338] {strides = array<i32>} : memref<32x128xf32, #tpu.memory_space<vmem>>, vector<16xf32>,
        tpu.vector_store %arg9[%parallel_loop3A_337, %parallel_loop3A_338], %parallel_loop3A_333 {strides = array<i32>} : memref<32x128xf32, #tpu.memory_space<vmem>>, vector<16xf32>,
        %parallel_loop3A_340 = arith.constant 32 : i32
        %parallel_loop3A_341 = arith.addi %parallel_loop3A_169, %parallel_loop3A_340 : i32
        %parallel_loop3A_342 = arith.index_cast %parallel_loop3A_341 : i32 to index
        %parallel_loop3A_343 = tpu.vector_load %arg5[%parallel_loop3A_342] {strides = array<i32>} : memref<57600xi32, #tpu.memory_space<vmem>>, vector<16xi32>,
        %parallel_loop3A_344 = vector.bitcast %parallel_loop3A_343 : vector<16xi32> to vector<32xbf16>
        %parallel_loop3A_345 = arith.constant 32 : i32
        %parallel_loop3A_346 = arith.addi %parallel_loop3A_175, %parallel_loop3A_345 : i32
        %parallel_loop3A_347 = arith.index_cast %parallel_loop3A_346 : i32 to index
        %parallel_loop3A_348 = tpu.vector_load %arg5[%parallel_loop3A_347] {strides = array<i32>} : memref<57600xi32, #tpu.memory_space<vmem>>, vector<16xi32>,
        %parallel_loop3A_349 = vector.bitcast %parallel_loop3A_348 : vector<16xi32> to vector<32xbf16>
        %parallel_loop3A_350 = arith.constant 32 : i32
        %parallel_loop3A_351 = arith.addi %parallel_loop3A_181, %parallel_loop3A_350 : i32
        %parallel_loop3A_352 = arith.index_cast %parallel_loop3A_351 : i32 to index
        %parallel_loop3A_353 = tpu.vector_load %arg5[%parallel_loop3A_352] {strides = array<i32>} : memref<57600xi32, #tpu.memory_space<vmem>>, vector<16xi32>,
        %parallel_loop3A_354 = vector.bitcast %parallel_loop3A_353 : vector<16xi32> to vector<32xbf16>
        %parallel_loop3A_355 = arith.constant 32 : i32
        %parallel_loop3A_356 = arith.addi %parallel_loop3A_187, %parallel_loop3A_355 : i32
        %parallel_loop3A_357 = arith.index_cast %parallel_loop3A_356 : i32 to index
        %parallel_loop3A_358 = tpu.vector_load %arg5[%parallel_loop3A_357] {strides = array<i32>} : memref<57600xi32, #tpu.memory_space<vmem>>, vector<16xi32>,
        %parallel_loop3A_359 = vector.bitcast %parallel_loop3A_358 : vector<16xi32> to vector<32xbf16>
        %parallel_loop3A_360 = arith.constant 32 : i32
        %parallel_loop3A_361 = arith.addi %parallel_loop3A_193, %parallel_loop3A_360 : i32
        %parallel_loop3A_362 = arith.index_cast %parallel_loop3A_361 : i32 to index
        %parallel_loop3A_363 = tpu.vector_load %arg5[%parallel_loop3A_362] {strides = array<i32>} : memref<57600xi32, #tpu.memory_space<vmem>>, vector<16xi32>,
        %parallel_loop3A_364 = vector.bitcast %parallel_loop3A_363 : vector<16xi32> to vector<32xbf16>
        %parallel_loop3A_365 = arith.constant 32 : i32
        %parallel_loop3A_366 = arith.addi %parallel_loop3A_199, %parallel_loop3A_365 : i32
        %parallel_loop3A_367 = arith.index_cast %parallel_loop3A_366 : i32 to index
        %parallel_loop3A_368 = tpu.vector_load %arg5[%parallel_loop3A_367] {strides = array<i32>} : memref<57600xi32, #tpu.memory_space<vmem>>, vector<16xi32>,
        %parallel_loop3A_369 = vector.bitcast %parallel_loop3A_368 : vector<16xi32> to vector<32xbf16>
        %parallel_loop3A_370 = arith.constant 32 : i32
        %parallel_loop3A_371 = arith.addi %parallel_loop3A_205, %parallel_loop3A_370 : i32
        %parallel_loop3A_372 = arith.index_cast %parallel_loop3A_371 : i32 to index
        %parallel_loop3A_373 = tpu.vector_load %arg5[%parallel_loop3A_372] {strides = array<i32>} : memref<57600xi32, #tpu.memory_space<vmem>>, vector<16xi32>,
        %parallel_loop3A_374 = vector.bitcast %parallel_loop3A_373 : vector<16xi32> to vector<32xbf16>
        %parallel_loop3A_375 = arith.constant 32 : i32
        %parallel_loop3A_376 = arith.addi %parallel_loop3A_211, %parallel_loop3A_375 : i32
        %parallel_loop3A_377 = arith.index_cast %parallel_loop3A_376 : i32 to index
        %parallel_loop3A_378 = tpu.vector_load %arg5[%parallel_loop3A_377] {strides = array<i32>} : memref<57600xi32, #tpu.memory_space<vmem>>, vector<16xi32>,
        %parallel_loop3A_379 = vector.bitcast %parallel_loop3A_378 : vector<16xi32> to vector<32xbf16>
        %parallel_loop3A_380 = arith.constant 32 : i32
        %parallel_loop3A_381 = arith.addi %parallel_loop3A_217, %parallel_loop3A_380 : i32
        %parallel_loop3A_382 = arith.index_cast %parallel_loop3A_381 : i32 to index
        %parallel_loop3A_383 = tpu.vector_load %arg5[%parallel_loop3A_382] {strides = array<i32>} : memref<57600xi32, #tpu.memory_space<vmem>>, vector<16xi32>,
        %parallel_loop3A_384 = vector.bitcast %parallel_loop3A_383 : vector<16xi32> to vector<32xbf16>
        %parallel_loop3A_385 = arith.addf %parallel_loop3A_344, %parallel_loop3A_349 : vector<32xbf16>
        %parallel_loop3A_386 = arith.addf %parallel_loop3A_354, %parallel_loop3A_359 : vector<32xbf16>
        %parallel_loop3A_387 = arith.addf %parallel_loop3A_364, %parallel_loop3A_369 : vector<32xbf16>
        %parallel_loop3A_388 = arith.addf %parallel_loop3A_374, %parallel_loop3A_379 : vector<32xbf16>
        %parallel_loop3A_389 = arith.addf %parallel_loop3A_385, %parallel_loop3A_386 : vector<32xbf16>
        %parallel_loop3A_390 = arith.addf %parallel_loop3A_387, %parallel_loop3A_388 : vector<32xbf16>
        %parallel_loop3A_391 = arith.addf %parallel_loop3A_389, %parallel_loop3A_390 : vector<32xbf16>
        %parallel_loop3A_392 = arith.addf %parallel_loop3A_391, %parallel_loop3A_384 : vector<32xbf16>
        %parallel_loop3A_393 = tpu.unpack_subelements %parallel_loop3A_392, 0 {pack_format = #tpu.pack_format<interleaved>} : vector<32xbf16> -> vector<16xf32>
        %parallel_loop3A_394 = tpu.unpack_subelements %parallel_loop3A_392, 1 {pack_format = #tpu.pack_format<interleaved>} : vector<32xbf16> -> vector<16xf32>
        %parallel_loop3A_395 = arith.index_cast %parallel_loop3A_156 : i32 to index
        %parallel_loop3A_396 = arith.constant 64 : index
        %parallel_loop3A_397 = tpu.vector_load %arg9[%parallel_loop3A_395, %parallel_loop3A_396] {strides = array<i32>} : memref<32x128xf32, #tpu.memory_space<vmem>>, vector<16xf32>,
        tpu.vector_store %arg9[%parallel_loop3A_395, %parallel_loop3A_396], %parallel_loop3A_393 {strides = array<i32>} : memref<32x128xf32, #tpu.memory_space<vmem>>, vector<16xf32>,
        %parallel_loop3A_398 = arith.index_cast %parallel_loop3A_156 : i32 to index
        %parallel_loop3A_399 = arith.constant 80 : index
        %parallel_loop3A_400 = tpu.vector_load %arg9[%parallel_loop3A_398, %parallel_loop3A_399] {strides = array<i32>} : memref<32x128xf32, #tpu.memory_space<vmem>>, vector<16xf32>,
        tpu.vector_store %arg9[%parallel_loop3A_398, %parallel_loop3A_399], %parallel_loop3A_394 {strides = array<i32>} : memref<32x128xf32, #tpu.memory_space<vmem>>, vector<16xf32>,
        %parallel_loop3A_401 = arith.constant 48 : i32
        %parallel_loop3A_402 = arith.addi %parallel_loop3A_169, %parallel_loop3A_401 : i32
        %parallel_loop3A_403 = arith.index_cast %parallel_loop3A_402 : i32 to index
        %parallel_loop3A_404 = tpu.vector_load %arg5[%parallel_loop3A_403] {strides = array<i32>} : memref<57600xi32, #tpu.memory_space<vmem>>, vector<16xi32>,
        %parallel_loop3A_405 = vector.bitcast %parallel_loop3A_404 : vector<16xi32> to vector<32xbf16>
        %parallel_loop3A_406 = arith.constant 48 : i32
        %parallel_loop3A_407 = arith.addi %parallel_loop3A_175, %parallel_loop3A_406 : i32
        %parallel_loop3A_408 = arith.index_cast %parallel_loop3A_407 : i32 to index
        %parallel_loop3A_409 = tpu.vector_load %arg5[%parallel_loop3A_408] {strides = array<i32>} : memref<57600xi32, #tpu.memory_space<vmem>>, vector<16xi32>,
        %parallel_loop3A_410 = vector.bitcast %parallel_loop3A_409 : vector<16xi32> to vector<32xbf16>
        %parallel_loop3A_411 = arith.constant 48 : i32
        %parallel_loop3A_412 = arith.addi %parallel_loop3A_181, %parallel_loop3A_411 : i32
        %parallel_loop3A_413 = arith.index_cast %parallel_loop3A_412 : i32 to index
        %parallel_loop3A_414 = tpu.vector_load %arg5[%parallel_loop3A_413] {strides = array<i32>} : memref<57600xi32, #tpu.memory_space<vmem>>, vector<16xi32>,
        %parallel_loop3A_415 = vector.bitcast %parallel_loop3A_414 : vector<16xi32> to vector<32xbf16>
        %parallel_loop3A_416 = arith.constant 48 : i32
        %parallel_loop3A_417 = arith.addi %parallel_loop3A_187, %parallel_loop3A_416 : i32
        %parallel_loop3A_418 = arith.index_cast %parallel_loop3A_417 : i32 to index
        %parallel_loop3A_419 = tpu.vector_load %arg5[%parallel_loop3A_418] {strides = array<i32>} : memref<57600xi32, #tpu.memory_space<vmem>>, vector<16xi32>,
        %parallel_loop3A_420 = vector.bitcast %parallel_loop3A_419 : vector<16xi32> to vector<32xbf16>
        %parallel_loop3A_421 = arith.constant 48 : i32
        %parallel_loop3A_422 = arith.addi %parallel_loop3A_193, %parallel_loop3A_421 : i32
        %parallel_loop3A_423 = arith.index_cast %parallel_loop3A_422 : i32 to index
        %parallel_loop3A_424 = tpu.vector_load %arg5[%parallel_loop3A_423] {strides = array<i32>} : memref<57600xi32, #tpu.memory_space<vmem>>, vector<16xi32>,
        %parallel_loop3A_425 = vector.bitcast %parallel_loop3A_424 : vector<16xi32> to vector<32xbf16>
        %parallel_loop3A_426 = arith.constant 48 : i32
        %parallel_loop3A_427 = arith.addi %parallel_loop3A_199, %parallel_loop3A_426 : i32
        %parallel_loop3A_428 = arith.index_cast %parallel_loop3A_427 : i32 to index
        %parallel_loop3A_429 = tpu.vector_load %arg5[%parallel_loop3A_428] {strides = array<i32>} : memref<57600xi32, #tpu.memory_space<vmem>>, vector<16xi32>,
        %parallel_loop3A_430 = vector.bitcast %parallel_loop3A_429 : vector<16xi32> to vector<32xbf16>
        %parallel_loop3A_431 = arith.constant 48 : i32
        %parallel_loop3A_432 = arith.addi %parallel_loop3A_205, %parallel_loop3A_431 : i32
        %parallel_loop3A_433 = arith.index_cast %parallel_loop3A_432 : i32 to index
        %parallel_loop3A_434 = tpu.vector_load %arg5[%parallel_loop3A_433] {strides = array<i32>} : memref<57600xi32, #tpu.memory_space<vmem>>, vector<16xi32>,
        %parallel_loop3A_435 = vector.bitcast %parallel_loop3A_434 : vector<16xi32> to vector<32xbf16>
        %parallel_loop3A_436 = arith.constant 48 : i32
        %parallel_loop3A_437 = arith.addi %parallel_loop3A_211, %parallel_loop3A_436 : i32
        %parallel_loop3A_438 = arith.index_cast %parallel_loop3A_437 : i32 to index
        %parallel_loop3A_439 = tpu.vector_load %arg5[%parallel_loop3A_438] {strides = array<i32>} : memref<57600xi32, #tpu.memory_space<vmem>>, vector<16xi32>,
        %parallel_loop3A_440 = vector.bitcast %parallel_loop3A_439 : vector<16xi32> to vector<32xbf16>
        %parallel_loop3A_441 = arith.constant 48 : i32
        %parallel_loop3A_442 = arith.addi %parallel_loop3A_217, %parallel_loop3A_441 : i32
        %parallel_loop3A_443 = arith.index_cast %parallel_loop3A_442 : i32 to index
        %parallel_loop3A_444 = tpu.vector_load %arg5[%parallel_loop3A_443] {strides = array<i32>} : memref<57600xi32, #tpu.memory_space<vmem>>, vector<16xi32>,
        %parallel_loop3A_445 = vector.bitcast %parallel_loop3A_444 : vector<16xi32> to vector<32xbf16>
        %parallel_loop3A_446 = arith.addf %parallel_loop3A_405, %parallel_loop3A_410 : vector<32xbf16>
        %parallel_loop3A_447 = arith.addf %parallel_loop3A_415, %parallel_loop3A_420 : vector<32xbf16>
        %parallel_loop3A_448 = arith.addf %parallel_loop3A_425, %parallel_loop3A_430 : vector<32xbf16>
        %parallel_loop3A_449 = arith.addf %parallel_loop3A_435, %parallel_loop3A_440 : vector<32xbf16>
        %parallel_loop3A_450 = arith.addf %parallel_loop3A_446, %parallel_loop3A_447 : vector<32xbf16>
        %parallel_loop3A_451 = arith.addf %parallel_loop3A_448, %parallel_loop3A_449 : vector<32xbf16>
        %parallel_loop3A_452 = arith.addf %parallel_loop3A_450, %parallel_loop3A_451 : vector<32xbf16>
        %parallel_loop3A_453 = arith.addf %parallel_loop3A_452, %parallel_loop3A_445 : vector<32xbf16>
        %parallel_loop3A_454 = tpu.unpack_subelements %parallel_loop3A_453, 0 {pack_format = #tpu.pack_format<interleaved>} : vector<32xbf16> -> vector<16xf32>
        %parallel_loop3A_455 = tpu.unpack_subelements %parallel_loop3A_453, 1 {pack_format = #tpu.pack_format<interleaved>} : vector<32xbf16> -> vector<16xf32>
        %parallel_loop3A_456 = arith.index_cast %parallel_loop3A_156 : i32 to index
        %parallel_loop3A_457 = arith.constant 96 : index
        %parallel_loop3A_458 = tpu.vector_load %arg9[%parallel_loop3A_456, %parallel_loop3A_457] {strides = array<i32>} : memref<32x128xf32, #tpu.memory_space<vmem>>, vector<16xf32>,
        tpu.vector_store %arg9[%parallel_loop3A_456, %parallel_loop3A_457], %parallel_loop3A_454 {strides = array<i32>} : memref<32x128xf32, #tpu.memory_space<vmem>>, vector<16xf32>,
        %parallel_loop3A_459 = arith.index_cast %parallel_loop3A_156 : i32 to index
        %parallel_loop3A_460 = arith.constant 112 : index
        %parallel_loop3A_461 = tpu.vector_load %arg9[%parallel_loop3A_459, %parallel_loop3A_460] {strides = array<i32>} : memref<32x128xf32, #tpu.memory_space<vmem>>, vector<16xf32>,
        tpu.vector_store %arg9[%parallel_loop3A_459, %parallel_loop3A_460], %parallel_loop3A_455 {strides = array<i32>} : memref<32x128xf32, #tpu.memory_space<vmem>>, vector<16xf32>,
      } {sc.loop_unroll_factor = 4 : i64, sc.parallel_access}
      %mul3A_148 = arith.constant 32 : i32
      %mul3A_149 = arith.muli %add3A_125, %mul3A_148 : i32
      %add3A_150 = arith.addi %mul3A_2, %mul3A_149 : i32
      %dma_start3A_151 = arith.constant 0 : i32
      %dma_start3A_152 = tpu.memref_slice %arg4[%add3A_150, %dma_start3A_151] : memref<100000x128xf32, #tpu.memory_space<hbm>> -> memref<32x128xf32, #tpu.memory_space<hbm>>
      %dma_start3A_153 = arith.constant 0 : i32
      %dma_start3A_154 = tpu.memref_slice %arg4[%add3A_150, %dma_start3A_153] : memref<100000x128xf32, #tpu.memory_space<hbm>> -> memref<32x128xf32, #tpu.memory_space<hbm>>
      tpu.enqueue_dma source(%arg9 : memref<32x128xf32, #tpu.memory_space<vmem>>) target(%dma_start3A_154 : memref<32x128xf32, #tpu.memory_space<hbm>>) target_semaphore(%arg11 : memref<!tpu.dma_semaphore, #tpu.memory_space<semaphore_mem>>)
      %while3A_155 = arith.constant 0 : i32
      scf.yield %while3A_155 : i32
    }
    %gt3A = arith.constant 0 : i32
    %gt3A_96 = arith.cmpi sgt, %select_n3A_59, %gt3A : i32
    %convert_element_type3A_97 = arith.extui %gt3A_96 : i1 to i32
    %cond3A_98 = arith.constant 0 : i32
    %cond3A_99 = arith.cmpi ne, %convert_element_type3A_97, %cond3A_98 : i32
    scf.if %cond3A_99 {
      %add3A_120 = arith.constant 0 : i32
      %add3A_121 = arith.addi %mul3A_2, %add3A_120 : i32
      %dma_wait3A = arith.constant 0 : i32
      %dma_wait3A_122 = tpu.memref_slice %arg4[%add3A_121, %dma_wait3A] : memref<100000x128xf32, #tpu.memory_space<hbm>> -> memref<32x128xf32, #tpu.memory_space<hbm>>
      %dma_wait3A_123 = arith.constant 0 : i32
      %dma_wait3A_124 = tpu.memref_slice %arg4[%add3A_121, %dma_wait3A_123] : memref<100000x128xf32, #tpu.memory_space<hbm>> -> memref<32x128xf32, #tpu.memory_space<hbm>>
      tpu.wait_dma2 semaphore(%arg10 : memref<!tpu.dma_semaphore, #tpu.memory_space<semaphore_mem>>) src(%arg8 : memref<32x128xf32, #tpu.memory_space<vmem>>) dst(%dma_wait3A_124 : memref<32x128xf32, #tpu.memory_space<hbm>>)
      %add3A_125 = arith.constant 0 : i32
      %add3A_126 = arith.addi %mul3A_2, %add3A_125 : i32
      %dma_wait3A_127 = arith.constant 0 : i32
      %dma_wait3A_128 = tpu.memref_slice %arg4[%add3A_126, %dma_wait3A_127] : memref<100000x128xf32, #tpu.memory_space<hbm>> -> memref<32x128xf32, #tpu.memory_space<hbm>>
      %dma_wait3A_129 = arith.constant 0 : i32
      %dma_wait3A_130 = tpu.memref_slice %arg4[%add3A_126, %dma_wait3A_129] : memref<100000x128xf32, #tpu.memory_space<hbm>> -> memref<32x128xf32, #tpu.memory_space<hbm>>
      tpu.wait_dma2 semaphore(%arg11 : memref<!tpu.dma_semaphore, #tpu.memory_space<semaphore_mem>>) src(%arg9 : memref<32x128xf32, #tpu.memory_space<vmem>>) dst(%dma_wait3A_130 : memref<32x128xf32, #tpu.memory_space<hbm>>)
    } else {
    }
    %jit3A_100 = arith.constant 2 : i32
    %eq3A_101 = arith.constant 0 : i32
    %eq3A_102 = arith.cmpi eq, %jit3A_100, %eq3A_101 : i32
    %jit3A_103 = arith.constant 1 : i32
    %select_n3A_104 = arith.select %eq3A_102, %jit3A_103, %jit3A_100 : i32
    %rem3A_105 = arith.remsi %select_n3A_35, %select_n3A_104 : i32
    %ne3A_106 = arith.constant 0 : i32
    %ne3A_107 = arith.cmpi ne, %rem3A_105, %ne3A_106 : i32
    %lt3A = arith.constant 0 : i32
    %lt3A_108 = arith.cmpi slt, %rem3A_105, %lt3A : i32
    %lt3A_109 = arith.constant 0 : i32
    %lt3A_110 = arith.cmpi slt, %select_n3A_104, %lt3A_109 : i32
    %ne3A_111 = arith.xori %lt3A_108, %lt3A_110 : i1
    %and3A_112 = arith.andi %ne3A_111, %ne3A_107 : i1
    %add3A_113 = arith.addi %rem3A_105, %select_n3A_104 : i32
    %select_n3A_114 = arith.select %and3A_112, %add3A_113, %rem3A_105 : i32
    %eq3A_115 = arith.constant 1 : i32
    %eq3A_116 = arith.cmpi eq, %select_n3A_114, %eq3A_115 : i32
    %convert_element_type3A_117 = arith.extui %eq3A_116 : i1 to i32
    %cond3A_118 = arith.constant 0 : i32
    %cond3A_119 = arith.cmpi ne, %convert_element_type3A_117, %cond3A_118 : i32
    scf.if %cond3A_119 {
      %sub3A_120 = arith.constant 1 : i32
      %sub3A_121 = arith.subi %select_n3A_35, %sub3A_120 : i32
      %parallel_loop3A_122 = arith.constant 0 : i32
      %parallel_loop3A_123 = arith.constant 32 : i32
      %parallel_loop3A_124 = arith.constant 1 : i32
      scf.for %parallel_loop3A_130 = %parallel_loop3A_122 to %parallel_loop3A_123 step %parallel_loop3A_124  : i32 {
        %parallel_loop3A_131 = arith.constant 32 : i32
        %parallel_loop3A_132 = arith.muli %sub3A_121, %parallel_loop3A_131 : i32
        %parallel_loop3A_133 = arith.addi %parallel_loop3A_132, %parallel_loop3A_130 : i32
        %parallel_loop3A_134 = arith.constant 9 : i32
        %parallel_loop3A_135 = arith.muli %parallel_loop3A_133, %parallel_loop3A_134 : i32
        %parallel_loop3A_136 = arith.index_cast %parallel_loop3A_135 : i32 to index
        %parallel_loop3A_137 = tpu.vector_load %arg7[%parallel_loop3A_136] {strides = array<i32>} : memref<28240xi32, #tpu.memory_space<vmem>>, vector<16xi32>,
        %parallel_loop3A_138 = vector.extract_strided_slice %parallel_loop3A_137 {offsets = [0], sizes = [1], strides = [1]} : vector<16xi32> to vector<1xi32>
        %parallel_loop3A_139 = vector.extract %parallel_loop3A_138[0] : i32 from vector<1xi32>
        %parallel_loop3A_140 = arith.constant 64 : i32
        %parallel_loop3A_141 = arith.muli %parallel_loop3A_139, %parallel_loop3A_140 : i32
        %parallel_loop3A_142 = arith.constant 0 : i32
        %parallel_loop3A_143 = arith.addi %parallel_loop3A_141, %parallel_loop3A_142 : i32
        %parallel_loop3A_144 = vector.extract_strided_slice %parallel_loop3A_137 {offsets = [1], sizes = [1], strides = [1]} : vector<16xi32> to vector<1xi32>
        %parallel_loop3A_145 = vector.extract %parallel_loop3A_144[0] : i32 from vector<1xi32>
        %parallel_loop3A_146 = arith.constant 64 : i32
        %parallel_loop3A_147 = arith.muli %parallel_loop3A_145, %parallel_loop3A_146 : i32
        %parallel_loop3A_148 = arith.constant 6400 : i32
        %parallel_loop3A_149 = arith.addi %parallel_loop3A_147, %parallel_loop3A_148 : i32
        %parallel_loop3A_150 = vector.extract_strided_slice %parallel_loop3A_137 {offsets = [2], sizes = [1], strides = [1]} : vector<16xi32> to vector<1xi32>
        %parallel_loop3A_151 = vector.extract %parallel_loop3A_150[0] : i32 from vector<1xi32>
        %parallel_loop3A_152 = arith.constant 64 : i32
        %parallel_loop3A_153 = arith.muli %parallel_loop3A_151, %parallel_loop3A_152 : i32
        %parallel_loop3A_154 = arith.constant 12800 : i32
        %parallel_loop3A_155 = arith.addi %parallel_loop3A_153, %parallel_loop3A_154 : i32
        %parallel_loop3A_156 = vector.extract_strided_slice %parallel_loop3A_137 {offsets = [3], sizes = [1], strides = [1]} : vector<16xi32> to vector<1xi32>
        %parallel_loop3A_157 = vector.extract %parallel_loop3A_156[0] : i32 from vector<1xi32>
        %parallel_loop3A_158 = arith.constant 64 : i32
        %parallel_loop3A_159 = arith.muli %parallel_loop3A_157, %parallel_loop3A_158 : i32
        %parallel_loop3A_160 = arith.constant 19200 : i32
        %parallel_loop3A_161 = arith.addi %parallel_loop3A_159, %parallel_loop3A_160 : i32
        %parallel_loop3A_162 = vector.extract_strided_slice %parallel_loop3A_137 {offsets = [4], sizes = [1], strides = [1]} : vector<16xi32> to vector<1xi32>
        %parallel_loop3A_163 = vector.extract %parallel_loop3A_162[0] : i32 from vector<1xi32>
        %parallel_loop3A_164 = arith.constant 64 : i32
        %parallel_loop3A_165 = arith.muli %parallel_loop3A_163, %parallel_loop3A_164 : i32
        %parallel_loop3A_166 = arith.constant 25600 : i32
        %parallel_loop3A_167 = arith.addi %parallel_loop3A_165, %parallel_loop3A_166 : i32
        %parallel_loop3A_168 = vector.extract_strided_slice %parallel_loop3A_137 {offsets = [5], sizes = [1], strides = [1]} : vector<16xi32> to vector<1xi32>
        %parallel_loop3A_169 = vector.extract %parallel_loop3A_168[0] : i32 from vector<1xi32>
        %parallel_loop3A_170 = arith.constant 64 : i32
        %parallel_loop3A_171 = arith.muli %parallel_loop3A_169, %parallel_loop3A_170 : i32
        %parallel_loop3A_172 = arith.constant 32000 : i32
        %parallel_loop3A_173 = arith.addi %parallel_loop3A_171, %parallel_loop3A_172 : i32
        %parallel_loop3A_174 = vector.extract_strided_slice %parallel_loop3A_137 {offsets = [6], sizes = [1], strides = [1]} : vector<16xi32> to vector<1xi32>
        %parallel_loop3A_175 = vector.extract %parallel_loop3A_174[0] : i32 from vector<1xi32>
        %parallel_loop3A_176 = arith.constant 64 : i32
        %parallel_loop3A_177 = arith.muli %parallel_loop3A_175, %parallel_loop3A_176 : i32
        %parallel_loop3A_178 = arith.constant 38400 : i32
        %parallel_loop3A_179 = arith.addi %parallel_loop3A_177, %parallel_loop3A_178 : i32
        %parallel_loop3A_180 = vector.extract_strided_slice %parallel_loop3A_137 {offsets = [7], sizes = [1], strides = [1]} : vector<16xi32> to vector<1xi32>
        %parallel_loop3A_181 = vector.extract %parallel_loop3A_180[0] : i32 from vector<1xi32>
        %parallel_loop3A_182 = arith.constant 64 : i32
        %parallel_loop3A_183 = arith.muli %parallel_loop3A_181, %parallel_loop3A_182 : i32
        %parallel_loop3A_184 = arith.constant 44800 : i32
        %parallel_loop3A_185 = arith.addi %parallel_loop3A_183, %parallel_loop3A_184 : i32
        %parallel_loop3A_186 = vector.extract_strided_slice %parallel_loop3A_137 {offsets = [8], sizes = [1], strides = [1]} : vector<16xi32> to vector<1xi32>
        %parallel_loop3A_187 = vector.extract %parallel_loop3A_186[0] : i32 from vector<1xi32>
        %parallel_loop3A_188 = arith.constant 64 : i32
        %parallel_loop3A_189 = arith.muli %parallel_loop3A_187, %parallel_loop3A_188 : i32
        %parallel_loop3A_190 = arith.constant 51200 : i32
        %parallel_loop3A_191 = arith.addi %parallel_loop3A_189, %parallel_loop3A_190 : i32
        %parallel_loop3A_192 = arith.constant 0 : i32
        %parallel_loop3A_193 = arith.addi %parallel_loop3A_143, %parallel_loop3A_192 : i32
        %parallel_loop3A_194 = arith.index_cast %parallel_loop3A_193 : i32 to index
        %parallel_loop3A_195 = tpu.vector_load %arg5[%parallel_loop3A_194] {strides = array<i32>} : memref<57600xi32, #tpu.memory_space<vmem>>, vector<16xi32>,
        %parallel_loop3A_196 = vector.bitcast %parallel_loop3A_195 : vector<16xi32> to vector<32xbf16>
        %parallel_loop3A_197 = arith.constant 0 : i32
        %parallel_loop3A_198 = arith.addi %parallel_loop3A_149, %parallel_loop3A_197 : i32
        %parallel_loop3A_199 = arith.index_cast %parallel_loop3A_198 : i32 to index
        %parallel_loop3A_200 = tpu.vector_load %arg5[%parallel_loop3A_199] {strides = array<i32>} : memref<57600xi32, #tpu.memory_space<vmem>>, vector<16xi32>,
        %parallel_loop3A_201 = vector.bitcast %parallel_loop3A_200 : vector<16xi32> to vector<32xbf16>
        %parallel_loop3A_202 = arith.constant 0 : i32
        %parallel_loop3A_203 = arith.addi %parallel_loop3A_155, %parallel_loop3A_202 : i32
        %parallel_loop3A_204 = arith.index_cast %parallel_loop3A_203 : i32 to index
        %parallel_loop3A_205 = tpu.vector_load %arg5[%parallel_loop3A_204] {strides = array<i32>} : memref<57600xi32, #tpu.memory_space<vmem>>, vector<16xi32>,
        %parallel_loop3A_206 = vector.bitcast %parallel_loop3A_205 : vector<16xi32> to vector<32xbf16>
        %parallel_loop3A_207 = arith.constant 0 : i32
        %parallel_loop3A_208 = arith.addi %parallel_loop3A_161, %parallel_loop3A_207 : i32
        %parallel_loop3A_209 = arith.index_cast %parallel_loop3A_208 : i32 to index
        %parallel_loop3A_210 = tpu.vector_load %arg5[%parallel_loop3A_209] {strides = array<i32>} : memref<57600xi32, #tpu.memory_space<vmem>>, vector<16xi32>,
        %parallel_loop3A_211 = vector.bitcast %parallel_loop3A_210 : vector<16xi32> to vector<32xbf16>
        %parallel_loop3A_212 = arith.constant 0 : i32
        %parallel_loop3A_213 = arith.addi %parallel_loop3A_167, %parallel_loop3A_212 : i32
        %parallel_loop3A_214 = arith.index_cast %parallel_loop3A_213 : i32 to index
        %parallel_loop3A_215 = tpu.vector_load %arg5[%parallel_loop3A_214] {strides = array<i32>} : memref<57600xi32, #tpu.memory_space<vmem>>, vector<16xi32>,
        %parallel_loop3A_216 = vector.bitcast %parallel_loop3A_215 : vector<16xi32> to vector<32xbf16>
        %parallel_loop3A_217 = arith.constant 0 : i32
        %parallel_loop3A_218 = arith.addi %parallel_loop3A_173, %parallel_loop3A_217 : i32
        %parallel_loop3A_219 = arith.index_cast %parallel_loop3A_218 : i32 to index
        %parallel_loop3A_220 = tpu.vector_load %arg5[%parallel_loop3A_219] {strides = array<i32>} : memref<57600xi32, #tpu.memory_space<vmem>>, vector<16xi32>,
        %parallel_loop3A_221 = vector.bitcast %parallel_loop3A_220 : vector<16xi32> to vector<32xbf16>
        %parallel_loop3A_222 = arith.constant 0 : i32
        %parallel_loop3A_223 = arith.addi %parallel_loop3A_179, %parallel_loop3A_222 : i32
        %parallel_loop3A_224 = arith.index_cast %parallel_loop3A_223 : i32 to index
        %parallel_loop3A_225 = tpu.vector_load %arg5[%parallel_loop3A_224] {strides = array<i32>} : memref<57600xi32, #tpu.memory_space<vmem>>, vector<16xi32>,
        %parallel_loop3A_226 = vector.bitcast %parallel_loop3A_225 : vector<16xi32> to vector<32xbf16>
        %parallel_loop3A_227 = arith.constant 0 : i32
        %parallel_loop3A_228 = arith.addi %parallel_loop3A_185, %parallel_loop3A_227 : i32
        %parallel_loop3A_229 = arith.index_cast %parallel_loop3A_228 : i32 to index
        %parallel_loop3A_230 = tpu.vector_load %arg5[%parallel_loop3A_229] {strides = array<i32>} : memref<57600xi32, #tpu.memory_space<vmem>>, vector<16xi32>,
        %parallel_loop3A_231 = vector.bitcast %parallel_loop3A_230 : vector<16xi32> to vector<32xbf16>
        %parallel_loop3A_232 = arith.constant 0 : i32
        %parallel_loop3A_233 = arith.addi %parallel_loop3A_191, %parallel_loop3A_232 : i32
        %parallel_loop3A_234 = arith.index_cast %parallel_loop3A_233 : i32 to index
        %parallel_loop3A_235 = tpu.vector_load %arg5[%parallel_loop3A_234] {strides = array<i32>} : memref<57600xi32, #tpu.memory_space<vmem>>, vector<16xi32>,
        %parallel_loop3A_236 = vector.bitcast %parallel_loop3A_235 : vector<16xi32> to vector<32xbf16>
        %parallel_loop3A_237 = arith.addf %parallel_loop3A_196, %parallel_loop3A_201 : vector<32xbf16>
        %parallel_loop3A_238 = arith.addf %parallel_loop3A_206, %parallel_loop3A_211 : vector<32xbf16>
        %parallel_loop3A_239 = arith.addf %parallel_loop3A_216, %parallel_loop3A_221 : vector<32xbf16>
        %parallel_loop3A_240 = arith.addf %parallel_loop3A_226, %parallel_loop3A_231 : vector<32xbf16>
        %parallel_loop3A_241 = arith.addf %parallel_loop3A_237, %parallel_loop3A_238 : vector<32xbf16>
        %parallel_loop3A_242 = arith.addf %parallel_loop3A_239, %parallel_loop3A_240 : vector<32xbf16>
        %parallel_loop3A_243 = arith.addf %parallel_loop3A_241, %parallel_loop3A_242 : vector<32xbf16>
        %parallel_loop3A_244 = arith.addf %parallel_loop3A_243, %parallel_loop3A_236 : vector<32xbf16>
        %parallel_loop3A_245 = tpu.unpack_subelements %parallel_loop3A_244, 0 {pack_format = #tpu.pack_format<interleaved>} : vector<32xbf16> -> vector<16xf32>
        %parallel_loop3A_246 = tpu.unpack_subelements %parallel_loop3A_244, 1 {pack_format = #tpu.pack_format<interleaved>} : vector<32xbf16> -> vector<16xf32>
        %parallel_loop3A_247 = arith.index_cast %parallel_loop3A_130 : i32 to index
        %parallel_loop3A_248 = arith.constant 0 : index
        %parallel_loop3A_249 = tpu.vector_load %arg8[%parallel_loop3A_247, %parallel_loop3A_248] {strides = array<i32>} : memref<32x128xf32, #tpu.memory_space<vmem>>, vector<16xf32>,
        tpu.vector_store %arg8[%parallel_loop3A_247, %parallel_loop3A_248], %parallel_loop3A_245 {strides = array<i32>} : memref<32x128xf32, #tpu.memory_space<vmem>>, vector<16xf32>,
        %parallel_loop3A_250 = arith.index_cast %parallel_loop3A_130 : i32 to index
        %parallel_loop3A_251 = arith.constant 16 : index
        %parallel_loop3A_252 = tpu.vector_load %arg8[%parallel_loop3A_250, %parallel_loop3A_251] {strides = array<i32>} : memref<32x128xf32, #tpu.memory_space<vmem>>, vector<16xf32>,
        tpu.vector_store %arg8[%parallel_loop3A_250, %parallel_loop3A_251], %parallel_loop3A_246 {strides = array<i32>} : memref<32x128xf32, #tpu.memory_space<vmem>>, vector<16xf32>,
        %parallel_loop3A_253 = arith.constant 16 : i32
        %parallel_loop3A_254 = arith.addi %parallel_loop3A_143, %parallel_loop3A_253 : i32
        %parallel_loop3A_255 = arith.index_cast %parallel_loop3A_254 : i32 to index
        %parallel_loop3A_256 = tpu.vector_load %arg5[%parallel_loop3A_255] {strides = array<i32>} : memref<57600xi32, #tpu.memory_space<vmem>>, vector<16xi32>,
        %parallel_loop3A_257 = vector.bitcast %parallel_loop3A_256 : vector<16xi32> to vector<32xbf16>
        %parallel_loop3A_258 = arith.constant 16 : i32
        %parallel_loop3A_259 = arith.addi %parallel_loop3A_149, %parallel_loop3A_258 : i32
        %parallel_loop3A_260 = arith.index_cast %parallel_loop3A_259 : i32 to index
        %parallel_loop3A_261 = tpu.vector_load %arg5[%parallel_loop3A_260] {strides = array<i32>} : memref<57600xi32, #tpu.memory_space<vmem>>, vector<16xi32>,
        %parallel_loop3A_262 = vector.bitcast %parallel_loop3A_261 : vector<16xi32> to vector<32xbf16>
        %parallel_loop3A_263 = arith.constant 16 : i32
        %parallel_loop3A_264 = arith.addi %parallel_loop3A_155, %parallel_loop3A_263 : i32
        %parallel_loop3A_265 = arith.index_cast %parallel_loop3A_264 : i32 to index
        %parallel_loop3A_266 = tpu.vector_load %arg5[%parallel_loop3A_265] {strides = array<i32>} : memref<57600xi32, #tpu.memory_space<vmem>>, vector<16xi32>,
        %parallel_loop3A_267 = vector.bitcast %parallel_loop3A_266 : vector<16xi32> to vector<32xbf16>
        %parallel_loop3A_268 = arith.constant 16 : i32
        %parallel_loop3A_269 = arith.addi %parallel_loop3A_161, %parallel_loop3A_268 : i32
        %parallel_loop3A_270 = arith.index_cast %parallel_loop3A_269 : i32 to index
        %parallel_loop3A_271 = tpu.vector_load %arg5[%parallel_loop3A_270] {strides = array<i32>} : memref<57600xi32, #tpu.memory_space<vmem>>, vector<16xi32>,
        %parallel_loop3A_272 = vector.bitcast %parallel_loop3A_271 : vector<16xi32> to vector<32xbf16>
        %parallel_loop3A_273 = arith.constant 16 : i32
        %parallel_loop3A_274 = arith.addi %parallel_loop3A_167, %parallel_loop3A_273 : i32
        %parallel_loop3A_275 = arith.index_cast %parallel_loop3A_274 : i32 to index
        %parallel_loop3A_276 = tpu.vector_load %arg5[%parallel_loop3A_275] {strides = array<i32>} : memref<57600xi32, #tpu.memory_space<vmem>>, vector<16xi32>,
        %parallel_loop3A_277 = vector.bitcast %parallel_loop3A_276 : vector<16xi32> to vector<32xbf16>
        %parallel_loop3A_278 = arith.constant 16 : i32
        %parallel_loop3A_279 = arith.addi %parallel_loop3A_173, %parallel_loop3A_278 : i32
        %parallel_loop3A_280 = arith.index_cast %parallel_loop3A_279 : i32 to index
        %parallel_loop3A_281 = tpu.vector_load %arg5[%parallel_loop3A_280] {strides = array<i32>} : memref<57600xi32, #tpu.memory_space<vmem>>, vector<16xi32>,
        %parallel_loop3A_282 = vector.bitcast %parallel_loop3A_281 : vector<16xi32> to vector<32xbf16>
        %parallel_loop3A_283 = arith.constant 16 : i32
        %parallel_loop3A_284 = arith.addi %parallel_loop3A_179, %parallel_loop3A_283 : i32
        %parallel_loop3A_285 = arith.index_cast %parallel_loop3A_284 : i32 to index
        %parallel_loop3A_286 = tpu.vector_load %arg5[%parallel_loop3A_285] {strides = array<i32>} : memref<57600xi32, #tpu.memory_space<vmem>>, vector<16xi32>,
        %parallel_loop3A_287 = vector.bitcast %parallel_loop3A_286 : vector<16xi32> to vector<32xbf16>
        %parallel_loop3A_288 = arith.constant 16 : i32
        %parallel_loop3A_289 = arith.addi %parallel_loop3A_185, %parallel_loop3A_288 : i32
        %parallel_loop3A_290 = arith.index_cast %parallel_loop3A_289 : i32 to index
        %parallel_loop3A_291 = tpu.vector_load %arg5[%parallel_loop3A_290] {strides = array<i32>} : memref<57600xi32, #tpu.memory_space<vmem>>, vector<16xi32>,
        %parallel_loop3A_292 = vector.bitcast %parallel_loop3A_291 : vector<16xi32> to vector<32xbf16>
        %parallel_loop3A_293 = arith.constant 16 : i32
        %parallel_loop3A_294 = arith.addi %parallel_loop3A_191, %parallel_loop3A_293 : i32
        %parallel_loop3A_295 = arith.index_cast %parallel_loop3A_294 : i32 to index
        %parallel_loop3A_296 = tpu.vector_load %arg5[%parallel_loop3A_295] {strides = array<i32>} : memref<57600xi32, #tpu.memory_space<vmem>>, vector<16xi32>,
        %parallel_loop3A_297 = vector.bitcast %parallel_loop3A_296 : vector<16xi32> to vector<32xbf16>
        %parallel_loop3A_298 = arith.addf %parallel_loop3A_257, %parallel_loop3A_262 : vector<32xbf16>
        %parallel_loop3A_299 = arith.addf %parallel_loop3A_267, %parallel_loop3A_272 : vector<32xbf16>
        %parallel_loop3A_300 = arith.addf %parallel_loop3A_277, %parallel_loop3A_282 : vector<32xbf16>
        %parallel_loop3A_301 = arith.addf %parallel_loop3A_287, %parallel_loop3A_292 : vector<32xbf16>
        %parallel_loop3A_302 = arith.addf %parallel_loop3A_298, %parallel_loop3A_299 : vector<32xbf16>
        %parallel_loop3A_303 = arith.addf %parallel_loop3A_300, %parallel_loop3A_301 : vector<32xbf16>
        %parallel_loop3A_304 = arith.addf %parallel_loop3A_302, %parallel_loop3A_303 : vector<32xbf16>
        %parallel_loop3A_305 = arith.addf %parallel_loop3A_304, %parallel_loop3A_297 : vector<32xbf16>
        %parallel_loop3A_306 = tpu.unpack_subelements %parallel_loop3A_305, 0 {pack_format = #tpu.pack_format<interleaved>} : vector<32xbf16> -> vector<16xf32>
        %parallel_loop3A_307 = tpu.unpack_subelements %parallel_loop3A_305, 1 {pack_format = #tpu.pack_format<interleaved>} : vector<32xbf16> -> vector<16xf32>
        %parallel_loop3A_308 = arith.index_cast %parallel_loop3A_130 : i32 to index
        %parallel_loop3A_309 = arith.constant 32 : index
        %parallel_loop3A_310 = tpu.vector_load %arg8[%parallel_loop3A_308, %parallel_loop3A_309] {strides = array<i32>} : memref<32x128xf32, #tpu.memory_space<vmem>>, vector<16xf32>,
        tpu.vector_store %arg8[%parallel_loop3A_308, %parallel_loop3A_309], %parallel_loop3A_306 {strides = array<i32>} : memref<32x128xf32, #tpu.memory_space<vmem>>, vector<16xf32>,
        %parallel_loop3A_311 = arith.index_cast %parallel_loop3A_130 : i32 to index
        %parallel_loop3A_312 = arith.constant 48 : index
        %parallel_loop3A_313 = tpu.vector_load %arg8[%parallel_loop3A_311, %parallel_loop3A_312] {strides = array<i32>} : memref<32x128xf32, #tpu.memory_space<vmem>>, vector<16xf32>,
        tpu.vector_store %arg8[%parallel_loop3A_311, %parallel_loop3A_312], %parallel_loop3A_307 {strides = array<i32>} : memref<32x128xf32, #tpu.memory_space<vmem>>, vector<16xf32>,
        %parallel_loop3A_314 = arith.constant 32 : i32
        %parallel_loop3A_315 = arith.addi %parallel_loop3A_143, %parallel_loop3A_314 : i32
        %parallel_loop3A_316 = arith.index_cast %parallel_loop3A_315 : i32 to index
        %parallel_loop3A_317 = tpu.vector_load %arg5[%parallel_loop3A_316] {strides = array<i32>} : memref<57600xi32, #tpu.memory_space<vmem>>, vector<16xi32>,
        %parallel_loop3A_318 = vector.bitcast %parallel_loop3A_317 : vector<16xi32> to vector<32xbf16>
        %parallel_loop3A_319 = arith.constant 32 : i32
        %parallel_loop3A_320 = arith.addi %parallel_loop3A_149, %parallel_loop3A_319 : i32
        %parallel_loop3A_321 = arith.index_cast %parallel_loop3A_320 : i32 to index
        %parallel_loop3A_322 = tpu.vector_load %arg5[%parallel_loop3A_321] {strides = array<i32>} : memref<57600xi32, #tpu.memory_space<vmem>>, vector<16xi32>,
        %parallel_loop3A_323 = vector.bitcast %parallel_loop3A_322 : vector<16xi32> to vector<32xbf16>
        %parallel_loop3A_324 = arith.constant 32 : i32
        %parallel_loop3A_325 = arith.addi %parallel_loop3A_155, %parallel_loop3A_324 : i32
        %parallel_loop3A_326 = arith.index_cast %parallel_loop3A_325 : i32 to index
        %parallel_loop3A_327 = tpu.vector_load %arg5[%parallel_loop3A_326] {strides = array<i32>} : memref<57600xi32, #tpu.memory_space<vmem>>, vector<16xi32>,
        %parallel_loop3A_328 = vector.bitcast %parallel_loop3A_327 : vector<16xi32> to vector<32xbf16>
        %parallel_loop3A_329 = arith.constant 32 : i32
        %parallel_loop3A_330 = arith.addi %parallel_loop3A_161, %parallel_loop3A_329 : i32
        %parallel_loop3A_331 = arith.index_cast %parallel_loop3A_330 : i32 to index
        %parallel_loop3A_332 = tpu.vector_load %arg5[%parallel_loop3A_331] {strides = array<i32>} : memref<57600xi32, #tpu.memory_space<vmem>>, vector<16xi32>,
        %parallel_loop3A_333 = vector.bitcast %parallel_loop3A_332 : vector<16xi32> to vector<32xbf16>
        %parallel_loop3A_334 = arith.constant 32 : i32
        %parallel_loop3A_335 = arith.addi %parallel_loop3A_167, %parallel_loop3A_334 : i32
        %parallel_loop3A_336 = arith.index_cast %parallel_loop3A_335 : i32 to index
        %parallel_loop3A_337 = tpu.vector_load %arg5[%parallel_loop3A_336] {strides = array<i32>} : memref<57600xi32, #tpu.memory_space<vmem>>, vector<16xi32>,
        %parallel_loop3A_338 = vector.bitcast %parallel_loop3A_337 : vector<16xi32> to vector<32xbf16>
        %parallel_loop3A_339 = arith.constant 32 : i32
        %parallel_loop3A_340 = arith.addi %parallel_loop3A_173, %parallel_loop3A_339 : i32
        %parallel_loop3A_341 = arith.index_cast %parallel_loop3A_340 : i32 to index
        %parallel_loop3A_342 = tpu.vector_load %arg5[%parallel_loop3A_341] {strides = array<i32>} : memref<57600xi32, #tpu.memory_space<vmem>>, vector<16xi32>,
        %parallel_loop3A_343 = vector.bitcast %parallel_loop3A_342 : vector<16xi32> to vector<32xbf16>
        %parallel_loop3A_344 = arith.constant 32 : i32
        %parallel_loop3A_345 = arith.addi %parallel_loop3A_179, %parallel_loop3A_344 : i32
        %parallel_loop3A_346 = arith.index_cast %parallel_loop3A_345 : i32 to index
        %parallel_loop3A_347 = tpu.vector_load %arg5[%parallel_loop3A_346] {strides = array<i32>} : memref<57600xi32, #tpu.memory_space<vmem>>, vector<16xi32>,
        %parallel_loop3A_348 = vector.bitcast %parallel_loop3A_347 : vector<16xi32> to vector<32xbf16>
        %parallel_loop3A_349 = arith.constant 32 : i32
        %parallel_loop3A_350 = arith.addi %parallel_loop3A_185, %parallel_loop3A_349 : i32
        %parallel_loop3A_351 = arith.index_cast %parallel_loop3A_350 : i32 to index
        %parallel_loop3A_352 = tpu.vector_load %arg5[%parallel_loop3A_351] {strides = array<i32>} : memref<57600xi32, #tpu.memory_space<vmem>>, vector<16xi32>,
        %parallel_loop3A_353 = vector.bitcast %parallel_loop3A_352 : vector<16xi32> to vector<32xbf16>
        %parallel_loop3A_354 = arith.constant 32 : i32
        %parallel_loop3A_355 = arith.addi %parallel_loop3A_191, %parallel_loop3A_354 : i32
        %parallel_loop3A_356 = arith.index_cast %parallel_loop3A_355 : i32 to index
        %parallel_loop3A_357 = tpu.vector_load %arg5[%parallel_loop3A_356] {strides = array<i32>} : memref<57600xi32, #tpu.memory_space<vmem>>, vector<16xi32>,
        %parallel_loop3A_358 = vector.bitcast %parallel_loop3A_357 : vector<16xi32> to vector<32xbf16>
        %parallel_loop3A_359 = arith.addf %parallel_loop3A_318, %parallel_loop3A_323 : vector<32xbf16>
        %parallel_loop3A_360 = arith.addf %parallel_loop3A_328, %parallel_loop3A_333 : vector<32xbf16>
        %parallel_loop3A_361 = arith.addf %parallel_loop3A_338, %parallel_loop3A_343 : vector<32xbf16>
        %parallel_loop3A_362 = arith.addf %parallel_loop3A_348, %parallel_loop3A_353 : vector<32xbf16>
        %parallel_loop3A_363 = arith.addf %parallel_loop3A_359, %parallel_loop3A_360 : vector<32xbf16>
        %parallel_loop3A_364 = arith.addf %parallel_loop3A_361, %parallel_loop3A_362 : vector<32xbf16>
        %parallel_loop3A_365 = arith.addf %parallel_loop3A_363, %parallel_loop3A_364 : vector<32xbf16>
        %parallel_loop3A_366 = arith.addf %parallel_loop3A_365, %parallel_loop3A_358 : vector<32xbf16>
        %parallel_loop3A_367 = tpu.unpack_subelements %parallel_loop3A_366, 0 {pack_format = #tpu.pack_format<interleaved>} : vector<32xbf16> -> vector<16xf32>
        %parallel_loop3A_368 = tpu.unpack_subelements %parallel_loop3A_366, 1 {pack_format = #tpu.pack_format<interleaved>} : vector<32xbf16> -> vector<16xf32>
        %parallel_loop3A_369 = arith.index_cast %parallel_loop3A_130 : i32 to index
        %parallel_loop3A_370 = arith.constant 64 : index
        %parallel_loop3A_371 = tpu.vector_load %arg8[%parallel_loop3A_369, %parallel_loop3A_370] {strides = array<i32>} : memref<32x128xf32, #tpu.memory_space<vmem>>, vector<16xf32>,
        tpu.vector_store %arg8[%parallel_loop3A_369, %parallel_loop3A_370], %parallel_loop3A_367 {strides = array<i32>} : memref<32x128xf32, #tpu.memory_space<vmem>>, vector<16xf32>,
        %parallel_loop3A_372 = arith.index_cast %parallel_loop3A_130 : i32 to index
        %parallel_loop3A_373 = arith.constant 80 : index
        %parallel_loop3A_374 = tpu.vector_load %arg8[%parallel_loop3A_372, %parallel_loop3A_373] {strides = array<i32>} : memref<32x128xf32, #tpu.memory_space<vmem>>, vector<16xf32>,
        tpu.vector_store %arg8[%parallel_loop3A_372, %parallel_loop3A_373], %parallel_loop3A_368 {strides = array<i32>} : memref<32x128xf32, #tpu.memory_space<vmem>>, vector<16xf32>,
        %parallel_loop3A_375 = arith.constant 48 : i32
        %parallel_loop3A_376 = arith.addi %parallel_loop3A_143, %parallel_loop3A_375 : i32
        %parallel_loop3A_377 = arith.index_cast %parallel_loop3A_376 : i32 to index
        %parallel_loop3A_378 = tpu.vector_load %arg5[%parallel_loop3A_377] {strides = array<i32>} : memref<57600xi32, #tpu.memory_space<vmem>>, vector<16xi32>,
        %parallel_loop3A_379 = vector.bitcast %parallel_loop3A_378 : vector<16xi32> to vector<32xbf16>
        %parallel_loop3A_380 = arith.constant 48 : i32
        %parallel_loop3A_381 = arith.addi %parallel_loop3A_149, %parallel_loop3A_380 : i32
        %parallel_loop3A_382 = arith.index_cast %parallel_loop3A_381 : i32 to index
        %parallel_loop3A_383 = tpu.vector_load %arg5[%parallel_loop3A_382] {strides = array<i32>} : memref<57600xi32, #tpu.memory_space<vmem>>, vector<16xi32>,
        %parallel_loop3A_384 = vector.bitcast %parallel_loop3A_383 : vector<16xi32> to vector<32xbf16>
        %parallel_loop3A_385 = arith.constant 48 : i32
        %parallel_loop3A_386 = arith.addi %parallel_loop3A_155, %parallel_loop3A_385 : i32
        %parallel_loop3A_387 = arith.index_cast %parallel_loop3A_386 : i32 to index
        %parallel_loop3A_388 = tpu.vector_load %arg5[%parallel_loop3A_387] {strides = array<i32>} : memref<57600xi32, #tpu.memory_space<vmem>>, vector<16xi32>,
        %parallel_loop3A_389 = vector.bitcast %parallel_loop3A_388 : vector<16xi32> to vector<32xbf16>
        %parallel_loop3A_390 = arith.constant 48 : i32
        %parallel_loop3A_391 = arith.addi %parallel_loop3A_161, %parallel_loop3A_390 : i32
        %parallel_loop3A_392 = arith.index_cast %parallel_loop3A_391 : i32 to index
        %parallel_loop3A_393 = tpu.vector_load %arg5[%parallel_loop3A_392] {strides = array<i32>} : memref<57600xi32, #tpu.memory_space<vmem>>, vector<16xi32>,
        %parallel_loop3A_394 = vector.bitcast %parallel_loop3A_393 : vector<16xi32> to vector<32xbf16>
        %parallel_loop3A_395 = arith.constant 48 : i32
        %parallel_loop3A_396 = arith.addi %parallel_loop3A_167, %parallel_loop3A_395 : i32
        %parallel_loop3A_397 = arith.index_cast %parallel_loop3A_396 : i32 to index
        %parallel_loop3A_398 = tpu.vector_load %arg5[%parallel_loop3A_397] {strides = array<i32>} : memref<57600xi32, #tpu.memory_space<vmem>>, vector<16xi32>,
        %parallel_loop3A_399 = vector.bitcast %parallel_loop3A_398 : vector<16xi32> to vector<32xbf16>
        %parallel_loop3A_400 = arith.constant 48 : i32
        %parallel_loop3A_401 = arith.addi %parallel_loop3A_173, %parallel_loop3A_400 : i32
        %parallel_loop3A_402 = arith.index_cast %parallel_loop3A_401 : i32 to index
        %parallel_loop3A_403 = tpu.vector_load %arg5[%parallel_loop3A_402] {strides = array<i32>} : memref<57600xi32, #tpu.memory_space<vmem>>, vector<16xi32>,
        %parallel_loop3A_404 = vector.bitcast %parallel_loop3A_403 : vector<16xi32> to vector<32xbf16>
        %parallel_loop3A_405 = arith.constant 48 : i32
        %parallel_loop3A_406 = arith.addi %parallel_loop3A_179, %parallel_loop3A_405 : i32
        %parallel_loop3A_407 = arith.index_cast %parallel_loop3A_406 : i32 to index
        %parallel_loop3A_408 = tpu.vector_load %arg5[%parallel_loop3A_407] {strides = array<i32>} : memref<57600xi32, #tpu.memory_space<vmem>>, vector<16xi32>,
        %parallel_loop3A_409 = vector.bitcast %parallel_loop3A_408 : vector<16xi32> to vector<32xbf16>
        %parallel_loop3A_410 = arith.constant 48 : i32
        %parallel_loop3A_411 = arith.addi %parallel_loop3A_185, %parallel_loop3A_410 : i32
        %parallel_loop3A_412 = arith.index_cast %parallel_loop3A_411 : i32 to index
        %parallel_loop3A_413 = tpu.vector_load %arg5[%parallel_loop3A_412] {strides = array<i32>} : memref<57600xi32, #tpu.memory_space<vmem>>, vector<16xi32>,
        %parallel_loop3A_414 = vector.bitcast %parallel_loop3A_413 : vector<16xi32> to vector<32xbf16>
        %parallel_loop3A_415 = arith.constant 48 : i32
        %parallel_loop3A_416 = arith.addi %parallel_loop3A_191, %parallel_loop3A_415 : i32
        %parallel_loop3A_417 = arith.index_cast %parallel_loop3A_416 : i32 to index
        %parallel_loop3A_418 = tpu.vector_load %arg5[%parallel_loop3A_417] {strides = array<i32>} : memref<57600xi32, #tpu.memory_space<vmem>>, vector<16xi32>,
        %parallel_loop3A_419 = vector.bitcast %parallel_loop3A_418 : vector<16xi32> to vector<32xbf16>
        %parallel_loop3A_420 = arith.addf %parallel_loop3A_379, %parallel_loop3A_384 : vector<32xbf16>
        %parallel_loop3A_421 = arith.addf %parallel_loop3A_389, %parallel_loop3A_394 : vector<32xbf16>
        %parallel_loop3A_422 = arith.addf %parallel_loop3A_399, %parallel_loop3A_404 : vector<32xbf16>
        %parallel_loop3A_423 = arith.addf %parallel_loop3A_409, %parallel_loop3A_414 : vector<32xbf16>
        %parallel_loop3A_424 = arith.addf %parallel_loop3A_420, %parallel_loop3A_421 : vector<32xbf16>
        %parallel_loop3A_425 = arith.addf %parallel_loop3A_422, %parallel_loop3A_423 : vector<32xbf16>
        %parallel_loop3A_426 = arith.addf %parallel_loop3A_424, %parallel_loop3A_425 : vector<32xbf16>
        %parallel_loop3A_427 = arith.addf %parallel_loop3A_426, %parallel_loop3A_419 : vector<32xbf16>
        %parallel_loop3A_428 = tpu.unpack_subelements %parallel_loop3A_427, 0 {pack_format = #tpu.pack_format<interleaved>} : vector<32xbf16> -> vector<16xf32>
        %parallel_loop3A_429 = tpu.unpack_subelements %parallel_loop3A_427, 1 {pack_format = #tpu.pack_format<interleaved>} : vector<32xbf16> -> vector<16xf32>
        %parallel_loop3A_430 = arith.index_cast %parallel_loop3A_130 : i32 to index
        %parallel_loop3A_431 = arith.constant 96 : index
        %parallel_loop3A_432 = tpu.vector_load %arg8[%parallel_loop3A_430, %parallel_loop3A_431] {strides = array<i32>} : memref<32x128xf32, #tpu.memory_space<vmem>>, vector<16xf32>,
        tpu.vector_store %arg8[%parallel_loop3A_430, %parallel_loop3A_431], %parallel_loop3A_428 {strides = array<i32>} : memref<32x128xf32, #tpu.memory_space<vmem>>, vector<16xf32>,
        %parallel_loop3A_433 = arith.index_cast %parallel_loop3A_130 : i32 to index
        %parallel_loop3A_434 = arith.constant 112 : index
        %parallel_loop3A_435 = tpu.vector_load %arg8[%parallel_loop3A_433, %parallel_loop3A_434] {strides = array<i32>} : memref<32x128xf32, #tpu.memory_space<vmem>>, vector<16xf32>,
        tpu.vector_store %arg8[%parallel_loop3A_433, %parallel_loop3A_434], %parallel_loop3A_429 {strides = array<i32>} : memref<32x128xf32, #tpu.memory_space<vmem>>, vector<16xf32>,
      } {sc.loop_unroll_factor = 4 : i64, sc.parallel_access}
      %sub3A_125 = arith.constant 1 : i32
      %sub3A_126 = arith.subi %select_n3A_35, %sub3A_125 : i32
      %mul3A_127 = arith.constant 32 : i32
      %mul3A_128 = arith.muli %sub3A_126, %mul3A_127 : i32
      %add3A_129 = arith.addi %mul3A_2, %mul3A_128 : i32
      "tpu.region"() ({
        %run_scoped3A = tpu.sem_alloc : memref<!tpu.dma_semaphore, #tpu.memory_space<semaphore_mem>>
        %dma_start3A = arith.constant 0 : i32
        %dma_start3A_130 = tpu.memref_slice %arg4[%add3A_129, %dma_start3A] : memref<100000x128xf32, #tpu.memory_space<hbm>> -> memref<32x128xf32, #tpu.memory_space<hbm>>
        %dma_start3A_131 = arith.constant 0 : i32
        %dma_start3A_132 = tpu.memref_slice %arg4[%add3A_129, %dma_start3A_131] : memref<100000x128xf32, #tpu.memory_space<hbm>> -> memref<32x128xf32, #tpu.memory_space<hbm>>
        tpu.enqueue_dma source(%arg8 : memref<32x128xf32, #tpu.memory_space<vmem>>) target(%dma_start3A_132 : memref<32x128xf32, #tpu.memory_space<hbm>>) target_semaphore(%run_scoped3A : memref<!tpu.dma_semaphore, #tpu.memory_space<semaphore_mem>>)
        %dma_wait3A = arith.constant 0 : i32
        %dma_wait3A_133 = tpu.memref_slice %arg4[%add3A_129, %dma_wait3A] : memref<100000x128xf32, #tpu.memory_space<hbm>> -> memref<32x128xf32, #tpu.memory_space<hbm>>
        %dma_wait3A_134 = arith.constant 0 : i32
        %dma_wait3A_135 = tpu.memref_slice %arg4[%add3A_129, %dma_wait3A_134] : memref<100000x128xf32, #tpu.memory_space<hbm>> -> memref<32x128xf32, #tpu.memory_space<hbm>>
        tpu.wait_dma2 semaphore(%run_scoped3A : memref<!tpu.dma_semaphore, #tpu.memory_space<semaphore_mem>>) src(%arg8 : memref<32x128xf32, #tpu.memory_space<vmem>>) dst(%dma_wait3A_135 : memref<32x128xf32, #tpu.memory_space<hbm>>)
        tpu.yield
      }) : () -> ()
    } else {
    }
    return
  }
}

</mosaic_0001>

<sc_bundles>
// kernel: kernel.3.cloned.1.call-start
scs
__scs_entry_jumppad:
0x0: {  	(pc) =	sbr.rel $0x88, $3  }
0x1: {  	(tag) =	ssettag $0x0;
	lr =	simm.s32 $0x1  }
0x2: {  	[smem:$0x3F9F] =	sst lr;
	_ =	strace $0xD0000000  }
0x3: {  	_ = 	snop  }
0x4: {  	_ = 	snop  }
0x5: {  	_ = 	snop  }
0x6: {  	_ = 	snop  }
0x7: {  	_ = 	snop  }
__scs_overlays_trampoline_lowered:
0x8: {  	[smem:$0x3FAE] =	sst s0  }
0x9: {  	[smem:$0x3FAF] =	sst s1  }
0xa: {  	[smem:$0x3FB0] =	sst s2  }
0xb: {  	[smem:$0x3FB1] =	sst s3  }
0xc: {  	[smem:$0x3FB2] =	sst s4  }
0xd: {  	[smem:$0x3FB3] =	sst s5  }
0xe: {  	[smem:$0x3FB4] =	sst s6  }
0xf: {  	[smem:$0x3FB5] =	sst s7  }
0x10: {  	[smem:$0x3FB6] =	sst s8  }
0x11: {  	[smem:$0x3FB7] =	sst s9;
	s0 =	simm.s32 @!p0 $0x0  }
0x12: {  	s1 =	sld [smem:$0x3F9D];
	s0 =	simm.s32 @p0 $0x1  }
0x13: {  	[smem:$0x3FB8] =	sst s0;
	s0 =	simm.s32 @!p1 $0x0  }
0x14: {  	s2 =	sld [smem:$0x3F9C];
	s0 =	simm.s32 @p1 $0x1  }
0x15: {  	[smem:$0x3FB9] =	sst s0;
	s0 =	simm.s32 @!p2 $0x0  }
0x16: {  	s3 =	sld [smem:$0x3FDB];
	s0 =	simm.s32 @p2 $0x1  }
0x17: {  	s4 =	simm.s32 $0x1BF5;
	[smem:$0x3FBB] =	sst s0  }
0x18: {  	s0 =	sld [smem:$0x3F9E];
	_ =	swait.ge [sflag:s4], $0x0  }
0x19: {  	s7 =	sld [smem:$0x3F9F]  }
0x1a: {  	s8 =	sadd.s32 $0xFFFFE003, lr  }
0x1b: {  	s9 =	sadd.s32 $0xFFFFFEF7, lr;
	s5 =	simm.s32 $0xFFFFFFFF;
	p2 =	slt.u32 s8, $0xFFFFF086  }
0x1c: {  	p1 =	slt.u32 s9, $0xF7A;
	s5 =	simm.s32 @!p2 $0x0  }
0x1d: {  	s5 =	simm.s32 @p1 $0x1;
	p0 =	seq.s32 s7, s2  }
0x1e: {  	s7 =	smul.u32 @!p0 $0xF7A, s2;
	p2 =	seq.s32 @!p0 s5, $0x0  }
0x1f: {  	s9 =	smul.u32 $0xF7A, s1;
	s8 =	simm.s32 @!p0 $0x1BF5;
	p2 =	por !p2, p0  }
0x20: {  	[sflag:s8] =	ssyncset.s32 @!p0 $0xFFFFF086;
	s6 =	sadd.s32 @!p0 s3, s7;
	s7 =	simm.s32 @!p0 $0x108  }
0x21: {  	s3 =	sadd.s32 s3, s9;
	s6 =	sadd.s32 @!p0 $0x88, s6;
	s7 =	simm.s32 @p2 $0x1082  }
0x22: {  	[simem:s7], [sflag:s8] =	dma.local @!p0 [hbm:s6], $0xF7A  }
0x23: {  	s9 =	sor.u32 $0xD0000000, s2;
	s6 =	simm.s32 $0x108;
	_ =	swait.ge @!p0 [sflag:s8], $0x0  }
0x24: {  	s3 =	sadd.s32 $0x88, s3;
	s6 =	simm.s32 @!p1 $0x1082;
	[sflag:s4] =	ssyncset.s32 $0xFFFFF086  }
0x25: {  	[simem:s6], [sflag:s4] =	dma.local [hbm:s3], $0xF7A  }
0x26: {  	[smem:$0x3F9F] =	sst s1;
	(tag) =	ssettag s2;
	_ =	strace s9  }
0x27: {  	s1 =	sld [smem:$0x3FAF]  }
0x28: {  	s2 =	sld [smem:$0x3FB0]  }
0x29: {  	s4 =	sld [smem:$0x3FB2]  }
0x2a: {  	p0 =	seq.s32 s5, $0x0;
	s5 =	sld [smem:$0x3FB3]  }
0x2b: {  	s6 =	sld [smem:$0x3FB4]  }
0x2c: {  	s7 =	sld [smem:$0x3FB5]  }
0x2d: {  	s3 =	simm.s32 $0x108;
	s8 =	sld [smem:$0x3FB6]  }
0x2e: {  	s3 =	simm.s32 @!p0 $0x1082;
	s9 =	sld [smem:$0x3FB7]  }
0x2f: {  	lr =	sadd.s32 s0, s3;
	s0 =	sld [smem:$0x3FAE]  }
0x30: {  	s3 =	sld [smem:$0x3FB1]  }
0x31: {  	[smem:$0x3FBA] =	sst s10  }
0x32: {  	s10 =	sld [smem:$0x3FB8];
	_ =	sdelay $0x3  }
0x33: {  	p0 =	seq.s32 s10, $0x1;
	s10 =	sld [smem:$0x3FBA];
	_ =	sdelay $0x3  }
0x34: {  	[smem:$0x3FBA] =	sst s10  }
0x35: {  	s10 =	sld [smem:$0x3FB9];
	_ =	sdelay $0x3  }
0x36: {  	p1 =	seq.s32 s10, $0x1;
	s10 =	sld [smem:$0x3FBA];
	_ =	sdelay $0x3  }
0x37: {  	[smem:$0x3FBA] =	sst s10  }
0x38: {  	s10 =	sld [smem:$0x3FBB]  }
0x39: {  	_ = 	snop;
	(pc) =	sbr.ind lr, $3  }
0x3a: {  	_ = 	snop  }
0x3b: {  	_ = 	snop  }
0x3c: {  	p2 =	seq.s32 s10, $0x1;
	s10 =	sld [smem:$0x3FBA]  }
0x3d: {  	_ =	shalt  }
0x3e: {  	_ =	shalt  }
0x3f: {  	_ =	shalt  }
0x40: {  	_ =	shalt  }
0x41: {  	_ =	shalt  }
0x42: {  	_ =	shalt  }
0x43: {  	_ =	shalt  }
0x44: {  	_ =	shalt  }
0x45: {  	_ =	shalt  }
0x46: {  	_ =	shalt  }
0x47: {  	_ =	shalt  }
0x48: {  	_ =	shalt  }
0x49: {  	_ =	shalt  }
0x4a: {  	_ =	shalt  }
0x4b: {  	_ =	shalt  }
0x4c: {  	_ =	shalt  }
0x4d: {  	_ =	shalt  }
0x4e: {  	_ =	shalt  }
0x4f: {  	_ =	shalt  }
0x50: {  	_ =	shalt  }
0x51: {  	_ =	shalt  }
0x52: {  	_ =	shalt  }
0x53: {  	_ =	shalt  }
0x54: {  	_ =	shalt  }
0x55: {  	_ =	shalt  }
0x56: {  	_ =	shalt  }
0x57: {  	_ =	shalt  }
0x58: {  	_ =	shalt  }
0x59: {  	_ =	shalt  }
0x5a: {  	_ =	shalt  }
0x5b: {  	_ =	shalt  }
0x5c: {  	_ =	shalt  }
0x5d: {  	_ =	shalt  }
0x5e: {  	_ =	shalt  }
0x5f: {  	_ =	shalt  }
0x60: {  	_ =	shalt  }
0x61: {  	_ =	shalt  }
0x62: {  	_ =	shalt  }
0x63: {  	_ =	shalt  }
0x64: {  	_ =	shalt  }
0x65: {  	_ =	shalt  }
0x66: {  	_ =	shalt  }
0x67: {  	_ =	shalt  }
0x68: {  	_ =	shalt  }
0x69: {  	_ =	shalt  }
0x6a: {  	_ =	shalt  }
0x6b: {  	_ =	shalt  }
0x6c: {  	_ =	shalt  }
0x6d: {  	_ =	shalt  }
0x6e: {  	_ =	shalt  }
0x6f: {  	_ =	shalt  }
0x70: {  	_ =	shalt  }
0x71: {  	_ =	shalt  }
0x72: {  	_ =	shalt  }
0x73: {  	_ =	shalt  }
0x74: {  	_ =	shalt  }
0x75: {  	_ =	shalt  }
0x76: {  	_ =	shalt  }
0x77: {  	_ =	shalt  }
0x78: {  	_ =	shalt  }
0x79: {  	_ =	shalt  }
0x7a: {  	_ =	shalt  }
0x7b: {  	_ =	shalt  }
0x7c: {  	_ =	shalt  }
0x7d: {  	_ =	shalt  }
0x7e: {  	_ =	shalt  }
0x7f: {  	_ =	shalt  }
0x80: {  	_ =	shalt  }
0x81: {  	_ =	shalt  }
0x82: {  	_ =	shalt  }
0x83: {  	_ =	shalt  }
0x84: {  	_ =	shalt  }
0x85: {  	_ =	shalt  }
0x86: {  	_ =	shalt  }
0x87: {  	_ =	shalt  }
.Lfunc_end0:
.L_simem_size_0:
called_computation_lowered:
.L_overlay_start_0:
0x88: {  	s2 =	sld [smem:$0x3FD9]  }
0x89: {  	s3 =	sld [smem:$0x3FFE];
	_ =	sdelay $0x1  }
0x8a: {  	s1 =	srdreg.scid  }
0x8b: {  	s0 =	sand.u32 $0x1, s1  }
0x8c: {  	s17 =	sshll.u32 s0, $0xA;
	s2 =	sadd.s32 s3, s2  }
0x8d: {  	s2 =	sadd.s32 s2, s17  }
0x8e: {  	[smem:$0x3FC6] =	sst s2  }
0x8f: {  	_ = 	snop  }
0x90: {  	s2 =	sld [smem:$0x3FD0];
	(tm) =	ssettm $0x1  }
0x91: {  	s18 =	sld [smem:$0x3FFB];
	_ =	sdelay $0x3  }
0x92: {  	_ =	strace s18  }
0x93: {  	s3 =	sld [smem:$0x3FFC];
	_ =	sdelay $0x3  }
0x94: {  	_ =	strace s3  }
0x95: {  	s3 =	sld [smem:$0x3FFD];
	_ =	sdelay $0x3  }
0x96: {  	_ =	strace s3  }
0x97: {  	_ =	strace $0x8FFFFFFF  }
0x98: {  	s19 =	sld [smem:$0x3FDB];
	_ =	sdelay $0x1  }
0x99: {  	s4 =	simm.s32 $_scs_section_size  }
0x9a: {  	s5 =	simm.s32 $_size__tile_overlayer_lowered;
	s6 =	simm.s32 $_tile_overlayer_lowered  }
0x9b: {  	s22 =	simm.s32 $0x1BFF;
	s21 =	sshll.u32 s6, $0x1;
	s3 =	sadd.s32 s4, s19  }
0x9c: {  	s7 =	simm.s32 $0x0;
	s20 =	sshll.u32 s5, $0x1;
	s5 =	sadd.s32 s21, s3  }
0x9d: {  	[timem:s7], [sflag:s22] =	dma.local [hbm:s5], s20  }
0x9e: {  	_ =	swait.ge [sflag:s22], s20  }
0x9f: {  	s4 =	ssub.s32 $0x0, s20;
	[sflag:s22] =	ssyncset.done $0x0  }
0xa0: {  	[sflag:s22] =	ssyncadd.s32 s4;
	_ =	sdelay $0x1  }
0xa1: {  	s23 =	simm.s32 $0x1B8B  }
0xa2: {  	_ =	swait.ge [sflag:s23], $0x1  }
0xa3: {  	[sflag:s23] =	ssyncset.done $0x0  }
0xa4: {  	s25 =	simm.s32 $0x1B8E;
	s24 =	sld [smem:$0x3FFE];
	[sflag:s23] =	ssyncadd.s32 $0xFFFFFFFF  }
0xa5: {  	s26 =	simm.s32 $execute0_lowered;
	[smem:$0x3FD2] =	sst s25  }
0xa6: {  	s5 =	sshll.u32 s26, $0x1;
	_ =	strace $0x80000046;
	[dreg:$0x1] =	wrdreg $0xFFFFFFFF  }
0xa7: {  	s28 =	simm.s32 $_size_execute0_lowered;
	s3 =	sadd.s32 s3, s5;
	[dreg:$0x0] =	wrdreg $0x0  }
0xa8: {  	s5 =	sshll.u32 s28, $0x1;
	[dreg:$0x2] =	wrdreg s3  }
0xa9: {  	[dreg:$0x3] =	wrdreg s5  }
0xaa: {  	[dreg:$0x4] =	wrdreg $0xC0  }
0xab: {  	_ =	task [dreg:s7], $0x5FFFF  }
0xac: {  	[dreg:$0x1] =	wrdreg $0xFFFFFFFF  }
0xad: {  	[dreg:$0x0] =	wrdreg $0x60  }
0xae: {  	[dreg:$0x2] =	wrdreg s24  }
0xaf: {  	[dreg:$0x3] =	wrdreg s2  }
0xb0: {  	[dreg:$0x4] =	wrdreg $0x9  }
0xb1: {  	_ =	task.clear_ibuf [dreg:s7], $0x5FFFF;
	_ =	strace $0x90000046  }
0xb2: {  	s29 =	simm.s32 $0x9;
	_ =	strace $0x80000048  }
0xb3: {  	_ =	swait.ge [sflag:s29], $0x1  }
0xb4: {  	[sflag:s29] =	ssyncadd.s32 $0xFFFFFFFF  }
0xb5: {  	_ =	strace $0x90000048  }
0xb6: {  	_ =	sfence  }
0xb7: {  	s30 =	sld [smem:$0x0];
	_ =	sdelay $0x2  }
0xb8: {  	s31 =	sshll.u32 s1, $0xD;
	s1 =	sshrl.u32 s1, $0x2  }
0xb9: {  	s3 =	sand.u32 $0x4000, s31;
	s1 =	sadd.s32 s1, s30  }
0xba: {  	s0 =	sor.u32 s3, s0;
	s1 =	sshll.u32 s1, $0x11  }
0xbb: {  	s0 =	sor.u32 s1, s0  }
0xbc: {  	s0 =	sadd.s32 $0x8F2B, s0  }
0xbd: {  	[sflag:s0] =	ssyncadd.remote.s32 $0x1  }
0xbe: {  	_ =	sfence.sel $0xFFFF  }
0xbf: {  	[dreg:$0x0] =	wrdreg $0xFFFFFFFF;
	(pc) =	sbr.abs _section_cstart, $3  }
0xc0: {  	[dreg:$0x1] =	wrdreg $0xFFFFFFFF  }
0xc1: {  	_ =	task.clear_ibuf [dreg:s7], $0x2FFFF;
	_ =	strace $0x9FFFFFFF  }
0xc2: {  	(tm) =	ssettm $0x7FFFFFFF  }
0xc3: {  	_ =	shalt  }
tec
execute0_lowered:
.L_overlay_start_1:
0x0: {  	(tag) =	ssettag $0x1  }
0x1: {  	s0 =	srdreg.scid;
	s1 =	rddreg [dreg:$0x0];
	s4 =	simm.s32 $0x0  }
0x2: {  	s2 =	stileid.u32;
	[smem:$0x7FF] =	sst s4;
	s12 =	sadd.s32 $0x200, s1  }
0x3: {  	s22 =	sadd.s32 $0x4F78, s1;
	_ =	strace $0x80000047;
	[smem:$0x7E9] =	sst s12  }
0x4: {  	s0 =	sand.u32 $0x1, s0;
	s23 =	sadd.s32 $0x804C, s1;
	[smem:$0x7F3] =	sst s22  }
0x5: {  	s2 =	sshll.u32 s2, $0x1;
	s24 =	sadd.s32 $0xB120, s1;
	[smem:$0x7F4] =	sst s23  }
0x6: {  	s25 =	sadd.s32 $0xE1F4, s1;
	s26 =	sadd.s32 $0x112C8, s1;
	[smem:$0x7F5] =	sst s24  }
0x7: {  	s28 =	sadd.s32 $0x1439C, s1;
	s29 =	sadd.s32 $0x17470, s1;
	[smem:$0x7F6] =	sst s25  }
0x8: {  	s30 =	sadd.s32 $0x1A544, s1;
	s2 =	sor.u32 s0, s2;
	[smem:$0x7F7] =	sst s26  }
0x9: {  	s0 =	ssub.s32 $0x2, s0;
	[smem:$0x7F8] =	sst s28;
	s3 =	smul.u32 $0xC40, s2  }
0xa: {  	[smem:$0x7F9] =	sst s29;
	s13 =	sshrl.u32 s0, $0x1;
	s31 =	smul.u32 $0x62000, s2  }
0xb: {  	[smem:$0x7FA] =	sst s30;
	s0 =	ssub.s32 s0, s13  }
0xc: {  	s3 =	sshrl.u32 s3, $0x3;
	[smem:$0x7FC] =	sst s31;
	s0 =	smax.u32 s0, $0x1  }
0xd: {  	s3 =	sadd.s32 s3, s1;
	s1 =	sadd.s32 $0x1D618, s1;
	[smem:$0x7FD] =	sst s0  }
0xe: {  	s14 =	sadd.s32 $0x2000, s3;
	[smem:$0x7FB] =	sst s1  }
0xf: {  	s15 =	sadd.s32 $0x50D4, s3;
	[smem:$0x7EA] =	sst s14  }
0x10: {  	s16 =	sadd.s32 $0x81A8, s3;
	[smem:$0x7EB] =	sst s15  }
0x11: {  	s17 =	sadd.s32 $0xB27C, s3;
	[smem:$0x7EC] =	sst s16  }
0x12: {  	s18 =	sadd.s32 $0xE350, s3;
	[smem:$0x7ED] =	sst s17  }
.Ltmp0:
0x13: {  	s19 =	sadd.s32 $0x11424, s3;
	[smem:$0x7EE] =	sst s18;
	(pc) =	sbr.rel .LBB2_1-.Ltmp0, $4  }
0x14: {  	s20 =	sadd.s32 $0x144F8, s3;
	[smem:$0x7EF] =	sst s19  }
0x15: {  	s21 =	sadd.s32 $0x175CC, s3;
	[smem:$0x7F0] =	sst s20  }
0x16: {  	v0 =	vlaneseq.u32;
	s4 =	simm.s32 $0x0;
	s3 =	sadd.s32 $0x1A6A0, s3;
	[smem:$0x7F1] =	sst s21  }
0x17: {  	v0 =	vmul.u32 $0x9, v0;
	p0 =	seq.s32 s2, $0x1F;
	[smem:$0x7F2] =	sst s3;
	s14 =	simm.s32 $0x14F80  }
.LBB2_21:
0x18: {  	s0 =	sld [smem:$0x7FD];
	_ =	sdelay $0x1  }
0x19: {  	s4 =	sadd.s32 $0x1, s4  }
0x1a: {  	p1 =	sne.s32 s4, s0  }
.Ltmp1:
0x1b: {  	_ = 	snop;
	(pc) =	sbr.rel @!p1 .LBB2_22-.Ltmp1, $2  }
0x1c: {  	_ =	sdelay $0x2  }
0x1d: {  	s14 =	simm.s32 $0x14F80  }
.LBB2_1:
0x1e: {  	s2 =	sld [smem:$0x7F3];
	_ =	sdelay $0x1  }
0x1f: {  	s0 =	simm.s32 @p0 $0x0;
	s1 =	simm.s32 @p0 $0xE100  }
0x20: {  	[tilespmem:s1], [sflag:$0x4] =	stream.linear.gather @p0 [hbm4b:s2+s0], $0xAE0, $0x38;
	[tilespmem:$0x1DE00] =	vst v63  }
0x21: {  	s2 =	sld [smem:$0x7F4];
	_ =	sdelay $0x1  }
0x22: {  	s1 =	simm.s32 @p0 $0xED40  }
0x23: {  	[tilespmem:s1], [sflag:$0x4] =	stream.linear.gather @p0 [hbm4b:s2+s0], $0xAE0, $0x38;
	[tilespmem:$0x1DE00] =	vst v63  }
0x24: {  	s2 =	sld [smem:$0x7F5];
	_ =	sdelay $0x1  }
0x25: {  	s1 =	simm.s32 @p0 $0xF980  }
0x26: {  	[tilespmem:s1], [sflag:$0x4] =	stream.linear.gather @p0 [hbm4b:s2+s0], $0xAE0, $0x38;
	[tilespmem:$0x1DE00] =	vst v63  }
0x27: {  	s2 =	sld [smem:$0x7F6];
	_ =	sdelay $0x1  }
0x28: {  	s1 =	simm.s32 @p0 $0x105C0  }
0x29: {  	[tilespmem:s1], [sflag:$0x4] =	stream.linear.gather @p0 [hbm4b:s2+s0], $0xAE0, $0x38;
	[tilespmem:$0x1DE00] =	vst v63  }
0x2a: {  	s2 =	sld [smem:$0x7F7];
	_ =	sdelay $0x1  }
0x2b: {  	s1 =	simm.s32 @p0 $0x11200  }
0x2c: {  	[tilespmem:s1], [sflag:$0x4] =	stream.linear.gather @p0 [hbm4b:s2+s0], $0xAE0, $0x38;
	[tilespmem:$0x1DE00] =	vst v63  }
0x2d: {  	s2 =	sld [smem:$0x7F8];
	_ =	sdelay $0x1  }
0x2e: {  	s1 =	simm.s32 @p0 $0x11E40  }
0x2f: {  	[tilespmem:s1], [sflag:$0x4] =	stream.linear.gather @p0 [hbm4b:s2+s0], $0xAE0, $0x38;
	[tilespmem:$0x1DE00] =	vst v63  }
0x30: {  	s2 =	sld [smem:$0x7F9];
	_ =	sdelay $0x1  }
0x31: {  	s1 =	simm.s32 @p0 $0x12A80  }
0x32: {  	[tilespmem:s1], [sflag:$0x4] =	stream.linear.gather @p0 [hbm4b:s2+s0], $0xAE0, $0x38;
	[tilespmem:$0x1DE00] =	vst v63  }
0x33: {  	s2 =	sld [smem:$0x7FA];
	_ =	sdelay $0x1  }
0x34: {  	s1 =	simm.s32 @p0 $0x136C0  }
0x35: {  	[tilespmem:s1], [sflag:$0x4] =	stream.linear.gather @p0 [hbm4b:s2+s0], $0xAE0, $0x38;
	[tilespmem:$0x1DE00] =	vst v63  }
0x36: {  	s2 =	sld [smem:$0x7FB];
	_ =	sdelay $0x1  }
0x37: {  	s1 =	simm.s32 @p0 $0x14300  }
0x38: {  	[tilespmem:s1], [sflag:$0x4] =	stream.linear.gather @p0 [hbm4b:s2+s0], $0xAE0, $0x38;
	[tilespmem:$0x1DE00] =	vst v63  }
0x39: {  	s2 =	sld [smem:$0x7E9];
	_ =	sdelay $0x2  }
0x3a: {  	[tilespmem:s0], [sflag:$0x3] =	stream.linear.gather @p0 [hbm4b:s2+s0], $0xE100, $0x38;
	[tilespmem:$0x1DE00] =	vst v63  }
0x3b: {  	s0 =	simm.s32 @p0 $0x4  }
0x3c: {  	_ =	swait.ge @p0 [sflag:s0], $0xAE0  }
0x3d: {  	[sflag:s0] =	ssyncset.done @p0 $0x0  }
0x3e: {  	[sflag:s0] =	ssyncadd.s32 @p0 $0xFFFFF520  }
0x3f: {  	_ =	swait.ge @p0 [sflag:s0], $0xAE0  }
0x40: {  	[sflag:s0] =	ssyncset.done @p0 $0x0  }
0x41: {  	[sflag:s0] =	ssyncadd.s32 @p0 $0xFFFFF520  }
0x42: {  	_ =	swait.ge @p0 [sflag:s0], $0xAE0  }
0x43: {  	[sflag:s0] =	ssyncset.done @p0 $0x0  }
0x44: {  	[sflag:s0] =	ssyncadd.s32 @p0 $0xFFFFF520  }
0x45: {  	_ =	swait.ge @p0 [sflag:s0], $0xAE0  }
0x46: {  	[sflag:s0] =	ssyncset.done @p0 $0x0  }
0x47: {  	[sflag:s0] =	ssyncadd.s32 @p0 $0xFFFFF520  }
0x48: {  	_ =	swait.ge @p0 [sflag:s0], $0xAE0  }
0x49: {  	[sflag:s0] =	ssyncset.done @p0 $0x0  }
0x4a: {  	[sflag:s0] =	ssyncadd.s32 @p0 $0xFFFFF520  }
0x4b: {  	_ =	swait.ge @p0 [sflag:s0], $0xAE0  }
0x4c: {  	[sflag:s0] =	ssyncset.done @p0 $0x0  }
0x4d: {  	[sflag:s0] =	ssyncadd.s32 @p0 $0xFFFFF520  }
0x4e: {  	_ =	swait.ge @p0 [sflag:s0], $0xAE0  }
0x4f: {  	[sflag:s0] =	ssyncset.done @p0 $0x0  }
0x50: {  	[sflag:s0] =	ssyncadd.s32 @p0 $0xFFFFF520  }
0x51: {  	_ =	swait.ge @p0 [sflag:s0], $0xAE0  }
0x52: {  	[sflag:s0] =	ssyncset.done @p0 $0x0  }
0x53: {  	[sflag:s0] =	ssyncadd.s32 @p0 $0xFFFFF520  }
0x54: {  	_ =	swait.ge @p0 [sflag:s0], $0xAE0  }
0x55: {  	s3 =	sld [smem:$0x7EA]  }
0x56: {  	[sflag:s0] =	ssyncset.done @p0 $0x0  }
0x57: {  	s1 =	simm.s32 @!p0 $0xE100;
	[sflag:s0] =	ssyncadd.s32 @p0 $0xFFFFF520;
	s0 =	simm.s32 @!p0 $0x0  }
0x58: {  	[tilespmem:s1], [sflag:$0x4] =	stream.linear.gather @!p0 [hbm4b:s3+s0], $0xC40, $0x38;
	[tilespmem:$0x1DE00] =	vst v63  }
0x59: {  	s3 =	sld [smem:$0x7EB];
	_ =	sdelay $0x1  }
0x5a: {  	s1 =	simm.s32 @!p0 $0xED40  }
0x5b: {  	[tilespmem:s1], [sflag:$0x4] =	stream.linear.gather @!p0 [hbm4b:s3+s0], $0xC40, $0x38;
	[tilespmem:$0x1DE00] =	vst v63  }
0x5c: {  	s3 =	sld [smem:$0x7EC];
	_ =	sdelay $0x1  }
0x5d: {  	s1 =	simm.s32 @!p0 $0xF980  }
0x5e: {  	[tilespmem:s1], [sflag:$0x4] =	stream.linear.gather @!p0 [hbm4b:s3+s0], $0xC40, $0x38;
	[tilespmem:$0x1DE00] =	vst v63  }
0x5f: {  	s3 =	sld [smem:$0x7ED];
	_ =	sdelay $0x1  }
0x60: {  	s1 =	simm.s32 @!p0 $0x105C0  }
0x61: {  	[tilespmem:s1], [sflag:$0x4] =	stream.linear.gather @!p0 [hbm4b:s3+s0], $0xC40, $0x38;
	[tilespmem:$0x1DE00] =	vst v63  }
0x62: {  	s3 =	sld [smem:$0x7EE];
	_ =	sdelay $0x1  }
0x63: {  	s1 =	simm.s32 @!p0 $0x11200  }
0x64: {  	[tilespmem:s1], [sflag:$0x4] =	stream.linear.gather @!p0 [hbm4b:s3+s0], $0xC40, $0x38;
	[tilespmem:$0x1DE00] =	vst v63  }
0x65: {  	s3 =	sld [smem:$0x7EF];
	_ =	sdelay $0x1  }
0x66: {  	s1 =	simm.s32 @!p0 $0x11E40  }
0x67: {  	[tilespmem:s1], [sflag:$0x4] =	stream.linear.gather @!p0 [hbm4b:s3+s0], $0xC40, $0x38;
	[tilespmem:$0x1DE00] =	vst v63  }
0x68: {  	s3 =	sld [smem:$0x7F0];
	_ =	sdelay $0x1  }
0x69: {  	s1 =	simm.s32 @!p0 $0x12A80  }
0x6a: {  	[tilespmem:s1], [sflag:$0x4] =	stream.linear.gather @!p0 [hbm4b:s3+s0], $0xC40, $0x38;
	[tilespmem:$0x1DE00] =	vst v63  }
0x6b: {  	s3 =	sld [smem:$0x7F1];
	_ =	sdelay $0x1  }
0x6c: {  	s1 =	simm.s32 @!p0 $0x136C0  }
0x6d: {  	[tilespmem:s1], [sflag:$0x4] =	stream.linear.gather @!p0 [hbm4b:s3+s0], $0xC40, $0x38;
	[tilespmem:$0x1DE00] =	vst v63  }
0x6e: {  	s3 =	sld [smem:$0x7F2];
	_ =	sdelay $0x1  }
0x6f: {  	s1 =	simm.s32 @!p0 $0x14300  }
0x70: {  	[tilespmem:s1], [sflag:$0x4] =	stream.linear.gather @!p0 [hbm4b:s3+s0], $0xC40, $0x38;
	[tilespmem:$0x1DE00] =	vst v63  }
0x71: {  	_ = 	snop  }
0x72: {  	[tilespmem:s0], [sflag:$0x3] =	stream.linear.gather @!p0 [hbm4b:s2+s0], $0xE100, $0x38;
	[tilespmem:$0x1DE00] =	vst v63  }
0x73: {  	s0 =	simm.s32 @!p0 $0x4  }
0x74: {  	_ =	swait.ge @!p0 [sflag:s0], $0xC40  }
0x75: {  	[sflag:s0] =	ssyncset.done @!p0 $0x0  }
0x76: {  	[sflag:s0] =	ssyncadd.s32 @!p0 $0xFFFFF3C0  }
0x77: {  	_ =	swait.ge @!p0 [sflag:s0], $0xC40  }
0x78: {  	[sflag:s0] =	ssyncset.done @!p0 $0x0  }
0x79: {  	[sflag:s0] =	ssyncadd.s32 @!p0 $0xFFFFF3C0  }
0x7a: {  	_ =	swait.ge @!p0 [sflag:s0], $0xC40  }
0x7b: {  	[sflag:s0] =	ssyncset.done @!p0 $0x0  }
0x7c: {  	[sflag:s0] =	ssyncadd.s32 @!p0 $0xFFFFF3C0  }
0x7d: {  	_ =	swait.ge @!p0 [sflag:s0], $0xC40  }
0x7e: {  	[sflag:s0] =	ssyncset.done @!p0 $0x0  }
0x7f: {  	[sflag:s0] =	ssyncadd.s32 @!p0 $0xFFFFF3C0  }
0x80: {  	_ =	swait.ge @!p0 [sflag:s0], $0xC40  }
0x81: {  	[sflag:s0] =	ssyncset.done @!p0 $0x0  }
0x82: {  	[sflag:s0] =	ssyncadd.s32 @!p0 $0xFFFFF3C0  }
0x83: {  	_ =	swait.ge @!p0 [sflag:s0], $0xC40  }
0x84: {  	[sflag:s0] =	ssyncset.done @!p0 $0x0  }
0x85: {  	[sflag:s0] =	ssyncadd.s32 @!p0 $0xFFFFF3C0  }
0x86: {  	_ =	swait.ge @!p0 [sflag:s0], $0xC40  }
0x87: {  	[sflag:s0] =	ssyncset.done @!p0 $0x0  }
0x88: {  	[sflag:s0] =	ssyncadd.s32 @!p0 $0xFFFFF3C0  }
0x89: {  	_ =	swait.ge @!p0 [sflag:s0], $0xC40  }
0x8a: {  	s16 =	simm.s32 @!p0 $0xC40;
	[sflag:s0] =	ssyncset.done @!p0 $0x0  }
0x8b: {  	s16 =	simm.s32 @p0 $0xAE0;
	[sflag:s0] =	ssyncadd.s32 @!p0 $0xFFFFF3C0  }
0x8c: {  	s26 =	sshrl.u32 s16, $0x4;
	_ =	swait.ge @!p0 [sflag:s0], $0xC40  }
0x8d: {  	[sflag:s0] =	ssyncset.done @!p0 $0x0;
	[smem:$0x7E8] =	sst s26  }
0x8e: {  	[sflag:s0] =	ssyncadd.s32 @!p0 $0xFFFFF3C0;
	s0 =	sld [smem:$0x7E8];
	_ =	sdelay $0x1  }
0x8f: {  	s22 =	simm.s32 $0x10;
	s20 =	simm.s32 $0xE100;
	s18 =	simm.s32 $0x98  }
0x90: {  	s28 =	simm.s32 $0x0;
	s21 =	simm.s32 $0x3;
	p4 =	sgt.u32 s0, $0x2  }
.Ltmp2:
0x91: {  	s8 =	simm.s32 $0x5;
	s29 =	simm.s32 $0x90;
	(pc) =	sbr.rel @!p4 .LBB2_2-.Ltmp2, $4  }
0x92: {  	s7 =	simm.s32 $0x95;
	s30 =	simm.s32 $0x6;
	s31 =	simm.s32 $0x96  }
0x93: {  	s25 =	simm.s32 $0x7;
	s19 =	simm.s32 $0x8;
	p1 =	por $0x0, $0x0;
	v8 =	vld [tilespmem:s20+$0x0]  }
0x94: {  	p2 =	por $0x0, $0x0;
	p3 =	por $0x0, $0x0;
	v9 =	vld [tilespmem:s20+$0x10];
	[smem:$0x7E4] =	sst s4  }
0x95: {  	v10 =	vadd.s32 s28, v0;
	v11 =	vadd.s32 s29, v0;
	v1 =	vadd.s32 s31, v0;
	s26 =	simm.s32 $0x97;
	[smem:$0x7E5] =	sst s16;
	s0 =	simm.s32 $0x4  }
0x96: {  	_ =	sdelay $0x3  }
0x97: {  	s1 =	simm.s32 $0x1;
	[tilespmem:v10+s14+$0x0] =	vst.idx.msk $0xffff, v8  }
0x98: {  	s12 =	simm.s32 $0x91;
	v3 =	vadd.s32 s1, v0;
	v2 =	vld [tilespmem:s20+$0xC40];
	[tilespmem:v11+s14+$0x0] =	vst.idx.msk $0xffff, v9  }
0x99: {  	v5 =	vadd.s32 s12, v0;
	v4 =	vld [tilespmem:s20+$0xC50];
	_ =	sdelay $0x3  }
0x9a: {  	[tilespmem:v3+s14+$0x0] =	vst.idx.msk $0xffff, v2  }
0x9b: {  	[tilespmem:v5+s14+$0x0] =	vst.idx.msk $0xffff, v4  }
0x9c: {  	s24 =	sld [smem:$0x7E8]  }
0x9d: {  	s13 =	simm.s32 $0x0;
	s23 =	sand.u32 $0x7FFFFFF0, s22;
	s21 =	simm.s32 $0x92  }
0x9e: {  	s15 =	simm.s32 $0x2;
	s17 =	sand.u32 $0x7FFFFFE0, s13;
	v5 =	vadd.s32 s21, v0;
	v4 =	vld [tilespmem:s23+$0xF980]  }
0x9f: {  	v3 =	vadd.s32 s15, v0;
	v2 =	vld [tilespmem:s17+$0xF980];
	p4 =	sgt.u32 s24, $0x4  }
.Ltmp3:
0xa0: {  	_ = 	snop;
	(pc) =	sbr.rel @!p4 .LBB2_4-.Ltmp3, $4  }
0xa1: {  	s9 =	simm.s32 $0x3;
	s6 =	simm.s32 $0xE120;
	s29 =	simm.s32 $0x120  }
0xa2: {  	s28 =	simm.s32 $0x125;
	s2 =	simm.s32 $0x1B0;
	s3 =	simm.s32 $0x93;
	v8 =	vld [tilespmem:s6+$0x0]  }
0xa3: {  	s5 =	simm.s32 $0x1B5;
	s31 =	simm.s32 $0x1B6;
	p1 =	por $0x1, $0x1;
	v14 =	vadd.s32 s3, v0;
	v10 =	vadd.s32 s29, v0;
	v9 =	vld [tilespmem:s6+$0x10];
	[tilespmem:v5+s14+$0x0] =	vst.idx.msk $0xffff, v4  }
0xa4: {  	s12 =	simm.s32 $0x124;
	v11 =	vadd.s32 s2, v0;
	s15 =	simm.s32 $0x126;
	s21 =	simm.s32 $0x123;
	[tilespmem:v3+s14+$0x0] =	vst.idx.msk $0xffff, v2;
	v5 =	vadd.s32 s31, v0;
	v13 =	vld [tilespmem:s20+$0x24D0]  }
0xa5: {  	_ =	sdelay $0x3  }
0xa6: {  	v2 =	vld [tilespmem:s20+$0x24C0];
	v3 =	vadd.s32 s9, v0;
	s1 =	simm.s32 $0x121;
	[tilespmem:v10+s14+$0x0] =	vst.idx.msk $0xffff, v8  }
0xa7: {  	s9 =	simm.s32 $0x1B1;
	v6 =	vadd.s32 s1, v0;
	v4 =	vld [tilespmem:s6+$0xC40];
	[tilespmem:v11+s14+$0x0] =	vst.idx.msk $0xffff, v9  }
0xa8: {  	s10 =	simm.s32 $0x94;
	v8 =	vadd.s32 s9, v0;
	v7 =	vld [tilespmem:s6+$0xC50];
	[tilespmem:v14+s14+$0x0] =	vst.idx.msk $0xffff, v13  }
0xa9: {  	v10 =	vadd.s32 s10, v0;
	v9 =	vld [tilespmem:s23+$0x11200];
	_ =	sdelay $0x1  }
0xaa: {  	[tilespmem:v3+s14+$0x0] =	vst.idx.msk $0xffff, v2  }
0xab: {  	[tilespmem:v6+s14+$0x0] =	vst.idx.msk $0xffff, v4  }
0xac: {  	s11 =	simm.s32 $0x20;
	[tilespmem:v8+s14+$0x0] =	vst.idx.msk $0xffff, v7  }
0xad: {  	s2 =	simm.s32 $0x30;
	s13 =	simm.s32 $0x122;
	s1 =	sand.u32 $0x7FFFFFE0, s11;
	v3 =	vadd.s32 s0, v0;
	v2 =	vld [tilespmem:s17+$0x11200];
	[tilespmem:v10+s14+$0x0] =	vst.idx.msk $0xffff, v9  }
0xae: {  	s24 =	simm.s32 $0x1B2;
	s29 =	sand.u32 $0x7FFFFFF0, s2;
	v11 =	vadd.s32 s13, v0;
	v6 =	vld [tilespmem:s1+$0xF980];
	s3 =	sld [smem:$0x7E8]  }
0xaf: {  	v12 =	vadd.s32 s24, v0;
	v7 =	vld [tilespmem:s29+$0xF980]  }
0xb0: {  	v14 =	vadd.s32 s7, v0;
	v13 =	vld [tilespmem:s20+$0x3D50]  }
0xb1: {  	p4 =	sgt.u32 s3, $0x6  }
.Ltmp4:
0xb2: {  	s7 =	simm.s32 $0xE140;
	[tilespmem:v3+s14+$0x0] =	vst.idx.msk $0xffff, v2;
	(pc) =	sbr.rel @!p4 .LBB2_6-.Ltmp4, $4  }
0xb3: {  	s4 =	simm.s32 $0x240;
	s31 =	simm.s32 $0x245;
	p2 =	por $0x1, $0x1;
	v8 =	vld [tilespmem:s7+$0x0];
	[tilespmem:v11+s14+$0x0] =	vst.idx.msk $0xffff, v6  }
0xb4: {  	s11 =	simm.s32 $0x2D5;
	s24 =	simm.s32 $0x2D6;
	s13 =	simm.s32 $0x2D0;
	v9 =	vld [tilespmem:s7+$0x10];
	[tilespmem:v12+s14+$0x0] =	vst.idx.msk $0xffff, v7  }
0xb5: {  	s9 =	simm.s32 $0x2D8;
	s10 =	simm.s32 $0x244;
	v4 =	vadd.s32 s8, v0;
	v3 =	vld [tilespmem:s20+$0x3D40];
	v11 =	vadd.s32 s13, v0;
	s13 =	simm.s32 $0x1B3;
	[tilespmem:v14+s14+$0x0] =	vst.idx.msk $0xffff, v13  }
0xb6: {  	s8 =	simm.s32 $0x247;
	v10 =	vadd.s32 s4, v0;
	v2 =	vadd.s32 s24, v0;
	s3 =	simm.s32 $0x243;
	v13 =	vld [tilespmem:s6+$0x24D0];
	v14 =	vadd.s32 s13, v0;
	[smem:$0x7D9] =	sst s30  }
0xb7: {  	_ =	sdelay $0x2  }
0xb8: {  	v6 =	vld [tilespmem:s23+$0x12A80]  }
0xb9: {  	v7 =	vld [tilespmem:s6+$0x24C0];
	v12 =	vadd.s32 s21, v0;
	s0 =	simm.s32 $0x241;
	[tilespmem:v10+s14+$0x0] =	vst.idx.msk $0xffff, v8  }
0xba: {  	s2 =	simm.s32 $0x2D1;
	v16 =	vadd.s32 s0, v0;
	v10 =	vld [tilespmem:s7+$0xC40];
	[tilespmem:v11+s14+$0x0] =	vst.idx.msk $0xffff, v9  }
0xbb: {  	v11 =	vadd.s32 s2, v0;
	[tilespmem:v4+s14+$0x0] =	vst.idx.msk $0xffff, v3;
	v9 =	vld [tilespmem:s7+$0xC50]  }
0xbc: {  	v15 =	vadd.s32 s30, v0;
	v8 =	vld [tilespmem:s17+$0x12A80];
	[tilespmem:v14+s14+$0x0] =	vst.idx.msk $0xffff, v13  }
0xbd: {  	s3 =	simm.s32 $0x1B4;
	[tilespmem:v1+s14+$0x0] =	vst.idx.msk $0xffff, v6  }
0xbe: {  	v14 =	vadd.s32 s3, v0;
	v13 =	vld [tilespmem:s29+$0x11200];
	[tilespmem:v12+s14+$0x0] =	vst.idx.msk $0xffff, v7  }
0xbf: {  	s4 =	simm.s32 $0x40;
	v7 =	vadd.s32 s26, v0;
	v6 =	vld [tilespmem:s20+$0x55D0];
	[tilespmem:v16+s14+$0x0] =	vst.idx.msk $0xffff, v10  }
0xc0: {  	v17 =	vadd.s32 s12, v0;
	s8 =	simm.s32 $0x242;
	s22 =	sand.u32 $0x7FFFFFE0, s4;
	v12 =	vld [tilespmem:s1+$0x11200];
	[tilespmem:v11+s14+$0x0] =	vst.idx.msk $0xffff, v9  }
0xc1: {  	s9 =	simm.s32 $0x2D2;
	s12 =	simm.s32 $0xE160;
	s4 =	simm.s32 $0x247;
	[tilespmem:v15+s14+$0x0] =	vst.idx.msk $0xffff, v8;
	v15 =	vld [tilespmem:s22+$0xF980]  }
0xc2: {  	s13 =	simm.s32 $0x360;
	s16 =	simm.s32 $0x14F80;
	v16 =	vadd.s32 s8, v0;
	v10 =	vld [tilespmem:s20+$0x55C0];
	[smem:$0x7D0] =	sst s4  }
0xc3: {  	v19 =	vadd.s32 s18, v0;
	s11 =	simm.s32 $0x3F0;
	s18 =	simm.s32 $0x366;
	s2 =	simm.s32 $0x50;
	v8 =	vadd.s32 s25, v0;
	[tilespmem:v14+s14+$0x0] =	vst.idx.msk $0xffff, v13  }
0xc4: {  	p3 =	por $0x1, $0x1;
	s21 =	simm.s32 $0x128;
	s3 =	sand.u32 $0x7FFFFFF0, s2;
	[tilespmem:v7+s14+$0x0] =	vst.idx.msk $0xffff, v6  }
0xc5: {  	s24 =	simm.s32 $0x127;
	s30 =	simm.s32 $0x1B7;
	v11 =	vadd.s32 s9, v0;
	v9 =	vld [tilespmem:s3+$0xF980];
	s10 =	sld [smem:$0x7E8];
	[tilespmem:v17+s14+$0x0] =	vst.idx.msk $0xffff, v12  }
0xc6: {  	s31 =	simm.s32 $0x2D7;
	s0 =	simm.s32 $0x8;
	v14 =	vadd.s32 s5, v0;
	v13 =	vld [tilespmem:s6+$0x3D50];
	[smem:$0x7D1] =	sst s23  }
0xc7: {  	s26 =	simm.s32 $0x364;
	s8 =	smov.u32 s3;
	s9 =	simm.s32 $0x248;
	v17 =	vld [tilespmem:s23+$0x14300];
	[tilespmem:v16+s14+$0x0] =	vst.idx.msk $0xffff, v15  }
0xc8: {  	s25 =	simm.s32 $0x367;
	s20 =	simm.s32 $0x365;
	s4 =	simm.s32 $0x2D5;
	[tilespmem:v8+s14+$0x0] =	vst.idx.msk $0xffff, v10  }
0xc9: {  	s5 =	simm.s32 $0x3F8;
	v7 =	vadd.s32 s19, v0;
	s19 =	simm.s32 $0x3F7;
	v12 =	vld [tilespmem:s6+$0x3D40];
	[smem:$0x7D2] =	sst s17  }
0xca: {  	s3 =	simm.s32 $0x2D8;
	s23 =	simm.s32 $0x363;
	p4 =	sgt.u32 s10, $0x8;
	v6 =	vld [tilespmem:s17+$0x14300];
	[tilespmem:v11+s16+$0x0] =	vst.idx.msk $0xffff, v9  }
.Ltmp5:
0xcb: {  	v15 =	vadd.s32 s28, v0;
	s28 =	simm.s32 $0x3F5;
	s14 =	simm.s32 $0x3F6;
	v8 =	vld [tilespmem:s12+$0x0];
	[tilespmem:v14+s16+$0x0] =	vst.idx.msk $0xffff, v13;
	(pc) =	sbr.rel @!p4 .LBB2_8-.Ltmp5, $4  }
0xcc: {  	s6 =	simm.s32 $0x1B8;
	s10 =	simm.s32 $0xE140;
	v18 =	vadd.s32 s14, v0;
	s14 =	simm.s32 $0x368;
	v9 =	vld [tilespmem:s12+$0x10];
	[tilespmem:v19+s16+$0x0] =	vst.idx.msk $0xffff, v17  }
0xcd: {  	v11 =	vadd.s32 s11, v0;
	s17 =	simm.s32 $0x2D3;
	s11 =	simm.s32 $0x245;
	v13 =	vld [tilespmem:s7+$0x24D0];
	[smem:$0x7D3] =	sst s21  }
0xce: {  	v14 =	vadd.s32 s17, v0;
	s17 =	simm.s32 $0x244;
	s7 =	simm.s32 $0x246;
	[smem:$0x7D4] =	sst s24  }
0xcf: {  	v10 =	vadd.s32 s13, v0;
	[smem:$0x7D5] =	sst s30;
	s21 =	simm.s32 $0x243;
	s24 =	simm.s32 $0xE120  }
.LBB2_9:
0xd0: {  	_ =	sdelay $0x1  }
0xd1: {  	s30 =	smov.u32 s1;
	s1 =	smov.u32 s22;
	s22 =	sld [smem:$0x7D3]  }
0xd2: {  	s13 =	sld [smem:$0x7E8];
	v16 =	vadd.s32 s21, v0;
	s21 =	smov.u32 s23;
	s23 =	smov.u32 s11;
	[tilespmem:v15+s16+$0x0] =	vst.idx.msk $0xffff, v12;
	v12 =	vld [tilespmem:s29+$0x12A80]  }
0xd3: {  	v17 =	vadd.s32 s15, v0;
	s15 =	sadd.s32 $0xFFFFFF69, s5;
	[smem:$0x7CF] =	sst s23;
	s23 =	smov.u32 s7;
	v15 =	vld [tilespmem:s10+$0x24C0];
	[tilespmem:v7+s16+$0x0] =	vst.idx.msk $0xffff, v6  }
0xd4: {  	s7 =	smov.u32 s18;
	s18 =	smov.u32 s22;
	s22 =	sld [smem:$0x7D5];
	[tilespmem:v10+s16+$0x0] =	vst.idx.msk $0xffff, v8  }
0xd5: {  	s0 =	sadd.s32 $0x2, s0;
	[tilespmem:v11+s16+$0x0] =	vst.idx.msk $0xffff, v9;
	v8 =	vadd.s32 s15, v0;
	s15 =	sadd.s32 $0xFFFFFFF9, s5;
	v6 =	vld [tilespmem:s30+$0x12A80]  }
0xd6: {  	p4 =	slt.u32 s0, s13;
	s13 =	smov.u32 s3;
	v9 =	vld [tilespmem:s12+$0xC50];
	v10 =	vadd.s32 s15, v0  }
0xd7: {  	s11 =	smov.u32 s20;
	[tilespmem:v14+s16+$0x0] =	vst.idx.msk $0xffff, v13;
	s20 =	sadd.s32 $0xFFFFFFFC, s13;
	v7 =	vld [tilespmem:s12+$0xC40];
	v14 =	vadd.s32 s22, v0;
	s22 =	sld [smem:$0x7D0]  }
0xd8: {  	s2 =	sadd.s32 $0x20, s2;
	v11 =	vld [tilespmem:s8+$0x11200];
	v13 =	vadd.s32 s20, v0;
	s20 =	smov.u32 s9;
	s9 =	smov.u32 s14;
	[tilespmem:v5+s16+$0x0] =	vst.idx.msk $0xffff, v12  }
0xd9: {  	s14 =	smov.u32 s31;
	s31 =	smov.u32 s19;
	[smem:$0x7D3] =	sst s20;
	[tilespmem:v16+s16+$0x0] =	vst.idx.msk $0xffff, v15;
	v12 =	vld [tilespmem:s24+$0x55D0]  }
0xda: {  	s20 =	sld [smem:$0x7D4];
	v16 =	vadd.s32 s17, v0;
	s17 =	smov.u32 s26;
	v15 =	vld [tilespmem:s1+$0x11200];
	s26 =	smov.u32 s22;
	[tilespmem:v17+s16+$0x0] =	vst.idx.msk $0xffff, v6  }
0xdb: {  	s19 =	sadd.s32 $0xFFFFFFFA, s5;
	[smem:$0x7D4] =	sst s26;
	[tilespmem:v10+s16+$0x0] =	vst.idx.msk $0xffff, v9;
	s26 =	sand.u32 $0x7FFFFFF0, s2  }
0xdc: {  	v5 =	vmov v2;
	v2 =	vmov v18;
	[smem:$0x7D5] =	sst s14;
	s14 =	sadd.s32 $0xFFFFFFF0, s2;
	v18 =	vadd.s32 s19, v0;
	[tilespmem:v8+s16+$0x0] =	vst.idx.msk $0xffff, v7;
	v9 =	vld [tilespmem:s26+$0xF980]  }
0xdd: {  	s22 =	sand.u32 $0x7FFFFFE0, s14;
	v6 =	vadd.s32 s20, v0;
	s20 =	sadd.s32 $0xFFFFFF6A, s5;
	v7 =	vld [tilespmem:s24+$0x55C0]  }
0xde: {  	v19 =	vadd.s32 s4, v0;
	s4 =	smov.u32 s28;
	s3 =	smov.u32 s5;
	v17 =	vadd.s32 s20, v0;
	[tilespmem:v13+s16+$0x0] =	vst.idx.msk $0xffff, v11;
	s24 =	smov.u32 s10;
	v8 =	vld [tilespmem:s22+$0xF980]  }
0xdf: {  	v20 =	vadd.s32 s6, v0;
	s6 =	smov.u32 s13;
	s15 =	smov.u32 s8;
	s5 =	sadd.s32 $0x120, s5;
	v13 =	vld [tilespmem:s24+$0x3D50];
	[tilespmem:v14+s16+$0x0] =	vst.idx.msk $0xffff, v12  }
0xe0: {  	s20 =	smov.u32 s25;
	s8 =	smov.u32 s26;
	s25 =	sadd.s32 $0xFFFFFF68, s5;
	[tilespmem:v16+s16+$0x0] =	vst.idx.msk $0xffff, v15  }
0xe1: {  	s10 =	smov.u32 s12;
	s12 =	sadd.s32 $0x20, s12;
	v16 =	vld [tilespmem:s29+$0x14300];
	s29 =	smov.u32 s15;
	[tilespmem:v18+s16+$0x0] =	vst.idx.msk $0xffff, v9  }
.Ltmp6:
0xe2: {  	s15 =	smov.u32 s23;
	v12 =	vld [tilespmem:s24+$0x3D40];
	s23 =	sld [smem:$0x7CF];
	[tilespmem:v6+s16+$0x0] =	vst.idx.msk $0xffff, v7;
	(pc) =	sbr.rel @p4 .LBB2_9-.Ltmp6, $4  }
0xe3: {  	s26 =	sadd.s32 $0xFFFFFF6C, s5;
	s14 =	sadd.s32 $0xFFFFFFF8, s5;
	s28 =	sadd.s32 $0xFFFFFFFD, s5;
	v9 =	vld [tilespmem:s12+$0x10];
	[tilespmem:v17+s16+$0x0] =	vst.idx.msk $0xffff, v8  }
0xe4: {  	s19 =	sadd.s32 $0xFFFFFFFE, s5;
	[smem:$0x7D0] =	sst s20;
	v10 =	vadd.s32 s25, v0;
	s20 =	sadd.s32 $0xFFFFFF6D, s5;
	v11 =	vadd.s32 s14, v0;
	v6 =	vld [tilespmem:s30+$0x14300]  }
0xe5: {  	s25 =	sadd.s32 $0xFFFFFF6F, s5;
	s14 =	sadd.s32 $0xFFFFFF70, s5;
	v18 =	vadd.s32 s19, v0;
	v15 =	vadd.s32 s23, v0;
	[tilespmem:v19+s16+$0x0] =	vst.idx.msk $0xffff, v13;
	v8 =	vld [tilespmem:s12+$0x0];
	s30 =	sadd.s32 $0xFFFFFFFB, s3  }
0xe6: {  	s19 =	sadd.s32 $0xFFFFFFFF, s5;
	v7 =	vadd.s32 s18, v0;
	s23 =	sadd.s32 $0xFFFFFF6B, s5;
	s18 =	sadd.s32 $0xFFFFFF6E, s5;
	v13 =	vld [tilespmem:s10+$0x24D0];
	[tilespmem:v20+s16+$0x0] =	vst.idx.msk $0xffff, v16;
	v14 =	vadd.s32 s30, v0  }
0xe7: {  	[smem:$0x7D8] =	sst s6  }
0xe8: {  	[smem:$0x7D6] =	sst s29  }
0xe9: {  	[smem:$0x7D7] =	sst s1  }
0xea: {  	[smem:$0x7DA] =	sst s3  }
0xeb: {  	[smem:$0x7E3] =	sst s11  }
0xec: {  	[smem:$0x7DB] =	sst s7  }
0xed: {  	[smem:$0x7DC] =	sst s9  }
0xee: {  	[smem:$0x7DD] =	sst s31  }
0xef: {  	s0 =	smov.u32 s17;
	s17 =	sld [smem:$0x7D0]  }
0xf0: {  	[smem:$0x7DF] =	sst s4  }
0xf1: {  	[smem:$0x7E0] =	sst s18  }
0xf2: {  	s30 =	smov.u32 s10;
	[smem:$0x7E1] =	sst s14  }
0xf3: {  	s1 =	smov.u32 s22;
	s9 =	smov.u32 s5;
	[smem:$0x7E2] =	sst s19  }
0xf4: {  	s3 =	smov.u32 s23;
	s7 =	smov.u32 s12;
	s16 =	sld [smem:$0x7E5]  }
0xf5: {  	s31 =	smov.u32 s20;
	s29 =	smov.u32 s8;
	s23 =	sld [smem:$0x7D1]  }
0xf6: {  	s10 =	smov.u32 s26;
	s11 =	smov.u32 s28;
	s28 =	sld [smem:$0x7D3]  }
0xf7: {  	s8 =	smov.u32 s25;
	s14 =	simm.s32 $0x14F80;
	s6 =	sld [smem:$0x7D4]  }
0xf8: {  	s18 =	simm.s32 $0x98;
	s19 =	simm.s32 $0x8;
	s4 =	sld [smem:$0x7D5]  }
0xf9: {  	s20 =	simm.s32 $0xE100;
	s22 =	simm.s32 $0x10;
	[smem:$0x7DE] =	sst s17  }
0xfa: {  	v16 =	vmov v2;
	v17 =	vmov v5;
	v2 =	vmov v18;
	s25 =	simm.s32 $0x7;
	s26 =	simm.s32 $0x97;
	s17 =	sld [smem:$0x7D2]  }
.LBB2_11:
0xfb: {  	_ =	sdelay $0x3  }
0xfc: {  	[tilespmem:v11+s14+$0x0] =	vst.idx.msk $0xffff, v9;
	s5 =	sadd.s32 $0xFFFFFFF9, s9  }
0xfd: {  	v5 =	vadd.s32 s5, v0;
	v50 =	vld [tilespmem:s7+$0xC50];
	_ =	sdelay $0x2  }
0xfe: {  	[tilespmem:v10+s14+$0x0] =	vst.idx.msk $0xffff, v8;
	s13 =	sadd.s32 $0xFFFFFF69, s9;
	s5 =	sadd.s32 @p1 $0x20, s2  }
0xff: {  	v51 =	vadd.s32 s13, v0;
	v10 =	vld [tilespmem:s7+$0xC40];
	s22 =	smov.u32 @p1 s5  }
0x100: {  	s13 =	sadd.s32 $0xFFFFFFFA, s9;
	s12 =	sand.u32 $0x7FFFFFF0, s22;
	[tilespmem:v5+s14+$0x0] =	vst.idx.msk $0xffff, v50  }
0x101: {  	v52 =	vadd.s32 s13, v0;
	v8 =	vld [tilespmem:s12+$0xF980];
	_ =	sdelay $0x1  }
0x102: {  	s5 =	sadd.s32 $0xFFFFFFF0, s22  }
0x103: {  	s22 =	sadd.s32 $0xFFFFFF6A, s9;
	s5 =	sand.u32 $0x7FFFFFE0, s5;
	[tilespmem:v51+s14+$0x0] =	vst.idx.msk $0xffff, v10  }
0x104: {  	v53 =	vadd.s32 s22, v0;
	v10 =	vld [tilespmem:s5+$0xF980]  }
0x105: {  	s2 =	sadd.s32 $0xFFFFFFFB, s9;
	[tilespmem:v52+s14+$0x0] =	vst.idx.msk $0xffff, v8  }
0x106: {  	v11 =	vadd.s32 @p1 s21, v0;
	v18 =	vld @p1 [tilespmem:s30+$0x24C0];
	v54 =	vadd.s32 s2, v0;
	s2 =	sld [smem:$0x7DA];
	_ =	sdelay $0x2  }
0x107: {  	[tilespmem:v53+s14+$0x0] =	vst.idx.msk $0xffff, v10;
	v8 =	vld [tilespmem:s7+$0x24D0];
	s21 =	smov.u32 @p1 s2  }
0x108: {  	v55 =	vadd.s32 s3, v0;
	[tilespmem:v14+s14+$0x0] =	vst.idx.msk @p1 $0xffff, v13;
	v10 =	vld [tilespmem:s7+$0x24C0];
	s3 =	sadd.s32 @p1 $0xFFFFFFFC, s21  }
0x109: {  	[tilespmem:v11+s14+$0x0] =	vst.idx.msk @p1 $0xffff, v18;
	v14 =	vld @p1 [tilespmem:s29+$0x11200];
	v13 =	vadd.s32 @p1 s3, v0;
	s3 =	smov.u32 @p1 s1  }
0x10a: {  	v11 =	vadd.s32 @p1 s0, v0;
	v18 =	vld @p1 [tilespmem:s3+$0x11200];
	_ =	sdelay $0x1  }
0x10b: {  	[tilespmem:v54+s14+$0x0] =	vst.idx.msk $0xffff, v8  }
0x10c: {  	[tilespmem:v55+s14+$0x0] =	vst.idx.msk $0xffff, v10  }
0x10d: {  	s13 =	sadd.s32 $0xFFFFFFFC, s9;
	[tilespmem:v13+s14+$0x0] =	vst.idx.msk @p1 $0xffff, v14  }
0x10e: {  	v56 =	vadd.s32 s13, v0;
	v8 =	vld [tilespmem:s12+$0x11200];
	s1 =	sld [smem:$0x7E3];
	[tilespmem:v11+s14+$0x0] =	vst.idx.msk @p1 $0xffff, v18  }
0x10f: {  	v57 =	vadd.s32 s10, v0;
	v10 =	vld [tilespmem:s5+$0x11200];
	s2 =	sld [smem:$0x7DF]  }
0x110: {  	s0 =	smov.u32 @p1 s30  }
0x111: {  	v13 =	vld @p1 [tilespmem:s0+$0x3D50];
	s10 =	sld [smem:$0x7D6]  }
0x112: {  	v18 =	vld @p1 [tilespmem:s0+$0x3D40];
	v14 =	vadd.s32 @p1 s1, v0;
	v11 =	vadd.s32 @p1 s2, v0  }
0x113: {  	[tilespmem:v56+s14+$0x0] =	vst.idx.msk $0xffff, v8;
	v4 =	vpsel p1, v14, v4  }
0x114: {  	[tilespmem:v57+s14+$0x0] =	vst.idx.msk $0xffff, v10;
	v14 =	vld @p2 [tilespmem:s10+$0x12A80]  }
0x115: {  	v58 =	vadd.s32 s11, v0;
	[tilespmem:v15+s14+$0x0] =	vst.idx.msk @p2 $0xffff, v12;
	v8 =	vld [tilespmem:s7+$0x3D50]  }
0x116: {  	v59 =	vadd.s32 s31, v0;
	v10 =	vld [tilespmem:s7+$0x3D40];
	s1 =	sld [smem:$0x7D7];
	s2 =	smov.u32 @p1 s29  }
0x117: {  	s23 =	smov.u32 @p1 s2;
	s2 =	sld [smem:$0x7DB];
	v3 =	vpsel p1, v18, v3;
	[tilespmem:v11+s14+$0x0] =	vst.idx.msk @p1 $0xffff, v13  }
0x118: {  	s17 =	smov.u32 @p1 s3;
	s3 =	sld [smem:$0x7D9];
	[tilespmem:v4+s14+$0x0] =	vst.idx.msk @p1 $0xffff, v3  }
0x119: {  	v12 =	vadd.s32 @p2 s15, v0;
	v15 =	vld @p2 [tilespmem:s1+$0x12A80];
	[tilespmem:v17+s14+$0x0] =	vst.idx.msk @p2 $0xffff, v14  }
0x11a: {  	v1 =	vpsel p1, v16, v1;
	v3 =	vld @p1 [tilespmem:s23+$0x12A80];
	[tilespmem:v58+s14+$0x0] =	vst.idx.msk $0xffff, v8  }
0x11b: {  	v13 =	vadd.s32 @p2 s4, v0;
	[tilespmem:v59+s14+$0x0] =	vst.idx.msk $0xffff, v10;
	v14 =	vld @p2 [tilespmem:s24+$0x55D0]  }
0x11c: {  	v5 =	vld [tilespmem:s12+$0x12A80];
	s22 =	sld [smem:$0x7E0];
	s3 =	smov.u32 @p1 s2;
	s2 =	smov.u32 @p1 s17  }
0x11d: {  	v4 =	vadd.s32 @p1 s3, v0;
	v11 =	vld @p1 [tilespmem:s2+$0x12A80]  }
0x11e: {  	s3 =	sld [smem:$0x7DD];
	[tilespmem:v12+s14+$0x0] =	vst.idx.msk @p2 $0xffff, v15  }
0x11f: {  	s20 =	smov.u32 @p1 s0;
	v9 =	vld [tilespmem:s5+$0x12A80];
	v60 =	vadd.s32 s22, v0;
	s0 =	sld [smem:$0x7DE];
	[tilespmem:v1+s14+$0x0] =	vst.idx.msk @p1 $0xffff, v3  }
0x120: {  	[tilespmem:v13+s14+$0x0] =	vst.idx.msk @p2 $0xffff, v14  }
0x121: {  	v10 =	vadd.s32 @p2 s6, v0;
	v12 =	vld @p2 [tilespmem:s24+$0x55C0];
	[tilespmem:v2+s14+$0x0] =	vst.idx.msk $0xffff, v5  }
0x122: {  	s26 =	smov.u32 @p1 s3;
	[tilespmem:v4+s14+$0x0] =	vst.idx.msk @p1 $0xffff, v11  }
0x123: {  	v3 =	vld @p1 [tilespmem:s20+$0x55D0];
	s25 =	smov.u32 @p1 s0;
	v1 =	vadd.s32 @p1 s26, v0;
	s26 =	sld [smem:$0x7E2]  }
0x124: {  	v4 =	vadd.s32 @p1 s25, v0;
	v11 =	vld @p1 [tilespmem:s20+$0x55C0];
	[tilespmem:v60+s14+$0x0] =	vst.idx.msk $0xffff, v9  }
0x125: {  	v61 =	vadd.s32 s8, v0;
	v9 =	vld [tilespmem:s7+$0x55C0]  }
0x126: {  	v5 =	vld [tilespmem:s7+$0x55D0];
	s3 =	sld [smem:$0x7DC];
	[tilespmem:v10+s14+$0x0] =	vst.idx.msk @p2 $0xffff, v12;
	v2 =	vadd.s32 s26, v0  }
0x127: {  	s6 =	sld [smem:$0x7D8];
	[tilespmem:v7+s14+$0x0] =	vst.idx.msk @p3 $0xffff, v6  }
0x128: {  	s0 =	smov.u32 @p2 s28;
	[tilespmem:v1+s14+$0x0] =	vst.idx.msk @p1 $0xffff, v3  }
0x129: {  	v12 =	vadd.s32 @p2 s0, v0;
	v14 =	vld @p2 [tilespmem:s1+$0x14300];
	[tilespmem:v4+s14+$0x0] =	vst.idx.msk @p1 $0xffff, v11  }
0x12a: {  	v13 =	vld @p2 [tilespmem:s10+$0x14300];
	s0 =	smov.u32 @p1 s21;
	v3 =	vpsel p2, v12, v0;
	s19 =	smov.u32 @p1 s3;
	[tilespmem:v61+s14+$0x0] =	vst.idx.msk $0xffff, v9  }
0x12b: {  	s18 =	smov.u32 @p1 s0;
	v1 =	vld @p1 [tilespmem:s23+$0x14300];
	v10 =	vadd.s32 @p2 s6, v0;
	s0 =	smov.u32 @p1 s19;
	[tilespmem:v2+s14+$0x0] =	vst.idx.msk $0xffff, v5  }
0x12c: {  	v4 =	vadd.s32 @p1 s18, v0;
	v11 =	vadd.s32 @p1 s0, v0;
	v12 =	vld @p1 [tilespmem:s2+$0x14300];
	s28 =	sld [smem:$0x7E1]  }
0x12d: {  	v6 =	vpsel p1, v11, v0  }
0x12e: {  	v62 =	vadd.s32 s9, v0;
	v9 =	vpsel p2, v14, v0;
	v2 =	vld [tilespmem:s12+$0x14300]  }
0x12f: {  	v8 =	vld [tilespmem:s5+$0x14300];
	[tilespmem:v3+s14+$0x0] =	vst.idx.msk @p2 $0xffff, v9;
	v63 =	vadd.s32 s28, v0  }
0x130: {  	[tilespmem:v10+s14+$0x0] =	vst.idx.msk @p2 $0xffff, v13  }
0x131: {  	[tilespmem:v4+s14+$0x0] =	vst.idx.msk @p1 $0xffff, v1;
	v1 =	vpsel p1, v12, v0  }
0x132: {  	[tilespmem:v6+s14+$0x0] =	vst.idx.msk @p1 $0xffff, v1  }
0x133: {  	[tilespmem:v62+s14+$0x0] =	vst.idx.msk $0xffff, v2  }
0x134: {  	s29 =	simm.s32 $0x3;
	[tilespmem:v63+s14+$0x0] =	vst.idx.msk $0xffff, v8  }
0x135: {  	s31 =	simm.s32 $0x150A0;
	s30 =	sshrl.u32 s16, $0x6;
	_ =	swait.ge [sflag:s29], $0xE100  }
0x136: {  	s1 =	simm.s32 $0x0;
	[sflag:s29] =	ssyncset.done $0x0;
	[smem:$0x7E6] =	sst s30  }
0x137: {  	s2 =	simm.s32 $0x14F92;
	[smem:$0x7E7] =	sst s31;
	[sflag:s29] =	ssyncadd.s32 $0xFFFF1F00  }
.LBB2_12:
0x138: {  	[smem:$0x7BE] =	sst s2;
	p1 =	seq.s32 s1, $0x0  }
0x139: {  	[smem:$0x7CD] =	sst s1;
	s0 =	simm.s32 @!p1 $0x1  }
0x13a: {  	_ =	swait.ge @!p1 [sflag:s0], $0x1000  }
0x13b: {  	[sflag:s0] =	ssyncset.done @!p1 $0x0  }
0x13c: {  	[sflag:s0] =	ssyncadd.s32 @!p1 $0xFFFFF000  }
0x13d: {  	v1 =	vld [tilespmem:s2+$0x9];
	_ =	sdelay $0x4  }
0x13e: {  	v2 =	vshll.u32 v1, $0x6;
	(v2sf) =	vpush v1, $0x0  }
0x13f: {  	(v2sf) =	vpush v2, $0x1  }
0x140: {  	(v2sf) =	vpush v2, $0x2  }
0x141: {  	v1 =	vld [tilespmem:s2+$0xFFFFFFEE];
	(v2sf) =	vpush v2, $0x3  }
0x142: {  	v3 =	vld [tilespmem:s2+$0xFFFFFFF7];
	(v2sf) =	vpush v2, $0x4  }
0x143: {  	v4 =	vld [tilespmem:s2+$0x0];
	(v2sf) =	vpush v2, $0x5  }
0x144: {  	(v2sf) =	vpush v2, $0x6  }
0x145: {  	(v2sf) =	vpush v2, $0x7  }
0x146: {  	(v2sf) =	vpush v1, $0x0  }
0x147: {  	(v2sf) =	vpush v3, $0x0  }
0x148: {  	v5 =	vshll.u32 v1, $0x6;
	(v2sf) =	vpush v4, $0x0  }
0x149: {  	(v2sf) =	vpush v5, $0x7  }
0x14a: {  	(v2sf) =	vpush v5, $0x6  }
0x14b: {  	(v2sf) =	vpush v5, $0x5  }
0x14c: {  	(v2sf) =	vpush v2, $0x8  }
0x14d: {  	s22 =	spop (v2sf)  }
0x14e: {  	s4 =	spop (v2sf)  }
0x14f: {  	s0 =	sshll.u32 s22, $0x8;
	v2 =	vld [tilespmem:s4+$0x1900];
	s26 =	spop (v2sf)  }
0x150: {  	s1 =	sshra.s32 s0, $0x2;
	v1 =	vld [tilespmem:s26+$0x3200];
	s28 =	spop (v2sf)  }
0x151: {  	v11 =	vld [tilespmem:s1+$0x0];
	s24 =	spop (v2sf)  }
0x152: {  	v6 =	vld [tilespmem:s28+$0x4B00];
	s10 =	spop (v2sf)  }
0x153: {  	v7 =	vld [tilespmem:s24+$0x6400];
	s11 =	spop (v2sf)  }
0x154: {  	v8 =	vld [tilespmem:s10+$0x7D00];
	s15 =	spop (v2sf)  }
0x155: {  	v9 =	vld [tilespmem:s11+$0x9600];
	s23 =	spop (v2sf)  }
0x156: {  	(v2sf) =	vpush v5, $0x4;
	v10 =	vld [tilespmem:s15+$0xAF00];
	s25 =	spop (v2sf)  }
0x157: {  	(v2sf) =	vpush v5, $0x3;
	s29 =	spop (v2sf)  }
0x158: {  	(v2sf) =	vpush v5, $0x2;
	s12 =	spop (v2sf)  }
0x159: {  	(v2sf) =	vpush v5, $0x1;
	s7 =	spop (v2sf)  }
0x15a: {  	v2 =	vadd.bf16 v2, v11;
	v6 =	vadd.bf16 v6, v1;
	[smem:$0x7BC] =	sst s25;
	s8 =	spop (v2sf)  }
0x15b: {  	v1 =	vshll.u32 v3, $0x6;
	[smem:$0x7BD] =	sst s29;
	v7 =	vadd.bf16 v8, v7;
	v3 =	vadd.bf16 v10, v9;
	s29 =	spop (v2sf)  }
0x15c: {  	(v2sf) =	vpush v1, $0x7;
	v2 =	vadd.bf16 v6, v2;
	v8 =	vld [tilespmem:s29+$0xC800]  }
0x15d: {  	(v2sf) =	vpush v1, $0x6;
	v3 =	vadd.bf16 v3, v7  }
0x15e: {  	(v2sf) =	vpush v1, $0x5  }
0x15f: {  	(v2sf) =	vpush v1, $0x4;
	v2 =	vadd.bf16 v3, v2  }
0x160: {  	(v2sf) =	vpush v1, $0x3  }
0x161: {  	(v2sf) =	vpush v1, $0x2;
	v2 =	vadd.bf16 v2, v8  }
0x162: {  	v10 =	vshll.u32 v4, $0x6;
	(v2sf) =	vpush v1, $0x1  }
0x163: {  	s3 =	simm.s32 $0x1BF00;
	s0 =	sshll.u32 s23, $0x8;
	(v2sf) =	vpush v10, $0x7;
	v3 =	vunpack.i.l.bf16.f32 v2  }
0x164: {  	s2 =	sshra.s32 s0, $0x2;
	(v2sf) =	vpush v10, $0x6;
	v2 =	vunpack.i.u.bf16.f32 v2;
	[tilespmem:s3+$0x80] =	vst v3  }
0x165: {  	v12 =	vld [tilespmem:s2+$0x0];
	[tilespmem:s3+$0x90] =	vst v2  }
0x166: {  	(v2sf) =	vpush v10, $0x5;
	v2 =	vld [tilespmem:s1+$0x10]  }
0x167: {  	s21 =	spop (v2sf);
	(v2sf) =	vpush v10, $0x4;
	v4 =	vld [tilespmem:s4+$0x1910]  }
0x168: {  	s13 =	spop (v2sf);
	(v2sf) =	vpush v10, $0x3;
	v6 =	vld [tilespmem:s26+$0x3210]  }
0x169: {  	s16 =	spop (v2sf);
	(v2sf) =	vpush v10, $0x2;
	v7 =	vld [tilespmem:s28+$0x4B10]  }
0x16a: {  	s30 =	spop (v2sf);
	(v2sf) =	vpush v10, $0x1;
	v8 =	vld [tilespmem:s24+$0x6410]  }
0x16b: {  	(v2sf) =	vpush v5, $0x8;
	v5 =	vld [tilespmem:s10+$0x7D10];
	s14 =	spop (v2sf)  }
0x16c: {  	v9 =	vld [tilespmem:s11+$0x9610];
	s6 =	spop (v2sf)  }
0x16d: {  	v11 =	vld [tilespmem:s15+$0xAF10];
	s5 =	spop (v2sf)  }
0x16e: {  	v13 =	vld [tilespmem:s13+$0x4B00];
	s20 =	spop (v2sf)  }
0x16f: {  	v14 =	vld [tilespmem:s16+$0x3200];
	s18 =	spop (v2sf)  }
0x170: {  	v15 =	vld [tilespmem:s30+$0x1900];
	s19 =	spop (v2sf)  }
0x171: {  	v3 =	vld [tilespmem:s12+$0xAF00];
	v2 =	vadd.bf16 v4, v2;
	v4 =	vadd.bf16 v7, v6;
	s23 =	spop (v2sf)  }
0x172: {  	v6 =	vld [tilespmem:s21+$0x6400];
	v5 =	vadd.bf16 v5, v8;
	v7 =	vadd.bf16 v11, v9;
	s31 =	spop (v2sf)  }
0x173: {  	v8 =	vld [tilespmem:s29+$0xC810];
	[smem:$0x7C0] =	sst s31;
	s9 =	spop (v2sf)  }
0x174: {  	v2 =	vadd.bf16 v4, v2;
	v4 =	vadd.bf16 v7, v5;
	v9 =	vld [tilespmem:s8+$0x7D00];
	[smem:$0x7BF] =	sst s9  }
0x175: {  	s25 =	spop (v2sf);
	v5 =	vld [tilespmem:s7+$0x9600]  }
0x176: {  	v2 =	vadd.bf16 v4, v2;
	s22 =	spop (v2sf)  }
0x177: {  	s31 =	spop (v2sf)  }
0x178: {  	v2 =	vadd.bf16 v2, v8;
	s17 =	spop (v2sf)  }
0x179: {  	v7 =	vadd.bf16 v15, v12;
	v4 =	vadd.bf16 v13, v14;
	s9 =	spop (v2sf)  }
0x17a: {  	[smem:$0x7C1] =	sst s9;
	v6 =	vadd.bf16 v9, v6;
	s0 =	spop (v2sf);
	v3 =	vadd.bf16 v3, v5;
	v5 =	vunpack.i.l.bf16.f32 v2  }
0x17b: {  	v8 =	vld [tilespmem:s0+$0xC800];
	v2 =	vunpack.i.u.bf16.f32 v2;
	[tilespmem:s3+$0xA0] =	vst v5  }
0x17c: {  	v4 =	vadd.bf16 v4, v7;
	[tilespmem:s3+$0xB0] =	vst v2;
	v3 =	vadd.bf16 v3, v6  }
0x17d: {  	v2 =	vld [tilespmem:s1+$0x20]  }
0x17e: {  	v5 =	vld [tilespmem:s26+$0x3220];
	v3 =	vadd.bf16 v3, v4  }
0x17f: {  	v6 =	vld [tilespmem:s28+$0x4B20]  }
0x180: {  	v7 =	vld [tilespmem:s24+$0x6420];
	v3 =	vadd.bf16 v3, v8  }
0x181: {  	v9 =	vld [tilespmem:s10+$0x7D20]  }
0x182: {  	v4 =	vld [tilespmem:s4+$0x1920];
	v8 =	vunpack.i.l.bf16.f32 v3  }
0x183: {  	v3 =	vunpack.i.u.bf16.f32 v3;
	[tilespmem:s3+$0xFFFFFF00] =	vst v8;
	v8 =	vld [tilespmem:s11+$0x9620]  }
0x184: {  	[tilespmem:s3+$0xFFFFFF10] =	vst v3;
	v3 =	vld [tilespmem:s15+$0xAF20]  }
0x185: {  	v11 =	vld [tilespmem:s2+$0x10]  }
0x186: {  	v12 =	vld [tilespmem:s30+$0x1910]  }
0x187: {  	v13 =	vld [tilespmem:s16+$0x3210]  }
0x188: {  	v14 =	vld [tilespmem:s13+$0x4B10]  }
0x189: {  	v15 =	vld [tilespmem:s21+$0x6410];
	[smem:$0x7C2] =	sst s21  }
0x18a: {  	v16 =	vld [tilespmem:s8+$0x7D10];
	[smem:$0x7C3] =	sst s8  }
0x18b: {  	[smem:$0x7C4] =	sst s7  }
0x18c: {  	v2 =	vadd.bf16 v4, v2;
	v4 =	vadd.bf16 v6, v5;
	v5 =	vld [tilespmem:s7+$0x9610];
	[smem:$0x7C5] =	sst s12  }
0x18d: {  	v6 =	vadd.bf16 v9, v7;
	v7 =	vld [tilespmem:s12+$0xAF10];
	v3 =	vadd.bf16 v3, v8  }
0x18e: {  	v8 =	vld [tilespmem:s29+$0xC820]  }
0x18f: {  	v2 =	vadd.bf16 v4, v2;
	v3 =	vadd.bf16 v3, v6  }
0x190: {  	v4 =	vadd.bf16 v12, v11  }
0x191: {  	v6 =	vadd.bf16 v16, v15;
	v2 =	vadd.bf16 v3, v2  }
0x192: {  	v3 =	vadd.bf16 v14, v13;
	v5 =	vadd.bf16 v7, v5  }
0x193: {  	v7 =	vld [tilespmem:s0+$0xC810];
	v2 =	vadd.bf16 v2, v8  }
0x194: {  	v3 =	vadd.bf16 v3, v4;
	v4 =	vadd.bf16 v5, v6  }
0x195: {  	v5 =	vunpack.i.l.bf16.f32 v2  }
0x196: {  	v2 =	vunpack.i.u.bf16.f32 v2;
	v4 =	vadd.bf16 v4, v3;
	[tilespmem:s3+$0xC0] =	vst v5  }
0x197: {  	[tilespmem:s3+$0xD0] =	vst v2  }
0x198: {  	v3 =	vld [tilespmem:s1+$0x30];
	v2 =	vadd.bf16 v4, v7  }
0x199: {  	v4 =	vld [tilespmem:s4+$0x1930]  }
0x19a: {  	v5 =	vld [tilespmem:s26+$0x3230];
	v7 =	vunpack.i.l.bf16.f32 v2  }
0x19b: {  	v6 =	vld [tilespmem:s28+$0x4B30];
	v8 =	vunpack.i.u.bf16.f32 v2;
	[tilespmem:s3+$0xFFFFFF20] =	vst v7  }
0x19c: {  	[tilespmem:s3+$0xFFFFFF30] =	vst v8;
	v8 =	vld [tilespmem:s11+$0x9630]  }
0x19d: {  	v11 =	vld [tilespmem:s2+$0x20]  }
0x19e: {  	v12 =	vld [tilespmem:s30+$0x1920]  }
0x19f: {  	v13 =	vld [tilespmem:s16+$0x3220]  }
0x1a0: {  	v14 =	vld [tilespmem:s13+$0x4B20]  }
0x1a1: {  	v15 =	vld [tilespmem:s21+$0x6420]  }
0x1a2: {  	v33 =	vld [tilespmem:s8+$0x7D20]  }
0x1a3: {  	v17 =	vld [tilespmem:s7+$0x9620]  }
0x1a4: {  	v18 =	vld [tilespmem:s12+$0xAF20];
	s11 =	sld [smem:$0x7BC]  }
0x1a5: {  	v9 =	vld [tilespmem:s15+$0xAF30]  }
0x1a6: {  	(v2sf) =	vpush v1, $0x8;
	v1 =	vld [tilespmem:s29+$0xC830]  }
0x1a7: {  	v2 =	vld [tilespmem:s24+$0x6430];
	s1 =	sshll.u32 s11, $0x8  }
0x1a8: {  	v7 =	vld [tilespmem:s10+$0x7D30];
	s21 =	sshra.s32 s1, $0x2;
	v11 =	vadd.bf16 v12, v11;
	v12 =	vadd.bf16 v14, v13  }
0x1a9: {  	v13 =	vld [tilespmem:s21+$0x0];
	v14 =	vadd.bf16 v33, v15;
	v15 =	vadd.bf16 v18, v17;
	[dreg:$0x4] =	wrdreg s0  }
0x1aa: {  	s12 =	sld [smem:$0x7BD];
	v34 =	vld [tilespmem:s0+$0xC820]  }
0x1ab: {  	v11 =	vadd.bf16 v12, v11;
	v12 =	vadd.bf16 v15, v14;
	_ =	sdelay $0x1  }
0x1ac: {  	s1 =	sshll.u32 s12, $0x8;
	v11 =	vadd.bf16 v12, v11  }
0x1ad: {  	s10 =	sshra.s32 s1, $0x2  }
0x1ae: {  	v35 =	vld [tilespmem:s10+$0x0];
	v11 =	vadd.bf16 v11, v34  }
0x1af: {  	v36 =	vld [tilespmem:s19+$0x3200]  }
0x1b0: {  	v37 =	vld [tilespmem:s5+$0x7D00];
	v20 =	vunpack.i.l.bf16.f32 v11  }
0x1b1: {  	(v2sf) =	vpush v10, $0x8;
	v19 =	vld [tilespmem:s6+$0x9600];
	v10 =	vunpack.i.u.bf16.f32 v11;
	[tilespmem:s3+$0xFFFFFF40] =	vst v20  }
0x1b2: {  	v21 =	vld [tilespmem:s14+$0xAF00];
	[tilespmem:s3+$0xFFFFFF50] =	vst v10  }
0x1b3: {  	v38 =	vld [tilespmem:s9+$0x1900];
	s15 =	sld [smem:$0x7BE]  }
0x1b4: {  	v14 =	vld [tilespmem:s20+$0x6400]  }
0x1b5: {  	v15 =	vld [tilespmem:s18+$0x4B00]  }
0x1b6: {  	v12 =	vld [tilespmem:s23+$0x1900];
	s0 =	sadd.s32 $0x24, s15  }
0x1b7: {  	v10 =	vld [tilespmem:s2+$0x30];
	[smem:$0x7CC] =	sst s0  }
0x1b8: {  	v22 =	vld [tilespmem:s0+$0x9];
	_ =	sdelay $0x1  }
0x1b9: {  	v23 =	vld [tilespmem:s17+$0x3200]  }
0x1ba: {  	v12 =	vadd.bf16 v12, v13;
	v13 =	vadd.bf16 v15, v36;
	v11 =	vld [tilespmem:s30+$0x1930]  }
0x1bb: {  	s4 =	spop (v2sf);
	v14 =	vadd.bf16 v37, v14;
	v15 =	vadd.bf16 v21, v19;
	v39 =	vld [tilespmem:s31+$0x4B00]  }
0x1bc: {  	v12 =	vadd.bf16 v13, v12;
	v13 =	vld [tilespmem:s4+$0xC800];
	v41 =	vshll.u32 v22, $0x6;
	(v2sf) =	vpush v22, $0x0  }
0x1bd: {  	s7 =	sld [smem:$0x7BF];
	v14 =	vadd.bf16 v15, v14;
	v40 =	vld [tilespmem:s22+$0x6400];
	(v2sf) =	vpush v41, $0x1  }
0x1be: {  	v42 =	vld [tilespmem:s25+$0x7D00];
	(v2sf) =	vpush v41, $0x2  }
0x1bf: {  	v12 =	vadd.bf16 v14, v12;
	v14 =	vld [tilespmem:s0+$0xFFFFFFEE];
	(v2sf) =	vpush v41, $0x3  }
0x1c0: {  	s11 =	sld [smem:$0x7C0];
	v24 =	vld [tilespmem:s7+$0x9600];
	(v2sf) =	vpush v41, $0x4  }
0x1c1: {  	v17 =	vld [tilespmem:s0+$0xFFFFFFF7];
	v13 =	vadd.bf16 v12, v13;
	(v2sf) =	vpush v41, $0x5  }
0x1c2: {  	v15 =	vld [tilespmem:s0+$0x0];
	(v2sf) =	vpush v41, $0x6  }
0x1c3: {  	s1 =	spop (v2sf);
	v26 =	vld [tilespmem:s11+$0xAF00];
	v25 =	vunpack.i.l.bf16.f32 v13;
	(v2sf) =	vpush v41, $0x7  }
0x1c4: {  	v43 =	vld [tilespmem:s1+$0xC800];
	v13 =	vunpack.i.u.bf16.f32 v13;
	[tilespmem:s3+$0xFFFFFF80] =	vst v25;
	(v2sf) =	vpush v14, $0x0  }
0x1c5: {  	v12 =	vld [tilespmem:s16+$0x3230];
	[tilespmem:s3+$0xFFFFFF90] =	vst v13  }
0x1c6: {  	v13 =	vld [tilespmem:s21+$0x10];
	(v2sf) =	vpush v17, $0x0  }
0x1c7: {  	v27 =	vld [tilespmem:s23+$0x1910]  }
0x1c8: {  	v28 =	vld [tilespmem:s19+$0x3210];
	v14 =	vshll.u32 v14, $0x6;
	(v2sf) =	vpush v15, $0x0  }
0x1c9: {  	v29 =	vld [tilespmem:s18+$0x4B10];
	(v2sf) =	vpush v14, $0x7  }
0x1ca: {  	v44 =	vld [tilespmem:s20+$0x6410];
	(v2sf) =	vpush v14, $0x6  }
0x1cb: {  	v18 =	vadd.bf16 v38, v35;
	s15 =	smov.u32 s17;
	v16 =	vadd.bf16 v39, v23;
	v45 =	vld [tilespmem:s5+$0x7D10];
	s17 =	spop (v2sf)  }
0x1cc: {  	v19 =	vadd.bf16 v42, v40;
	v46 =	vadd.bf16 v26, v24;
	v47 =	vld [tilespmem:s6+$0x9610];
	s29 =	spop (v2sf)  }
0x1cd: {  	v16 =	vadd.bf16 v16, v18;
	v48 =	vld [tilespmem:s14+$0xAF10];
	s28 =	spop (v2sf)  }
0x1ce: {  	v49 =	vadd.bf16 v46, v19;
	(v2sf) =	vpush v14, $0x5;
	v50 =	vld [tilespmem:s29+$0x1900];
	s12 =	spop (v2sf)  }
0x1cf: {  	s9 =	smov.u32 s22;
	(v2sf) =	vpush v41, $0x8;
	v51 =	vld [tilespmem:s28+$0x3200];
	s22 =	spop (v2sf)  }
0x1d0: {  	v16 =	vadd.bf16 v49, v16;
	v52 =	vld [tilespmem:s12+$0x4B00];
	s24 =	spop (v2sf)  }
0x1d1: {  	s8 =	smov.u32 s25;
	v53 =	vld [tilespmem:s22+$0x6400];
	s25 =	spop (v2sf)  }
0x1d2: {  	v16 =	vadd.bf16 v16, v43;
	s0 =	sshll.u32 s17, $0x8;
	v54 =	vld [tilespmem:s24+$0x7D00];
	s17 =	spop (v2sf)  }
0x1d3: {  	s26 =	smov.u32 s31;
	v30 =	vld [tilespmem:s25+$0x9600];
	s31 =	spop (v2sf)  }
0x1d4: {  	s16 =	smov.u32 s19;
	s19 =	smov.u32 s18;
	v31 =	vunpack.i.l.bf16.f32 v16;
	v32 =	vld [tilespmem:s17+$0xAF00];
	[smem:$0x7C7] =	sst s31  }
0x1d5: {  	s18 =	smov.u32 s14;
	s2 =	sshra.s32 s0, $0x2;
	s14 =	spop (v2sf);
	[tilespmem:s3+$0x0] =	vst v31  }
0x1d6: {  	v55 =	vld [tilespmem:s2+$0x0];
	[smem:$0x7C8] =	sst s14  }
0x1d7: {  	v16 =	vunpack.i.u.bf16.f32 v16;
	v27 =	vadd.bf16 v27, v13;
	v13 =	vld [tilespmem:s13+$0x4B30];
	s13 =	spop (v2sf)  }
0x1d8: {  	[tilespmem:s3+$0x10] =	vst v16;
	s31 =	spop (v2sf)  }
0x1d9: {  	v58 =	vld [tilespmem:s10+$0x10];
	[smem:$0x7C6] =	sst s31;
	s14 =	spop (v2sf)  }
0x1da: {  	v28 =	vadd.bf16 v29, v28;
	v60 =	vld [tilespmem:s4+$0xC810];
	[smem:$0x7CA] =	sst s14  }
0x1db: {  	v56 =	vadd.bf16 v45, v44;
	v57 =	vadd.bf16 v48, v47;
	s14 =	sld [smem:$0x7C1]  }
0x1dc: {  	v59 =	vadd.bf16 v28, v27;
	v18 =	vadd.bf16 v52, v51  }
0x1dd: {  	v62 =	vadd.bf16 v54, v53;
	v16 =	vadd.bf16 v57, v56;
	s31 =	spop (v2sf)  }
0x1de: {  	v32 =	vadd.bf16 v32, v30;
	v19 =	vadd.bf16 v50, v55;
	s30 =	spop (v2sf);
	v61 =	vld [tilespmem:s14+$0x1910];
	[smem:$0x7C9] =	sst s31  }
0x1df: {  	v16 =	vadd.bf16 v16, v59;
	v33 =	vld [tilespmem:s30+$0xC800]  }
0x1e0: {  	v35 =	vadd.bf16 v32, v62;
	v18 =	vadd.bf16 v18, v19;
	v63 =	vld [tilespmem:s15+$0x3210];
	[smem:$0x7CB] =	sst s26  }
0x1e1: {  	v34 =	vld [tilespmem:s26+$0x4B10]  }
0x1e2: {  	v18 =	vadd.bf16 v35, v18;
	v36 =	vld [tilespmem:s9+$0x6410];
	v16 =	vadd.bf16 v16, v60  }
0x1e3: {  	v37 =	vld [tilespmem:s8+$0x7D10]  }
0x1e4: {  	v38 =	vld [tilespmem:s7+$0x9610];
	v39 =	vunpack.i.l.bf16.f32 v16;
	v18 =	vadd.bf16 v18, v33  }
0x1e5: {  	v40 =	vld [tilespmem:s11+$0xAF10];
	v16 =	vunpack.i.u.bf16.f32 v16;
	[tilespmem:s3+$0xFFFFFFA0] =	vst v39  }
0x1e6: {  	s31 =	smov.u32 s15;
	s15 =	simm.s32 $0x1C100;
	v41 =	vld [tilespmem:s1+$0xC810];
	[tilespmem:s3+$0xFFFFFFB0] =	vst v16;
	v42 =	vunpack.i.l.bf16.f32 v18  }
0x1e7: {  	v16 =	vld [tilespmem:s21+$0x20];
	v18 =	vunpack.i.u.bf16.f32 v18;
	[tilespmem:s15+$0x80] =	vst v42  }
0x1e8: {  	v29 =	vld [tilespmem:s23+$0x1920];
	[tilespmem:s15+$0x90] =	vst v18  }
0x1e9: {  	v18 =	vld [tilespmem:s2+$0x10]  }
0x1ea: {  	v44 =	vld [tilespmem:s29+$0x1910]  }
0x1eb: {  	v46 =	vld [tilespmem:s28+$0x3210]  }
0x1ec: {  	v22 =	vadd.bf16 v61, v58;
	v45 =	vadd.bf16 v34, v63;
	v47 =	vld [tilespmem:s12+$0x4B10]  }
0x1ed: {  	v20 =	vadd.bf16 v37, v36;
	v19 =	vadd.bf16 v40, v38;
	v48 =	vld [tilespmem:s22+$0x6410]  }
0x1ee: {  	v49 =	vld [tilespmem:s24+$0x7D10]  }
0x1ef: {  	v22 =	vadd.bf16 v45, v22;
	v19 =	vadd.bf16 v19, v20;
	v50 =	vld [tilespmem:s25+$0x9610]  }
0x1f0: {  	v51 =	vld [tilespmem:s17+$0xAF10]  }
0x1f1: {  	v43 =	vld [tilespmem:s16+$0x3220];
	v19 =	vadd.bf16 v19, v22  }
0x1f2: {  	v52 =	vld [tilespmem:s19+$0x4B20]  }
0x1f3: {  	v53 =	vld [tilespmem:s20+$0x6420];
	v19 =	vadd.bf16 v19, v41  }
0x1f4: {  	v54 =	vld [tilespmem:s5+$0x7D20];
	v18 =	vadd.bf16 v44, v18;
	v21 =	vadd.bf16 v47, v46  }
0x1f5: {  	v33 =	vld [tilespmem:s6+$0x9620];
	v55 =	vunpack.i.l.bf16.f32 v19;
	v20 =	vadd.bf16 v49, v48;
	v22 =	vadd.bf16 v51, v50  }
0x1f6: {  	v57 =	vld [tilespmem:s30+$0xC810];
	v19 =	vunpack.i.u.bf16.f32 v19;
	[tilespmem:s3+$0x20] =	vst v55  }
0x1f7: {  	v56 =	vld [tilespmem:s18+$0xAF20];
	[tilespmem:s3+$0x30] =	vst v19;
	v18 =	vadd.bf16 v21, v18;
	v20 =	vadd.bf16 v22, v20  }
0x1f8: {  	v58 =	vld [tilespmem:s10+$0x20]  }
0x1f9: {  	v59 =	vld [tilespmem:s14+$0x1920];
	v18 =	vadd.bf16 v20, v18  }
0x1fa: {  	v60 =	vld [tilespmem:s31+$0x3220]  }
0x1fb: {  	v61 =	vld [tilespmem:s26+$0x4B20];
	v18 =	vadd.bf16 v18, v57  }
0x1fc: {  	v62 =	vld [tilespmem:s9+$0x6420]  }
0x1fd: {  	v63 =	vld [tilespmem:s8+$0x7D20];
	v41 =	vunpack.i.l.bf16.f32 v18  }
0x1fe: {  	v40 =	vld [tilespmem:s7+$0x9620];
	[tilespmem:s15+$0xA0] =	vst v41  }
0x1ff: {  	v34 =	vld [tilespmem:s11+$0xAF20];
	v18 =	vunpack.i.u.bf16.f32 v18;
	[dreg:$0x7] =	wrdreg s4  }
0x200: {  	v42 =	vld [tilespmem:s4+$0xC820];
	[tilespmem:s15+$0xB0] =	vst v18  }
0x201: {  	v35 =	vld [tilespmem:s2+$0x20]  }
0x202: {  	v36 =	vld [tilespmem:s29+$0x1920]  }
0x203: {  	v16 =	vadd.bf16 v29, v16;
	v43 =	vadd.bf16 v52, v43;
	v44 =	vld [tilespmem:s28+$0x3220]  }
0x204: {  	v23 =	vadd.bf16 v54, v53;
	v25 =	vadd.bf16 v56, v33;
	v45 =	vld [tilespmem:s12+$0x4B20]  }
0x205: {  	v46 =	vld [tilespmem:s22+$0x6420];
	s26 =	sld [smem:$0x7C2]  }
0x206: {  	v16 =	vadd.bf16 v43, v16;
	v47 =	vadd.bf16 v25, v23;
	v48 =	vld [tilespmem:s24+$0x7D20]  }
0x207: {  	v49 =	vld [tilespmem:s25+$0x9620];
	s4 =	sld [smem:$0x7C3]  }
0x208: {  	v16 =	vadd.bf16 v47, v16;
	v18 =	vld [tilespmem:s26+$0x6430];
	s26 =	sld [smem:$0x7C4]  }
0x209: {  	v21 =	vadd.bf16 v59, v58;
	v51 =	vld [tilespmem:s17+$0xAF20]  }
0x20a: {  	v50 =	vadd.bf16 v61, v60;
	v20 =	vld [tilespmem:s4+$0x7D30];
	s4 =	sld [smem:$0x7C5];
	v16 =	vadd.bf16 v16, v42  }
0x20b: {  	v19 =	vadd.bf16 v63, v62;
	v52 =	vadd.bf16 v34, v40;
	v22 =	vld [tilespmem:s26+$0x9630];
	[dreg:$0x6] =	wrdreg s1  }
0x20c: {  	v54 =	vunpack.i.u.bf16.f32 v16;
	v53 =	vld [tilespmem:s1+$0xC820]  }
0x20d: {  	v21 =	vadd.bf16 v50, v21;
	v19 =	vadd.bf16 v52, v19;
	v16 =	vunpack.i.l.bf16.f32 v16;
	v29 =	vld [tilespmem:s4+$0xAF30];
	[tilespmem:s3+$0xFFFFFFD0] =	vst v54  }
0x20e: {  	v55 =	vadd.bf16 v36, v35;
	v26 =	vadd.bf16 v45, v44;
	[tilespmem:s3+$0xFFFFFFC0] =	vst v16;
	v57 =	vld [tilespmem:s30+$0xC820]  }
0x20f: {  	v23 =	vadd.bf16 v48, v46;
	v56 =	vadd.bf16 v51, v49;
	v24 =	vld [tilespmem:s21+$0x30]  }
0x210: {  	v19 =	vadd.bf16 v19, v21;
	v27 =	vld [tilespmem:s23+$0x1930]  }
0x211: {  	v58 =	vadd.bf16 v26, v55;
	v23 =	vadd.bf16 v56, v23;
	v28 =	vld [tilespmem:s16+$0x3230]  }
0x212: {  	v30 =	vld [tilespmem:s19+$0x4B30];
	v19 =	vadd.bf16 v19, v53  }
0x213: {  	v21 =	vld [tilespmem:s20+$0x6430];
	v23 =	vadd.bf16 v23, v58  }
0x214: {  	(v2sf) =	vpush v14, $0x4;
	v25 =	vld [tilespmem:s5+$0x7D30];
	v59 =	vunpack.i.l.bf16.f32 v19  }
0x215: {  	v16 =	vadd.bf16 v23, v57;
	v23 =	vld [tilespmem:s18+$0xAF30];
	v60 =	vunpack.i.u.bf16.f32 v19;
	[tilespmem:s3+$0x40] =	vst v59  }
0x216: {  	(v2sf) =	vpush v14, $0x3;
	v19 =	vld [tilespmem:s6+$0x9630];
	[tilespmem:s3+$0x50] =	vst v60  }
0x217: {  	(v2sf) =	vpush v14, $0x2;
	v61 =	vunpack.i.l.bf16.f32 v16;
	v62 =	vunpack.i.u.bf16.f32 v16;
	v16 =	vld [tilespmem:s10+$0x30]  }
0x218: {  	(v2sf) =	vpush v14, $0x1;
	v40 =	vshll.u32 v17, $0x6;
	v35 =	vld [tilespmem:s14+$0x1930]  }
0x219: {  	(v2sf) =	vpush v40, $0x7;
	v37 =	vld [tilespmem:s31+$0x3230]  }
0x21a: {  	(v2sf) =	vpush v40, $0x6;
	[tilespmem:s15+$0xC0] =	vst v61;
	v38 =	vld [tilespmem:s9+$0x6430]  }
0x21b: {  	s16 =	sld [smem:$0x7C6];
	[tilespmem:s15+$0xD0] =	vst v62;
	v42 =	vld [tilespmem:s11+$0xAF30]  }
0x21c: {  	v26 =	vld [tilespmem:s2+$0x30]  }
0x21d: {  	(v2sf) =	vpush v40, $0x5;
	v17 =	vld [tilespmem:s29+$0x1930]  }
0x21e: {  	(v2sf) =	vpush v40, $0x4;
	v31 =	vld [tilespmem:s28+$0x3230]  }
0x21f: {  	(v2sf) =	vpush v40, $0x3;
	v32 =	vld [tilespmem:s12+$0x4B30]  }
0x220: {  	v41 =	vshll.u32 v15, $0x6;
	(v2sf) =	vpush v40, $0x2;
	s18 =	sld [smem:$0x7C8];
	v15 =	vld [tilespmem:s22+$0x6430]  }
0x221: {  	(v2sf) =	vpush v40, $0x1;
	s19 =	sshll.u32 s13, $0x8;
	v33 =	vld [tilespmem:s24+$0x7D30]  }
0x222: {  	(v2sf) =	vpush v41, $0x7;
	s10 =	sld [smem:$0x7C7];
	s29 =	sshra.s32 s19, $0x2;
	v34 =	vld [tilespmem:s25+$0x9630]  }
0x223: {  	s22 =	sld [smem:$0x7C9];
	v36 =	vld [tilespmem:s17+$0xAF30];
	s1 =	sshll.u32 s18, $0x8;
	s18 =	spop (v2sf);
	(v2sf) =	vpush v41, $0x6  }
0x224: {  	s24 =	sld [smem:$0x7CA];
	v46 =	vld [tilespmem:s29+$0x0];
	(v2sf) =	vpush v41, $0x5  }
0x225: {  	s20 =	sld [smem:$0x7CB];
	v43 =	vld [tilespmem:s16+$0xAF00];
	s19 =	spop (v2sf);
	(v2sf) =	vpush v41, $0x4  }
0x226: {  	v51 =	vld [tilespmem:s22+$0x7D00];
	s13 =	spop (v2sf);
	(v2sf) =	vpush v41, $0x3  }
0x227: {  	v52 =	vld [tilespmem:s24+$0x9600];
	s21 =	spop (v2sf);
	(v2sf) =	vpush v41, $0x2  }
0x228: {  	s0 =	sshll.u32 s10, $0x8;
	v39 =	vld [tilespmem:s20+$0x4B30];
	s12 =	spop (v2sf);
	(v2sf) =	vpush v41, $0x1  }
0x229: {  	s6 =	sshra.s32 s0, $0x2;
	v50 =	vld [tilespmem:s18+$0x6400];
	s5 =	spop (v2sf);
	(v2sf) =	vpush v14, $0x8  }
0x22a: {  	s23 =	sshra.s32 s1, $0x2;
	v44 =	vld [tilespmem:s6+$0x0]  }
0x22b: {  	v45 =	vld [tilespmem:s23+$0x0]  }
0x22c: {  	v47 =	vld [tilespmem:s19+$0x4B00];
	s4 =	spop (v2sf)  }
0x22d: {  	v48 =	vld [tilespmem:s13+$0x3200];
	s14 =	spop (v2sf)  }
0x22e: {  	v49 =	vld [tilespmem:s21+$0x1900];
	s26 =	spop (v2sf)  }
0x22f: {  	v60 =	vld [tilespmem:s12+$0xAF00];
	s2 =	spop (v2sf)  }
0x230: {  	v14 =	vld [tilespmem:s30+$0xC830];
	s0 =	spop (v2sf)  }
0x231: {  	v63 =	vld [tilespmem:s5+$0x9600];
	(v2sf) =	vpush v40, $0x8;
	s31 =	spop (v2sf)  }
0x232: {  	v57 =	vld [tilespmem:s4+$0x7D00];
	(v2sf) =	vpush v41, $0x8;
	s1 =	spop (v2sf)  }
0x233: {  	v53 =	vld [tilespmem:s14+$0x6400];
	s11 =	spop (v2sf)  }
0x234: {  	v54 =	vld [tilespmem:s26+$0x4B00];
	s17 =	spop (v2sf)  }
0x235: {  	v40 =	vld [tilespmem:s8+$0x7D30];
	s20 =	spop (v2sf)  }
0x236: {  	v56 =	vld [tilespmem:s2+$0x3200];
	s10 =	spop (v2sf)  }
0x237: {  	v43 =	vadd.bf16 v43, v52;
	v59 =	vadd.bf16 v51, v50;
	v41 =	vld [tilespmem:s7+$0x9630];
	s3 =	spop (v2sf)  }
0x238: {  	v47 =	vadd.bf16 v47, v48;
	v44 =	vadd.bf16 v49, v44;
	v55 =	vld [tilespmem:s0+$0x1900];
	s9 =	spop (v2sf)  }
0x239: {  	v61 =	vld [tilespmem:s9+$0xC800]  }
0x23a: {  	v43 =	vadd.bf16 v43, v59;
	v44 =	vadd.bf16 v47, v44;
	v50 =	vld [tilespmem:s31+$0xAF00]  }
0x23b: {  	v62 =	vadd.bf16 v54, v56;
	v54 =	vld [tilespmem:s1+$0x9600]  }
0x23c: {  	v43 =	vadd.bf16 v43, v44;
	v58 =	vld [tilespmem:s11+$0x7D00]  }
0x23d: {  	v52 =	vld [tilespmem:s17+$0x6400]  }
0x23e: {  	v44 =	vld [tilespmem:s20+$0x4B00];
	v43 =	vadd.bf16 v43, v61  }
0x23f: {  	v49 =	vld [tilespmem:s10+$0x3200]  }
0x240: {  	v48 =	vadd.bf16 v60, v63;
	v47 =	vld [tilespmem:s3+$0x1900];
	s8 =	spop (v2sf);
	v63 =	vunpack.i.l.bf16.f32 v43  }
0x241: {  	v53 =	vadd.bf16 v57, v53;
	v45 =	vadd.bf16 v55, v45;
	v60 =	vld [tilespmem:s8+$0xC800];
	s7 =	spop (v2sf);
	v43 =	vunpack.i.u.bf16.f32 v43;
	[tilespmem:s15+$0xFFFFFF00] =	vst v63  }
0x242: {  	v61 =	vld [tilespmem:s7+$0xC800];
	[tilespmem:s15+$0xFFFFFF10] =	vst v43  }
0x243: {  	v48 =	vadd.bf16 v48, v53;
	v45 =	vadd.bf16 v62, v45;
	v51 =	vld [tilespmem:s6+$0x10]  }
0x244: {  	v62 =	vld [tilespmem:s21+$0x1910]  }
0x245: {  	v45 =	vadd.bf16 v48, v45;
	v63 =	vld [tilespmem:s13+$0x3210]  }
0x246: {  	v55 =	vld [tilespmem:s19+$0x4B10]  }
0x247: {  	v46 =	vadd.bf16 v47, v46;
	v45 =	vadd.bf16 v45, v60;
	v47 =	vld [tilespmem:s18+$0x6410]  }
0x248: {  	v50 =	vadd.bf16 v50, v54;
	v54 =	vld [tilespmem:s22+$0x7D10]  }
0x249: {  	v57 =	vadd.bf16 v58, v52;
	v44 =	vadd.bf16 v44, v49;
	v52 =	vld [tilespmem:s24+$0x9610];
	v58 =	vunpack.i.l.bf16.f32 v45  }
0x24a: {  	v2 =	vadd.bf16 v7, v2;
	v7 =	vadd.bf16 v9, v8;
	v8 =	vld [tilespmem:s9+$0xC810];
	v45 =	vunpack.i.u.bf16.f32 v45;
	[tilespmem:s15+$0xFFFFFF80] =	vst v58  }
0x24b: {  	v59 =	vadd.bf16 v50, v57;
	v44 =	vadd.bf16 v44, v46;
	[tilespmem:s15+$0xFFFFFF90] =	vst v45;
	v45 =	vld [tilespmem:s16+$0xAF10]  }
0x24c: {  	v49 =	vld [tilespmem:s23+$0x10]  }
0x24d: {  	v44 =	vadd.bf16 v59, v44;
	v46 =	vld [tilespmem:s0+$0x1910]  }
0x24e: {  	v50 =	vld [tilespmem:s2+$0x3210]  }
0x24f: {  	v43 =	vadd.bf16 v44, v61;
	v44 =	vld [tilespmem:s26+$0x4B10]  }
0x250: {  	v3 =	vadd.bf16 v4, v3;
	v4 =	vadd.bf16 v6, v5;
	v56 =	vld [tilespmem:s14+$0x6410]  }
0x251: {  	v60 =	vunpack.i.l.bf16.f32 v43;
	v61 =	vld [tilespmem:s4+$0x7D10];
	v62 =	vadd.bf16 v62, v51;
	v63 =	vadd.bf16 v55, v63  }
0x252: {  	v5 =	vunpack.i.u.bf16.f32 v43;
	v6 =	vld [tilespmem:s5+$0x9610];
	[tilespmem:s15+$0x0] =	vst v60;
	v47 =	vadd.bf16 v54, v47;
	v45 =	vadd.bf16 v45, v52  }
0x253: {  	[tilespmem:s15+$0x10] =	vst v5;
	v5 =	vld [tilespmem:s12+$0xAF10]  }
0x254: {  	v54 =	vld [tilespmem:s29+$0x10];
	v9 =	vadd.bf16 v63, v62;
	v55 =	vadd.bf16 v45, v47  }
0x255: {  	v3 =	vadd.bf16 v4, v3;
	v2 =	vadd.bf16 v7, v2;
	v57 =	vld [tilespmem:s3+$0x1910]  }
0x256: {  	v4 =	vld [tilespmem:s10+$0x3210];
	v7 =	vadd.bf16 v55, v9  }
0x257: {  	v2 =	vadd.bf16 v2, v3;
	v3 =	vadd.bf16 v11, v10;
	v10 =	vld [tilespmem:s17+$0x6410]  }
0x258: {  	v11 =	vadd.bf16 v13, v12;
	v59 =	vld [tilespmem:s1+$0x9610];
	v7 =	vadd.bf16 v7, v8  }
0x259: {  	v63 =	vld [tilespmem:s8+$0xC810];
	v12 =	vadd.bf16 v46, v49;
	v13 =	vadd.bf16 v44, v50  }
0x25a: {  	v60 =	vadd.bf16 v61, v56;
	v5 =	vadd.bf16 v5, v6;
	v6 =	vld [tilespmem:s31+$0xAF10];
	v61 =	vunpack.i.l.bf16.f32 v7  }
0x25b: {  	v18 =	vadd.bf16 v20, v18;
	v9 =	vld [tilespmem:s20+$0x4B10];
	v7 =	vunpack.i.u.bf16.f32 v7;
	[tilespmem:s15+$0xFFFFFF20] =	vst v61  }
0x25c: {  	v62 =	vadd.bf16 v29, v22;
	v12 =	vadd.bf16 v13, v12;
	v8 =	vld [tilespmem:s11+$0x7D10];
	[tilespmem:s15+$0xFFFFFF30] =	vst v7  }
0x25d: {  	v13 =	vadd.bf16 v2, v1;
	v5 =	vadd.bf16 v5, v60;
	v7 =	vld [tilespmem:s7+$0xC810];
	[dreg:$0x18] =	wrdreg s6  }
0x25e: {  	v1 =	vadd.bf16 v11, v3;
	v2 =	vadd.bf16 v62, v18;
	v3 =	vld [tilespmem:s6+$0x20];
	[dreg:$0x17] =	wrdreg s21  }
0x25f: {  	v29 =	vadd.bf16 v30, v28;
	v5 =	vadd.bf16 v5, v12;
	v11 =	vld [tilespmem:s21+$0x1920]  }
0x260: {  	v44 =	vadd.bf16 v57, v54;
	v1 =	vadd.bf16 v2, v1;
	v30 =	vld [tilespmem:s13+$0x3220]  }
0x261: {  	v6 =	vadd.bf16 v6, v59;
	v2 =	vadd.bf16 v5, v63;
	v5 =	vld [tilespmem:s19+$0x4B20]  }
0x262: {  	v4 =	vadd.bf16 v9, v4;
	v8 =	vadd.bf16 v8, v10;
	v9 =	vld [tilespmem:s18+$0x6420]  }
0x263: {  	v10 =	vunpack.i.l.bf16.f32 v2;
	v45 =	vld [tilespmem:s22+$0x7D20]  }
0x264: {  	v2 =	vunpack.i.u.bf16.f32 v2;
	v4 =	vadd.bf16 v4, v44;
	[tilespmem:s15+$0xFFFFFFA0] =	vst v10;
	v10 =	vld [tilespmem:s24+$0x9620];
	v6 =	vadd.bf16 v6, v8  }
0x265: {  	[tilespmem:s15+$0xFFFFFFB0] =	vst v2;
	v8 =	vld [tilespmem:s16+$0xAF20]  }
0x266: {  	v46 =	vld [tilespmem:s23+$0x20];
	v4 =	vadd.bf16 v6, v4  }
0x267: {  	v21 =	vadd.bf16 v25, v21;
	v15 =	vadd.bf16 v33, v15;
	v49 =	vld [tilespmem:s2+$0x3220]  }
0x268: {  	v48 =	vadd.bf16 v36, v34;
	v6 =	vld [tilespmem:s0+$0x1920];
	v4 =	vadd.bf16 v4, v7  }
0x269: {  	v16 =	vadd.bf16 v35, v16;
	v17 =	vadd.bf16 v17, v26;
	v7 =	vld [tilespmem:s26+$0x4B20];
	[dreg:$0x15] =	wrdreg s14  }
0x26a: {  	v15 =	vadd.bf16 v48, v15;
	v47 =	vadd.bf16 v32, v31;
	v50 =	vld [tilespmem:s14+$0x6420];
	[dreg:$0x14] =	wrdreg s4;
	v52 =	vunpack.i.l.bf16.f32 v4  }
0x26b: {  	v12 =	vadd.bf16 v27, v24;
	v2 =	vadd.bf16 v23, v19;
	[tilespmem:s15+$0x20] =	vst v52  }
0x26c: {  	v51 =	vadd.bf16 v39, v37;
	v17 =	vadd.bf16 v47, v17;
	v53 =	vld [tilespmem:s4+$0x7D20];
	v4 =	vunpack.i.u.bf16.f32 v4;
	[dreg:$0x16] =	wrdreg s5  }
0x26d: {  	v12 =	vadd.bf16 v29, v12;
	v2 =	vadd.bf16 v2, v21;
	[tilespmem:s15+$0x30] =	vst v4  }
0x26e: {  	v54 =	vadd.bf16 v40, v38;
	v55 =	vadd.bf16 v42, v41;
	v56 =	vld [tilespmem:s5+$0x9620];
	[dreg:$0x10] =	wrdreg s12  }
0x26f: {  	v2 =	vadd.bf16 v2, v12;
	v12 =	vadd.bf16 v15, v17;
	v4 =	vld [tilespmem:s12+$0xAF20];
	[dreg:$0xf] =	wrdreg s29  }
0x270: {  	v57 =	vadd.bf16 v55, v54;
	v15 =	vadd.bf16 v51, v16;
	v58 =	vld [tilespmem:s29+$0x20];
	[dreg:$0x13] =	wrdreg s3  }
0x271: {  	v12 =	vadd.bf16 v12, v14;
	v14 =	vld [tilespmem:s3+$0x1920]  }
0x272: {  	v11 =	vadd.bf16 v11, v3;
	v3 =	vadd.bf16 v57, v15;
	v15 =	vld [tilespmem:s10+$0x3220]  }
0x273: {  	v59 =	vld [tilespmem:s20+$0x4B20]  }
0x274: {  	s6 =	smov.u32 s18;
	v6 =	vadd.bf16 v6, v46;
	v7 =	vadd.bf16 v7, v49;
	v60 =	vld [tilespmem:s17+$0x6420]  }
0x275: {  	v63 =	vunpack.i.u.bf16.f32 v13;
	s18 =	smov.u32 s24;
	s24 =	simm.s32 $0x1BF00;
	v9 =	vadd.bf16 v45, v9;
	v8 =	vadd.bf16 v8, v10;
	v62 =	vld [tilespmem:s11+$0x7D20];
	[dreg:$0x11] =	wrdreg s1  }
0x276: {  	s28 =	smov.u32 s26;
	s26 =	simm.s32 $0x1BF00;
	v6 =	vadd.bf16 v7, v6;
	[tilespmem:s24+$0xF0] =	vst v63;
	v7 =	vld [tilespmem:s31+$0xAF20]  }
0x277: {  	v8 =	vadd.bf16 v8, v9;
	v9 =	vunpack.i.l.bf16.f32 v13;
	v61 =	vadd.bf16 v4, v56;
	v4 =	vld [tilespmem:s1+$0x9620];
	[dreg:$0x12] =	wrdreg s26  }
0x278: {  	[tilespmem:s24+$0xE0] =	vst v9;
	v9 =	vunpack.i.u.bf16.f32 v12  }
0x279: {  	s25 =	smov.u32 s13;
	s30 =	smov.u32 s23;
	s21 =	smov.u32 s19;
	v13 =	vadd.bf16 v14, v58;
	v14 =	vadd.bf16 v59, v15;
	v15 =	vunpack.i.l.bf16.f32 v12;
	[tilespmem:s15+$0xF0] =	vst v9  }
0x27a: {  	s19 =	smov.u32 s22;
	s22 =	smov.u32 s16;
	s13 =	smov.u32 s2;
	v5 =	vadd.bf16 v5, v30;
	[tilespmem:s15+$0xE0] =	vst v15  }
0x27b: {  	s14 =	smov.u32 s10;
	v10 =	vadd.bf16 v53, v50;
	s10 =	smov.u32 s31;
	s31 =	sld [smem:$0x7CD]  }
0x27c: {  	s23 =	smov.u32 s0;
	s2 =	smov.u32 s8;
	v5 =	vadd.bf16 v5, v11;
	s29 =	sld [smem:$0x7CC]  }
0x27d: {  	s4 =	smov.u32 s11;
	s5 =	smov.u32 s17;
	s12 =	smov.u32 s20;
	v11 =	vadd.bf16 v61, v10;
	v10 =	vld [tilespmem:s9+$0xC820]  }
0x27e: {  	v8 =	vadd.bf16 v8, v5;
	s3 =	smov.u32 s9;
	v12 =	vld [tilespmem:s8+$0xC820];
	s8 =	smov.u32 s7;
	v9 =	vadd.bf16 v62, v60;
	s0 =	sshllo.u32 s31, $0x1  }
0x27f: {  	s9 =	simm.s32 $0x4;
	v11 =	vadd.bf16 v11, v6;
	v6 =	vld [tilespmem:s7+$0xC820];
	v5 =	vadd.bf16 v14, v13;
	s1 =	sadd.s32 $0x24, s29;
	[smem:$0x7CE] =	sst s0  }
.LBB2_13:
0x280: {  	_ = 	snop  }
0x281: {  	[smem:$0x7B7] =	sst s5;
	v13 =	vld [tilespmem:s1+$0x9]  }
0x282: {  	v14 =	vld [tilespmem:s1+$0xFFFFFFF7];
	s5 =	rddreg [dreg:$0x6]  }
0x283: {  	[smem:$0x7BB] =	sst s1;
	v16 =	vld [tilespmem:s5+$0xC830];
	v4 =	vadd.bf16 v7, v4;
	v8 =	vadd.bf16 v8, v10  }
0x284: {  	s0 =	rddreg [dreg:$0x4];
	v7 =	vld [tilespmem:s1+$0x0];
	v11 =	vadd.bf16 v11, v12  }
0x285: {  	[smem:$0x7BA] =	sst s10;
	v12 =	vld [tilespmem:s0+$0xC830];
	v4 =	vadd.bf16 v4, v9;
	v9 =	vunpack.i.u.bf16.f32 v8;
	v8 =	vunpack.i.l.bf16.f32 v8  }
0x286: {  	v10 =	vld [tilespmem:s1+$0xFFFFFFEE];
	s1 =	smov.u32 s3;
	s3 =	rddreg [dreg:$0x7];
	v15 =	vshll.u32 v13, $0x6;
	(v2sf) =	vpush v13, $0x0;
	[tilespmem:s15+$0xFFFFFF40] =	vst v8  }
0x287: {  	s10 =	rddreg [dreg:$0x18];
	v13 =	vld [tilespmem:s3+$0xC830];
	(v2sf) =	vpush v15, $0x1;
	[tilespmem:s15+$0xFFFFFF50] =	vst v9;
	v8 =	vadd.bf16 v4, v5  }
0x288: {  	s11 =	rddreg [dreg:$0x17];
	v9 =	vunpack.i.u.bf16.f32 v11;
	(v2sf) =	vpush v15, $0x2;
	v17 =	vld [tilespmem:s10+$0x30]  }
0x289: {  	[tilespmem:s15+$0xFFFFFFD0] =	vst v9;
	(v2sf) =	vpush v15, $0x3;
	v9 =	vld [tilespmem:s11+$0x1930];
	v8 =	vadd.bf16 v8, v6  }
0x28a: {  	v11 =	vunpack.i.l.bf16.f32 v11;
	v18 =	vld [tilespmem:s25+$0x3230];
	(v2sf) =	vpush v15, $0x4;
	v1 =	vadd.bf16 v1, v12  }
0x28b: {  	[tilespmem:s15+$0xFFFFFFC0] =	vst v11;
	v19 =	vld [tilespmem:s21+$0x4B30];
	(v2sf) =	vpush v15, $0x5;
	v11 =	vunpack.i.u.bf16.f32 v8;
	v8 =	vunpack.i.l.bf16.f32 v8  }
0x28c: {  	[smem:$0x7B6] =	sst s12;
	v3 =	vadd.bf16 v3, v16;
	v6 =	vshll.u32 v10, $0x6;
	(v2sf) =	vpush v15, $0x6;
	[tilespmem:s15+$0x40] =	vst v8;
	v8 =	vld [tilespmem:s6+$0x6430]  }
0x28d: {  	s12 =	rddreg [dreg:$0x12];
	v2 =	vadd.bf16 v2, v13;
	v12 =	vunpack.i.u.bf16.f32 v1;
	(v2sf) =	vpush v15, $0x7;
	[tilespmem:s15+$0x50] =	vst v11;
	v11 =	vld [tilespmem:s19+$0x7D30]  }
0x28e: {  	v1 =	vunpack.i.l.bf16.f32 v1;
	(v2sf) =	vpush v10, $0x0;
	v10 =	vld [tilespmem:s18+$0x9630];
	v9 =	vadd.bf16 v9, v17;
	[tilespmem:s12+$0xFFFFFF70] =	vst v12  }
0x28f: {  	(v2sf) =	vpush v14, $0x0;
	v12 =	vld [tilespmem:s22+$0xAF30];
	[tilespmem:s12+$0xFFFFFF60] =	vst v1;
	v1 =	vunpack.i.u.bf16.f32 v2;
	v2 =	vunpack.i.l.bf16.f32 v2  }
0x290: {  	v4 =	vshll.u32 v7, $0x6;
	v13 =	vld [tilespmem:s30+$0x30];
	(v2sf) =	vpush v7, $0x0;
	v7 =	vadd.bf16 v19, v18;
	[tilespmem:s12+$0xFFFFFFE0] =	vst v2  }
0x291: {  	v5 =	vshll.u32 v14, $0x6;
	v14 =	vld [tilespmem:s23+$0x1930];
	[tilespmem:s12+$0xFFFFFFF0] =	vst v1;
	v1 =	vunpack.i.l.bf16.f32 v3  }
0x292: {  	s16 =	rddreg [dreg:$0x15];
	(v2sf) =	vpush v6, $0x7;
	[tilespmem:s12+$0x60] =	vst v1;
	v1 =	vadd.bf16 v7, v9;
	v7 =	vld [tilespmem:s28+$0x4B30]  }
0x293: {  	s29 =	rddreg [dreg:$0x10];
	(v2sf) =	vpush v6, $0x6;
	v9 =	vld [tilespmem:s16+$0x6430]  }
0x294: {  	v52 =	vld [tilespmem:s29+$0xAF30];
	(v2sf) =	vpush v6, $0x5  }
0x295: {  	s22 =	rddreg [dreg:$0x16];
	v2 =	vunpack.i.u.bf16.f32 v3;
	v3 =	vadd.bf16 v11, v8;
	v8 =	vld [tilespmem:s13+$0x3230];
	(v2sf) =	vpush v15, $0x8  }
0x296: {  	s21 =	rddreg [dreg:$0x14];
	v11 =	vld [tilespmem:s22+$0x9630];
	(v2sf) =	vpush v6, $0x4;
	s17 =	spop (v2sf)  }
0x297: {  	[tilespmem:s12+$0x70] =	vst v2;
	v2 =	vadd.bf16 v12, v10;
	v10 =	vld [tilespmem:s21+$0x7D30];
	(v2sf) =	vpush v6, $0x3;
	s19 =	spop (v2sf)  }
0x298: {  	v12 =	vadd.bf16 v14, v13;
	s0 =	sshll.u32 s17, $0x8;
	v13 =	vld [tilespmem:s19+$0x1900];
	(v2sf) =	vpush v6, $0x2;
	s20 =	spop (v2sf)  }
0x299: {  	s5 =	sshra.s32 s0, $0x2;
	v14 =	vld [tilespmem:s20+$0x3200];
	(v2sf) =	vpush v6, $0x1;
	s21 =	spop (v2sf)  }
0x29a: {  	v2 =	vadd.bf16 v2, v3;
	v51 =	vld [tilespmem:s5+$0x0];
	(v2sf) =	vpush v5, $0x7;
	s22 =	spop (v2sf)  }
0x29b: {  	v3 =	vadd.bf16 v7, v8;
	v7 =	vld [tilespmem:s21+$0x4B00];
	(v2sf) =	vpush v5, $0x6;
	s24 =	spop (v2sf)  }
0x29c: {  	v1 =	vadd.bf16 v2, v1;
	v2 =	vld [tilespmem:s22+$0x6400];
	(v2sf) =	vpush v5, $0x5;
	s18 =	spop (v2sf)  }
0x29d: {  	v8 =	vadd.bf16 v10, v9;
	v9 =	vld [tilespmem:s24+$0x7D00];
	(v2sf) =	vpush v5, $0x4;
	s11 =	spop (v2sf)  }
0x29e: {  	v10 =	vadd.bf16 v3, v12;
	v12 =	vld [tilespmem:s18+$0x9600];
	s23 =	spop (v2sf);
	(v2sf) =	vpush v5, $0x3  }
0x29f: {  	v11 =	vadd.bf16 v52, v11;
	v15 =	vld [tilespmem:s11+$0xAF00];
	s25 =	spop (v2sf)  }
0x2a0: {  	s6 =	rddreg [dreg:$0xf];
	s0 =	sshll.u32 s23, $0x8;
	s26 =	spop (v2sf)  }
0x2a1: {  	[smem:$0x7B8] =	sst s4;
	v3 =	vld [tilespmem:s6+$0x30];
	v8 =	vadd.bf16 v11, v8;
	(v2sf) =	vpush v5, $0x2;
	s0 =	sshra.s32 s0, $0x2;
	s31 =	spop (v2sf)  }
0x2a2: {  	[dreg:$0x4] =	wrdreg s1;
	v13 =	vadd.bf16 v13, v51;
	s1 =	sshll.u32 s25, $0x8;
	(v2sf) =	vpush v5, $0x1;
	v54 =	vld [tilespmem:s0+$0x0];
	s28 =	spop (v2sf)  }
0x2a3: {  	s4 =	smov.u32 s2;
	v7 =	vadd.bf16 v7, v14;
	(v2sf) =	vpush v4, $0x7;
	s1 =	sshra.s32 s1, $0x2;
	v53 =	vld [tilespmem:s31+$0xAF00];
	s17 =	spop (v2sf)  }
0x2a4: {  	s7 =	smov.u32 s8;
	s2 =	sshll.u32 s26, $0x8;
	v2 =	vadd.bf16 v9, v2;
	v9 =	vld [tilespmem:s1+$0x0];
	v12 =	vadd.bf16 v15, v12;
	s16 =	spop (v2sf)  }
0x2a5: {  	[dreg:$0x6] =	wrdreg s7;
	v7 =	vadd.bf16 v7, v13;
	(v2sf) =	vpush v4, $0x6;
	s7 =	sshra.s32 s2, $0x2;
	v14 =	vld [tilespmem:s16+$0xC800];
	s2 =	spop (v2sf)  }
0x2a6: {  	v15 =	vld [tilespmem:s7+$0x0];
	(v2sf) =	vpush v4, $0x5;
	v2 =	vadd.bf16 v12, v2;
	s23 =	spop (v2sf)  }
0x2a7: {  	[smem:$0x7B5] =	sst s14;
	s14 =	smov.u32 s15;
	v12 =	vld [tilespmem:s23+$0x4B00];
	s29 =	spop (v2sf);
	(v2sf) =	vpush v4, $0x4  }
0x2a8: {  	[dreg:$0x12] =	wrdreg s14;
	v7 =	vadd.bf16 v2, v7;
	v2 =	vadd.bf16 v8, v10;
	v8 =	vld [tilespmem:s2+$0x6400];
	s14 =	spop (v2sf)  }
0x2a9: {  	v11 =	vld [tilespmem:s29+$0x3200];
	(v2sf) =	vpush v4, $0x3;
	s25 =	spop (v2sf)  }
0x2aa: {  	s9 =	sadd.s32 $0x4, s9;
	v10 =	vld [tilespmem:s17+$0x7D00];
	(v2sf) =	vpush v4, $0x2;
	v7 =	vadd.bf16 v7, v14;
	s8 =	spop (v2sf)  }
0x2ab: {  	[dreg:$0xc] =	wrdreg s9;
	p2 =	slt.u32 s9, $0x1C;
	v13 =	vld [tilespmem:s14+$0x1900];
	(v2sf) =	vpush v4, $0x1;
	s9 =	spop (v2sf)  }
0x2ac: {  	s15 =	sadd.s32 $0x200, s15;
	(v2sf) =	vpush v6, $0x8;
	v6 =	vld [tilespmem:s28+$0x9600];
	v14 =	vunpack.i.l.bf16.f32 v7;
	s6 =	spop (v2sf)  }
0x2ad: {  	[smem:$0x7C6] =	sst s31;
	v20 =	vld [tilespmem:s8+$0x9600];
	v7 =	vunpack.i.u.bf16.f32 v7;
	[tilespmem:s15+$0x80] =	vst v14;
	s31 =	spop (v2sf)  }
0x2ae: {  	(v2sf) =	vpush v5, $0x8;
	v5 =	vadd.bf16 v12, v11;
	[tilespmem:s15+$0x90] =	vst v7;
	v12 =	vld [tilespmem:s31+$0x4B00]  }
0x2af: {  	v7 =	vld [tilespmem:s5+$0x10]  }
0x2b0: {  	v8 =	vadd.bf16 v10, v8;
	v10 =	vld [tilespmem:s20+$0x3210]  }
0x2b1: {  	(v2sf) =	vpush v4, $0x8;
	v4 =	vadd.bf16 v13, v54;
	v13 =	vld [tilespmem:s21+$0x4B10]  }
0x2b2: {  	v14 =	vld [tilespmem:s24+$0x7D10];
	v6 =	vadd.bf16 v53, v6  }
0x2b3: {  	v55 =	vld [tilespmem:s11+$0xAF10]  }
0x2b4: {  	v4 =	vadd.bf16 v5, v4;
	v5 =	vld [tilespmem:s19+$0x1910];
	v6 =	vadd.bf16 v6, v8  }
0x2b5: {  	s12 =	spop (v2sf);
	v8 =	vld [tilespmem:s22+$0x6410]  }
0x2b6: {  	s30 =	spop (v2sf);
	v4 =	vadd.bf16 v6, v4;
	v6 =	vld [tilespmem:s18+$0x9610]  }
0x2b7: {  	[dreg:$0xf] =	wrdreg s7;
	s7 =	spop (v2sf);
	v56 =	vld [tilespmem:s30+$0x1900]  }
0x2b8: {  	[dreg:$0x7] =	wrdreg s4;
	s4 =	smov.u32 s0;
	v57 =	vld [tilespmem:s12+$0x3200];
	s0 =	spop (v2sf)  }
0x2b9: {  	v58 =	vld [tilespmem:s9+$0x7D00];
	s13 =	spop (v2sf)  }
0x2ba: {  	v11 =	vld [tilespmem:s6+$0x6400];
	v5 =	vadd.bf16 v5, v7;
	v7 =	vadd.bf16 v13, v10;
	s26 =	spop (v2sf)  }
0x2bb: {  	v10 =	vld [tilespmem:s25+$0xAF00];
	s10 =	spop (v2sf);
	v8 =	vadd.bf16 v14, v8;
	v6 =	vadd.bf16 v55, v6  }
0x2bc: {  	[dreg:$0x15] =	wrdreg s6;
	v9 =	vadd.bf16 v56, v9;
	v13 =	vld [tilespmem:s16+$0xC810];
	v5 =	vadd.bf16 v7, v5;
	s6 =	spop (v2sf)  }
0x2bd: {  	[smem:$0x7B0] =	sst s1;
	v7 =	vadd.bf16 v12, v57;
	v12 =	vld [tilespmem:s10+$0x4B00];
	s1 =	spop (v2sf);
	v6 =	vadd.bf16 v6, v8  }
0x2be: {  	v14 =	vld [tilespmem:s1+$0x1900]  }
0x2bf: {  	v7 =	vadd.bf16 v7, v9;
	v9 =	vld [tilespmem:s26+$0x6400];
	v5 =	vadd.bf16 v6, v5  }
0x2c0: {  	v8 =	vadd.bf16 v58, v11;
	v11 =	vld [tilespmem:s6+$0x3200]  }
0x2c1: {  	s3 =	spop (v2sf);
	v6 =	vadd.bf16 v10, v20;
	v10 =	vld [tilespmem:s13+$0x7D00];
	v5 =	vadd.bf16 v5, v13  }
0x2c2: {  	v59 =	vld [tilespmem:s3+$0xC800]  }
0x2c3: {  	v6 =	vadd.bf16 v6, v8;
	v8 =	vld [tilespmem:s0+$0x9600];
	v13 =	vadd.bf16 v14, v15;
	v15 =	vunpack.i.l.bf16.f32 v5  }
0x2c4: {  	[dreg:$0x16] =	wrdreg s8;
	s8 =	spop (v2sf);
	v14 =	vld [tilespmem:s7+$0xAF00];
	v5 =	vunpack.i.u.bf16.f32 v5;
	[tilespmem:s15+$0xA0] =	vst v15  }
0x2c5: {  	v6 =	vadd.bf16 v6, v7;
	v7 =	vadd.bf16 v12, v11;
	v11 =	vld [tilespmem:s8+$0xC800];
	[tilespmem:s15+$0xB0] =	vst v5  }
0x2c6: {  	v5 =	vadd.bf16 v10, v9;
	v9 =	vld [tilespmem:s5+$0x20]  }
0x2c7: {  	v10 =	vld [tilespmem:s19+$0x1920]  }
0x2c8: {  	v4 =	vadd.bf16 v4, v59;
	v12 =	vld [tilespmem:s20+$0x3220]  }
0x2c9: {  	v7 =	vadd.bf16 v7, v13;
	v13 =	vld [tilespmem:s21+$0x4B20];
	v8 =	vadd.bf16 v14, v8  }
0x2ca: {  	v14 =	vld [tilespmem:s24+$0x7D20]  }
0x2cb: {  	v6 =	vadd.bf16 v6, v11;
	v5 =	vadd.bf16 v8, v5;
	v8 =	vld [tilespmem:s22+$0x6420];
	v11 =	vunpack.i.u.bf16.f32 v4  }
0x2cc: {  	v4 =	vunpack.i.l.bf16.f32 v4;
	[tilespmem:s15+$0xFFFFFF10] =	vst v11;
	v11 =	vld [tilespmem:s11+$0xAF20]  }
0x2cd: {  	[tilespmem:s15+$0xFFFFFF00] =	vst v4;
	v5 =	vadd.bf16 v5, v7;
	v7 =	vld [tilespmem:s18+$0x9620]  }
0x2ce: {  	[dreg:$0x14] =	wrdreg s9;
	s9 =	spop (v2sf);
	v4 =	vunpack.i.u.bf16.f32 v6;
	v6 =	vunpack.i.l.bf16.f32 v6;
	v15 =	vld [tilespmem:s4+$0x10]  }
0x2cf: {  	[tilespmem:s15+$0xFFFFFF80] =	vst v6;
	v6 =	vld [tilespmem:s9+$0xC800]  }
0x2d0: {  	v60 =	vld [tilespmem:s29+$0x3210]  }
0x2d1: {  	v9 =	vadd.bf16 v10, v9;
	v10 =	vadd.bf16 v13, v12;
	v12 =	vld [tilespmem:s23+$0x4B10]  }
0x2d2: {  	[smem:$0x7B9] =	sst s2;
	v13 =	vld [tilespmem:s28+$0x9610]  }
0x2d3: {  	[smem:$0x7B4] =	sst s7;
	[tilespmem:s15+$0xFFFFFF90] =	vst v4;
	v4 =	vld [tilespmem:s14+$0x1910];
	v8 =	vadd.bf16 v14, v8;
	v7 =	vadd.bf16 v11, v7  }
0x2d4: {  	[smem:$0x7B2] =	sst s13;
	v5 =	vadd.bf16 v5, v6;
	v6 =	vld [tilespmem:s16+$0xC820]  }
0x2d5: {  	s7 =	sld [smem:$0x7C6];
	v9 =	vadd.bf16 v10, v9;
	v11 =	vld [tilespmem:s2+$0x6410];
	v7 =	vadd.bf16 v7, v8  }
0x2d6: {  	s13 =	sld [smem:$0x7B0];
	s2 =	smov.u32 s25;
	v8 =	vld [tilespmem:s17+$0x7D10];
	v10 =	vunpack.i.u.bf16.f32 v5;
	v5 =	vunpack.i.l.bf16.f32 v5  }
0x2d7: {  	v62 =	vld [tilespmem:s2+$0xAF10];
	[tilespmem:s15+$0x0] =	vst v5;
	v5 =	vadd.bf16 v7, v9  }
0x2d8: {  	v7 =	vld [tilespmem:s7+$0xAF10]  }
0x2d9: {  	[tilespmem:s15+$0x10] =	vst v10;
	v10 =	vld [tilespmem:s13+$0x10];
	v5 =	vadd.bf16 v5, v6  }
0x2da: {  	v4 =	vadd.bf16 v4, v15;
	v9 =	vadd.bf16 v12, v60;
	v12 =	vld [tilespmem:s31+$0x4B10]  }
0x2db: {  	[dreg:$0x18] =	wrdreg s4;
	v6 =	vld [tilespmem:s30+$0x1910];
	v8 =	vadd.bf16 v8, v11;
	v11 =	vunpack.i.l.bf16.f32 v5  }
0x2dc: {  	s4 =	smov.u32 s17;
	s17 =	smov.u32 s31;
	s31 =	rddreg [dreg:$0x15];
	v4 =	vadd.bf16 v9, v4;
	v9 =	vld [tilespmem:s12+$0x3210];
	v5 =	vunpack.i.u.bf16.f32 v5;
	[tilespmem:s15+$0xC0] =	vst v11  }
0x2dd: {  	v11 =	vld [tilespmem:s31+$0x6410];
	[tilespmem:s15+$0xD0] =	vst v5  }
0x2de: {  	v5 =	vld [tilespmem:s5+$0x30]  }
0x2df: {  	v7 =	vadd.bf16 v7, v13;
	v13 =	vld [tilespmem:s18+$0x9630]  }
0x2e0: {  	v14 =	vld [tilespmem:s11+$0xAF30]  }
0x2e1: {  	v7 =	vadd.bf16 v7, v8;
	v8 =	vld [tilespmem:s19+$0x1930]  }
0x2e2: {  	v6 =	vadd.bf16 v6, v10;
	v10 =	vld [tilespmem:s20+$0x3230]  }
0x2e3: {  	v4 =	vadd.bf16 v7, v4;
	v7 =	vadd.bf16 v12, v9;
	v9 =	vld [tilespmem:s21+$0x4B30]  }
0x2e4: {  	v12 =	vld [tilespmem:s22+$0x6430]  }
0x2e5: {  	s5 =	smov.u32 s13;
	s13 =	smov.u32 s30;
	s30 =	rddreg [dreg:$0x16];
	v6 =	vadd.bf16 v7, v6;
	v7 =	vld [tilespmem:s24+$0x7D30]  }
0x2e6: {  	v61 =	vld [tilespmem:s30+$0x9610];
	s24 =	rddreg [dreg:$0x14]  }
0x2e7: {  	s25 =	smov.u32 s14;
	s14 =	rddreg [dreg:$0xf];
	v15 =	vld [tilespmem:s24+$0x7D10]  }
0x2e8: {  	[smem:$0x7B1] =	sst s26;
	v63 =	vld [tilespmem:s14+$0x10]  }
0x2e9: {  	s7 =	sld [smem:$0x7B1];
	v5 =	vadd.bf16 v8, v5;
	v8 =	vadd.bf16 v9, v10;
	v9 =	vld [tilespmem:s1+$0x1910]  }
0x2ea: {  	[smem:$0x7B3] =	sst s0;
	v10 =	vadd.bf16 v14, v13;
	v13 =	vld [tilespmem:s6+$0x3210];
	v7 =	vadd.bf16 v7, v12  }
0x2eb: {  	s18 =	sld [smem:$0x7B2];
	v12 =	vld [tilespmem:s16+$0xC830];
	v5 =	vadd.bf16 v8, v5;
	v8 =	vadd.bf16 v62, v61  }
0x2ec: {  	s21 =	sld [smem:$0x7B3];
	v14 =	vld [tilespmem:s7+$0x6410];
	v11 =	vadd.bf16 v15, v11;
	v7 =	vadd.bf16 v10, v7  }
0x2ed: {  	s19 =	sld [smem:$0x7B4];
	v10 =	vld [tilespmem:s10+$0x4B10]  }
0x2ee: {  	v5 =	vadd.bf16 v7, v5;
	v7 =	vadd.bf16 v8, v11;
	v8 =	vld [tilespmem:s18+$0x7D10]  }
0x2ef: {  	v11 =	vld [tilespmem:s21+$0x9610]  }
0x2f0: {  	v5 =	vadd.bf16 v5, v12;
	v6 =	vadd.bf16 v7, v6;
	v7 =	vld [tilespmem:s19+$0xAF10]  }
0x2f1: {  	s22 =	smov.u32 s4;
	s4 =	sld [smem:$0x7B5];
	v12 =	vld [tilespmem:s3+$0xC810]  }
0x2f2: {  	s0 =	rddreg [dreg:$0x13];
	v15 =	vld [tilespmem:s8+$0xC810];
	v9 =	vadd.bf16 v9, v63;
	v10 =	vadd.bf16 v10, v13;
	v13 =	vunpack.i.u.bf16.f32 v5  }
0x2f3: {  	s16 =	sld [smem:$0x7B8];
	[tilespmem:s15+$0xF0] =	vst v13;
	v13 =	vld [tilespmem:s9+$0xC810]  }
0x2f4: {  	s26 =	smov.u32 s29;
	v5 =	vunpack.i.l.bf16.f32 v5;
	v9 =	vadd.bf16 v10, v9;
	v10 =	vld [tilespmem:s4+$0x3230];
	s4 =	smov.u32 s6;
	s6 =	sld [smem:$0x7B6]  }
0x2f5: {  	s29 =	smov.u32 s10;
	s11 =	smov.u32 s3;
	s10 =	sld [smem:$0x7B7];
	v8 =	vadd.bf16 v8, v14;
	[tilespmem:s15+$0xE0] =	vst v5;
	v5 =	vld [tilespmem:s0+$0x1930]  }
0x2f6: {  	s3 =	smov.u32 s1;
	s1 =	smov.u32 s21;
	s21 =	sld [smem:$0x7BA];
	v14 =	vld [tilespmem:s16+$0x7D30];
	v7 =	vadd.bf16 v7, v11;
	v4 =	vadd.bf16 v4, v12  }
0x2f7: {  	v11 =	vld [tilespmem:s6+$0x4B30]  }
0x2f8: {  	v6 =	vadd.bf16 v6, v15;
	v7 =	vadd.bf16 v7, v8;
	v8 =	vld [tilespmem:s10+$0x6430];
	v12 =	vunpack.i.u.bf16.f32 v4  }
0x2f9: {  	v4 =	vunpack.i.l.bf16.f32 v4;
	s10 =	smov.u32 s18;
	s18 =	rddreg [dreg:$0x11];
	[tilespmem:s15+$0xFFFFFF30] =	vst v12;
	v12 =	vld [tilespmem:s21+$0xAF30]  }
0x2fa: {  	s6 =	rddreg [dreg:$0x18];
	[tilespmem:s15+$0xFFFFFF20] =	vst v4;
	v4 =	vunpack.i.u.bf16.f32 v6;
	v6 =	vunpack.i.l.bf16.f32 v6;
	v7 =	vadd.bf16 v7, v9;
	v9 =	vld [tilespmem:s18+$0x9630]  }
0x2fb: {  	v3 =	vadd.bf16 v5, v3;
	v5 =	vld [tilespmem:s6+$0x20];
	[tilespmem:s15+$0xFFFFFFA0] =	vst v6  }
0x2fc: {  	s18 =	sld [smem:$0x7B9];
	[tilespmem:s15+$0xFFFFFFB0] =	vst v4;
	v4 =	vld [tilespmem:s26+$0x3220];
	v6 =	vadd.bf16 v7, v13  }
0x2fd: {  	v7 =	vadd.bf16 v11, v10;
	v10 =	vld [tilespmem:s25+$0x1920]  }
0x2fe: {  	v13 =	vld [tilespmem:s23+$0x4B20];
	v11 =	vunpack.i.u.bf16.f32 v6;
	v6 =	vunpack.i.l.bf16.f32 v6  }
0x2ff: {  	[tilespmem:s15+$0x20] =	vst v6;
	v6 =	vld [tilespmem:s18+$0x6420]  }
0x300: {  	s16 =	smov.u32 s14;
	s14 =	smov.u32 s30;
	s30 =	sld [smem:$0x7C6];
	v3 =	vadd.bf16 v7, v3;
	v7 =	vadd.bf16 v12, v9;
	v9 =	vld [tilespmem:s22+$0x7D20]  }
0x301: {  	v8 =	vadd.bf16 v14, v8;
	[tilespmem:s15+$0x30] =	vst v11;
	v11 =	vld [tilespmem:s28+$0x9620]  }
0x302: {  	v12 =	vld [tilespmem:s24+$0x7D20]  }
0x303: {  	v7 =	vadd.bf16 v7, v8;
	v8 =	vld [tilespmem:s30+$0xAF20]  }
0x304: {  	v5 =	vadd.bf16 v10, v5;
	v4 =	vadd.bf16 v13, v4;
	v10 =	vld [tilespmem:s5+$0x20]  }
0x305: {  	v3 =	vadd.bf16 v7, v3;
	v7 =	vld [tilespmem:s13+$0x1920]  }
0x306: {  	s0 =	smov.u32 s17;
	v4 =	vadd.bf16 v4, v5;
	v5 =	vld [tilespmem:s12+$0x3220]  }
0x307: {  	v6 =	vadd.bf16 v9, v6;
	v9 =	vld [tilespmem:s0+$0x4B20]  }
0x308: {  	v14 =	vld [tilespmem:s29+$0x4B20];
	v8 =	vadd.bf16 v8, v11  }
0x309: {  	v11 =	vld [tilespmem:s31+$0x6420]  }
0x30a: {  	v13 =	vld [tilespmem:s14+$0x9620];
	v6 =	vadd.bf16 v8, v6  }
0x30b: {  	[dreg:$0x17] =	wrdreg s25;
	v7 =	vadd.bf16 v7, v10;
	v10 =	vld [tilespmem:s2+$0xAF20]  }
0x30c: {  	[dreg:$0x10] =	wrdreg s2;
	v8 =	vadd.bf16 v6, v4;
	v4 =	vadd.bf16 v9, v5;
	v5 =	vld [tilespmem:s16+$0x20]  }
0x30d: {  	s20 =	smov.u32 s7;
	[dreg:$0x13] =	wrdreg s3;
	v6 =	vld [tilespmem:s3+$0x1920]  }
0x30e: {  	s7 =	smov.u32 s19;
	s19 =	smov.u32 s22;
	[dreg:$0x11] =	wrdreg s1;
	v9 =	vadd.bf16 v12, v11;
	v12 =	vld [tilespmem:s4+$0x3220]  }
0x30f: {  	s21 =	smov.u32 s23;
	s25 =	smov.u32 s26;
	s23 =	smov.u32 s13;
	v15 =	vld [tilespmem:s10+$0x7D20]  }
0x310: {  	s6 =	smov.u32 s18;
	s18 =	smov.u32 s28;
	s22 =	smov.u32 s30;
	v11 =	vadd.bf16 v4, v7;
	v4 =	vadd.bf16 v10, v13;
	v13 =	vld [tilespmem:s20+$0x6420]  }
.Ltmp7:
0x311: {  	s28 =	smov.u32 s0;
	s30 =	smov.u32 s5;
	v7 =	vld [tilespmem:s7+$0xAF20];
	(pc) =	sbr.rel @p2 .LBB2_13-.Ltmp7, $4  }
0x312: {  	s14 =	smov.u32 s4;
	s5 =	smov.u32 s20;
	s31 =	sld [smem:$0x7BB];
	v10 =	vld [tilespmem:s11+$0xC820];
	v9 =	vadd.bf16 v4, v9  }
0x313: {  	s13 =	smov.u32 s12;
	s12 =	smov.u32 s29;
	s2 =	smov.u32 s8;
	v4 =	vld [tilespmem:s1+$0x9620];
	v5 =	vadd.bf16 v6, v5;
	v14 =	vadd.bf16 v14, v12  }
0x314: {  	s3 =	smov.u32 s11;
	s4 =	smov.u32 s10;
	s10 =	smov.u32 s7;
	v6 =	vld [tilespmem:s9+$0xC820];
	v11 =	vadd.bf16 v9, v11  }
0x315: {  	s1 =	sadd.s32 $0x24, s31;
	v12 =	vld [tilespmem:s8+$0xC820];
	s8 =	smov.u32 s9;
	s9 =	rddreg [dreg:$0xc];
	v9 =	vadd.bf16 v15, v13;
	v5 =	vadd.bf16 v14, v5  }
0x316: {  	_ =	sdelay $0x1  }
0x317: {  	v8 =	vadd.bf16 v8, v10;
	_ =	sdelay $0x1  }
0x318: {  	s0 =	rddreg [dreg:$0x4];
	v11 =	vadd.bf16 v11, v12;
	v12 =	vunpack.i.l.bf16.f32 v8  }
0x319: {  	s20 =	rddreg [dreg:$0x7];
	v10 =	vld [tilespmem:s0+$0xC830];
	[tilespmem:s15+$0xFFFFFF40] =	vst v12  }
0x31a: {  	v13 =	vld [tilespmem:s20+$0xC830];
	v8 =	vunpack.i.u.bf16.f32 v8;
	s24 =	rddreg [dreg:$0x6]  }
0x31b: {  	[tilespmem:s15+$0xFFFFFF50] =	vst v8;
	v12 =	vld [tilespmem:s24+$0xC830]  }
0x31c: {  	v15 =	vld [tilespmem:s25+$0x3230]  }
0x31d: {  	v16 =	vld [tilespmem:s21+$0x4B30]  }
0x31e: {  	v17 =	vld [tilespmem:s6+$0x6430]  }
0x31f: {  	v4 =	vadd.bf16 v7, v4;
	v7 =	vld [tilespmem:s19+$0x7D30]  }
0x320: {  	v8 =	vunpack.i.u.bf16.f32 v11;
	v18 =	vld [tilespmem:s18+$0x9630]  }
0x321: {  	v4 =	vadd.bf16 v4, v9;
	s26 =	rddreg [dreg:$0x18];
	[tilespmem:s15+$0xFFFFFFD0] =	vst v8;
	v9 =	vld [tilespmem:s22+$0xAF30]  }
0x322: {  	v11 =	vunpack.i.l.bf16.f32 v11;
	v14 =	vld [tilespmem:s26+$0x30];
	s1 =	rddreg [dreg:$0x17]  }
0x323: {  	v4 =	vadd.bf16 v4, v5;
	[tilespmem:s15+$0xFFFFFFC0] =	vst v11;
	v8 =	vld [tilespmem:s1+$0x1930]  }
0x324: {  	v11 =	vld [tilespmem:s30+$0x30]  }
0x325: {  	v4 =	vadd.bf16 v4, v6;
	v5 =	vld [tilespmem:s23+$0x1930]  }
0x326: {  	v19 =	vld [tilespmem:s13+$0x3230]  }
0x327: {  	v6 =	vld [tilespmem:s28+$0x4B30];
	s7 =	rddreg [dreg:$0x15];
	v21 =	vunpack.i.l.bf16.f32 v4  }
0x328: {  	s9 =	rddreg [dreg:$0x14];
	v20 =	vld [tilespmem:s7+$0x6430];
	[tilespmem:s15+$0x40] =	vst v21  }
0x329: {  	v22 =	vld [tilespmem:s9+$0x7D30];
	v4 =	vunpack.i.u.bf16.f32 v4;
	s11 =	rddreg [dreg:$0x16]  }
0x32a: {  	[tilespmem:s15+$0x50] =	vst v4;
	v57 =	vld [tilespmem:s11+$0x9630]  }
0x32b: {  	v25 =	vld [tilespmem:s14+$0x3230]  }
0x32c: {  	v1 =	vadd.bf16 v1, v10;
	v10 =	vld [tilespmem:s12+$0x4B30]  }
0x32d: {  	v2 =	vadd.bf16 v2, v13;
	v13 =	vadd.bf16 v16, v15;
	s13 =	rddreg [dreg:$0x10];
	v15 =	vld [tilespmem:s4+$0x7D30]  }
0x32e: {  	s16 =	rddreg [dreg:$0xf];
	v4 =	vld [tilespmem:s13+$0xAF30]  }
0x32f: {  	v7 =	vadd.bf16 v7, v17;
	s17 =	rddreg [dreg:$0x13];
	v23 =	vld [tilespmem:s16+$0x30]  }
0x330: {  	v9 =	vadd.bf16 v9, v18;
	v24 =	vld [tilespmem:s17+$0x1930];
	v8 =	vadd.bf16 v8, v14  }
0x331: {  	s18 =	rddreg [dreg:$0x11];
	v14 =	vld [tilespmem:s5+$0x6430];
	v5 =	vadd.bf16 v5, v11  }
0x332: {  	v11 =	vld [tilespmem:s18+$0x9630];
	v7 =	vadd.bf16 v9, v7;
	v8 =	vadd.bf16 v13, v8  }
0x333: {  	v3 =	vadd.bf16 v3, v12;
	v9 =	vld [tilespmem:s10+$0xAF30]  }
0x334: {  	v6 =	vadd.bf16 v6, v19;
	v7 =	vadd.bf16 v7, v8;
	v8 =	vld [tilespmem:s3+$0xC830]  }
0x335: {  	v12 =	vunpack.i.u.bf16.f32 v1;
	s19 =	rddreg [dreg:$0x12];
	v13 =	vadd.bf16 v22, v20;
	v4 =	vadd.bf16 v4, v57  }
0x336: {  	v1 =	vunpack.i.l.bf16.f32 v1;
	[tilespmem:s19+$0xFFFFFF70] =	vst v12;
	v12 =	vld [tilespmem:s2+$0xC830];
	v5 =	vadd.bf16 v6, v5;
	v10 =	vadd.bf16 v10, v25  }
0x337: {  	[tilespmem:s19+$0xFFFFFF60] =	vst v1;
	v1 =	vunpack.i.l.bf16.f32 v2;
	v6 =	vadd.bf16 v24, v23;
	v4 =	vadd.bf16 v4, v13  }
0x338: {  	v2 =	vunpack.i.u.bf16.f32 v2;
	[tilespmem:s19+$0xFFFFFFE0] =	vst v1;
	v9 =	vadd.bf16 v9, v11;
	v13 =	vadd.bf16 v15, v14  }
0x339: {  	[tilespmem:s19+$0xFFFFFFF0] =	vst v2;
	v2 =	vunpack.i.l.bf16.f32 v3;
	v1 =	vadd.bf16 v4, v5;
	v7 =	vadd.bf16 v7, v8  }
0x33a: {  	v3 =	vunpack.i.u.bf16.f32 v3;
	[tilespmem:s19+$0x60] =	vst v2;
	v4 =	vadd.bf16 v10, v6;
	v6 =	vadd.bf16 v9, v13  }
0x33b: {  	[tilespmem:s19+$0x70] =	vst v3;
	v1 =	vadd.bf16 v1, v12;
	v3 =	vunpack.i.u.bf16.f32 v7  }
0x33c: {  	v5 =	vld [tilespmem:s8+$0xC830];
	v2 =	vadd.bf16 v6, v4;
	v4 =	vunpack.i.l.bf16.f32 v7;
	[tilespmem:s15+$0xFFFFFF70] =	vst v3  }
0x33d: {  	[tilespmem:s15+$0xFFFFFF60] =	vst v4;
	v3 =	vunpack.i.l.bf16.f32 v1  }
0x33e: {  	v1 =	vunpack.i.u.bf16.f32 v1;
	[tilespmem:s15+$0xFFFFFFE0] =	vst v3  }
0x33f: {  	s0 =	sld [smem:$0x7CD];
	[tilespmem:s15+$0xFFFFFFF0] =	vst v1  }
0x340: {  	s1 =	sld [smem:$0x7FC]  }
0x341: {  	v2 =	vadd.bf16 v2, v5  }
0x342: {  	s0 =	sshll.u32 s0, $0xD  }
0x343: {  	v1 =	vunpack.i.l.bf16.f32 v2;
	s0 =	sadd.s32 s1, s0  }
0x344: {  	s20 =	rddreg [dreg:$0x1];
	v2 =	vunpack.i.u.bf16.f32 v2;
	[tilespmem:s15+$0x60] =	vst v1;
	s0 =	sshrl.u32 s0, $0x3  }
0x345: {  	s21 =	simm.s32 $0x0;
	s22 =	simm.s32 $0x1BE00;
	[tilespmem:s15+$0x70] =	vst v2;
	s0 =	sadd.s32 s20, s0  }
0x346: {  	[hbm4b:s0+s21] =	stream.linear.scatter [tilespmem:s22], [sflag:$0x1], $0x1000, $0x38;
	[tilespmem:$0x1DE00] =	vst v63  }
0x347: {  	s0 =	simm.s32 @!p1 $0x2  }
0x348: {  	_ =	swait.ge @!p1 [sflag:s0], $0x1000  }
0x349: {  	s5 =	sld [smem:$0x7E7]  }
0x34a: {  	[sflag:s0] =	ssyncset.done @!p1 $0x0  }
0x34b: {  	[sflag:s0] =	ssyncadd.s32 @!p1 $0xFFFFF000  }
0x34c: {  	v1 =	vld [tilespmem:s5+$0x1B];
	_ =	sdelay $0x4  }
0x34d: {  	v2 =	vshll.u32 v1, $0x6;
	(v2sf) =	vpush v1, $0x0  }
0x34e: {  	(v2sf) =	vpush v2, $0x1  }
0x34f: {  	(v2sf) =	vpush v2, $0x2  }
0x350: {  	v1 =	vld [tilespmem:s5+$0x0];
	(v2sf) =	vpush v2, $0x3  }
0x351: {  	v3 =	vld [tilespmem:s5+$0x9];
	(v2sf) =	vpush v2, $0x4  }
0x352: {  	v4 =	vld [tilespmem:s5+$0x12];
	(v2sf) =	vpush v2, $0x5  }
0x353: {  	(v2sf) =	vpush v2, $0x6  }
0x354: {  	(v2sf) =	vpush v2, $0x7  }
0x355: {  	(v2sf) =	vpush v1, $0x0  }
0x356: {  	(v2sf) =	vpush v3, $0x0  }
0x357: {  	v5 =	vshll.u32 v1, $0x6;
	(v2sf) =	vpush v4, $0x0  }
0x358: {  	(v2sf) =	vpush v5, $0x7  }
0x359: {  	(v2sf) =	vpush v5, $0x6  }
0x35a: {  	(v2sf) =	vpush v5, $0x5  }
0x35b: {  	(v2sf) =	vpush v2, $0x8  }
0x35c: {  	s23 =	spop (v2sf)  }
0x35d: {  	s4 =	spop (v2sf)  }
0x35e: {  	s0 =	sshll.u32 s23, $0x8;
	v2 =	vld [tilespmem:s4+$0x1900];
	s26 =	spop (v2sf)  }
0x35f: {  	s1 =	sshra.s32 s0, $0x2;
	v1 =	vld [tilespmem:s26+$0x3200];
	s28 =	spop (v2sf)  }
0x360: {  	v11 =	vld [tilespmem:s1+$0x0];
	s24 =	spop (v2sf)  }
0x361: {  	v6 =	vld [tilespmem:s28+$0x4B00];
	s10 =	spop (v2sf)  }
0x362: {  	v7 =	vld [tilespmem:s24+$0x6400];
	s11 =	spop (v2sf)  }
0x363: {  	v8 =	vld [tilespmem:s10+$0x7D00];
	s15 =	spop (v2sf)  }
0x364: {  	v9 =	vld [tilespmem:s11+$0x9600];
	s25 =	spop (v2sf)  }
0x365: {  	(v2sf) =	vpush v5, $0x4;
	v10 =	vld [tilespmem:s15+$0xAF00];
	s8 =	spop (v2sf)  }
0x366: {  	(v2sf) =	vpush v5, $0x3;
	s9 =	spop (v2sf)  }
0x367: {  	(v2sf) =	vpush v5, $0x2;
	[smem:$0x798] =	sst s8;
	s8 =	spop (v2sf)  }
0x368: {  	(v2sf) =	vpush v5, $0x1;
	v6 =	vadd.bf16 v6, v1;
	v1 =	vshll.u32 v3, $0x6;
	s6 =	spop (v2sf)  }
0x369: {  	v2 =	vadd.bf16 v2, v11;
	(v2sf) =	vpush v1, $0x7;
	s7 =	spop (v2sf)  }
0x36a: {  	[smem:$0x799] =	sst s9;
	v7 =	vadd.bf16 v8, v7;
	v3 =	vadd.bf16 v10, v9;
	s29 =	spop (v2sf)  }
0x36b: {  	v2 =	vadd.bf16 v6, v2;
	v8 =	vld [tilespmem:s29+$0xC800]  }
0x36c: {  	(v2sf) =	vpush v1, $0x6;
	v3 =	vadd.bf16 v3, v7  }
0x36d: {  	(v2sf) =	vpush v1, $0x5  }
0x36e: {  	(v2sf) =	vpush v1, $0x4;
	v2 =	vadd.bf16 v3, v2  }
0x36f: {  	(v2sf) =	vpush v1, $0x3  }
0x370: {  	(v2sf) =	vpush v1, $0x2;
	v2 =	vadd.bf16 v2, v8  }
0x371: {  	v10 =	vshll.u32 v4, $0x6;
	(v2sf) =	vpush v1, $0x1  }
0x372: {  	s3 =	simm.s32 $0x1CF00;
	(v2sf) =	vpush v10, $0x7;
	v3 =	vunpack.i.l.bf16.f32 v2  }
0x373: {  	(v2sf) =	vpush v10, $0x6;
	v2 =	vunpack.i.u.bf16.f32 v2;
	[tilespmem:s3+$0x80] =	vst v3  }
0x374: {  	v3 =	vld [tilespmem:s8+$0xAF00];
	[tilespmem:s3+$0x90] =	vst v2  }
0x375: {  	s14 =	spop (v2sf);
	(v2sf) =	vpush v10, $0x5;
	v2 =	vld [tilespmem:s1+$0x10]  }
0x376: {  	s13 =	spop (v2sf);
	(v2sf) =	vpush v10, $0x4;
	v4 =	vld [tilespmem:s4+$0x1910]  }
0x377: {  	s16 =	spop (v2sf);
	(v2sf) =	vpush v10, $0x3;
	v6 =	vld [tilespmem:s26+$0x3210]  }
0x378: {  	s30 =	spop (v2sf);
	(v2sf) =	vpush v10, $0x2;
	v7 =	vld [tilespmem:s28+$0x4B10]  }
0x379: {  	(v2sf) =	vpush v10, $0x1;
	v8 =	vld [tilespmem:s24+$0x6410];
	s12 =	spop (v2sf)  }
0x37a: {  	(v2sf) =	vpush v5, $0x8;
	v5 =	vld [tilespmem:s10+$0x7D10];
	[smem:$0x79A] =	sst s12  }
0x37b: {  	s0 =	sshll.u32 s25, $0x8;
	s18 =	spop (v2sf);
	v9 =	vld [tilespmem:s11+$0x9610]  }
0x37c: {  	s2 =	sshra.s32 s0, $0x2;
	v11 =	vld [tilespmem:s15+$0xAF10];
	s9 =	spop (v2sf)  }
0x37d: {  	v12 =	vld [tilespmem:s2+$0x0];
	s19 =	spop (v2sf)  }
0x37e: {  	v13 =	vld [tilespmem:s13+$0x4B00];
	s20 =	spop (v2sf)  }
0x37f: {  	v14 =	vld [tilespmem:s16+$0x3200];
	s21 =	spop (v2sf)  }
0x380: {  	v15 =	vld [tilespmem:s30+$0x1900];
	v2 =	vadd.bf16 v4, v2;
	v4 =	vadd.bf16 v7, v6;
	s23 =	spop (v2sf)  }
0x381: {  	v6 =	vld [tilespmem:s14+$0x6400];
	v5 =	vadd.bf16 v5, v8;
	v7 =	vadd.bf16 v11, v9;
	s17 =	spop (v2sf)  }
0x382: {  	v8 =	vld [tilespmem:s29+$0xC810];
	[smem:$0x79C] =	sst s17;
	s22 =	spop (v2sf)  }
0x383: {  	v2 =	vadd.bf16 v4, v2;
	v9 =	vld [tilespmem:s7+$0x7D00];
	v4 =	vadd.bf16 v7, v5;
	[smem:$0x79B] =	sst s22  }
0x384: {  	s25 =	spop (v2sf);
	v5 =	vld [tilespmem:s6+$0x9600]  }
0x385: {  	s17 =	spop (v2sf);
	v2 =	vadd.bf16 v4, v2  }
0x386: {  	s31 =	spop (v2sf)  }
0x387: {  	s12 =	spop (v2sf);
	v2 =	vadd.bf16 v2, v8  }
0x388: {  	v7 =	vadd.bf16 v15, v12;
	v4 =	vadd.bf16 v13, v14;
	s22 =	spop (v2sf)  }
0x389: {  	v6 =	vadd.bf16 v9, v6;
	s0 =	spop (v2sf);
	v3 =	vadd.bf16 v3, v5;
	v5 =	vunpack.i.l.bf16.f32 v2  }
0x38a: {  	v8 =	vld [tilespmem:s0+$0xC800];
	v2 =	vunpack.i.u.bf16.f32 v2;
	[tilespmem:s3+$0xA0] =	vst v5  }
0x38b: {  	v4 =	vadd.bf16 v4, v7;
	[tilespmem:s3+$0xB0] =	vst v2;
	v3 =	vadd.bf16 v3, v6  }
0x38c: {  	v2 =	vld [tilespmem:s1+$0x20]  }
0x38d: {  	v5 =	vld [tilespmem:s26+$0x3220];
	v3 =	vadd.bf16 v3, v4  }
0x38e: {  	v6 =	vld [tilespmem:s28+$0x4B20]  }
0x38f: {  	v7 =	vld [tilespmem:s24+$0x6420];
	v3 =	vadd.bf16 v3, v8  }
0x390: {  	v9 =	vld [tilespmem:s10+$0x7D20]  }
0x391: {  	v4 =	vld [tilespmem:s4+$0x1920];
	v8 =	vunpack.i.l.bf16.f32 v3  }
0x392: {  	v3 =	vunpack.i.u.bf16.f32 v3;
	[tilespmem:s3+$0xFFFFFF00] =	vst v8;
	v8 =	vld [tilespmem:s11+$0x9620]  }
0x393: {  	[tilespmem:s3+$0xFFFFFF10] =	vst v3;
	v3 =	vld [tilespmem:s15+$0xAF20]  }
0x394: {  	v11 =	vld [tilespmem:s2+$0x10]  }
0x395: {  	v12 =	vld [tilespmem:s30+$0x1910]  }
0x396: {  	v13 =	vld [tilespmem:s16+$0x3210]  }
0x397: {  	v14 =	vld [tilespmem:s13+$0x4B10]  }
0x398: {  	v15 =	vld [tilespmem:s14+$0x6410];
	[smem:$0x79D] =	sst s14  }
0x399: {  	[smem:$0x79E] =	sst s7  }
0x39a: {  	v58 =	vld [tilespmem:s7+$0x7D10];
	[smem:$0x79F] =	sst s6  }
0x39b: {  	v2 =	vadd.bf16 v4, v2;
	v4 =	vadd.bf16 v6, v5;
	v5 =	vld [tilespmem:s6+$0x9610];
	[smem:$0x7A0] =	sst s8  }
0x39c: {  	v6 =	vadd.bf16 v9, v7;
	v7 =	vld [tilespmem:s8+$0xAF10];
	v3 =	vadd.bf16 v3, v8  }
0x39d: {  	v8 =	vld [tilespmem:s29+$0xC820]  }
0x39e: {  	v2 =	vadd.bf16 v4, v2;
	v3 =	vadd.bf16 v3, v6  }
0x39f: {  	v4 =	vadd.bf16 v12, v11  }
0x3a0: {  	v6 =	vadd.bf16 v58, v15;
	v2 =	vadd.bf16 v3, v2  }
0x3a1: {  	v3 =	vadd.bf16 v14, v13;
	v5 =	vadd.bf16 v7, v5  }
0x3a2: {  	v7 =	vld [tilespmem:s0+$0xC810];
	v2 =	vadd.bf16 v2, v8  }
0x3a3: {  	v3 =	vadd.bf16 v3, v4;
	v4 =	vadd.bf16 v5, v6  }
0x3a4: {  	v5 =	vunpack.i.l.bf16.f32 v2  }
0x3a5: {  	v2 =	vunpack.i.u.bf16.f32 v2;
	v4 =	vadd.bf16 v4, v3;
	[tilespmem:s3+$0xC0] =	vst v5  }
0x3a6: {  	[tilespmem:s3+$0xD0] =	vst v2  }
0x3a7: {  	v3 =	vld [tilespmem:s1+$0x30];
	v2 =	vadd.bf16 v4, v7  }
0x3a8: {  	v4 =	vld [tilespmem:s4+$0x1930]  }
0x3a9: {  	v5 =	vld [tilespmem:s26+$0x3230];
	v7 =	vunpack.i.l.bf16.f32 v2  }
0x3aa: {  	v6 =	vld [tilespmem:s28+$0x4B30];
	v8 =	vunpack.i.u.bf16.f32 v2;
	[tilespmem:s3+$0xFFFFFF20] =	vst v7  }
0x3ab: {  	v2 =	vld [tilespmem:s24+$0x6430];
	[tilespmem:s3+$0xFFFFFF30] =	vst v8  }
0x3ac: {  	v11 =	vld [tilespmem:s2+$0x20]  }
0x3ad: {  	v12 =	vld [tilespmem:s30+$0x1920]  }
0x3ae: {  	v13 =	vld [tilespmem:s16+$0x3220]  }
0x3af: {  	v14 =	vld [tilespmem:s13+$0x4B20]  }
0x3b0: {  	v15 =	vld [tilespmem:s14+$0x6420]  }
0x3b1: {  	v59 =	vld [tilespmem:s7+$0x7D20]  }
0x3b2: {  	v60 =	vld [tilespmem:s6+$0x9620]  }
0x3b3: {  	v61 =	vld [tilespmem:s8+$0xAF20];
	s24 =	sld [smem:$0x798]  }
0x3b4: {  	v9 =	vld [tilespmem:s15+$0xAF30]  }
0x3b5: {  	(v2sf) =	vpush v1, $0x8;
	v1 =	vld [tilespmem:s29+$0xC830]  }
0x3b6: {  	v7 =	vld [tilespmem:s10+$0x7D30];
	s26 =	sld [smem:$0x799];
	s1 =	sshll.u32 s24, $0x8  }
0x3b7: {  	v8 =	vld [tilespmem:s11+$0x9630];
	s15 =	sshra.s32 s1, $0x2;
	v11 =	vadd.bf16 v12, v11;
	v12 =	vadd.bf16 v14, v13  }
0x3b8: {  	v13 =	vld [tilespmem:s15+$0x0];
	v14 =	vadd.bf16 v59, v15;
	v15 =	vadd.bf16 v61, v60;
	[dreg:$0x5] =	wrdreg s0  }
0x3b9: {  	s1 =	sshll.u32 s26, $0x8;
	v62 =	vld [tilespmem:s0+$0xC820]  }
0x3ba: {  	s11 =	sshra.s32 s1, $0x2;
	v11 =	vadd.bf16 v12, v11;
	v12 =	vadd.bf16 v15, v14  }
0x3bb: {  	v63 =	vld [tilespmem:s11+$0x0]  }
0x3bc: {  	s8 =	sld [smem:$0x79A];
	v29 =	vld [tilespmem:s21+$0x3200];
	v11 =	vadd.bf16 v12, v11  }
0x3bd: {  	v30 =	vld [tilespmem:s9+$0x7D00]  }
0x3be: {  	v31 =	vld [tilespmem:s18+$0x9600];
	v11 =	vadd.bf16 v11, v62  }
0x3bf: {  	v33 =	vld [tilespmem:s8+$0xAF00]  }
0x3c0: {  	(v2sf) =	vpush v10, $0x8;
	v34 =	vld [tilespmem:s22+$0x1900];
	v32 =	vunpack.i.l.bf16.f32 v11  }
0x3c1: {  	v15 =	vld [tilespmem:s20+$0x4B00];
	v10 =	vunpack.i.u.bf16.f32 v11;
	[tilespmem:s3+$0xFFFFFF40] =	vst v32  }
0x3c2: {  	v12 =	vld [tilespmem:s23+$0x1900];
	[tilespmem:s3+$0xFFFFFF50] =	vst v10  }
0x3c3: {  	v10 =	vld [tilespmem:s2+$0x30];
	s2 =	sadd.s32 $0x24, s5  }
0x3c4: {  	v14 =	vld [tilespmem:s19+$0x6400];
	[smem:$0x7AF] =	sst s2  }
0x3c5: {  	v35 =	vld [tilespmem:s2+$0x1B];
	_ =	sdelay $0x1  }
0x3c6: {  	v36 =	vld [tilespmem:s12+$0x3200]  }
0x3c7: {  	v12 =	vadd.bf16 v12, v13;
	v13 =	vadd.bf16 v15, v29;
	v11 =	vld [tilespmem:s30+$0x1930]  }
0x3c8: {  	s4 =	spop (v2sf);
	v14 =	vadd.bf16 v30, v14;
	v15 =	vadd.bf16 v33, v31;
	v37 =	vld [tilespmem:s31+$0x4B00]  }
0x3c9: {  	v12 =	vadd.bf16 v13, v12;
	v13 =	vld [tilespmem:s4+$0xC800];
	v39 =	vshll.u32 v35, $0x6;
	(v2sf) =	vpush v35, $0x0  }
0x3ca: {  	v14 =	vadd.bf16 v15, v14;
	v38 =	vld [tilespmem:s17+$0x6400];
	(v2sf) =	vpush v39, $0x1  }
0x3cb: {  	v40 =	vld [tilespmem:s25+$0x7D00];
	(v2sf) =	vpush v39, $0x2  }
0x3cc: {  	v12 =	vadd.bf16 v14, v12;
	v14 =	vld [tilespmem:s2+$0x0];
	(v2sf) =	vpush v39, $0x3  }
0x3cd: {  	s10 =	sld [smem:$0x79C];
	v17 =	vld [tilespmem:s2+$0x9];
	(v2sf) =	vpush v39, $0x4  }
0x3ce: {  	s7 =	smov.u32 s12;
	s1 =	spop (v2sf);
	s12 =	sld [smem:$0x79B];
	v15 =	vld [tilespmem:s2+$0x12];
	v13 =	vadd.bf16 v12, v13;
	(v2sf) =	vpush v39, $0x5  }
0x3cf: {  	v43 =	vld [tilespmem:s1+$0xC800];
	(v2sf) =	vpush v39, $0x6  }
0x3d0: {  	v26 =	vld [tilespmem:s10+$0xAF00];
	v42 =	vunpack.i.l.bf16.f32 v13;
	(v2sf) =	vpush v39, $0x7  }
0x3d1: {  	v41 =	vld [tilespmem:s12+$0x9600];
	v13 =	vunpack.i.u.bf16.f32 v13;
	[tilespmem:s3+$0xFFFFFF80] =	vst v42;
	(v2sf) =	vpush v14, $0x0  }
0x3d2: {  	v12 =	vld [tilespmem:s16+$0x3230];
	[tilespmem:s3+$0xFFFFFF90] =	vst v13  }
0x3d3: {  	v13 =	vld [tilespmem:s15+$0x10];
	(v2sf) =	vpush v17, $0x0  }
0x3d4: {  	v27 =	vld [tilespmem:s23+$0x1910]  }
0x3d5: {  	v28 =	vld [tilespmem:s21+$0x3210];
	v14 =	vshll.u32 v14, $0x6;
	(v2sf) =	vpush v15, $0x0  }
0x3d6: {  	v29 =	vld [tilespmem:s20+$0x4B10];
	(v2sf) =	vpush v14, $0x7  }
0x3d7: {  	v18 =	vadd.bf16 v34, v63;
	v16 =	vadd.bf16 v37, v36;
	v44 =	vld [tilespmem:s19+$0x6410]  }
0x3d8: {  	v19 =	vadd.bf16 v40, v38;
	v45 =	vld [tilespmem:s9+$0x7D10];
	(v2sf) =	vpush v14, $0x6;
	s6 =	spop (v2sf)  }
0x3d9: {  	v46 =	vadd.bf16 v26, v41;
	v47 =	vld [tilespmem:s18+$0x9610];
	(v2sf) =	vpush v14, $0x5;
	s28 =	spop (v2sf)  }
0x3da: {  	v48 =	vld [tilespmem:s8+$0xAF10];
	(v2sf) =	vpush v39, $0x8;
	s29 =	spop (v2sf)  }
0x3db: {  	v16 =	vadd.bf16 v16, v18;
	v49 =	vadd.bf16 v46, v19;
	v50 =	vld [tilespmem:s28+$0x1900];
	s26 =	spop (v2sf)  }
0x3dc: {  	s14 =	smov.u32 s25;
	v51 =	vld [tilespmem:s29+$0x3200];
	s25 =	spop (v2sf)  }
0x3dd: {  	v16 =	vadd.bf16 v49, v16;
	v52 =	vld [tilespmem:s26+$0x4B00];
	s24 =	spop (v2sf)  }
0x3de: {  	v53 =	vld [tilespmem:s25+$0x6400];
	s16 =	spop (v2sf)  }
0x3df: {  	s5 =	smov.u32 s31;
	s31 =	smov.u32 s17;
	v16 =	vadd.bf16 v16, v43;
	v54 =	vld [tilespmem:s24+$0x7D00];
	s17 =	spop (v2sf)  }
0x3e0: {  	s30 =	smov.u32 s20;
	s20 =	smov.u32 s9;
	v30 =	vld [tilespmem:s16+$0x9600];
	s9 =	spop (v2sf)  }
0x3e1: {  	v31 =	vunpack.i.l.bf16.f32 v16;
	s0 =	sshll.u32 s6, $0x8;
	v32 =	vld [tilespmem:s17+$0xAF00];
	[smem:$0x7A2] =	sst s9  }
0x3e2: {  	s2 =	sshra.s32 s0, $0x2;
	s6 =	spop (v2sf);
	[tilespmem:s3+$0x0] =	vst v31  }
0x3e3: {  	v55 =	vld [tilespmem:s2+$0x0];
	[smem:$0x7A3] =	sst s6  }
0x3e4: {  	v27 =	vadd.bf16 v27, v13;
	v16 =	vunpack.i.u.bf16.f32 v16;
	v13 =	vld [tilespmem:s13+$0x4B30];
	s13 =	spop (v2sf)  }
0x3e5: {  	v28 =	vadd.bf16 v29, v28;
	[tilespmem:s3+$0x10] =	vst v16;
	s9 =	spop (v2sf)  }
0x3e6: {  	v56 =	vadd.bf16 v45, v44;
	v57 =	vadd.bf16 v48, v47;
	v58 =	vld [tilespmem:s11+$0x10];
	[smem:$0x7A1] =	sst s9  }
0x3e7: {  	v59 =	vadd.bf16 v28, v27;
	v18 =	vadd.bf16 v52, v51;
	s9 =	spop (v2sf);
	v60 =	vld [tilespmem:s4+$0xC810]  }
0x3e8: {  	s6 =	smov.u32 s22;
	v62 =	vadd.bf16 v54, v53;
	v16 =	vadd.bf16 v57, v56;
	v61 =	vld [tilespmem:s22+$0x1910];
	s22 =	spop (v2sf);
	[smem:$0x7A5] =	sst s7  }
0x3e9: {  	v32 =	vadd.bf16 v32, v30;
	v19 =	vadd.bf16 v50, v55;
	[smem:$0x7A4] =	sst s22;
	s22 =	spop (v2sf)  }
0x3ea: {  	v16 =	vadd.bf16 v16, v59;
	v33 =	vld [tilespmem:s22+$0xC800]  }
0x3eb: {  	v35 =	vadd.bf16 v32, v62;
	v63 =	vld [tilespmem:s7+$0x3210];
	[smem:$0x7A6] =	sst s5;
	v18 =	vadd.bf16 v18, v19  }
0x3ec: {  	v34 =	vld [tilespmem:s5+$0x4B10]  }
0x3ed: {  	v36 =	vld [tilespmem:s31+$0x6410];
	v18 =	vadd.bf16 v35, v18;
	v16 =	vadd.bf16 v16, v60  }
0x3ee: {  	v37 =	vld [tilespmem:s14+$0x7D10]  }
0x3ef: {  	v38 =	vld [tilespmem:s12+$0x9610];
	v39 =	vunpack.i.l.bf16.f32 v16;
	v18 =	vadd.bf16 v18, v33  }
0x3f0: {  	v40 =	vld [tilespmem:s10+$0xAF10];
	v16 =	vunpack.i.u.bf16.f32 v16;
	[tilespmem:s3+$0xFFFFFFA0] =	vst v39  }
0x3f1: {  	s0 =	smov.u32 s5;
	v41 =	vld [tilespmem:s1+$0xC810];
	s5 =	simm.s32 $0x1D100;
	[tilespmem:s3+$0xFFFFFFB0] =	vst v16;
	v42 =	vunpack.i.l.bf16.f32 v18  }
0x3f2: {  	v16 =	vld [tilespmem:s15+$0x20];
	v18 =	vunpack.i.u.bf16.f32 v18;
	[tilespmem:s5+$0x80] =	vst v42  }
0x3f3: {  	v29 =	vld [tilespmem:s23+$0x1920];
	[tilespmem:s5+$0x90] =	vst v18  }
0x3f4: {  	v18 =	vld [tilespmem:s2+$0x10]  }
0x3f5: {  	v44 =	vld [tilespmem:s28+$0x1910]  }
0x3f6: {  	v46 =	vld [tilespmem:s29+$0x3210]  }
0x3f7: {  	v22 =	vadd.bf16 v61, v58;
	v45 =	vadd.bf16 v34, v63;
	v47 =	vld [tilespmem:s26+$0x4B10]  }
0x3f8: {  	v20 =	vadd.bf16 v37, v36;
	v19 =	vadd.bf16 v40, v38;
	v48 =	vld [tilespmem:s25+$0x6410]  }
0x3f9: {  	v49 =	vld [tilespmem:s24+$0x7D10]  }
0x3fa: {  	v22 =	vadd.bf16 v45, v22;
	v19 =	vadd.bf16 v19, v20;
	v50 =	vld [tilespmem:s16+$0x9610]  }
0x3fb: {  	v51 =	vld [tilespmem:s17+$0xAF10]  }
0x3fc: {  	v43 =	vld [tilespmem:s21+$0x3220];
	v19 =	vadd.bf16 v19, v22  }
0x3fd: {  	v52 =	vld [tilespmem:s30+$0x4B20]  }
0x3fe: {  	v53 =	vld [tilespmem:s19+$0x6420];
	v19 =	vadd.bf16 v19, v41  }
0x3ff: {  	v54 =	vld [tilespmem:s20+$0x7D20];
	v18 =	vadd.bf16 v44, v18;
	v21 =	vadd.bf16 v47, v46  }
0x400: {  	v33 =	vld [tilespmem:s18+$0x9620];
	v55 =	vunpack.i.l.bf16.f32 v19;
	v20 =	vadd.bf16 v49, v48;
	v22 =	vadd.bf16 v51, v50  }
0x401: {  	v57 =	vld [tilespmem:s22+$0xC810];
	v19 =	vunpack.i.u.bf16.f32 v19;
	[tilespmem:s3+$0x20] =	vst v55  }
0x402: {  	v56 =	vld [tilespmem:s8+$0xAF20];
	[tilespmem:s3+$0x30] =	vst v19;
	v18 =	vadd.bf16 v21, v18;
	v20 =	vadd.bf16 v22, v20  }
0x403: {  	v58 =	vld [tilespmem:s11+$0x20]  }
0x404: {  	v59 =	vld [tilespmem:s6+$0x1920];
	v18 =	vadd.bf16 v20, v18  }
0x405: {  	v60 =	vld [tilespmem:s7+$0x3220]  }
0x406: {  	v61 =	vld [tilespmem:s0+$0x4B20];
	v18 =	vadd.bf16 v18, v57  }
0x407: {  	v62 =	vld [tilespmem:s31+$0x6420]  }
0x408: {  	v63 =	vld [tilespmem:s14+$0x7D20];
	v41 =	vunpack.i.l.bf16.f32 v18  }
0x409: {  	v40 =	vld [tilespmem:s12+$0x9620];
	[tilespmem:s5+$0xA0] =	vst v41  }
0x40a: {  	v34 =	vld [tilespmem:s10+$0xAF20];
	v18 =	vunpack.i.u.bf16.f32 v18;
	[dreg:$0xb] =	wrdreg s4  }
0x40b: {  	v42 =	vld [tilespmem:s4+$0xC820];
	[tilespmem:s5+$0xB0] =	vst v18  }
0x40c: {  	v35 =	vld [tilespmem:s2+$0x20]  }
0x40d: {  	v36 =	vld [tilespmem:s28+$0x1920]  }
0x40e: {  	v44 =	vld [tilespmem:s29+$0x3220]  }
0x40f: {  	v16 =	vadd.bf16 v29, v16;
	v43 =	vadd.bf16 v52, v43;
	v45 =	vld [tilespmem:s26+$0x4B20]  }
0x410: {  	v23 =	vadd.bf16 v54, v53;
	v25 =	vadd.bf16 v56, v33;
	v46 =	vld [tilespmem:s25+$0x6420];
	s4 =	sld [smem:$0x79D]  }
0x411: {  	v48 =	vld [tilespmem:s24+$0x7D20]  }
0x412: {  	v16 =	vadd.bf16 v43, v16;
	v47 =	vadd.bf16 v25, v23;
	v49 =	vld [tilespmem:s16+$0x9620];
	s7 =	sld [smem:$0x79E]  }
0x413: {  	v18 =	vld [tilespmem:s4+$0x6430];
	s4 =	sld [smem:$0x79F]  }
0x414: {  	v16 =	vadd.bf16 v47, v16;
	v51 =	vld [tilespmem:s17+$0xAF20]  }
0x415: {  	v21 =	vadd.bf16 v59, v58;
	v20 =	vld [tilespmem:s7+$0x7D30];
	s7 =	sld [smem:$0x7A0]  }
0x416: {  	v50 =	vadd.bf16 v61, v60;
	v16 =	vadd.bf16 v16, v42;
	v22 =	vld [tilespmem:s4+$0x9630];
	[dreg:$0xa] =	wrdreg s1  }
0x417: {  	v19 =	vadd.bf16 v63, v62;
	v52 =	vadd.bf16 v34, v40;
	v53 =	vld [tilespmem:s1+$0xC820]  }
0x418: {  	v54 =	vunpack.i.u.bf16.f32 v16;
	v29 =	vld [tilespmem:s7+$0xAF30]  }
0x419: {  	v21 =	vadd.bf16 v50, v21;
	v19 =	vadd.bf16 v52, v19;
	v16 =	vunpack.i.l.bf16.f32 v16;
	[tilespmem:s3+$0xFFFFFFD0] =	vst v54;
	v57 =	vld [tilespmem:s22+$0xC820]  }
0x41a: {  	v55 =	vadd.bf16 v36, v35;
	v26 =	vadd.bf16 v45, v44;
	[tilespmem:s3+$0xFFFFFFC0] =	vst v16;
	v52 =	vld [tilespmem:s9+$0x9600]  }
0x41b: {  	v23 =	vadd.bf16 v48, v46;
	v56 =	vadd.bf16 v51, v49;
	v24 =	vld [tilespmem:s15+$0x30]  }
0x41c: {  	v19 =	vadd.bf16 v19, v21;
	v27 =	vld [tilespmem:s23+$0x1930]  }
0x41d: {  	v58 =	vadd.bf16 v26, v55;
	v23 =	vadd.bf16 v56, v23;
	v28 =	vld [tilespmem:s21+$0x3230]  }
0x41e: {  	v30 =	vld [tilespmem:s30+$0x4B30];
	v19 =	vadd.bf16 v19, v53  }
0x41f: {  	(v2sf) =	vpush v14, $0x4;
	v21 =	vld [tilespmem:s19+$0x6430];
	v23 =	vadd.bf16 v23, v58  }
0x420: {  	(v2sf) =	vpush v14, $0x3;
	v25 =	vld [tilespmem:s20+$0x7D30];
	v59 =	vunpack.i.l.bf16.f32 v19  }
0x421: {  	(v2sf) =	vpush v14, $0x2;
	v16 =	vadd.bf16 v23, v57;
	v23 =	vld [tilespmem:s8+$0xAF30];
	v60 =	vunpack.i.u.bf16.f32 v19;
	[tilespmem:s3+$0x40] =	vst v59  }
0x422: {  	(v2sf) =	vpush v14, $0x1;
	v19 =	vld [tilespmem:s18+$0x9630];
	[tilespmem:s3+$0x50] =	vst v60  }
0x423: {  	v40 =	vshll.u32 v17, $0x6;
	v61 =	vunpack.i.l.bf16.f32 v16;
	v62 =	vunpack.i.u.bf16.f32 v16;
	v16 =	vld [tilespmem:s11+$0x30]  }
0x424: {  	(v2sf) =	vpush v40, $0x7;
	v35 =	vld [tilespmem:s6+$0x1930]  }
0x425: {  	(v2sf) =	vpush v40, $0x6;
	[tilespmem:s5+$0xC0] =	vst v61;
	v38 =	vld [tilespmem:s31+$0x6430]  }
0x426: {  	s30 =	sld [smem:$0x7A1];
	[tilespmem:s5+$0xD0] =	vst v62;
	v42 =	vld [tilespmem:s10+$0xAF30]  }
0x427: {  	v26 =	vld [tilespmem:s2+$0x30]  }
0x428: {  	(v2sf) =	vpush v40, $0x5;
	v17 =	vld [tilespmem:s28+$0x1930]  }
0x429: {  	(v2sf) =	vpush v40, $0x4;
	v31 =	vld [tilespmem:s29+$0x3230]  }
0x42a: {  	(v2sf) =	vpush v40, $0x3;
	v32 =	vld [tilespmem:s26+$0x4B30]  }
0x42b: {  	v41 =	vshll.u32 v15, $0x6;
	(v2sf) =	vpush v40, $0x2;
	s19 =	sld [smem:$0x7A2];
	v15 =	vld [tilespmem:s25+$0x6430]  }
0x42c: {  	(v2sf) =	vpush v40, $0x1;
	s20 =	sld [smem:$0x7A3];
	v33 =	vld [tilespmem:s24+$0x7D30]  }
0x42d: {  	(v2sf) =	vpush v41, $0x7;
	s24 =	sld [smem:$0x7A4];
	v34 =	vld [tilespmem:s16+$0x9630]  }
0x42e: {  	v36 =	vld [tilespmem:s17+$0xAF30];
	s23 =	sld [smem:$0x7A5];
	s0 =	sshll.u32 s19, $0x8;
	s19 =	spop (v2sf);
	(v2sf) =	vpush v41, $0x6  }
0x42f: {  	s26 =	sld [smem:$0x7A6];
	v43 =	vld [tilespmem:s30+$0xAF00];
	(v2sf) =	vpush v41, $0x5  }
0x430: {  	v51 =	vld [tilespmem:s24+$0x7D00];
	s3 =	spop (v2sf);
	(v2sf) =	vpush v41, $0x4  }
0x431: {  	s21 =	sshll.u32 s13, $0x8;
	v37 =	vld [tilespmem:s23+$0x3230];
	s13 =	spop (v2sf);
	(v2sf) =	vpush v41, $0x3  }
0x432: {  	s1 =	sshll.u32 s20, $0x8;
	s20 =	sshra.s32 s21, $0x2;
	v39 =	vld [tilespmem:s26+$0x4B30];
	s21 =	spop (v2sf);
	(v2sf) =	vpush v41, $0x2  }
0x433: {  	v46 =	vld [tilespmem:s20+$0x0];
	s18 =	spop (v2sf);
	(v2sf) =	vpush v41, $0x1  }
0x434: {  	s4 =	sshra.s32 s0, $0x2;
	v50 =	vld [tilespmem:s19+$0x6400];
	s15 =	spop (v2sf);
	(v2sf) =	vpush v14, $0x8  }
0x435: {  	s7 =	sshra.s32 s1, $0x2;
	v44 =	vld [tilespmem:s4+$0x0]  }
0x436: {  	v45 =	vld [tilespmem:s7+$0x0]  }
0x437: {  	v47 =	vld [tilespmem:s3+$0x4B00];
	s16 =	spop (v2sf)  }
0x438: {  	v48 =	vld [tilespmem:s13+$0x3200];
	s25 =	spop (v2sf)  }
0x439: {  	v49 =	vld [tilespmem:s21+$0x1900];
	s8 =	spop (v2sf)  }
0x43a: {  	v60 =	vld [tilespmem:s18+$0xAF00];
	s1 =	spop (v2sf)  }
0x43b: {  	v14 =	vld [tilespmem:s22+$0xC830];
	s29 =	spop (v2sf)  }
0x43c: {  	v63 =	vld [tilespmem:s15+$0x9600];
	(v2sf) =	vpush v40, $0x8;
	s2 =	spop (v2sf)  }
0x43d: {  	v57 =	vld [tilespmem:s16+$0x7D00];
	(v2sf) =	vpush v41, $0x8;
	s0 =	spop (v2sf)  }
0x43e: {  	v53 =	vld [tilespmem:s25+$0x6400];
	s31 =	spop (v2sf)  }
0x43f: {  	v40 =	vld [tilespmem:s14+$0x7D30];
	s14 =	spop (v2sf)  }
0x440: {  	v54 =	vld [tilespmem:s8+$0x4B00];
	s6 =	spop (v2sf)  }
0x441: {  	v41 =	vld [tilespmem:s12+$0x9630];
	s26 =	spop (v2sf)  }
0x442: {  	v43 =	vadd.bf16 v43, v52;
	v59 =	vadd.bf16 v51, v50;
	v56 =	vld [tilespmem:s1+$0x3200];
	s17 =	spop (v2sf)  }
0x443: {  	v47 =	vadd.bf16 v47, v48;
	v44 =	vadd.bf16 v49, v44;
	v55 =	vld [tilespmem:s29+$0x1900];
	s22 =	spop (v2sf)  }
0x444: {  	v61 =	vld [tilespmem:s22+$0xC800];
	[smem:$0x7AE] =	sst s22  }
0x445: {  	v43 =	vadd.bf16 v43, v59;
	v44 =	vadd.bf16 v47, v44;
	v47 =	vld [tilespmem:s17+$0x1900]  }
0x446: {  	v49 =	vld [tilespmem:s26+$0x3200]  }
0x447: {  	v43 =	vadd.bf16 v43, v44;
	v44 =	vld [tilespmem:s6+$0x4B00]  }
0x448: {  	v52 =	vld [tilespmem:s14+$0x6400]  }
0x449: {  	v58 =	vld [tilespmem:s31+$0x7D00];
	v43 =	vadd.bf16 v43, v61  }
0x44a: {  	v62 =	vadd.bf16 v54, v56;
	v54 =	vld [tilespmem:s0+$0x9600]  }
0x44b: {  	v48 =	vadd.bf16 v60, v63;
	v50 =	vld [tilespmem:s2+$0xAF00];
	[smem:$0x7AC] =	sst s2;
	s28 =	spop (v2sf);
	v63 =	vunpack.i.l.bf16.f32 v43  }
0x44c: {  	v53 =	vadd.bf16 v57, v53;
	v45 =	vadd.bf16 v55, v45;
	v60 =	vld [tilespmem:s28+$0xC800];
	s23 =	spop (v2sf);
	v43 =	vunpack.i.u.bf16.f32 v43;
	[tilespmem:s5+$0xFFFFFF00] =	vst v63  }
0x44d: {  	v61 =	vld [tilespmem:s23+$0xC800];
	[tilespmem:s5+$0xFFFFFF10] =	vst v43  }
0x44e: {  	v48 =	vadd.bf16 v48, v53;
	v45 =	vadd.bf16 v62, v45;
	v51 =	vld [tilespmem:s4+$0x10]  }
0x44f: {  	v62 =	vld [tilespmem:s21+$0x1910]  }
0x450: {  	v45 =	vadd.bf16 v48, v45;
	v63 =	vld [tilespmem:s13+$0x3210]  }
0x451: {  	v55 =	vld [tilespmem:s3+$0x4B10]  }
0x452: {  	v46 =	vadd.bf16 v47, v46;
	v45 =	vadd.bf16 v45, v60;
	v47 =	vld [tilespmem:s19+$0x6410]  }
0x453: {  	v50 =	vadd.bf16 v50, v54;
	v54 =	vld [tilespmem:s24+$0x7D10]  }
0x454: {  	v44 =	vadd.bf16 v44, v49;
	v57 =	vadd.bf16 v58, v52;
	v52 =	vld [tilespmem:s9+$0x9610];
	v58 =	vunpack.i.l.bf16.f32 v45  }
0x455: {  	v2 =	vadd.bf16 v7, v2;
	v7 =	vadd.bf16 v9, v8;
	v8 =	vld [tilespmem:s22+$0xC810];
	v45 =	vunpack.i.u.bf16.f32 v45;
	[tilespmem:s5+$0xFFFFFF80] =	vst v58  }
0x456: {  	v44 =	vadd.bf16 v44, v46;
	v59 =	vadd.bf16 v50, v57;
	[tilespmem:s5+$0xFFFFFF90] =	vst v45;
	v45 =	vld [tilespmem:s30+$0xAF10]  }
0x457: {  	v49 =	vld [tilespmem:s7+$0x10]  }
0x458: {  	v44 =	vadd.bf16 v59, v44;
	v46 =	vld [tilespmem:s29+$0x1910]  }
0x459: {  	v50 =	vld [tilespmem:s1+$0x3210]  }
0x45a: {  	v43 =	vadd.bf16 v44, v61;
	v44 =	vld [tilespmem:s8+$0x4B10]  }
0x45b: {  	v3 =	vadd.bf16 v4, v3;
	v4 =	vadd.bf16 v6, v5;
	v56 =	vld [tilespmem:s25+$0x6410]  }
0x45c: {  	v61 =	vld [tilespmem:s16+$0x7D10];
	v60 =	vunpack.i.l.bf16.f32 v43;
	v62 =	vadd.bf16 v62, v51;
	v63 =	vadd.bf16 v55, v63  }
0x45d: {  	v6 =	vld [tilespmem:s15+$0x9610];
	v5 =	vunpack.i.u.bf16.f32 v43;
	v47 =	vadd.bf16 v54, v47;
	[tilespmem:s5+$0x0] =	vst v60;
	v45 =	vadd.bf16 v45, v52  }
0x45e: {  	v3 =	vadd.bf16 v4, v3;
	v2 =	vadd.bf16 v7, v2;
	[tilespmem:s5+$0x10] =	vst v5;
	v5 =	vld [tilespmem:s18+$0xAF10]  }
0x45f: {  	v54 =	vld [tilespmem:s20+$0x10];
	v9 =	vadd.bf16 v63, v62;
	v55 =	vadd.bf16 v45, v47  }
0x460: {  	v2 =	vadd.bf16 v2, v3;
	v57 =	vld [tilespmem:s17+$0x1910]  }
0x461: {  	v3 =	vadd.bf16 v11, v10;
	v4 =	vld [tilespmem:s26+$0x3210];
	v7 =	vadd.bf16 v55, v9  }
0x462: {  	v11 =	vadd.bf16 v13, v12;
	v10 =	vld [tilespmem:s14+$0x6410];
	v12 =	vadd.bf16 v46, v49  }
0x463: {  	v59 =	vld [tilespmem:s0+$0x9610];
	v13 =	vadd.bf16 v44, v50;
	v7 =	vadd.bf16 v7, v8  }
0x464: {  	v18 =	vadd.bf16 v20, v18;
	v62 =	vadd.bf16 v29, v22;
	v63 =	vld [tilespmem:s28+$0xC810]  }
0x465: {  	v60 =	vadd.bf16 v61, v56;
	v12 =	vadd.bf16 v13, v12;
	v9 =	vld [tilespmem:s6+$0x4B10];
	v61 =	vunpack.i.l.bf16.f32 v7  }
0x466: {  	v13 =	vadd.bf16 v2, v1;
	v5 =	vadd.bf16 v5, v6;
	v6 =	vld [tilespmem:s2+$0xAF10];
	v7 =	vunpack.i.u.bf16.f32 v7;
	[tilespmem:s5+$0xFFFFFF20] =	vst v61  }
0x467: {  	v1 =	vadd.bf16 v11, v3;
	v2 =	vadd.bf16 v62, v18;
	v8 =	vld [tilespmem:s31+$0x7D10];
	[tilespmem:s5+$0xFFFFFF30] =	vst v7  }
0x468: {  	v5 =	vadd.bf16 v5, v60;
	v7 =	vld [tilespmem:s23+$0xC810];
	[smem:$0x7A7] =	sst s4  }
0x469: {  	v29 =	vadd.bf16 v30, v28;
	v1 =	vadd.bf16 v2, v1;
	v3 =	vld [tilespmem:s4+$0x20]  }
0x46a: {  	v44 =	vadd.bf16 v57, v54;
	v5 =	vadd.bf16 v5, v12;
	v11 =	vld [tilespmem:s21+$0x1920]  }
0x46b: {  	v4 =	vadd.bf16 v9, v4;
	v6 =	vadd.bf16 v6, v59;
	v30 =	vld [tilespmem:s13+$0x3220]  }
0x46c: {  	v2 =	vadd.bf16 v5, v63;
	v5 =	vld [tilespmem:s3+$0x4B20];
	v8 =	vadd.bf16 v8, v10  }
0x46d: {  	v9 =	vld [tilespmem:s19+$0x6420]  }
0x46e: {  	v45 =	vld [tilespmem:s24+$0x7D20];
	v4 =	vadd.bf16 v4, v44;
	v10 =	vunpack.i.l.bf16.f32 v2;
	v6 =	vadd.bf16 v6, v8  }
0x46f: {  	v2 =	vunpack.i.u.bf16.f32 v2;
	[tilespmem:s5+$0xFFFFFFA0] =	vst v10;
	v10 =	vld [tilespmem:s9+$0x9620]  }
0x470: {  	[tilespmem:s5+$0xFFFFFFB0] =	vst v2;
	v8 =	vld [tilespmem:s30+$0xAF20];
	v4 =	vadd.bf16 v6, v4  }
0x471: {  	v46 =	vld [tilespmem:s7+$0x20]  }
0x472: {  	v21 =	vadd.bf16 v25, v21;
	v49 =	vld [tilespmem:s1+$0x3220];
	v4 =	vadd.bf16 v4, v7  }
0x473: {  	v15 =	vadd.bf16 v33, v15;
	v48 =	vadd.bf16 v36, v34;
	v6 =	vld [tilespmem:s29+$0x1920]  }
0x474: {  	v16 =	vadd.bf16 v35, v16;
	v17 =	vadd.bf16 v17, v26;
	v7 =	vld [tilespmem:s8+$0x4B20];
	[smem:$0x7A8] =	sst s25;
	v52 =	vunpack.i.l.bf16.f32 v4  }
0x475: {  	v15 =	vadd.bf16 v48, v15;
	v47 =	vadd.bf16 v32, v31;
	v50 =	vld [tilespmem:s25+$0x6420];
	v4 =	vunpack.i.u.bf16.f32 v4;
	[tilespmem:s5+$0x20] =	vst v52  }
0x476: {  	v12 =	vadd.bf16 v27, v24;
	v2 =	vadd.bf16 v23, v19;
	v53 =	vld [tilespmem:s16+$0x7D20];
	[tilespmem:s5+$0x30] =	vst v4  }
0x477: {  	v51 =	vadd.bf16 v39, v37;
	v17 =	vadd.bf16 v47, v17;
	v56 =	vld [tilespmem:s15+$0x9620];
	[smem:$0x7A9] =	sst s18  }
0x478: {  	v12 =	vadd.bf16 v29, v12;
	v2 =	vadd.bf16 v2, v21;
	v4 =	vld [tilespmem:s18+$0xAF20]  }
0x479: {  	v55 =	vadd.bf16 v42, v41;
	v54 =	vadd.bf16 v40, v38  }
0x47a: {  	v2 =	vadd.bf16 v2, v12;
	v12 =	vadd.bf16 v15, v17;
	[smem:$0x7AA] =	sst s20  }
0x47b: {  	v57 =	vadd.bf16 v55, v54;
	v58 =	vld [tilespmem:s20+$0x20];
	[smem:$0x7AB] =	sst s17  }
0x47c: {  	s10 =	smov.u32 s0;
	v15 =	vadd.bf16 v51, v16;
	v14 =	vadd.bf16 v12, v14;
	v12 =	vld [tilespmem:s17+$0x1920]  }
0x47d: {  	v63 =	vunpack.i.u.bf16.f32 v13;
	s20 =	smov.u32 s10;
	v61 =	vadd.bf16 v4, v56;
	v4 =	vld [tilespmem:s10+$0x9620];
	s10 =	simm.s32 $0x1CF00  }
0x47e: {  	v11 =	vadd.bf16 v11, v3;
	v3 =	vadd.bf16 v57, v15;
	v15 =	vld [tilespmem:s26+$0x3220];
	[tilespmem:s10+$0xF0] =	vst v63  }
0x47f: {  	v8 =	vadd.bf16 v8, v10;
	v10 =	vld [tilespmem:s6+$0x4B20];
	s25 =	sld [smem:$0x7AC]  }
0x480: {  	v5 =	vadd.bf16 v5, v30;
	v9 =	vadd.bf16 v45, v9;
	v59 =	vld [tilespmem:s14+$0x6420]  }
0x481: {  	s11 =	smov.u32 s13;
	v6 =	vadd.bf16 v6, v46;
	s18 =	smov.u32 s26;
	v7 =	vadd.bf16 v7, v49;
	v62 =	vld [tilespmem:s31+$0x7D20];
	s26 =	simm.s32 $0x1CF00  }
0x482: {  	s12 =	smov.u32 s21;
	s22 =	smov.u32 s30;
	v5 =	vadd.bf16 v5, v11;
	v11 =	vunpack.i.l.bf16.f32 v13;
	v9 =	vadd.bf16 v8, v9;
	v8 =	vld [tilespmem:s25+$0xAF20];
	[smem:$0x7AD] =	sst s26  }
0x483: {  	s2 =	smov.u32 s24;
	s13 =	smov.u32 s3;
	s4 =	smov.u32 s19;
	v6 =	vadd.bf16 v7, v6;
	v7 =	vunpack.i.u.bf16.f32 v14;
	[tilespmem:s10+$0xE0] =	vst v11  }
0x484: {  	s19 =	smov.u32 s9;
	s24 =	smov.u32 s29;
	v60 =	vadd.bf16 v53, v50;
	v15 =	vadd.bf16 v10, v15;
	v10 =	vunpack.i.l.bf16.f32 v14;
	s0 =	sld [smem:$0x7AE];
	[tilespmem:s5+$0xF0] =	vst v7  }
0x485: {  	s21 =	smov.u32 s8;
	s3 =	smov.u32 s15;
	s9 =	smov.u32 s7;
	[tilespmem:s5+$0xE0] =	vst v10  }
0x486: {  	s29 =	smov.u32 s1;
	s8 =	smov.u32 s16;
	v13 =	vadd.bf16 v61, v60;
	s30 =	sld [smem:$0x7AF]  }
0x487: {  	s15 =	smov.u32 s14;
	s17 =	smov.u32 s6;
	s14 =	smov.u32 s31;
	v17 =	vadd.bf16 v12, v58;
	v11 =	vld [tilespmem:s28+$0xC820]  }
0x488: {  	s6 =	smov.u32 s28;
	s16 =	smov.u32 s25;
	s10 =	smov.u32 s23;
	v7 =	vadd.bf16 v9, v5;
	v9 =	vadd.bf16 v13, v6;
	v6 =	vld [tilespmem:s23+$0xC820]  }
0x489: {  	s28 =	simm.s32 $0x4;
	v10 =	vadd.bf16 v62, v59;
	v5 =	vadd.bf16 v15, v17;
	s31 =	smov.u32 s0;
	v12 =	vld [tilespmem:s0+$0xC820];
	s0 =	sadd.s32 $0x24, s30  }
.LBB2_15:
0x48a: {  	v13 =	vld [tilespmem:s0+$0x1B];
	_ =	sdelay $0x2  }
0x48b: {  	v14 =	vld [tilespmem:s0+$0x9];
	s30 =	rddreg [dreg:$0xa];
	v4 =	vadd.bf16 v8, v4  }
0x48c: {  	v16 =	vld [tilespmem:s30+$0xC830];
	v7 =	vadd.bf16 v7, v12  }
0x48d: {  	s1 =	rddreg [dreg:$0x5];
	v8 =	vld [tilespmem:s0+$0x12];
	v9 =	vadd.bf16 v9, v11;
	v15 =	vshll.u32 v13, $0x6;
	v4 =	vadd.bf16 v4, v10  }
0x48e: {  	v11 =	vld [tilespmem:s1+$0xC830];
	s1 =	sld [smem:$0x7A7];
	(v2sf) =	vpush v13, $0x0;
	v10 =	vunpack.i.u.bf16.f32 v7;
	v7 =	vunpack.i.l.bf16.f32 v7  }
0x48f: {  	s25 =	rddreg [dreg:$0xb];
	v12 =	vld [tilespmem:s0+$0x0];
	(v2sf) =	vpush v15, $0x1;
	[tilespmem:s5+$0xFFFFFF40] =	vst v7;
	v7 =	vadd.bf16 v4, v5  }
0x490: {  	v13 =	vld [tilespmem:s25+$0xC830];
	[tilespmem:s5+$0xFFFFFF50] =	vst v10;
	(v2sf) =	vpush v15, $0x2  }
0x491: {  	v10 =	vunpack.i.u.bf16.f32 v9;
	v17 =	vld [tilespmem:s1+$0x30];
	(v2sf) =	vpush v15, $0x3;
	v7 =	vadd.bf16 v7, v6  }
0x492: {  	v9 =	vunpack.i.l.bf16.f32 v9;
	[tilespmem:s5+$0xFFFFFFD0] =	vst v10;
	v10 =	vld [tilespmem:s12+$0x1930];
	(v2sf) =	vpush v15, $0x4  }
0x493: {  	v18 =	vld [tilespmem:s11+$0x3230];
	[tilespmem:s5+$0xFFFFFFC0] =	vst v9;
	(v2sf) =	vpush v15, $0x5;
	v9 =	vunpack.i.u.bf16.f32 v7  }
0x494: {  	v1 =	vadd.bf16 v1, v11;
	(v2sf) =	vpush v15, $0x6;
	[tilespmem:s5+$0x50] =	vst v9;
	v9 =	vld [tilespmem:s2+$0x7D30];
	s2 =	sld [smem:$0x7AD]  }
0x495: {  	v3 =	vadd.bf16 v3, v16;
	v19 =	vld [tilespmem:s13+$0x4B30];
	v7 =	vunpack.i.l.bf16.f32 v7;
	(v2sf) =	vpush v15, $0x7  }
0x496: {  	v2 =	vadd.bf16 v2, v13;
	v11 =	vunpack.i.u.bf16.f32 v1;
	[tilespmem:s5+$0x40] =	vst v7;
	v7 =	vld [tilespmem:s4+$0x6430];
	(v2sf) =	vpush v12, $0x0  }
0x497: {  	v6 =	vshll.u32 v12, $0x6;
	v1 =	vunpack.i.l.bf16.f32 v1;
	v12 =	vld [tilespmem:s19+$0x9630];
	(v2sf) =	vpush v14, $0x0;
	[tilespmem:s2+$0xFFFFFF70] =	vst v11  }
0x498: {  	(v2sf) =	vpush v8, $0x0;
	v11 =	vld [tilespmem:s22+$0xAF30];
	[tilespmem:s2+$0xFFFFFF60] =	vst v1;
	v1 =	vunpack.i.u.bf16.f32 v2;
	v2 =	vunpack.i.l.bf16.f32 v2  }
0x499: {  	v5 =	vshll.u32 v14, $0x6;
	v13 =	vld [tilespmem:s9+$0x30];
	v10 =	vadd.bf16 v10, v17;
	(v2sf) =	vpush v6, $0x7;
	[tilespmem:s2+$0xFFFFFFE0] =	vst v2  }
0x49a: {  	s26 =	smov.u32 s6;
	s6 =	sld [smem:$0x7A8];
	v4 =	vshll.u32 v8, $0x6;
	v8 =	vadd.bf16 v19, v18;
	(v2sf) =	vpush v6, $0x6;
	v14 =	vld [tilespmem:s24+$0x1930];
	[tilespmem:s2+$0xFFFFFFF0] =	vst v1  }
0x49b: {  	v2 =	vunpack.i.u.bf16.f32 v3;
	v1 =	vunpack.i.l.bf16.f32 v3;
	v3 =	vadd.bf16 v9, v7;
	v7 =	vld [tilespmem:s29+$0x3230]  }
0x49c: {  	s12 =	sld [smem:$0x7A9];
	(v2sf) =	vpush v6, $0x5;
	[tilespmem:s2+$0x60] =	vst v1;
	v1 =	vadd.bf16 v8, v10;
	v8 =	vld [tilespmem:s21+$0x4B30]  }
0x49d: {  	[smem:$0x797] =	sst s0;
	s0 =	smov.u32 s10;
	(v2sf) =	vpush v15, $0x8;
	v9 =	vld [tilespmem:s6+$0x6430];
	s7 =	spop (v2sf)  }
0x49e: {  	[dreg:$0xa] =	wrdreg s0;
	(v2sf) =	vpush v6, $0x4;
	v10 =	vld [tilespmem:s8+$0x7D30];
	s0 =	sshll.u32 s7, $0x8  }
0x49f: {  	[smem:$0x793] =	sst s15;
	v52 =	vld [tilespmem:s12+$0xAF30];
	(v2sf) =	vpush v6, $0x3;
	s19 =	spop (v2sf);
	s15 =	sshra.s32 s0, $0x2  }
0x4a0: {  	[smem:$0x795] =	sst s20;
	[tilespmem:s2+$0x70] =	vst v2;
	v2 =	vadd.bf16 v11, v12;
	(v2sf) =	vpush v6, $0x2;
	s20 =	spop (v2sf);
	v51 =	vld [tilespmem:s15+$0x0]  }
0x4a1: {  	(v2sf) =	vpush v6, $0x1;
	s21 =	spop (v2sf);
	v12 =	vadd.bf16 v14, v13;
	v13 =	vld [tilespmem:s19+$0x1900]  }
0x4a2: {  	v2 =	vadd.bf16 v2, v3;
	v14 =	vld [tilespmem:s20+$0x3200];
	(v2sf) =	vpush v5, $0x7;
	s22 =	spop (v2sf)  }
0x4a3: {  	v3 =	vadd.bf16 v8, v7;
	v7 =	vld [tilespmem:s21+$0x4B00];
	(v2sf) =	vpush v5, $0x6;
	s8 =	spop (v2sf)  }
0x4a4: {  	[dreg:$0xb] =	wrdreg s26;
	v1 =	vadd.bf16 v2, v1;
	v2 =	vld [tilespmem:s22+$0x6400];
	(v2sf) =	vpush v5, $0x5;
	s26 =	spop (v2sf)  }
0x4a5: {  	[smem:$0x7AC] =	sst s16;
	v8 =	vadd.bf16 v10, v9;
	v9 =	vld [tilespmem:s8+$0x7D00];
	(v2sf) =	vpush v5, $0x4;
	s7 =	spop (v2sf)  }
0x4a6: {  	s16 =	sld [smem:$0x7AA];
	v10 =	vadd.bf16 v3, v12;
	v12 =	vld [tilespmem:s26+$0x9600];
	s9 =	spop (v2sf);
	(v2sf) =	vpush v5, $0x3  }
0x4a7: {  	v15 =	vld [tilespmem:s7+$0xAF00];
	s10 =	spop (v2sf)  }
0x4a8: {  	v11 =	vld [tilespmem:s3+$0x9630];
	s0 =	sshll.u32 s9, $0x8;
	s11 =	spop (v2sf)  }
0x4a9: {  	[smem:$0x794] =	sst s14;
	v3 =	vld [tilespmem:s16+$0x30];
	(v2sf) =	vpush v5, $0x2;
	s14 =	sshra.s32 s0, $0x2;
	s13 =	spop (v2sf)  }
0x4aa: {  	v13 =	vadd.bf16 v13, v51;
	s1 =	sshll.u32 s10, $0x8;
	(v2sf) =	vpush v5, $0x1;
	v54 =	vld [tilespmem:s14+$0x0];
	s6 =	spop (v2sf)  }
0x4ab: {  	[smem:$0x792] =	sst s17;
	v7 =	vadd.bf16 v7, v14;
	(v2sf) =	vpush v4, $0x7;
	s17 =	sshra.s32 s1, $0x2;
	v53 =	vld [tilespmem:s13+$0xAF00];
	s9 =	spop (v2sf)  }
0x4ac: {  	s2 =	sshll.u32 s11, $0x8;
	v2 =	vadd.bf16 v9, v2;
	v9 =	vld [tilespmem:s17+$0x0];
	v12 =	vadd.bf16 v15, v12;
	s16 =	spop (v2sf)  }
0x4ad: {  	[smem:$0x791] =	sst s18;
	v11 =	vadd.bf16 v52, v11;
	(v2sf) =	vpush v4, $0x6;
	s18 =	sshra.s32 s2, $0x2;
	v14 =	vld [tilespmem:s16+$0xC800];
	s24 =	spop (v2sf)  }
0x4ae: {  	v7 =	vadd.bf16 v7, v13;
	v15 =	vld [tilespmem:s18+$0x0];
	v2 =	vadd.bf16 v12, v2;
	s29 =	spop (v2sf)  }
0x4af: {  	v8 =	vadd.bf16 v11, v8;
	(v2sf) =	vpush v4, $0x5;
	v12 =	vld [tilespmem:s29+$0x4B00];
	s2 =	spop (v2sf)  }
0x4b0: {  	(v2sf) =	vpush v4, $0x4;
	v7 =	vadd.bf16 v2, v7;
	v11 =	vld [tilespmem:s2+$0x3200];
	s12 =	spop (v2sf)  }
0x4b1: {  	v2 =	vadd.bf16 v8, v10;
	v8 =	vld [tilespmem:s24+$0x6400];
	(v2sf) =	vpush v4, $0x3;
	s10 =	spop (v2sf)  }
0x4b2: {  	s23 =	smov.u32 s31;
	[smem:$0x78C] =	sst s17;
	v10 =	vld [tilespmem:s9+$0x7D00];
	(v2sf) =	vpush v4, $0x2;
	v7 =	vadd.bf16 v7, v14;
	s17 =	spop (v2sf)  }
0x4b3: {  	[dreg:$0x5] =	wrdreg s23;
	v13 =	vld [tilespmem:s12+$0x1900];
	(v2sf) =	vpush v4, $0x1;
	s1 =	spop (v2sf)  }
0x4b4: {  	s4 =	smov.u32 s5;
	s5 =	sadd.s32 $0x200, s5;
	(v2sf) =	vpush v6, $0x8;
	v6 =	vld [tilespmem:s6+$0x9600];
	v14 =	vunpack.i.l.bf16.f32 v7;
	s23 =	spop (v2sf)  }
0x4b5: {  	(v2sf) =	vpush v5, $0x8;
	v7 =	vunpack.i.u.bf16.f32 v7;
	v5 =	vadd.bf16 v12, v11;
	v11 =	vld [tilespmem:s23+$0x6400];
	[tilespmem:s5+$0x80] =	vst v14;
	s30 =	spop (v2sf)  }
0x4b6: {  	[tilespmem:s5+$0x90] =	vst v7;
	v12 =	vld [tilespmem:s30+$0x4B00]  }
0x4b7: {  	v7 =	vld [tilespmem:s15+$0x10]  }
0x4b8: {  	v8 =	vadd.bf16 v10, v8;
	v10 =	vld [tilespmem:s20+$0x3210]  }
0x4b9: {  	(v2sf) =	vpush v4, $0x8;
	v4 =	vadd.bf16 v13, v54;
	v13 =	vld [tilespmem:s21+$0x4B10]  }
0x4ba: {  	v14 =	vld [tilespmem:s8+$0x7D10];
	v6 =	vadd.bf16 v53, v6  }
0x4bb: {  	v55 =	vld [tilespmem:s7+$0xAF10]  }
0x4bc: {  	v4 =	vadd.bf16 v5, v4;
	v5 =	vld [tilespmem:s19+$0x1910];
	v6 =	vadd.bf16 v6, v8  }
0x4bd: {  	s25 =	spop (v2sf);
	v8 =	vld [tilespmem:s22+$0x6410]  }
0x4be: {  	s11 =	spop (v2sf);
	v4 =	vadd.bf16 v6, v4;
	v6 =	vld [tilespmem:s26+$0x9610]  }
0x4bf: {  	[smem:$0x7A8] =	sst s23;
	s23 =	spop (v2sf);
	v56 =	vld [tilespmem:s11+$0x1900]  }
0x4c0: {  	v57 =	vld [tilespmem:s25+$0x3200];
	s0 =	spop (v2sf)  }
0x4c1: {  	[smem:$0x7A1] =	sst s13;
	v20 =	vld [tilespmem:s17+$0x9600];
	s13 =	spop (v2sf)  }
0x4c2: {  	[smem:$0x7AA] =	sst s18;
	v58 =	vld [tilespmem:s1+$0x7D00];
	v5 =	vadd.bf16 v5, v7;
	v7 =	vadd.bf16 v13, v10;
	s18 =	spop (v2sf)  }
0x4c3: {  	[smem:$0x7AD] =	sst s4;
	v10 =	vld [tilespmem:s10+$0xAF00];
	s4 =	spop (v2sf);
	v8 =	vadd.bf16 v14, v8;
	v6 =	vadd.bf16 v55, v6  }
0x4c4: {  	v9 =	vadd.bf16 v56, v9;
	v13 =	vld [tilespmem:s16+$0xC810];
	v5 =	vadd.bf16 v7, v5;
	s3 =	spop (v2sf)  }
0x4c5: {  	[smem:$0x78D] =	sst s1;
	v7 =	vadd.bf16 v12, v57;
	v12 =	vld [tilespmem:s4+$0x4B00];
	s1 =	spop (v2sf);
	v6 =	vadd.bf16 v6, v8  }
0x4c6: {  	v14 =	vld [tilespmem:s1+$0x1900]  }
0x4c7: {  	v7 =	vadd.bf16 v7, v9;
	v9 =	vld [tilespmem:s18+$0x6400];
	v5 =	vadd.bf16 v6, v5  }
0x4c8: {  	v8 =	vadd.bf16 v58, v11;
	v11 =	vld [tilespmem:s3+$0x3200]  }
0x4c9: {  	s31 =	spop (v2sf);
	v6 =	vadd.bf16 v10, v20;
	v10 =	vld [tilespmem:s13+$0x7D00];
	v5 =	vadd.bf16 v5, v13  }
0x4ca: {  	v59 =	vld [tilespmem:s31+$0xC800]  }
0x4cb: {  	v6 =	vadd.bf16 v6, v8;
	v8 =	vld [tilespmem:s0+$0x9600];
	v13 =	vadd.bf16 v14, v15;
	v15 =	vunpack.i.l.bf16.f32 v5  }
0x4cc: {  	[smem:$0x7A9] =	sst s10;
	s10 =	spop (v2sf);
	v14 =	vld [tilespmem:s23+$0xAF00];
	v5 =	vunpack.i.u.bf16.f32 v5;
	[tilespmem:s5+$0xA0] =	vst v15  }
0x4cd: {  	v6 =	vadd.bf16 v6, v7;
	v7 =	vadd.bf16 v12, v11;
	v11 =	vld [tilespmem:s10+$0xC800];
	[tilespmem:s5+$0xB0] =	vst v5  }
0x4ce: {  	v5 =	vadd.bf16 v10, v9;
	v9 =	vld [tilespmem:s15+$0x20]  }
0x4cf: {  	v10 =	vld [tilespmem:s19+$0x1920]  }
0x4d0: {  	v4 =	vadd.bf16 v4, v59;
	v12 =	vld [tilespmem:s20+$0x3220]  }
0x4d1: {  	v7 =	vadd.bf16 v7, v13;
	v13 =	vld [tilespmem:s21+$0x4B20];
	v8 =	vadd.bf16 v14, v8  }
0x4d2: {  	v14 =	vld [tilespmem:s8+$0x7D20]  }
0x4d3: {  	v6 =	vadd.bf16 v6, v11;
	v5 =	vadd.bf16 v8, v5;
	v8 =	vld [tilespmem:s22+$0x6420];
	v11 =	vunpack.i.u.bf16.f32 v4  }
0x4d4: {  	v4 =	vunpack.i.l.bf16.f32 v4;
	[tilespmem:s5+$0xFFFFFF10] =	vst v11;
	v11 =	vld [tilespmem:s7+$0xAF20]  }
0x4d5: {  	s28 =	sadd.s32 $0x4, s28;
	[tilespmem:s5+$0xFFFFFF00] =	vst v4;
	v5 =	vadd.bf16 v5, v7;
	v7 =	vld [tilespmem:s26+$0x9620]  }
0x4d6: {  	[dreg:$0xd] =	wrdreg s28;
	p1 =	slt.u32 s28, $0x1C;
	s28 =	spop (v2sf);
	v4 =	vunpack.i.u.bf16.f32 v6;
	v6 =	vunpack.i.l.bf16.f32 v6;
	v15 =	vld [tilespmem:s14+$0x10]  }
0x4d7: {  	[tilespmem:s5+$0xFFFFFF80] =	vst v6;
	v6 =	vld [tilespmem:s28+$0xC800]  }
0x4d8: {  	v60 =	vld [tilespmem:s2+$0x3210]  }
0x4d9: {  	v9 =	vadd.bf16 v10, v9;
	v10 =	vadd.bf16 v13, v12;
	v12 =	vld [tilespmem:s29+$0x4B10]  }
0x4da: {  	v13 =	vld [tilespmem:s6+$0x9610]  }
0x4db: {  	[tilespmem:s5+$0xFFFFFF90] =	vst v4;
	v4 =	vld [tilespmem:s12+$0x1910];
	v8 =	vadd.bf16 v14, v8;
	v7 =	vadd.bf16 v11, v7  }
0x4dc: {  	[smem:$0x796] =	sst s24;
	v5 =	vadd.bf16 v5, v6;
	v6 =	vld [tilespmem:s16+$0xC820]  }
0x4dd: {  	v9 =	vadd.bf16 v10, v9;
	v11 =	vld [tilespmem:s24+$0x6410];
	s24 =	sld [smem:$0x7A1];
	v7 =	vadd.bf16 v7, v8  }
0x4de: {  	v8 =	vld [tilespmem:s9+$0x7D10];
	v10 =	vunpack.i.u.bf16.f32 v5;
	v5 =	vunpack.i.l.bf16.f32 v5  }
0x4df: {  	v61 =	vld [tilespmem:s17+$0x9610];
	[tilespmem:s5+$0x0] =	vst v5;
	v5 =	vadd.bf16 v7, v9  }
0x4e0: {  	[smem:$0x7A7] =	sst s14;
	v4 =	vadd.bf16 v4, v15;
	v7 =	vld [tilespmem:s24+$0xAF10]  }
0x4e1: {  	v9 =	vadd.bf16 v12, v60;
	s24 =	sld [smem:$0x78C];
	v12 =	vld [tilespmem:s30+$0x4B10];
	v5 =	vadd.bf16 v5, v6  }
0x4e2: {  	s14 =	sld [smem:$0x7A8];
	v6 =	vld [tilespmem:s11+$0x1910]  }
0x4e3: {  	[tilespmem:s5+$0x10] =	vst v10;
	v4 =	vadd.bf16 v9, v4;
	v9 =	vld [tilespmem:s25+$0x3210];
	v8 =	vadd.bf16 v8, v11;
	v11 =	vunpack.i.l.bf16.f32 v5  }
0x4e4: {  	v10 =	vld [tilespmem:s24+$0x10];
	v5 =	vunpack.i.u.bf16.f32 v5;
	[tilespmem:s5+$0xC0] =	vst v11  }
0x4e5: {  	v11 =	vld [tilespmem:s14+$0x6410];
	[tilespmem:s5+$0xD0] =	vst v5  }
0x4e6: {  	v5 =	vld [tilespmem:s15+$0x30]  }
0x4e7: {  	v7 =	vadd.bf16 v7, v13;
	v13 =	vld [tilespmem:s26+$0x9630]  }
0x4e8: {  	v14 =	vld [tilespmem:s7+$0xAF30]  }
0x4e9: {  	v7 =	vadd.bf16 v7, v8;
	v8 =	vld [tilespmem:s19+$0x1930]  }
0x4ea: {  	[smem:$0x78E] =	sst s13;
	v6 =	vadd.bf16 v6, v10;
	v10 =	vld [tilespmem:s20+$0x3230]  }
0x4eb: {  	v4 =	vadd.bf16 v7, v4;
	v7 =	vadd.bf16 v12, v9;
	v9 =	vld [tilespmem:s21+$0x4B30];
	s21 =	smov.u32 s11;
	s11 =	sld [smem:$0x78D]  }
0x4ec: {  	v12 =	vld [tilespmem:s22+$0x6430];
	s22 =	smov.u32 s17;
	s17 =	sld [smem:$0x7A9]  }
0x4ed: {  	s13 =	smov.u32 s12;
	s12 =	sld [smem:$0x7AA];
	v6 =	vadd.bf16 v7, v6;
	v7 =	vld [tilespmem:s8+$0x7D30]  }
0x4ee: {  	v15 =	vld [tilespmem:s11+$0x7D10]  }
0x4ef: {  	v62 =	vld [tilespmem:s17+$0xAF10]  }
0x4f0: {  	v63 =	vld [tilespmem:s12+$0x10]  }
0x4f1: {  	[smem:$0x790] =	sst s23;
	v5 =	vadd.bf16 v8, v5;
	v8 =	vadd.bf16 v9, v10;
	v9 =	vld [tilespmem:s1+$0x1910]  }
0x4f2: {  	[smem:$0x78F] =	sst s0;
	v10 =	vadd.bf16 v14, v13;
	v13 =	vld [tilespmem:s3+$0x3210];
	v7 =	vadd.bf16 v7, v12  }
0x4f3: {  	s23 =	sld [smem:$0x78E];
	v12 =	vld [tilespmem:s16+$0xC830];
	v5 =	vadd.bf16 v8, v5;
	v11 =	vadd.bf16 v15, v11  }
0x4f4: {  	v14 =	vld [tilespmem:s18+$0x6410];
	s16 =	sld [smem:$0x78F];
	v8 =	vadd.bf16 v62, v61;
	v7 =	vadd.bf16 v10, v7  }
0x4f5: {  	s19 =	smov.u32 s9;
	s9 =	sld [smem:$0x790];
	v10 =	vld [tilespmem:s4+$0x4B10]  }
0x4f6: {  	v5 =	vadd.bf16 v7, v5;
	v7 =	vadd.bf16 v8, v11;
	v8 =	vld [tilespmem:s23+$0x7D10]  }
0x4f7: {  	v11 =	vld [tilespmem:s16+$0x9610]  }
0x4f8: {  	v5 =	vadd.bf16 v5, v12;
	v6 =	vadd.bf16 v7, v6;
	v7 =	vld [tilespmem:s9+$0xAF10]  }
0x4f9: {  	s26 =	sld [smem:$0x7AB];
	v12 =	vld [tilespmem:s31+$0xC810]  }
0x4fa: {  	s0 =	sld [smem:$0x791];
	v15 =	vld [tilespmem:s10+$0xC810];
	v10 =	vadd.bf16 v10, v13;
	v13 =	vunpack.i.u.bf16.f32 v5  }
0x4fb: {  	s15 =	smov.u32 s1;
	s1 =	sld [smem:$0x792];
	v9 =	vadd.bf16 v9, v63;
	v5 =	vunpack.i.l.bf16.f32 v5;
	[tilespmem:s5+$0xF0] =	vst v13;
	v13 =	vld [tilespmem:s28+$0xC810]  }
0x4fc: {  	[tilespmem:s5+$0xE0] =	vst v5;
	v5 =	vld [tilespmem:s26+$0x1930];
	s26 =	smov.u32 s4;
	s4 =	sld [smem:$0x794]  }
0x4fd: {  	s8 =	smov.u32 s25;
	s25 =	smov.u32 s3;
	s3 =	sld [smem:$0x793];
	v8 =	vadd.bf16 v8, v14;
	v9 =	vadd.bf16 v10, v9;
	v10 =	vld [tilespmem:s0+$0x3230]  }
0x4fe: {  	s20 =	smov.u32 s18;
	s18 =	smov.u32 s12;
	s12 =	sld [smem:$0x7AC];
	v7 =	vadd.bf16 v7, v11;
	v4 =	vadd.bf16 v4, v12;
	v11 =	vld [tilespmem:s1+$0x4B30]  }
0x4ff: {  	s7 =	sld [smem:$0x795];
	v14 =	vld [tilespmem:s4+$0x7D30]  }
0x500: {  	v6 =	vadd.bf16 v6, v15;
	s4 =	sld [smem:$0x7A7];
	v7 =	vadd.bf16 v7, v8;
	v8 =	vld [tilespmem:s3+$0x6430];
	v12 =	vunpack.i.u.bf16.f32 v4  }
0x501: {  	v4 =	vunpack.i.l.bf16.f32 v4;
	[tilespmem:s5+$0xFFFFFF30] =	vst v12;
	v12 =	vld [tilespmem:s12+$0xAF30]  }
0x502: {  	[tilespmem:s5+$0xFFFFFF20] =	vst v4;
	v4 =	vunpack.i.u.bf16.f32 v6;
	v6 =	vunpack.i.l.bf16.f32 v6;
	v7 =	vadd.bf16 v7, v9;
	v9 =	vld [tilespmem:s7+$0x9630]  }
0x503: {  	v3 =	vadd.bf16 v5, v3;
	v5 =	vld [tilespmem:s4+$0x20];
	[tilespmem:s5+$0xFFFFFFA0] =	vst v6  }
0x504: {  	s1 =	smov.u32 s16;
	s16 =	smov.u32 s22;
	s22 =	sld [smem:$0x796];
	[tilespmem:s5+$0xFFFFFFB0] =	vst v4;
	v4 =	vld [tilespmem:s2+$0x3220];
	v6 =	vadd.bf16 v7, v13  }
0x505: {  	v7 =	vadd.bf16 v11, v10;
	v10 =	vld [tilespmem:s13+$0x1920]  }
0x506: {  	v13 =	vld [tilespmem:s29+$0x4B20];
	v11 =	vunpack.i.u.bf16.f32 v6;
	v6 =	vunpack.i.l.bf16.f32 v6  }
0x507: {  	[tilespmem:s5+$0x20] =	vst v6;
	v6 =	vld [tilespmem:s22+$0x6420]  }
0x508: {  	s0 =	smov.u32 s31;
	s31 =	smov.u32 s23;
	s23 =	sld [smem:$0x7A1];
	v3 =	vadd.bf16 v7, v3;
	v7 =	vadd.bf16 v12, v9;
	v9 =	vld [tilespmem:s19+$0x7D20]  }
0x509: {  	s3 =	smov.u32 s11;
	v8 =	vadd.bf16 v14, v8;
	[tilespmem:s5+$0x30] =	vst v11;
	v11 =	vld [tilespmem:s6+$0x9620]  }
0x50a: {  	v12 =	vld [tilespmem:s3+$0x7D20]  }
0x50b: {  	v7 =	vadd.bf16 v7, v8;
	v8 =	vld [tilespmem:s23+$0xAF20]  }
0x50c: {  	v5 =	vadd.bf16 v10, v5;
	v4 =	vadd.bf16 v13, v4;
	v10 =	vld [tilespmem:s24+$0x20]  }
0x50d: {  	v3 =	vadd.bf16 v7, v3;
	v7 =	vld [tilespmem:s21+$0x1920]  }
0x50e: {  	v4 =	vadd.bf16 v4, v5;
	v5 =	vld [tilespmem:s8+$0x3220]  }
0x50f: {  	v6 =	vadd.bf16 v9, v6;
	v9 =	vld [tilespmem:s30+$0x4B20]  }
0x510: {  	v14 =	vld [tilespmem:s26+$0x4B20];
	v8 =	vadd.bf16 v8, v11  }
0x511: {  	v11 =	vld [tilespmem:s14+$0x6420]  }
0x512: {  	v13 =	vld [tilespmem:s17+$0xAF20];
	v6 =	vadd.bf16 v8, v6  }
0x513: {  	v8 =	vld [tilespmem:s16+$0x9620];
	v10 =	vadd.bf16 v7, v10  }
0x514: {  	[smem:$0x7AB] =	sst s15;
	v7 =	vadd.bf16 v6, v4;
	v4 =	vadd.bf16 v9, v5;
	v5 =	vld [tilespmem:s18+$0x20]  }
0x515: {  	s11 =	smov.u32 s2;
	s12 =	smov.u32 s13;
	s7 =	smov.u32 s9;
	v6 =	vld [tilespmem:s15+$0x1920]  }
0x516: {  	s4 =	smov.u32 s22;
	s2 =	smov.u32 s19;
	s9 =	smov.u32 s24;
	v9 =	vadd.bf16 v12, v11;
	v11 =	vld [tilespmem:s25+$0x3220]  }
0x517: {  	s13 =	smov.u32 s29;
	s29 =	smov.u32 s8;
	s19 =	smov.u32 s6;
	v15 =	vld [tilespmem:s31+$0x7D20]  }
0x518: {  	s22 =	smov.u32 s23;
	s6 =	smov.u32 s10;
	s24 =	smov.u32 s21;
	v10 =	vadd.bf16 v4, v10;
	v4 =	vadd.bf16 v13, v8;
	v13 =	vld [tilespmem:s20+$0x6420]  }
.Ltmp8:
0x519: {  	s21 =	smov.u32 s30;
	s30 =	sld [smem:$0x797];
	v12 =	vld [tilespmem:s0+$0xC820];
	(pc) =	sbr.rel @p1 .LBB2_15-.Ltmp8, $4  }
0x51a: {  	s17 =	smov.u32 s26;
	s8 =	smov.u32 s3;
	s3 =	smov.u32 s16;
	v8 =	vld [tilespmem:s7+$0xAF20];
	v9 =	vadd.bf16 v4, v9  }
0x51b: {  	s14 =	smov.u32 s31;
	s31 =	smov.u32 s0;
	s16 =	smov.u32 s7;
	v4 =	vld [tilespmem:s1+$0x9620];
	v5 =	vadd.bf16 v6, v5;
	v14 =	vadd.bf16 v14, v11  }
0x51c: {  	s18 =	smov.u32 s25;
	s15 =	smov.u32 s20;
	s0 =	sadd.s32 $0x24, s30;
	v6 =	vld [tilespmem:s28+$0xC820];
	v9 =	vadd.bf16 v9, v10  }
0x51d: {  	s20 =	smov.u32 s1;
	v11 =	vld [tilespmem:s10+$0xC820];
	s10 =	smov.u32 s28;
	s28 =	rddreg [dreg:$0xd];
	v10 =	vadd.bf16 v15, v13;
	v5 =	vadd.bf16 v14, v5  }
0x51e: {  	v7 =	vadd.bf16 v7, v12;
	_ =	sdelay $0x1  }
0x51f: {  	s1 =	rddreg [dreg:$0x5];
	v13 =	vunpack.i.l.bf16.f32 v7  }
0x520: {  	s0 =	rddreg [dreg:$0xb];
	v40 =	vld [tilespmem:s1+$0xC830];
	[tilespmem:s5+$0xFFFFFF40] =	vst v13  }
0x521: {  	v14 =	vld [tilespmem:s0+$0xC830];
	v7 =	vunpack.i.u.bf16.f32 v7;
	s7 =	rddreg [dreg:$0xa]  }
0x522: {  	[tilespmem:s5+$0xFFFFFF50] =	vst v7;
	v41 =	vld [tilespmem:s7+$0xC830]  }
0x523: {  	v15 =	vld [tilespmem:s12+$0x1930]  }
0x524: {  	v16 =	vld [tilespmem:s11+$0x3230]  }
0x525: {  	v17 =	vld [tilespmem:s13+$0x4B30]  }
0x526: {  	v9 =	vadd.bf16 v9, v11;
	v42 =	vld [tilespmem:s4+$0x6430]  }
0x527: {  	v4 =	vadd.bf16 v8, v4;
	s0 =	sld [smem:$0x7A7];
	v18 =	vld [tilespmem:s2+$0x7D30]  }
0x528: {  	v19 =	vld [tilespmem:s19+$0x9630];
	v43 =	vunpack.i.u.bf16.f32 v9  }
0x529: {  	v4 =	vadd.bf16 v4, v10;
	v45 =	vld [tilespmem:s22+$0xAF30];
	v44 =	vunpack.i.l.bf16.f32 v9;
	[tilespmem:s5+$0xFFFFFFD0] =	vst v43  }
0x52a: {  	[tilespmem:s5+$0xFFFFFFC0] =	vst v44;
	v7 =	vld [tilespmem:s0+$0x30]  }
0x52b: {  	v4 =	vadd.bf16 v4, v5;
	v8 =	vld [tilespmem:s9+$0x30]  }
0x52c: {  	v46 =	vld [tilespmem:s24+$0x1930]  }
0x52d: {  	v47 =	vld [tilespmem:s29+$0x3230];
	v4 =	vadd.bf16 v4, v6  }
0x52e: {  	v20 =	vld [tilespmem:s21+$0x4B30];
	s12 =	sld [smem:$0x7A8]  }
0x52f: {  	v21 =	vld [tilespmem:s8+$0x7D30];
	v22 =	vunpack.i.l.bf16.f32 v4  }
0x530: {  	v23 =	vld [tilespmem:s3+$0x9630];
	v4 =	vunpack.i.u.bf16.f32 v4;
	[tilespmem:s5+$0x40] =	vst v22  }
0x531: {  	v48 =	vld [tilespmem:s12+$0x6430];
	s13 =	sld [smem:$0x7A9];
	[tilespmem:s5+$0x50] =	vst v4  }
0x532: {  	v25 =	vld [tilespmem:s18+$0x3230]  }
0x533: {  	v26 =	vld [tilespmem:s17+$0x4B30]  }
0x534: {  	v50 =	vld [tilespmem:s15+$0x6430]  }
0x535: {  	v52 =	vld [tilespmem:s14+$0x7D30]  }
0x536: {  	v1 =	vadd.bf16 v1, v40;
	v2 =	vadd.bf16 v2, v14;
	s19 =	sld [smem:$0x7AA];
	v53 =	vld [tilespmem:s20+$0x9630]  }
0x537: {  	v51 =	vadd.bf16 v17, v16;
	v11 =	vadd.bf16 v18, v42;
	s21 =	sld [smem:$0x7AB];
	v54 =	vld [tilespmem:s16+$0xAF30]  }
0x538: {  	v9 =	vadd.bf16 v45, v19;
	v7 =	vadd.bf16 v15, v7;
	v49 =	vld [tilespmem:s13+$0xAF30]  }
0x539: {  	v8 =	vadd.bf16 v46, v8;
	v5 =	vadd.bf16 v20, v47;
	v4 =	vld [tilespmem:s19+$0x30]  }
0x53a: {  	v9 =	vadd.bf16 v9, v11;
	v7 =	vadd.bf16 v51, v7;
	v24 =	vld [tilespmem:s21+$0x1930]  }
0x53b: {  	v56 =	vld [tilespmem:s31+$0xC830];
	v3 =	vadd.bf16 v3, v41;
	s22 =	sld [smem:$0x7AD];
	v5 =	vadd.bf16 v5, v8  }
0x53c: {  	v57 =	vunpack.i.u.bf16.f32 v1;
	v6 =	vadd.bf16 v21, v48;
	v7 =	vadd.bf16 v9, v7  }
0x53d: {  	v1 =	vunpack.i.l.bf16.f32 v1;
	v59 =	vadd.bf16 v26, v25;
	v55 =	vadd.bf16 v49, v23  }
0x53e: {  	v58 =	vld [tilespmem:s6+$0xC830];
	[tilespmem:s22+$0xFFFFFF60] =	vst v1;
	v1 =	vadd.bf16 v52, v50;
	v10 =	vadd.bf16 v54, v53  }
0x53f: {  	v60 =	vunpack.i.l.bf16.f32 v2;
	[tilespmem:s22+$0xFFFFFF70] =	vst v57;
	v4 =	vadd.bf16 v24, v4;
	v6 =	vadd.bf16 v55, v6  }
0x540: {  	v2 =	vunpack.i.u.bf16.f32 v2;
	v61 =	vld [tilespmem:s10+$0xC830];
	[tilespmem:s22+$0xFFFFFFE0] =	vst v60;
	v62 =	vadd.bf16 v7, v56;
	v1 =	vadd.bf16 v10, v1  }
0x541: {  	[tilespmem:s22+$0xFFFFFFF0] =	vst v2;
	v2 =	vunpack.i.l.bf16.f32 v3;
	v4 =	vadd.bf16 v59, v4;
	v5 =	vadd.bf16 v6, v5  }
0x542: {  	v3 =	vunpack.i.u.bf16.f32 v3;
	[tilespmem:s22+$0x60] =	vst v2  }
0x543: {  	[tilespmem:s22+$0x70] =	vst v3;
	v3 =	vunpack.i.u.bf16.f32 v62;
	v1 =	vadd.bf16 v1, v4;
	v2 =	vadd.bf16 v5, v58  }
0x544: {  	v63 =	vunpack.i.l.bf16.f32 v62;
	[tilespmem:s5+$0xFFFFFF70] =	vst v3  }
0x545: {  	[tilespmem:s5+$0xFFFFFF60] =	vst v63;
	v1 =	vadd.bf16 v1, v61;
	v3 =	vunpack.i.l.bf16.f32 v2  }
0x546: {  	v2 =	vunpack.i.u.bf16.f32 v2;
	[tilespmem:s5+$0xFFFFFFE0] =	vst v3  }
0x547: {  	s0 =	sld [smem:$0x7CE];
	[tilespmem:s5+$0xFFFFFFF0] =	vst v2;
	v2 =	vunpack.i.l.bf16.f32 v1  }
0x548: {  	v1 =	vunpack.i.u.bf16.f32 v1;
	s23 =	sld [smem:$0x7FC];
	[tilespmem:s5+$0x60] =	vst v2  }
0x549: {  	[tilespmem:s5+$0x70] =	vst v1  }
0x54a: {  	s28 =	sld [smem:$0x7CD]  }
0x54b: {  	s29 =	sld [smem:$0x7E6];
	_ =	sdelay $0x1  }
0x54c: {  	s25 =	simm.s32 $0x0;
	s0 =	sshll.u32 s0, $0xC;
	s1 =	sadd.s32 $0x1, s28  }
0x54d: {  	s24 =	rddreg [dreg:$0x1];
	s0 =	sadd.s32 s23, s0;
	p1 =	sne.s32 s1, s29  }
.Ltmp9:
0x54e: {  	s31 =	sld [smem:$0x7E7];
	s0 =	sshrl.u32 s0, $0x3;
	(pc) =	sbr.rel @p1 .LBB2_12-.Ltmp9, $4  }
0x54f: {  	s26 =	simm.s32 $0x1CE00;
	s30 =	sld [smem:$0x7BE];
	s0 =	sadd.s32 s24, s0  }
0x550: {  	[hbm4b:s0+s25] =	stream.linear.scatter [tilespmem:s26], [sflag:$0x2], $0x1000, $0x38;
	[tilespmem:$0x1DE00] =	vst v63  }
0x551: {  	s0 =	sadd.s32 $0x240, s31  }
0x552: {  	s2 =	sadd.s32 $0x240, s30;
	[smem:$0x7E7] =	sst s0  }
0x553: {  	s0 =	simm.s32 $0x1  }
0x554: {  	_ =	swait.ge [sflag:s0], $0x1000  }
0x555: {  	[sflag:s0] =	ssyncset.done $0x0  }
0x556: {  	s1 =	simm.s32 $0x2;
	[sflag:s0] =	ssyncadd.s32 $0xFFFFF000  }
0x557: {  	_ =	swait.ge [sflag:s1], $0x1000  }
0x558: {  	s9 =	sld [smem:$0x7E5];
	_ =	sdelay $0x2  }
0x559: {  	s31 =	sand.u32 $0x20, s9  }
0x55a: {  	p1 =	seq.s32 s31, $0x0  }
.Ltmp10:
0x55b: {  	_ = 	snop;
	(pc) =	sbr.rel @p1 .LBB2_21-.Ltmp10, $3  }
0x55c: {  	_ =	sdelay $0x1  }
0x55d: {  	[sflag:s1] =	ssyncset.done $0x0  }
0x55e: {  	s4 =	sld [smem:$0x7E4];
	[sflag:s1] =	ssyncadd.s32 $0xFFFFF000  }
0x55f: {  	s0 =	smul.u32 $0x24, s9;
	_ =	sdelay $0x1  }
0x560: {  	s0 =	sshrl.u32 s0, $0x2  }
0x561: {  	s13 =	sadd.s32 $0x14E60, s0  }
0x562: {  	v1 =	vld [tilespmem:s13+$0x1B];
	_ =	sdelay $0x4  }
0x563: {  	v2 =	vshll.u32 v1, $0x6;
	(v2sf) =	vpush v1, $0x0  }
0x564: {  	(v2sf) =	vpush v2, $0x1  }
0x565: {  	(v2sf) =	vpush v2, $0x2  }
0x566: {  	v1 =	vld [tilespmem:s13+$0x0];
	(v2sf) =	vpush v2, $0x3  }
0x567: {  	v3 =	vld [tilespmem:s13+$0x9];
	(v2sf) =	vpush v2, $0x4  }
0x568: {  	v4 =	vld [tilespmem:s13+$0x12];
	(v2sf) =	vpush v2, $0x5  }
0x569: {  	(v2sf) =	vpush v2, $0x6  }
0x56a: {  	(v2sf) =	vpush v2, $0x7  }
0x56b: {  	(v2sf) =	vpush v1, $0x0  }
0x56c: {  	(v2sf) =	vpush v3, $0x0  }
0x56d: {  	(v2sf) =	vpush v4, $0x0  }
0x56e: {  	v1 =	vshll.u32 v1, $0x6  }
0x56f: {  	(v2sf) =	vpush v1, $0x7  }
0x570: {  	(v2sf) =	vpush v1, $0x6  }
0x571: {  	(v2sf) =	vpush v1, $0x5  }
0x572: {  	(v2sf) =	vpush v2, $0x8;
	s9 =	spop (v2sf)  }
0x573: {  	(v2sf) =	vpush v1, $0x4;
	s11 =	spop (v2sf)  }
0x574: {  	(v2sf) =	vpush v1, $0x3;
	s12 =	spop (v2sf)  }
0x575: {  	(v2sf) =	vpush v1, $0x2;
	s24 =	spop (v2sf)  }
0x576: {  	v2 =	vshll.u32 v3, $0x6;
	(v2sf) =	vpush v1, $0x1;
	s25 =	spop (v2sf)  }
0x577: {  	(v2sf) =	vpush v2, $0x7;
	s26 =	spop (v2sf)  }
0x578: {  	(v2sf) =	vpush v2, $0x6;
	s28 =	spop (v2sf)  }
0x579: {  	(v2sf) =	vpush v2, $0x5;
	s29 =	spop (v2sf)  }
0x57a: {  	(v2sf) =	vpush v2, $0x4;
	s1 =	spop (v2sf)  }
0x57b: {  	(v2sf) =	vpush v2, $0x3;
	s2 =	spop (v2sf)  }
0x57c: {  	(v2sf) =	vpush v2, $0x2;
	[smem:$0x778] =	sst s2;
	s14 =	spop (v2sf)  }
0x57d: {  	v12 =	vshll.u32 v4, $0x6;
	(v2sf) =	vpush v2, $0x1;
	[smem:$0x779] =	sst s14  }
0x57e: {  	s7 =	spop (v2sf);
	(v2sf) =	vpush v12, $0x7;
	v3 =	vld [tilespmem:s11+$0x1900]  }
0x57f: {  	s10 =	spop (v2sf);
	(v2sf) =	vpush v12, $0x6;
	v4 =	vld [tilespmem:s12+$0x3200]  }
0x580: {  	v5 =	vld [tilespmem:s24+$0x4B00];
	s5 =	spop (v2sf);
	(v2sf) =	vpush v12, $0x5  }
0x581: {  	v6 =	vld [tilespmem:s25+$0x6400];
	s8 =	spop (v2sf);
	(v2sf) =	vpush v12, $0x4  }
0x582: {  	v7 =	vld [tilespmem:s26+$0x7D00];
	s4 =	spop (v2sf);
	(v2sf) =	vpush v12, $0x3  }
0x583: {  	s0 =	sshll.u32 s9, $0x8;
	v8 =	vld [tilespmem:s28+$0x9600];
	s16 =	spop (v2sf);
	(v2sf) =	vpush v12, $0x2  }
0x584: {  	s3 =	sshra.s32 s0, $0x2;
	v9 =	vld [tilespmem:s29+$0xAF00];
	s30 =	spop (v2sf);
	(v2sf) =	vpush v12, $0x1  }
0x585: {  	s31 =	spop (v2sf);
	(v2sf) =	vpush v1, $0x8;
	v1 =	vld [tilespmem:s3+$0x0]  }
0x586: {  	s17 =	spop (v2sf)  }
0x587: {  	s1 =	sshll.u32 s1, $0x8;
	s22 =	spop (v2sf)  }
0x588: {  	s6 =	sshra.s32 s1, $0x2;
	v10 =	vld [tilespmem:s7+$0xAF00];
	s23 =	spop (v2sf)  }
0x589: {  	v11 =	vld [tilespmem:s6+$0x0];
	v4 =	vadd.bf16 v5, v4;
	v5 =	vadd.bf16 v7, v6;
	s21 =	spop (v2sf)  }
0x58a: {  	v13 =	vld [tilespmem:s8+$0xC800];
	s19 =	spop (v2sf);
	v1 =	vadd.bf16 v3, v1;
	v3 =	vadd.bf16 v9, v8  }
0x58b: {  	v6 =	vld [tilespmem:s16+$0x4B00];
	s20 =	spop (v2sf)  }
0x58c: {  	v7 =	vld [tilespmem:s30+$0x3200];
	s14 =	spop (v2sf);
	v1 =	vadd.bf16 v4, v1;
	v3 =	vadd.bf16 v3, v5  }
0x58d: {  	v8 =	vld [tilespmem:s31+$0x1900];
	s15 =	spop (v2sf)  }
0x58e: {  	v4 =	vld [tilespmem:s4+$0x6400];
	[smem:$0x77D] =	sst s15;
	s18 =	spop (v2sf);
	v1 =	vadd.bf16 v3, v1  }
0x58f: {  	v5 =	vld [tilespmem:s5+$0x7D00];
	[smem:$0x77C] =	sst s18  }
0x590: {  	s2 =	spop (v2sf);
	v3 =	vld [tilespmem:s10+$0x9600];
	v1 =	vadd.bf16 v1, v13  }
0x591: {  	s0 =	smov.u32 s4;
	[smem:$0x77B] =	sst s2;
	s4 =	spop (v2sf)  }
0x592: {  	[smem:$0x77A] =	sst s4;
	s18 =	spop (v2sf);
	s4 =	simm.s32 $0x1BF00;
	v9 =	vunpack.i.l.bf16.f32 v1  }
0x593: {  	s2 =	spop (v2sf);
	v1 =	vunpack.i.u.bf16.f32 v1;
	[tilespmem:s4+$0x80] =	vst v9  }
0x594: {  	v6 =	vadd.bf16 v6, v7;
	v7 =	vadd.bf16 v8, v11;
	s15 =	spop (v2sf);
	[tilespmem:s4+$0x90] =	vst v1  }
0x595: {  	v4 =	vadd.bf16 v5, v4;
	s9 =	spop (v2sf);
	v5 =	vld [tilespmem:s3+$0x10];
	v3 =	vadd.bf16 v10, v3  }
0x596: {  	v1 =	vld [tilespmem:s9+$0xC800]  }
0x597: {  	v6 =	vadd.bf16 v6, v7;
	v7 =	vld [tilespmem:s12+$0x3210];
	v3 =	vadd.bf16 v3, v4  }
0x598: {  	v8 =	vld [tilespmem:s25+$0x6410]  }
0x599: {  	v9 =	vld [tilespmem:s28+$0x9610];
	v3 =	vadd.bf16 v3, v6  }
0x59a: {  	v11 =	vld [tilespmem:s29+$0xAF10]  }
0x59b: {  	v4 =	vld [tilespmem:s11+$0x1910];
	v1 =	vadd.bf16 v3, v1  }
0x59c: {  	v6 =	vld [tilespmem:s24+$0x4B10]  }
0x59d: {  	v3 =	vld [tilespmem:s26+$0x7D10];
	v10 =	vunpack.i.l.bf16.f32 v1  }
0x59e: {  	v1 =	vunpack.i.u.bf16.f32 v1;
	[tilespmem:s4+$0xFFFFFF00] =	vst v10  }
0x59f: {  	v10 =	vld [tilespmem:s8+$0xC810];
	[tilespmem:s4+$0xFFFFFF10] =	vst v1  }
0x5a0: {  	v1 =	vld [tilespmem:s6+$0x10]  }
0x5a1: {  	v4 =	vadd.bf16 v4, v5;
	v5 =	vadd.bf16 v6, v7;
	v13 =	vld [tilespmem:s31+$0x1910]  }
0x5a2: {  	v7 =	vadd.bf16 v11, v9;
	v6 =	vld [tilespmem:s30+$0x3210];
	v3 =	vadd.bf16 v3, v8  }
0x5a3: {  	v9 =	vld [tilespmem:s0+$0x6410]  }
0x5a4: {  	v8 =	vld [tilespmem:s16+$0x4B10];
	[smem:$0x77E] =	sst s0;
	v4 =	vadd.bf16 v5, v4;
	v3 =	vadd.bf16 v7, v3  }
0x5a5: {  	[smem:$0x77F] =	sst s5  }
0x5a6: {  	v5 =	vld [tilespmem:s5+$0x7D10];
	[smem:$0x780] =	sst s10;
	v3 =	vadd.bf16 v3, v4  }
0x5a7: {  	v7 =	vld [tilespmem:s10+$0x9610];
	[smem:$0x781] =	sst s7  }
0x5a8: {  	v4 =	vld [tilespmem:s7+$0xAF10];
	v3 =	vadd.bf16 v3, v10;
	_ =	sdelay $0x1  }
0x5a9: {  	v10 =	vunpack.i.l.bf16.f32 v3  }
0x5aa: {  	v3 =	vunpack.i.u.bf16.f32 v3;
	[tilespmem:s4+$0xA0] =	vst v10  }
0x5ab: {  	v1 =	vadd.bf16 v13, v1;
	v6 =	vadd.bf16 v8, v6;
	[tilespmem:s4+$0xB0] =	vst v3;
	v3 =	vld [tilespmem:s9+$0xC810]  }
0x5ac: {  	v4 =	vadd.bf16 v4, v7;
	v7 =	vld [tilespmem:s3+$0x20]  }
0x5ad: {  	v5 =	vadd.bf16 v5, v9;
	v1 =	vadd.bf16 v6, v1;
	v6 =	vld [tilespmem:s12+$0x3220]  }
0x5ae: {  	v8 =	vld [tilespmem:s25+$0x6420]  }
0x5af: {  	v9 =	vld [tilespmem:s28+$0x9620];
	v4 =	vadd.bf16 v4, v5  }
0x5b0: {  	v11 =	vld [tilespmem:s29+$0xAF20]  }
0x5b1: {  	v5 =	vld [tilespmem:s11+$0x1920];
	v1 =	vadd.bf16 v4, v1  }
0x5b2: {  	v4 =	vld [tilespmem:s24+$0x4B20]  }
0x5b3: {  	v1 =	vadd.bf16 v1, v3;
	v3 =	vld [tilespmem:s26+$0x7D20];
	_ =	sdelay $0x3  }
0x5b4: {  	v5 =	vadd.bf16 v5, v7;
	v7 =	vadd.bf16 v11, v9  }
0x5b5: {  	v10 =	vunpack.i.l.bf16.f32 v1;
	v4 =	vadd.bf16 v4, v6;
	v3 =	vadd.bf16 v3, v8  }
0x5b6: {  	v1 =	vunpack.i.u.bf16.f32 v1;
	[tilespmem:s4+$0xFFFFFF20] =	vst v10;
	v10 =	vld [tilespmem:s8+$0xC820]  }
0x5b7: {  	[tilespmem:s4+$0xFFFFFF30] =	vst v1;
	v4 =	vadd.bf16 v4, v5;
	v3 =	vadd.bf16 v7, v3  }
0x5b8: {  	v1 =	vld [tilespmem:s6+$0x20]  }
0x5b9: {  	v6 =	vld [tilespmem:s30+$0x3220];
	v3 =	vadd.bf16 v3, v4  }
0x5ba: {  	v9 =	vld [tilespmem:s0+$0x6420]  }
0x5bb: {  	v7 =	vld [tilespmem:s10+$0x9620];
	v3 =	vadd.bf16 v3, v10  }
0x5bc: {  	v4 =	vld [tilespmem:s7+$0xAF20]  }
0x5bd: {  	v8 =	vld [tilespmem:s16+$0x4B20];
	v10 =	vunpack.i.l.bf16.f32 v3  }
0x5be: {  	v5 =	vld [tilespmem:s5+$0x7D20];
	v3 =	vunpack.i.u.bf16.f32 v3;
	[tilespmem:s4+$0xC0] =	vst v10  }
0x5bf: {  	v13 =	vld [tilespmem:s31+$0x1920];
	[tilespmem:s4+$0xD0] =	vst v3  }
0x5c0: {  	[dreg:$0x3] =	wrdreg s9  }
0x5c1: {  	v4 =	vadd.bf16 v4, v7;
	v7 =	vld [tilespmem:s9+$0xC820]  }
0x5c2: {  	v6 =	vadd.bf16 v8, v6;
	v8 =	vld [tilespmem:s3+$0x30]  }
0x5c3: {  	v5 =	vadd.bf16 v5, v9;
	v9 =	vld [tilespmem:s11+$0x1930]  }
0x5c4: {  	v1 =	vadd.bf16 v13, v1;
	v10 =	vld [tilespmem:s12+$0x3230]  }
0x5c5: {  	v11 =	vld [tilespmem:s24+$0x4B30]  }
0x5c6: {  	v1 =	vadd.bf16 v6, v1;
	v3 =	vadd.bf16 v4, v5;
	v5 =	vld [tilespmem:s26+$0x7D30]  }
0x5c7: {  	v6 =	vld [tilespmem:s28+$0x9630]  }
0x5c8: {  	v14 =	vld [tilespmem:s21+$0x6400];
	v1 =	vadd.bf16 v3, v1  }
0x5c9: {  	v15 =	vld [tilespmem:s19+$0x4B00]  }
0x5ca: {  	v16 =	vld [tilespmem:s14+$0x1900];
	v1 =	vadd.bf16 v1, v7  }
0x5cb: {  	(v2sf) =	vpush v2, $0x8;
	v17 =	vld [tilespmem:s20+$0x3200]  }
0x5cc: {  	v18 =	vld [tilespmem:s23+$0x7D00];
	v4 =	vunpack.i.l.bf16.f32 v1  }
0x5cd: {  	v19 =	vld [tilespmem:s22+$0x9600];
	v13 =	vunpack.i.u.bf16.f32 v1;
	[tilespmem:s4+$0xFFFFFF40] =	vst v4  }
0x5ce: {  	v20 =	vld [tilespmem:s17+$0xAF00];
	[tilespmem:s4+$0xFFFFFF50] =	vst v13  }
0x5cf: {  	v2 =	vld [tilespmem:s6+$0x30];
	s6 =	sld [smem:$0x778]  }
0x5d0: {  	v3 =	vld [tilespmem:s25+$0x6430];
	s7 =	sld [smem:$0x779]  }
0x5d1: {  	v7 =	vld [tilespmem:s29+$0xAF30]  }
0x5d2: {  	v1 =	vld [tilespmem:s8+$0xC830];
	s0 =	sshll.u32 s6, $0x8  }
0x5d3: {  	(v2sf) =	vpush v12, $0x8;
	v4 =	vld [tilespmem:s31+$0x1930];
	s9 =	sshra.s32 s0, $0x2;
	s0 =	sshll.u32 s7, $0x8  }
0x5d4: {  	s8 =	sadd.s32 $0x24, s13;
	v13 =	vld [tilespmem:s9+$0x0];
	s10 =	sshra.s32 s0, $0x2  }
0x5d5: {  	v21 =	vld [tilespmem:s10+$0x0];
	[smem:$0x78B] =	sst s8  }
0x5d6: {  	v22 =	vld [tilespmem:s8+$0x1B];
	_ =	sdelay $0x1  }
0x5d7: {  	v23 =	vld [tilespmem:s15+$0x1900]  }
0x5d8: {  	v15 =	vadd.bf16 v15, v17;
	v12 =	vld [tilespmem:s30+$0x3230];
	v13 =	vadd.bf16 v16, v13  }
0x5d9: {  	s1 =	spop (v2sf);
	v14 =	vadd.bf16 v18, v14;
	v40 =	vadd.bf16 v20, v19;
	s13 =	sld [smem:$0x77A];
	v39 =	vld [tilespmem:s2+$0x3200]  }
0x5da: {  	v13 =	vadd.bf16 v15, v13;
	v15 =	vld [tilespmem:s1+$0xC800];
	v42 =	vshll.u32 v22, $0x6;
	(v2sf) =	vpush v22, $0x0  }
0x5db: {  	v14 =	vadd.bf16 v40, v14;
	s7 =	sld [smem:$0x77B];
	v41 =	vld [tilespmem:s18+$0x4B00];
	(v2sf) =	vpush v42, $0x1  }
0x5dc: {  	v43 =	vld [tilespmem:s13+$0x6400];
	(v2sf) =	vpush v42, $0x2  }
0x5dd: {  	v13 =	vadd.bf16 v14, v13;
	v14 =	vld [tilespmem:s8+$0x0];
	(v2sf) =	vpush v42, $0x3  }
0x5de: {  	s11 =	smov.u32 s22;
	s22 =	sld [smem:$0x77D];
	v44 =	vld [tilespmem:s7+$0x7D00];
	(v2sf) =	vpush v42, $0x4  }
0x5df: {  	v17 =	vld [tilespmem:s8+$0x9];
	v13 =	vadd.bf16 v13, v15;
	(v2sf) =	vpush v42, $0x5  }
0x5e0: {  	v15 =	vld [tilespmem:s8+$0x12];
	s8 =	sld [smem:$0x77C];
	(v2sf) =	vpush v42, $0x6  }
0x5e1: {  	s3 =	smov.u32 s15;
	s15 =	smov.u32 s2;
	v26 =	vld [tilespmem:s22+$0xAF00];
	s2 =	spop (v2sf);
	v25 =	vunpack.i.l.bf16.f32 v13;
	(v2sf) =	vpush v42, $0x7  }
0x5e2: {  	v45 =	vld [tilespmem:s2+$0xC800];
	v13 =	vunpack.i.u.bf16.f32 v13;
	[tilespmem:s4+$0xFFFFFF80] =	vst v25;
	(v2sf) =	vpush v14, $0x0  }
0x5e3: {  	v24 =	vld [tilespmem:s8+$0x9600];
	[tilespmem:s4+$0xFFFFFF90] =	vst v13  }
0x5e4: {  	s31 =	smov.u32 s14;
	v13 =	vld [tilespmem:s9+$0x10];
	(v2sf) =	vpush v17, $0x0  }
0x5e5: {  	v27 =	vld [tilespmem:s31+$0x1910]  }
0x5e6: {  	v14 =	vshll.u32 v14, $0x6;
	v28 =	vld [tilespmem:s20+$0x3210];
	(v2sf) =	vpush v15, $0x0  }
0x5e7: {  	v21 =	vadd.bf16 v23, v21;
	v29 =	vld [tilespmem:s19+$0x4B10];
	(v2sf) =	vpush v14, $0x7  }
0x5e8: {  	v16 =	vadd.bf16 v41, v39;
	v46 =	vld [tilespmem:s21+$0x6410];
	(v2sf) =	vpush v14, $0x6  }
0x5e9: {  	v48 =	vadd.bf16 v44, v43;
	v47 =	vld [tilespmem:s23+$0x7D10];
	(v2sf) =	vpush v14, $0x5;
	s12 =	spop (v2sf)  }
0x5ea: {  	v50 =	vld [tilespmem:s11+$0x9610];
	v49 =	vadd.bf16 v26, v24;
	(v2sf) =	vpush v42, $0x8;
	s29 =	spop (v2sf)  }
0x5eb: {  	v51 =	vld [tilespmem:s17+$0xAF10];
	s30 =	spop (v2sf)  }
0x5ec: {  	v16 =	vadd.bf16 v16, v21;
	v19 =	vadd.bf16 v49, v48;
	v52 =	vld [tilespmem:s29+$0x1900];
	s24 =	spop (v2sf)  }
0x5ed: {  	v53 =	vld [tilespmem:s30+$0x3200];
	s28 =	spop (v2sf)  }
0x5ee: {  	v16 =	vadd.bf16 v19, v16;
	v54 =	vld [tilespmem:s24+$0x4B00];
	s26 =	spop (v2sf)  }
0x5ef: {  	s14 =	smov.u32 s18;
	v55 =	vld [tilespmem:s28+$0x6400];
	s18 =	spop (v2sf)  }
0x5f0: {  	s0 =	sshll.u32 s12, $0x8;
	v16 =	vadd.bf16 v16, v45;
	v56 =	vld [tilespmem:s26+$0x7D00];
	s12 =	spop (v2sf)  }
0x5f1: {  	v30 =	vld [tilespmem:s18+$0x9600];
	s25 =	spop (v2sf)  }
0x5f2: {  	v31 =	vunpack.i.l.bf16.f32 v16;
	v32 =	vld [tilespmem:s12+$0xAF00];
	[smem:$0x783] =	sst s25  }
0x5f3: {  	s0 =	sshra.s32 s0, $0x2;
	s6 =	spop (v2sf);
	[tilespmem:s4+$0x0] =	vst v31  }
0x5f4: {  	v16 =	vunpack.i.u.bf16.f32 v16;
	v57 =	vld [tilespmem:s0+$0x0];
	[smem:$0x784] =	sst s6  }
0x5f5: {  	v27 =	vadd.bf16 v27, v13;
	v28 =	vadd.bf16 v29, v28;
	s25 =	spop (v2sf);
	[tilespmem:s4+$0x10] =	vst v16  }
0x5f6: {  	v58 =	vadd.bf16 v47, v46;
	v59 =	vadd.bf16 v51, v50;
	s6 =	spop (v2sf);
	v13 =	vld [tilespmem:s16+$0x4B30];
	[smem:$0x786] =	sst s25  }
0x5f7: {  	v61 =	vadd.bf16 v28, v27;
	v19 =	vadd.bf16 v54, v53;
	s16 =	spop (v2sf);
	v60 =	vld [tilespmem:s10+$0x10];
	[smem:$0x785] =	sst s6  }
0x5f8: {  	v31 =	vadd.bf16 v56, v55;
	v16 =	vadd.bf16 v59, v58;
	v62 =	vld [tilespmem:s1+$0xC810];
	[smem:$0x782] =	sst s16;
	s16 =	spop (v2sf)  }
0x5f9: {  	v34 =	vadd.bf16 v32, v30;
	v20 =	vadd.bf16 v52, v57;
	v63 =	vld [tilespmem:s3+$0x1910];
	s5 =	spop (v2sf)  }
0x5fa: {  	v16 =	vadd.bf16 v16, v61;
	v35 =	vld [tilespmem:s5+$0xC800]  }
0x5fb: {  	v37 =	vadd.bf16 v34, v31;
	v33 =	vld [tilespmem:s15+$0x3210];
	v19 =	vadd.bf16 v19, v20  }
0x5fc: {  	v36 =	vld [tilespmem:s14+$0x4B10]  }
0x5fd: {  	v38 =	vld [tilespmem:s13+$0x6410];
	v19 =	vadd.bf16 v37, v19;
	v16 =	vadd.bf16 v16, v62  }
0x5fe: {  	v39 =	vld [tilespmem:s7+$0x7D10]  }
0x5ff: {  	v40 =	vld [tilespmem:s8+$0x9610];
	v41 =	vunpack.i.l.bf16.f32 v16;
	v19 =	vadd.bf16 v19, v35  }
0x600: {  	v42 =	vld [tilespmem:s22+$0xAF10];
	v16 =	vunpack.i.u.bf16.f32 v16;
	[tilespmem:s4+$0xFFFFFFA0] =	vst v41  }
0x601: {  	s6 =	simm.s32 $0x1C100;
	v43 =	vld [tilespmem:s2+$0xC810];
	[tilespmem:s4+$0xFFFFFFB0] =	vst v16;
	v44 =	vunpack.i.l.bf16.f32 v19  }
0x602: {  	v16 =	vld [tilespmem:s9+$0x20];
	v19 =	vunpack.i.u.bf16.f32 v19;
	[tilespmem:s6+$0x80] =	vst v44  }
0x603: {  	v29 =	vld [tilespmem:s31+$0x1920];
	[tilespmem:s6+$0x90] =	vst v19  }
0x604: {  	v19 =	vld [tilespmem:s0+$0x10]  }
0x605: {  	v46 =	vld [tilespmem:s29+$0x1910]  }
0x606: {  	v48 =	vld [tilespmem:s30+$0x3210]  }
0x607: {  	v22 =	vadd.bf16 v63, v60;
	v47 =	vadd.bf16 v36, v33;
	v49 =	vld [tilespmem:s24+$0x4B10]  }
0x608: {  	v18 =	vadd.bf16 v39, v38;
	v20 =	vadd.bf16 v42, v40;
	v50 =	vld [tilespmem:s28+$0x6410]  }
0x609: {  	v51 =	vld [tilespmem:s26+$0x7D10]  }
0x60a: {  	v22 =	vadd.bf16 v47, v22;
	v18 =	vadd.bf16 v20, v18;
	v52 =	vld [tilespmem:s18+$0x9610]  }
0x60b: {  	v53 =	vld [tilespmem:s12+$0xAF10]  }
0x60c: {  	v45 =	vld [tilespmem:s20+$0x3220];
	v18 =	vadd.bf16 v18, v22  }
0x60d: {  	v54 =	vld [tilespmem:s19+$0x4B20]  }
0x60e: {  	v55 =	vld [tilespmem:s21+$0x6420];
	v18 =	vadd.bf16 v18, v43  }
0x60f: {  	v56 =	vld [tilespmem:s23+$0x7D20];
	v19 =	vadd.bf16 v46, v19;
	v21 =	vadd.bf16 v49, v48  }
0x610: {  	v33 =	vld [tilespmem:s11+$0x9620];
	v57 =	vunpack.i.l.bf16.f32 v18;
	v20 =	vadd.bf16 v51, v50;
	v22 =	vadd.bf16 v53, v52  }
0x611: {  	v59 =	vld [tilespmem:s5+$0xC810];
	v18 =	vunpack.i.u.bf16.f32 v18;
	[tilespmem:s4+$0x20] =	vst v57  }
0x612: {  	v58 =	vld [tilespmem:s17+$0xAF20];
	[tilespmem:s4+$0x30] =	vst v18;
	v19 =	vadd.bf16 v21, v19;
	v20 =	vadd.bf16 v22, v20  }
0x613: {  	v60 =	vld [tilespmem:s10+$0x20]  }
0x614: {  	v61 =	vld [tilespmem:s3+$0x1920];
	v19 =	vadd.bf16 v20, v19  }
0x615: {  	v62 =	vld [tilespmem:s15+$0x3220]  }
0x616: {  	v63 =	vld [tilespmem:s14+$0x4B20];
	v18 =	vadd.bf16 v19, v59  }
0x617: {  	v40 =	vld [tilespmem:s13+$0x6420]  }
0x618: {  	v41 =	vld [tilespmem:s7+$0x7D20];
	v43 =	vunpack.i.l.bf16.f32 v18  }
0x619: {  	v42 =	vld [tilespmem:s8+$0x9620];
	[tilespmem:s6+$0xA0] =	vst v43  }
0x61a: {  	v34 =	vld [tilespmem:s22+$0xAF20];
	v18 =	vunpack.i.u.bf16.f32 v18;
	[dreg:$0x9] =	wrdreg s1  }
0x61b: {  	v44 =	vld [tilespmem:s1+$0xC820];
	[tilespmem:s6+$0xB0] =	vst v18  }
0x61c: {  	v35 =	vld [tilespmem:s0+$0x20]  }
0x61d: {  	v16 =	vadd.bf16 v29, v16;
	v45 =	vadd.bf16 v54, v45;
	v36 =	vld [tilespmem:s29+$0x1920]  }
0x61e: {  	v23 =	vadd.bf16 v56, v55;
	v25 =	vadd.bf16 v58, v33;
	v46 =	vld [tilespmem:s30+$0x3220]  }
0x61f: {  	v47 =	vld [tilespmem:s24+$0x4B20];
	s25 =	sld [smem:$0x77E]  }
0x620: {  	v16 =	vadd.bf16 v45, v16;
	v49 =	vadd.bf16 v25, v23;
	v48 =	vld [tilespmem:s28+$0x6420]  }
0x621: {  	v50 =	vld [tilespmem:s26+$0x7D20]  }
0x622: {  	v16 =	vadd.bf16 v49, v16;
	v18 =	vld [tilespmem:s25+$0x6430];
	s25 =	sld [smem:$0x77F]  }
0x623: {  	v51 =	vld [tilespmem:s18+$0x9620]  }
0x624: {  	(v2sf) =	vpush v14, $0x4;
	v52 =	vld [tilespmem:s12+$0xAF20];
	v16 =	vadd.bf16 v16, v44  }
0x625: {  	v21 =	vld [tilespmem:s25+$0x7D30];
	[dreg:$0x8] =	wrdreg s2  }
0x626: {  	s25 =	sld [smem:$0x780];
	v55 =	vunpack.i.u.bf16.f32 v16  }
0x627: {  	v24 =	vadd.bf16 v61, v60;
	v20 =	vadd.bf16 v63, v62;
	v16 =	vunpack.i.l.bf16.f32 v16;
	v54 =	vld [tilespmem:s2+$0xC820];
	s2 =	sld [smem:$0x781];
	[tilespmem:s4+$0xFFFFFFD0] =	vst v55  }
0x628: {  	v56 =	vadd.bf16 v36, v35;
	v26 =	vadd.bf16 v47, v46;
	[tilespmem:s4+$0xFFFFFFC0] =	vst v16;
	v58 =	vld [tilespmem:s5+$0xC820]  }
0x629: {  	v53 =	vadd.bf16 v34, v42;
	v19 =	vadd.bf16 v41, v40;
	v23 =	vld [tilespmem:s9+$0x30]  }
0x62a: {  	v59 =	vadd.bf16 v26, v56;
	v26 =	vld [tilespmem:s31+$0x1930]  }
0x62b: {  	v20 =	vadd.bf16 v20, v24;
	v19 =	vadd.bf16 v53, v19;
	v29 =	vld [tilespmem:s20+$0x3230]  }
0x62c: {  	v57 =	vadd.bf16 v50, v48;
	v22 =	vadd.bf16 v52, v51;
	v31 =	vld [tilespmem:s19+$0x4B30]  }
0x62d: {  	v19 =	vadd.bf16 v19, v20;
	v20 =	vld [tilespmem:s21+$0x6430]  }
0x62e: {  	v22 =	vadd.bf16 v22, v57;
	v24 =	vld [tilespmem:s23+$0x7D30]  }
0x62f: {  	v25 =	vld [tilespmem:s25+$0x9630]  }
0x630: {  	v22 =	vadd.bf16 v22, v59;
	v30 =	vld [tilespmem:s2+$0xAF30];
	s2 =	smov.u32 s16;
	v19 =	vadd.bf16 v19, v54  }
0x631: {  	v51 =	vld [tilespmem:s2+$0x7D00]  }
0x632: {  	(v2sf) =	vpush v14, $0x3;
	v16 =	vadd.bf16 v22, v58;
	v22 =	vld [tilespmem:s17+$0xAF30];
	v27 =	vunpack.i.l.bf16.f32 v19  }
0x633: {  	(v2sf) =	vpush v14, $0x2;
	v60 =	vunpack.i.u.bf16.f32 v19;
	v19 =	vld [tilespmem:s11+$0x9630];
	s11 =	spop (v2sf);
	[tilespmem:s4+$0x40] =	vst v27  }
0x634: {  	(v2sf) =	vpush v14, $0x1;
	[tilespmem:s4+$0x50] =	vst v60;
	v50 =	vld [tilespmem:s11+$0x6400]  }
0x635: {  	v41 =	vshll.u32 v17, $0x6;
	v61 =	vunpack.i.l.bf16.f32 v16;
	v62 =	vunpack.i.u.bf16.f32 v16;
	v16 =	vld [tilespmem:s10+$0x30]  }
0x636: {  	(v2sf) =	vpush v41, $0x7;
	v35 =	vld [tilespmem:s3+$0x1930]  }
0x637: {  	v36 =	vld [tilespmem:s15+$0x3230]  }
0x638: {  	(v2sf) =	vpush v41, $0x6;
	v39 =	vld [tilespmem:s14+$0x4B30]  }
0x639: {  	(v2sf) =	vpush v41, $0x5;
	[tilespmem:s6+$0xC0] =	vst v61;
	v38 =	vld [tilespmem:s13+$0x6430]  }
0x63a: {  	(v2sf) =	vpush v41, $0x4;
	s17 =	sld [smem:$0x782];
	[tilespmem:s6+$0xD0] =	vst v62;
	v40 =	vld [tilespmem:s7+$0x7D30]  }
0x63b: {  	(v2sf) =	vpush v41, $0x3;
	v27 =	vld [tilespmem:s0+$0x30]  }
0x63c: {  	(v2sf) =	vpush v41, $0x2;
	v28 =	vld [tilespmem:s29+$0x1930]  }
0x63d: {  	v42 =	vshll.u32 v15, $0x6;
	(v2sf) =	vpush v41, $0x1;
	v17 =	vld [tilespmem:s30+$0x3230];
	s16 =	sld [smem:$0x783]  }
0x63e: {  	(v2sf) =	vpush v42, $0x7;
	s19 =	sld [smem:$0x784];
	v32 =	vld [tilespmem:s24+$0x4B30]  }
0x63f: {  	(v2sf) =	vpush v42, $0x6;
	s30 =	sld [smem:$0x786];
	v33 =	vld [tilespmem:s28+$0x6430]  }
0x640: {  	(v2sf) =	vpush v42, $0x5;
	v15 =	vld [tilespmem:s26+$0x7D30]  }
0x641: {  	(v2sf) =	vpush v42, $0x4;
	s4 =	sld [smem:$0x785];
	v34 =	vld [tilespmem:s18+$0x9630];
	s0 =	sshll.u32 s16, $0x8;
	s1 =	sshll.u32 s19, $0x8  }
0x642: {  	v37 =	vld [tilespmem:s12+$0xAF30];
	s19 =	spop (v2sf);
	(v2sf) =	vpush v42, $0x3;
	s20 =	sshra.s32 s0, $0x2;
	s0 =	sshll.u32 s30, $0x8  }
0x643: {  	v52 =	vld [tilespmem:s17+$0x9600];
	s30 =	sshra.s32 s0, $0x2;
	s0 =	spop (v2sf);
	(v2sf) =	vpush v42, $0x2  }
0x644: {  	v43 =	vld [tilespmem:s4+$0xAF00];
	s24 =	spop (v2sf);
	(v2sf) =	vpush v42, $0x1  }
0x645: {  	v47 =	vld [tilespmem:s19+$0x4B00];
	s12 =	spop (v2sf);
	(v2sf) =	vpush v14, $0x8  }
0x646: {  	s16 =	sshra.s32 s1, $0x2;
	v44 =	vld [tilespmem:s20+$0x0]  }
0x647: {  	v45 =	vld [tilespmem:s16+$0x0];
	s21 =	spop (v2sf)  }
0x648: {  	v46 =	vld [tilespmem:s30+$0x0];
	s9 =	spop (v2sf)  }
0x649: {  	v48 =	vld [tilespmem:s0+$0x3200];
	s23 =	spop (v2sf)  }
0x64a: {  	v49 =	vld [tilespmem:s24+$0x1900];
	s31 =	spop (v2sf)  }
0x64b: {  	v14 =	vld [tilespmem:s5+$0xC830];
	s18 =	spop (v2sf)  }
0x64c: {  	v60 =	vld [tilespmem:s12+$0xAF00];
	s26 =	spop (v2sf)  }
0x64d: {  	(v2sf) =	vpush v41, $0x8;
	v41 =	vld [tilespmem:s8+$0x9630];
	s8 =	spop (v2sf)  }
0x64e: {  	v63 =	vld [tilespmem:s21+$0x9600];
	(v2sf) =	vpush v42, $0x8;
	s3 =	spop (v2sf)  }
0x64f: {  	v57 =	vld [tilespmem:s9+$0x7D00];
	s25 =	spop (v2sf)  }
0x650: {  	v53 =	vld [tilespmem:s23+$0x6400];
	s15 =	spop (v2sf)  }
0x651: {  	v54 =	vld [tilespmem:s31+$0x4B00];
	s14 =	spop (v2sf)  }
0x652: {  	v42 =	vld [tilespmem:s22+$0xAF30];
	s22 =	spop (v2sf)  }
0x653: {  	v59 =	vadd.bf16 v51, v50;
	v43 =	vadd.bf16 v43, v52;
	v56 =	vld [tilespmem:s18+$0x3200];
	s13 =	spop (v2sf)  }
0x654: {  	v47 =	vadd.bf16 v47, v48;
	v44 =	vadd.bf16 v49, v44;
	v55 =	vld [tilespmem:s26+$0x1900];
	s7 =	spop (v2sf)  }
0x655: {  	v61 =	vld [tilespmem:s7+$0xC800]  }
0x656: {  	v43 =	vadd.bf16 v43, v59;
	v44 =	vadd.bf16 v47, v44;
	v50 =	vld [tilespmem:s8+$0xAF00]  }
0x657: {  	v58 =	vld [tilespmem:s25+$0x7D00]  }
0x658: {  	v43 =	vadd.bf16 v43, v44;
	v52 =	vld [tilespmem:s15+$0x6400]  }
0x659: {  	v62 =	vadd.bf16 v54, v56;
	v54 =	vld [tilespmem:s3+$0x9600]  }
0x65a: {  	v44 =	vld [tilespmem:s14+$0x4B00];
	v43 =	vadd.bf16 v43, v61  }
0x65b: {  	v49 =	vld [tilespmem:s22+$0x3200]  }
0x65c: {  	v48 =	vadd.bf16 v60, v63;
	v47 =	vld [tilespmem:s13+$0x1900];
	[dreg:$0x1d] =	wrdreg s8;
	s29 =	spop (v2sf);
	v63 =	vunpack.i.l.bf16.f32 v43  }
0x65d: {  	v53 =	vadd.bf16 v57, v53;
	v45 =	vadd.bf16 v55, v45;
	v60 =	vld [tilespmem:s29+$0xC800];
	s1 =	spop (v2sf);
	v43 =	vunpack.i.u.bf16.f32 v43;
	[tilespmem:s6+$0xFFFFFF00] =	vst v63  }
0x65e: {  	v61 =	vld [tilespmem:s1+$0xC800];
	[tilespmem:s6+$0xFFFFFF10] =	vst v43  }
0x65f: {  	v48 =	vadd.bf16 v48, v53;
	v45 =	vadd.bf16 v62, v45;
	v51 =	vld [tilespmem:s20+$0x10]  }
0x660: {  	v62 =	vld [tilespmem:s24+$0x1910]  }
0x661: {  	v45 =	vadd.bf16 v48, v45;
	v63 =	vld [tilespmem:s0+$0x3210]  }
0x662: {  	v55 =	vld [tilespmem:s19+$0x4B10]  }
0x663: {  	v46 =	vadd.bf16 v47, v46;
	v47 =	vld [tilespmem:s11+$0x6410];
	v45 =	vadd.bf16 v45, v60  }
0x664: {  	v50 =	vadd.bf16 v50, v54;
	v54 =	vld [tilespmem:s2+$0x7D10]  }
0x665: {  	v57 =	vadd.bf16 v58, v52;
	v44 =	vadd.bf16 v44, v49;
	v52 =	vld [tilespmem:s17+$0x9610];
	v58 =	vunpack.i.l.bf16.f32 v45  }
0x666: {  	v3 =	vadd.bf16 v5, v3;
	v5 =	vadd.bf16 v7, v6;
	v6 =	vld [tilespmem:s7+$0xC810];
	v45 =	vunpack.i.u.bf16.f32 v45;
	[tilespmem:s6+$0xFFFFFF80] =	vst v58  }
0x667: {  	v59 =	vadd.bf16 v50, v57;
	v44 =	vadd.bf16 v44, v46;
	[tilespmem:s6+$0xFFFFFF90] =	vst v45;
	v45 =	vld [tilespmem:s4+$0xAF10]  }
0x668: {  	v49 =	vld [tilespmem:s16+$0x10]  }
0x669: {  	v44 =	vadd.bf16 v59, v44;
	v46 =	vld [tilespmem:s26+$0x1910]  }
0x66a: {  	v50 =	vld [tilespmem:s18+$0x3210]  }
0x66b: {  	v43 =	vadd.bf16 v44, v61;
	v44 =	vld [tilespmem:s31+$0x4B10]  }
0x66c: {  	v8 =	vadd.bf16 v9, v8;
	v9 =	vadd.bf16 v11, v10;
	v56 =	vld [tilespmem:s23+$0x6410]  }
0x66d: {  	v60 =	vunpack.i.l.bf16.f32 v43;
	v61 =	vld [tilespmem:s9+$0x7D10];
	v62 =	vadd.bf16 v62, v51;
	v63 =	vadd.bf16 v55, v63  }
0x66e: {  	v10 =	vunpack.i.u.bf16.f32 v43;
	[tilespmem:s6+$0x0] =	vst v60;
	v11 =	vld [tilespmem:s21+$0x9610];
	v47 =	vadd.bf16 v54, v47;
	v45 =	vadd.bf16 v45, v52  }
0x66f: {  	v8 =	vadd.bf16 v9, v8;
	v3 =	vadd.bf16 v5, v3;
	[tilespmem:s6+$0x10] =	vst v10;
	v10 =	vld [tilespmem:s12+$0xAF10]  }
0x670: {  	v55 =	vld [tilespmem:s30+$0x10];
	v7 =	vadd.bf16 v63, v62;
	v57 =	vadd.bf16 v45, v47  }
0x671: {  	v59 =	vld [tilespmem:s13+$0x1910]  }
0x672: {  	v3 =	vadd.bf16 v3, v8;
	v5 =	vld [tilespmem:s22+$0x3210];
	v7 =	vadd.bf16 v57, v7  }
0x673: {  	v2 =	vadd.bf16 v4, v2;
	v8 =	vadd.bf16 v13, v12;
	v9 =	vld [tilespmem:s14+$0x4B10]  }
0x674: {  	v4 =	vld [tilespmem:s15+$0x6410];
	v63 =	vadd.bf16 v30, v25;
	v6 =	vadd.bf16 v7, v6  }
0x675: {  	v60 =	vld [tilespmem:s3+$0x9610];
	v12 =	vadd.bf16 v46, v49;
	v13 =	vadd.bf16 v44, v50  }
0x676: {  	v30 =	vld [tilespmem:s29+$0xC810];
	v61 =	vadd.bf16 v61, v56;
	v10 =	vadd.bf16 v10, v11;
	v62 =	vunpack.i.l.bf16.f32 v6  }
0x677: {  	v18 =	vadd.bf16 v21, v18;
	v11 =	vld [tilespmem:s8+$0xAF10];
	v6 =	vunpack.i.u.bf16.f32 v6;
	[tilespmem:s6+$0xFFFFFF20] =	vst v62  }
0x678: {  	v12 =	vadd.bf16 v13, v12;
	v10 =	vadd.bf16 v10, v61;
	v7 =	vld [tilespmem:s25+$0x7D10];
	[tilespmem:s6+$0xFFFFFF30] =	vst v6  }
0x679: {  	v13 =	vadd.bf16 v3, v1;
	v1 =	vadd.bf16 v8, v2;
	v6 =	vld [tilespmem:s1+$0xC810];
	[smem:$0x787] =	sst s20  }
0x67a: {  	v2 =	vadd.bf16 v63, v18;
	v8 =	vadd.bf16 v10, v12;
	v3 =	vld [tilespmem:s20+$0x20];
	[smem:$0x788] =	sst s24  }
0x67b: {  	v10 =	vld [tilespmem:s24+$0x1920]  }
0x67c: {  	v1 =	vadd.bf16 v2, v1;
	v2 =	vadd.bf16 v8, v30;
	v44 =	vld [tilespmem:s0+$0x3220]  }
0x67d: {  	v45 =	vadd.bf16 v59, v55;
	v5 =	vadd.bf16 v9, v5;
	v8 =	vld [tilespmem:s19+$0x4B20]  }
0x67e: {  	v4 =	vadd.bf16 v7, v4;
	v7 =	vadd.bf16 v11, v60;
	v11 =	vunpack.i.l.bf16.f32 v2;
	v9 =	vld [tilespmem:s11+$0x6420]  }
0x67f: {  	v2 =	vunpack.i.u.bf16.f32 v2;
	v46 =	vld [tilespmem:s2+$0x7D20];
	[tilespmem:s6+$0xFFFFFFA0] =	vst v11  }
0x680: {  	v5 =	vadd.bf16 v5, v45;
	v11 =	vld [tilespmem:s17+$0x9620];
	[tilespmem:s6+$0xFFFFFFB0] =	vst v2;
	v4 =	vadd.bf16 v7, v4  }
0x681: {  	v31 =	vadd.bf16 v31, v29;
	v20 =	vadd.bf16 v24, v20;
	v7 =	vld [tilespmem:s4+$0xAF20];
	[smem:$0x789] =	sst s16  }
0x682: {  	v16 =	vadd.bf16 v35, v16;
	v48 =	vld [tilespmem:s16+$0x20];
	v4 =	vadd.bf16 v4, v5  }
0x683: {  	v17 =	vadd.bf16 v32, v17;
	v15 =	vadd.bf16 v15, v33;
	v50 =	vld [tilespmem:s18+$0x3220]  }
0x684: {  	v52 =	vadd.bf16 v39, v36;
	v5 =	vld [tilespmem:s26+$0x1920];
	v4 =	vadd.bf16 v4, v6  }
0x685: {  	v49 =	vadd.bf16 v37, v34;
	v47 =	vadd.bf16 v28, v27;
	v6 =	vld [tilespmem:s31+$0x4B20];
	[dreg:$0x1e] =	wrdreg s23  }
0x686: {  	v12 =	vadd.bf16 v26, v23;
	v2 =	vadd.bf16 v22, v19;
	v51 =	vld [tilespmem:s23+$0x6420];
	[dreg:$0x1f] =	wrdreg s9;
	v53 =	vunpack.i.l.bf16.f32 v4  }
0x687: {  	v15 =	vadd.bf16 v49, v15;
	v17 =	vadd.bf16 v17, v47;
	v4 =	vunpack.i.u.bf16.f32 v4;
	[tilespmem:s6+$0x20] =	vst v53  }
0x688: {  	v12 =	vadd.bf16 v31, v12;
	v2 =	vadd.bf16 v2, v20;
	v54 =	vld [tilespmem:s9+$0x7D20];
	[tilespmem:s6+$0x30] =	vst v4  }
0x689: {  	v56 =	vadd.bf16 v42, v41;
	v55 =	vadd.bf16 v40, v38;
	v57 =	vld [tilespmem:s21+$0x9620];
	[dreg:$0x1b] =	wrdreg s12  }
0x68a: {  	v2 =	vadd.bf16 v2, v12;
	v12 =	vadd.bf16 v15, v17;
	v4 =	vld [tilespmem:s12+$0xAF20];
	[dreg:$0x19] =	wrdreg s30  }
0x68b: {  	v58 =	vadd.bf16 v56, v55;
	v15 =	vadd.bf16 v52, v16;
	v59 =	vld [tilespmem:s30+$0x20];
	[dreg:$0x1c] =	wrdreg s13  }
0x68c: {  	v14 =	vadd.bf16 v12, v14;
	v12 =	vld [tilespmem:s13+$0x1920]  }
0x68d: {  	v10 =	vadd.bf16 v10, v3;
	v3 =	vadd.bf16 v58, v15;
	v15 =	vld [tilespmem:s22+$0x3220]  }
0x68e: {  	v63 =	vunpack.i.u.bf16.f32 v13;
	s23 =	smov.u32 s21;
	v7 =	vadd.bf16 v7, v11;
	s21 =	simm.s32 $0x1BF00;
	v11 =	vld [tilespmem:s14+$0x4B20]  }
0x68f: {  	s10 =	smov.u32 s11;
	s11 =	smov.u32 s2;
	v9 =	vadd.bf16 v46, v9;
	v60 =	vld [tilespmem:s15+$0x6420];
	[tilespmem:s21+$0xF0] =	vst v63  }
0x690: {  	s2 =	smov.u32 s17;
	s17 =	smov.u32 s22;
	v8 =	vadd.bf16 v8, v44;
	v62 =	vld [tilespmem:s25+$0x7D20];
	s22 =	rddreg [dreg:$0x1d]  }
0x691: {  	v9 =	vadd.bf16 v7, v9;
	s13 =	smov.u32 s25;
	s25 =	simm.s32 $0x1BF00;
	v7 =	vld [tilespmem:s22+$0xAF20]  }
0x692: {  	v8 =	vadd.bf16 v8, v10;
	v10 =	vunpack.i.l.bf16.f32 v13;
	v61 =	vadd.bf16 v4, v57;
	v4 =	vld [tilespmem:s3+$0x9620];
	[dreg:$0x1a] =	wrdreg s25  }
0x693: {  	[tilespmem:s21+$0xE0] =	vst v10  }
0x694: {  	s28 =	sld [smem:$0x7E5];
	_ =	sdelay $0x2  }
0x695: {  	s20 =	smov.u32 s0;
	v10 =	vunpack.i.u.bf16.f32 v14;
	s0 =	sshrl.u32 s28, $0x5  }
0x696: {  	v13 =	vadd.bf16 v12, v59;
	v12 =	vld [tilespmem:s7+$0xC820];
	[tilespmem:s6+$0xF0] =	vst v10;
	s0 =	sadd.s32 $0xFFFFFFFF, s0  }
0x697: {  	v5 =	vadd.bf16 v5, v48;
	v14 =	vunpack.i.l.bf16.f32 v14;
	v15 =	vadd.bf16 v11, v15;
	v11 =	vld [tilespmem:s29+$0xC820];
	[smem:$0x78A] =	sst s0  }
0x698: {  	s5 =	smov.u32 s19;
	s8 =	smov.u32 s26;
	v6 =	vadd.bf16 v6, v50;
	v18 =	vadd.bf16 v54, v51;
	[tilespmem:s6+$0xE0] =	vst v14  }
0x699: {  	s24 =	smov.u32 s4;
	s19 =	smov.u32 s18;
	s30 =	sld [smem:$0x78B]  }
0x69a: {  	s4 =	smov.u32 s3;
	s16 =	smov.u32 s14;
	s26 =	smov.u32 s31;
	v5 =	vadd.bf16 v6, v5;
	v6 =	vadd.bf16 v61, v18  }
0x69b: {  	s31 =	smov.u32 s7;
	s9 =	smov.u32 s29;
	v8 =	vadd.bf16 v9, v8;
	s14 =	smov.u32 s15;
	v10 =	vadd.bf16 v62, v60  }
0x69c: {  	s7 =	smov.u32 s1;
	s29 =	simm.s32 $0x4;
	v9 =	vadd.bf16 v6, v5;
	v5 =	vadd.bf16 v15, v13;
	v6 =	vld [tilespmem:s1+$0xC820];
	s0 =	sadd.s32 $0x24, s30  }
.LBB2_19:
0x69d: {  	[smem:$0x771] =	sst s17  }
0x69e: {  	[smem:$0x772] =	sst s16  }
0x69f: {  	[smem:$0x773] =	sst s14;
	v13 =	vld [tilespmem:s0+$0x1B]  }
0x6a0: {  	v14 =	vld [tilespmem:s0+$0x9];
	s14 =	rddreg [dreg:$0x8]  }
0x6a1: {  	s3 =	rddreg [dreg:$0x3];
	v16 =	vld [tilespmem:s14+$0xC830];
	v4 =	vadd.bf16 v7, v4;
	v8 =	vadd.bf16 v8, v12  }
0x6a2: {  	s12 =	rddreg [dreg:$0x9];
	v7 =	vld [tilespmem:s0+$0x12];
	v9 =	vadd.bf16 v9, v11  }
0x6a3: {  	s16 =	sld [smem:$0x787];
	v11 =	vld [tilespmem:s3+$0xC830];
	v4 =	vadd.bf16 v4, v10;
	v10 =	vunpack.i.u.bf16.f32 v8;
	v8 =	vunpack.i.l.bf16.f32 v8  }
0x6a4: {  	s17 =	sld [smem:$0x788];
	v12 =	vld [tilespmem:s0+$0x0];
	v15 =	vshll.u32 v13, $0x6;
	(v2sf) =	vpush v13, $0x0;
	[tilespmem:s6+$0xFFFFFF40] =	vst v8  }
0x6a5: {  	v13 =	vld [tilespmem:s12+$0xC830];
	(v2sf) =	vpush v15, $0x1;
	[tilespmem:s6+$0xFFFFFF50] =	vst v10;
	v8 =	vadd.bf16 v4, v5  }
0x6a6: {  	v10 =	vunpack.i.u.bf16.f32 v9;
	(v2sf) =	vpush v15, $0x2;
	v17 =	vld [tilespmem:s16+$0x30]  }
0x6a7: {  	[tilespmem:s6+$0xFFFFFFD0] =	vst v10;
	(v2sf) =	vpush v15, $0x3;
	v10 =	vld [tilespmem:s17+$0x1930];
	v8 =	vadd.bf16 v8, v6  }
0x6a8: {  	v9 =	vunpack.i.l.bf16.f32 v9;
	v18 =	vld [tilespmem:s20+$0x3230];
	(v2sf) =	vpush v15, $0x4;
	v1 =	vadd.bf16 v1, v11  }
0x6a9: {  	[tilespmem:s6+$0xFFFFFFC0] =	vst v9;
	v19 =	vld [tilespmem:s5+$0x4B30];
	(v2sf) =	vpush v15, $0x5;
	v9 =	vunpack.i.u.bf16.f32 v8;
	v8 =	vunpack.i.l.bf16.f32 v8  }
0x6aa: {  	s1 =	rddreg [dreg:$0x1a];
	v3 =	vadd.bf16 v3, v16;
	v6 =	vshll.u32 v12, $0x6;
	(v2sf) =	vpush v15, $0x6;
	[tilespmem:s6+$0x40] =	vst v8;
	v8 =	vld [tilespmem:s10+$0x6430]  }
0x6ab: {  	s18 =	sld [smem:$0x789];
	v2 =	vadd.bf16 v2, v13;
	v11 =	vunpack.i.u.bf16.f32 v1;
	(v2sf) =	vpush v15, $0x7;
	[tilespmem:s6+$0x50] =	vst v9;
	v9 =	vld [tilespmem:s11+$0x7D30]  }
0x6ac: {  	v1 =	vunpack.i.l.bf16.f32 v1;
	(v2sf) =	vpush v12, $0x0;
	v12 =	vld [tilespmem:s2+$0x9630];
	v10 =	vadd.bf16 v10, v17;
	[tilespmem:s1+$0xFFFFFF70] =	vst v11  }
0x6ad: {  	(v2sf) =	vpush v14, $0x0;
	v11 =	vld [tilespmem:s24+$0xAF30];
	[tilespmem:s1+$0xFFFFFF60] =	vst v1;
	v1 =	vunpack.i.u.bf16.f32 v2;
	v2 =	vunpack.i.l.bf16.f32 v2  }
0x6ae: {  	v4 =	vshll.u32 v7, $0x6;
	v13 =	vld [tilespmem:s18+$0x30];
	(v2sf) =	vpush v7, $0x0;
	v7 =	vadd.bf16 v19, v18;
	[tilespmem:s1+$0xFFFFFFE0] =	vst v2  }
0x6af: {  	v5 =	vshll.u32 v14, $0x6;
	v14 =	vld [tilespmem:s8+$0x1930];
	[tilespmem:s1+$0xFFFFFFF0] =	vst v1;
	v1 =	vunpack.i.l.bf16.f32 v3  }
0x6b0: {  	s22 =	rddreg [dreg:$0x1f];
	(v2sf) =	vpush v6, $0x7;
	[tilespmem:s1+$0x60] =	vst v1;
	v1 =	vadd.bf16 v7, v10;
	v7 =	vld [tilespmem:s26+$0x4B30]  }
0x6b1: {  	s3 =	rddreg [dreg:$0x1b];
	(v2sf) =	vpush v6, $0x6;
	v10 =	vld [tilespmem:s22+$0x7D30]  }
0x6b2: {  	v52 =	vld [tilespmem:s3+$0xAF30];
	(v2sf) =	vpush v6, $0x5  }
0x6b3: {  	s20 =	rddreg [dreg:$0x1e];
	v2 =	vunpack.i.u.bf16.f32 v3;
	v3 =	vadd.bf16 v9, v8;
	v8 =	vld [tilespmem:s19+$0x3230];
	(v2sf) =	vpush v15, $0x8  }
0x6b4: {  	v9 =	vld [tilespmem:s20+$0x6430];
	(v2sf) =	vpush v6, $0x4;
	s21 =	spop (v2sf)  }
0x6b5: {  	[smem:$0x777] =	sst s0;
	s15 =	smov.u32 s7;
	[tilespmem:s1+$0x70] =	vst v2;
	v2 =	vadd.bf16 v11, v12;
	v11 =	vld [tilespmem:s23+$0x9630];
	(v2sf) =	vpush v6, $0x3;
	s14 =	spop (v2sf)  }
0x6b6: {  	[dreg:$0x8] =	wrdreg s15;
	v12 =	vadd.bf16 v14, v13;
	s0 =	sshll.u32 s21, $0x8;
	v13 =	vld [tilespmem:s14+$0x1900];
	(v2sf) =	vpush v6, $0x2;
	s15 =	spop (v2sf)  }
0x6b7: {  	s10 =	sshra.s32 s0, $0x2;
	v14 =	vld [tilespmem:s15+$0x3200];
	(v2sf) =	vpush v6, $0x1;
	s16 =	spop (v2sf)  }
0x6b8: {  	v2 =	vadd.bf16 v2, v3;
	v51 =	vld [tilespmem:s10+$0x0];
	(v2sf) =	vpush v5, $0x7;
	s17 =	spop (v2sf)  }
0x6b9: {  	v3 =	vadd.bf16 v7, v8;
	v7 =	vld [tilespmem:s16+$0x4B00];
	(v2sf) =	vpush v5, $0x6;
	s18 =	spop (v2sf)  }
0x6ba: {  	v1 =	vadd.bf16 v2, v1;
	v2 =	vld [tilespmem:s17+$0x6400];
	(v2sf) =	vpush v5, $0x5;
	s22 =	spop (v2sf)  }
0x6bb: {  	[smem:$0x774] =	sst s13;
	v8 =	vadd.bf16 v10, v9;
	v9 =	vld [tilespmem:s18+$0x7D00];
	(v2sf) =	vpush v5, $0x4;
	s20 =	spop (v2sf)  }
0x6bc: {  	s29 =	sadd.s32 $0x4, s29;
	s28 =	rddreg [dreg:$0x19];
	v10 =	vadd.bf16 v3, v12;
	v12 =	vld [tilespmem:s22+$0x9600];
	s24 =	spop (v2sf);
	(v2sf) =	vpush v5, $0x3  }
0x6bd: {  	[dreg:$0xe] =	wrdreg s29;
	v15 =	vld [tilespmem:s20+$0xAF00];
	s25 =	spop (v2sf)  }
0x6be: {  	p1 =	slt.u32 s29, $0x1C;
	s0 =	sshll.u32 s24, $0x8;
	s26 =	spop (v2sf)  }
0x6bf: {  	s19 =	smov.u32 s6;
	v11 =	vadd.bf16 v52, v11;
	v3 =	vld [tilespmem:s28+$0x30];
	s5 =	sshra.s32 s0, $0x2;
	s29 =	spop (v2sf)  }
0x6c0: {  	[dreg:$0x1a] =	wrdreg s19;
	v13 =	vadd.bf16 v13, v51;
	(v2sf) =	vpush v5, $0x2;
	s1 =	sshll.u32 s25, $0x8;
	v54 =	vld [tilespmem:s5+$0x0];
	s19 =	spop (v2sf)  }
0x6c1: {  	s13 =	smov.u32 s9;
	v7 =	vadd.bf16 v7, v14;
	(v2sf) =	vpush v5, $0x1;
	s23 =	sshra.s32 s1, $0x2;
	v53 =	vld [tilespmem:s29+$0xAF00];
	s9 =	spop (v2sf)  }
0x6c2: {  	s2 =	sshll.u32 s26, $0x8;
	v2 =	vadd.bf16 v9, v2;
	v9 =	vld [tilespmem:s23+$0x0];
	v12 =	vadd.bf16 v15, v12;
	s8 =	spop (v2sf)  }
0x6c3: {  	(v2sf) =	vpush v4, $0x7;
	v7 =	vadd.bf16 v7, v13;
	s30 =	sshra.s32 s2, $0x2;
	v14 =	vld [tilespmem:s8+$0xC800];
	s24 =	spop (v2sf)  }
0x6c4: {  	(v2sf) =	vpush v4, $0x6;
	v15 =	vld [tilespmem:s30+$0x0];
	v2 =	vadd.bf16 v12, v2;
	s1 =	spop (v2sf)  }
0x6c5: {  	v8 =	vadd.bf16 v11, v8;
	(v2sf) =	vpush v4, $0x5;
	v12 =	vld [tilespmem:s1+$0x4B00];
	s2 =	spop (v2sf)  }
0x6c6: {  	(v2sf) =	vpush v4, $0x4;
	v7 =	vadd.bf16 v2, v7;
	[smem:$0x76B] =	sst s2;
	v11 =	vld [tilespmem:s2+$0x3200];
	s2 =	spop (v2sf)  }
0x6c7: {  	v2 =	vadd.bf16 v8, v10;
	v8 =	vld [tilespmem:s24+$0x6400];
	(v2sf) =	vpush v4, $0x3;
	s7 =	spop (v2sf)  }
0x6c8: {  	v10 =	vld [tilespmem:s9+$0x7D00];
	(v2sf) =	vpush v4, $0x2;
	v7 =	vadd.bf16 v7, v14;
	s11 =	spop (v2sf)  }
0x6c9: {  	v13 =	vld [tilespmem:s2+$0x1900];
	(v2sf) =	vpush v4, $0x1;
	s3 =	spop (v2sf)  }
0x6ca: {  	s6 =	sadd.s32 $0x200, s6;
	(v2sf) =	vpush v6, $0x8;
	v6 =	vld [tilespmem:s19+$0x9600];
	v14 =	vunpack.i.l.bf16.f32 v7;
	s25 =	spop (v2sf)  }
0x6cb: {  	[dreg:$0x19] =	wrdreg s30;
	v20 =	vld [tilespmem:s11+$0x9600];
	v7 =	vunpack.i.u.bf16.f32 v7;
	[tilespmem:s6+$0x80] =	vst v14;
	s30 =	spop (v2sf)  }
0x6cc: {  	(v2sf) =	vpush v5, $0x8;
	v5 =	vadd.bf16 v12, v11;
	[tilespmem:s6+$0x90] =	vst v7;
	v12 =	vld [tilespmem:s30+$0x4B00]  }
0x6cd: {  	v7 =	vld [tilespmem:s10+$0x10]  }
0x6ce: {  	v8 =	vadd.bf16 v10, v8;
	v10 =	vld [tilespmem:s15+$0x3210]  }
0x6cf: {  	(v2sf) =	vpush v4, $0x8;
	v4 =	vadd.bf16 v13, v54;
	v13 =	vld [tilespmem:s16+$0x4B10]  }
0x6d0: {  	v14 =	vld [tilespmem:s18+$0x7D10];
	v6 =	vadd.bf16 v53, v6  }
0x6d1: {  	v55 =	vld [tilespmem:s20+$0xAF10]  }
0x6d2: {  	v4 =	vadd.bf16 v5, v4;
	v5 =	vld [tilespmem:s14+$0x1910];
	v6 =	vadd.bf16 v6, v8  }
0x6d3: {  	s28 =	spop (v2sf);
	v8 =	vld [tilespmem:s17+$0x6410]  }
0x6d4: {  	[smem:$0x76D] =	sst s30;
	s30 =	spop (v2sf);
	v4 =	vadd.bf16 v6, v4;
	v6 =	vld [tilespmem:s22+$0x9610]  }
0x6d5: {  	s12 =	spop (v2sf);
	v56 =	vld [tilespmem:s30+$0x1900]  }
0x6d6: {  	v57 =	vld [tilespmem:s28+$0x3200];
	s26 =	spop (v2sf)  }
0x6d7: {  	[dreg:$0x9] =	wrdreg s13;
	v58 =	vld [tilespmem:s3+$0x7D00];
	s13 =	spop (v2sf)  }
0x6d8: {  	[smem:$0x775] =	sst s4;
	s4 =	smov.u32 s31;
	v11 =	vld [tilespmem:s25+$0x6400];
	v5 =	vadd.bf16 v5, v7;
	v7 =	vadd.bf16 v13, v10;
	s21 =	spop (v2sf)  }
0x6d9: {  	[dreg:$0x3] =	wrdreg s4;
	v10 =	vld [tilespmem:s7+$0xAF00];
	s4 =	spop (v2sf);
	v8 =	vadd.bf16 v14, v8;
	v6 =	vadd.bf16 v55, v6  }
0x6da: {  	v9 =	vadd.bf16 v56, v9;
	v13 =	vld [tilespmem:s8+$0xC810];
	v5 =	vadd.bf16 v7, v5;
	s0 =	spop (v2sf)  }
0x6db: {  	[smem:$0x76C] =	sst s1;
	v7 =	vadd.bf16 v12, v57;
	v12 =	vld [tilespmem:s4+$0x4B00];
	s1 =	spop (v2sf);
	v6 =	vadd.bf16 v6, v8  }
0x6dc: {  	v14 =	vld [tilespmem:s1+$0x1900]  }
0x6dd: {  	v7 =	vadd.bf16 v7, v9;
	v9 =	vld [tilespmem:s21+$0x6400];
	v5 =	vadd.bf16 v6, v5  }
0x6de: {  	v8 =	vadd.bf16 v58, v11;
	v11 =	vld [tilespmem:s0+$0x3200]  }
0x6df: {  	s31 =	spop (v2sf);
	v6 =	vadd.bf16 v10, v20;
	v10 =	vld [tilespmem:s13+$0x7D00];
	v5 =	vadd.bf16 v5, v13  }
0x6e0: {  	v59 =	vld [tilespmem:s31+$0xC800]  }
0x6e1: {  	v6 =	vadd.bf16 v6, v8;
	v8 =	vld [tilespmem:s26+$0x9600];
	v13 =	vadd.bf16 v14, v15;
	v15 =	vunpack.i.l.bf16.f32 v5  }
0x6e2: {  	[dreg:$0x1f] =	wrdreg s3;
	s3 =	spop (v2sf);
	v14 =	vld [tilespmem:s12+$0xAF00];
	v5 =	vunpack.i.u.bf16.f32 v5;
	[tilespmem:s6+$0xA0] =	vst v15  }
0x6e3: {  	v6 =	vadd.bf16 v6, v7;
	v7 =	vadd.bf16 v12, v11;
	v11 =	vld [tilespmem:s3+$0xC800];
	[tilespmem:s6+$0xB0] =	vst v5  }
0x6e4: {  	v5 =	vadd.bf16 v10, v9;
	v9 =	vld [tilespmem:s10+$0x20]  }
0x6e5: {  	v10 =	vld [tilespmem:s14+$0x1920]  }
0x6e6: {  	v4 =	vadd.bf16 v4, v59;
	v12 =	vld [tilespmem:s15+$0x3220]  }
0x6e7: {  	v7 =	vadd.bf16 v7, v13;
	v13 =	vld [tilespmem:s16+$0x4B20];
	v8 =	vadd.bf16 v14, v8  }
0x6e8: {  	v14 =	vld [tilespmem:s18+$0x7D20]  }
0x6e9: {  	v6 =	vadd.bf16 v6, v11;
	v5 =	vadd.bf16 v8, v5;
	v8 =	vld [tilespmem:s17+$0x6420];
	v11 =	vunpack.i.u.bf16.f32 v4  }
0x6ea: {  	[dreg:$0x1b] =	wrdreg s7;
	v4 =	vunpack.i.l.bf16.f32 v4;
	[tilespmem:s6+$0xFFFFFF10] =	vst v11;
	v11 =	vld [tilespmem:s20+$0xAF20]  }
0x6eb: {  	[smem:$0x76E] =	sst s11;
	[tilespmem:s6+$0xFFFFFF00] =	vst v4;
	v5 =	vadd.bf16 v5, v7;
	v7 =	vld [tilespmem:s22+$0x9620]  }
0x6ec: {  	s11 =	sld [smem:$0x76C];
	s7 =	spop (v2sf);
	v4 =	vunpack.i.u.bf16.f32 v6;
	v6 =	vunpack.i.l.bf16.f32 v6;
	v15 =	vld [tilespmem:s5+$0x10]  }
0x6ed: {  	[smem:$0x788] =	sst s2;
	[tilespmem:s6+$0xFFFFFF80] =	vst v6;
	v6 =	vld [tilespmem:s7+$0xC800]  }
0x6ee: {  	[tilespmem:s6+$0xFFFFFF90] =	vst v4;
	v4 =	vld [tilespmem:s2+$0x1910];
	s2 =	sld [smem:$0x76B]  }
0x6ef: {  	v9 =	vadd.bf16 v10, v9;
	v10 =	vadd.bf16 v13, v12;
	v12 =	vld [tilespmem:s11+$0x4B10]  }
0x6f0: {  	v13 =	vld [tilespmem:s19+$0x9610]  }
0x6f1: {  	v8 =	vadd.bf16 v14, v8;
	v60 =	vld [tilespmem:s2+$0x3210];
	v7 =	vadd.bf16 v11, v7  }
0x6f2: {  	v5 =	vadd.bf16 v5, v6;
	v6 =	vld [tilespmem:s8+$0xC820]  }
0x6f3: {  	[smem:$0x76F] =	sst s12;
	v9 =	vadd.bf16 v10, v9;
	v11 =	vld [tilespmem:s24+$0x6410];
	v7 =	vadd.bf16 v7, v8  }
0x6f4: {  	s12 =	sld [smem:$0x76D];
	v8 =	vld [tilespmem:s9+$0x7D10];
	v10 =	vunpack.i.u.bf16.f32 v5;
	v5 =	vunpack.i.l.bf16.f32 v5  }
0x6f5: {  	[tilespmem:s6+$0x0] =	vst v5;
	v5 =	vadd.bf16 v7, v9;
	v7 =	vld [tilespmem:s29+$0xAF10]  }
0x6f6: {  	v4 =	vadd.bf16 v4, v15;
	[tilespmem:s6+$0x10] =	vst v10;
	v10 =	vld [tilespmem:s23+$0x10]  }
0x6f7: {  	[smem:$0x776] =	sst s30;
	v9 =	vadd.bf16 v12, v60;
	v12 =	vld [tilespmem:s12+$0x4B10];
	v5 =	vadd.bf16 v5, v6  }
0x6f8: {  	v6 =	vld [tilespmem:s30+$0x1910];
	s30 =	sld [smem:$0x76E]  }
0x6f9: {  	v4 =	vadd.bf16 v9, v4;
	v9 =	vld [tilespmem:s28+$0x3210];
	v8 =	vadd.bf16 v8, v11;
	v11 =	vunpack.i.l.bf16.f32 v5  }
0x6fa: {  	v5 =	vunpack.i.u.bf16.f32 v5;
	[tilespmem:s6+$0xC0] =	vst v11;
	v11 =	vld [tilespmem:s25+$0x6410]  }
0x6fb: {  	[tilespmem:s6+$0xD0] =	vst v5;
	v61 =	vld [tilespmem:s30+$0x9610]  }
0x6fc: {  	v5 =	vld [tilespmem:s10+$0x30]  }
0x6fd: {  	v7 =	vadd.bf16 v7, v13;
	v13 =	vld [tilespmem:s22+$0x9630]  }
0x6fe: {  	v14 =	vld [tilespmem:s20+$0xAF30]  }
0x6ff: {  	v7 =	vadd.bf16 v7, v8;
	v8 =	vld [tilespmem:s14+$0x1930]  }
0x700: {  	v6 =	vadd.bf16 v6, v10;
	v10 =	vld [tilespmem:s15+$0x3230]  }
0x701: {  	v4 =	vadd.bf16 v7, v4;
	v7 =	vadd.bf16 v12, v9;
	v9 =	vld [tilespmem:s16+$0x4B30]  }
0x702: {  	v12 =	vld [tilespmem:s17+$0x6430]  }
0x703: {  	s20 =	rddreg [dreg:$0x1f];
	v6 =	vadd.bf16 v7, v6;
	v7 =	vld [tilespmem:s18+$0x7D30]  }
0x704: {  	v15 =	vld [tilespmem:s20+$0x7D10];
	s17 =	rddreg [dreg:$0x1b]  }
0x705: {  	s14 =	rddreg [dreg:$0x19];
	v62 =	vld [tilespmem:s17+$0xAF10]  }
0x706: {  	v63 =	vld [tilespmem:s14+$0x10]  }
0x707: {  	v5 =	vadd.bf16 v8, v5;
	v8 =	vadd.bf16 v9, v10;
	v9 =	vld [tilespmem:s1+$0x1910]  }
0x708: {  	v10 =	vadd.bf16 v14, v13;
	v13 =	vld [tilespmem:s0+$0x3210];
	v7 =	vadd.bf16 v7, v12  }
0x709: {  	v11 =	vadd.bf16 v15, v11;
	v12 =	vld [tilespmem:s8+$0xC830];
	v5 =	vadd.bf16 v8, v5  }
0x70a: {  	v14 =	vld [tilespmem:s21+$0x6410];
	v8 =	vadd.bf16 v62, v61;
	v7 =	vadd.bf16 v10, v7  }
0x70b: {  	s8 =	sld [smem:$0x76F];
	v10 =	vld [tilespmem:s4+$0x4B10]  }
0x70c: {  	[smem:$0x770] =	sst s3;
	v5 =	vadd.bf16 v7, v5;
	v7 =	vadd.bf16 v8, v11;
	v8 =	vld [tilespmem:s13+$0x7D10]  }
0x70d: {  	s3 =	sld [smem:$0x770];
	v11 =	vld [tilespmem:s26+$0x9610]  }
0x70e: {  	v5 =	vadd.bf16 v5, v12;
	v6 =	vadd.bf16 v7, v6;
	v7 =	vld [tilespmem:s8+$0xAF10]  }
0x70f: {  	s22 =	sld [smem:$0x771];
	v12 =	vld [tilespmem:s31+$0xC810]  }
0x710: {  	s10 =	smov.u32 s5;
	s5 =	sld [smem:$0x774];
	v15 =	vld [tilespmem:s3+$0xC810];
	v10 =	vadd.bf16 v10, v13;
	v13 =	vunpack.i.u.bf16.f32 v5  }
0x711: {  	s16 =	rddreg [dreg:$0x1c];
	v9 =	vadd.bf16 v9, v63;
	v5 =	vunpack.i.l.bf16.f32 v5;
	[tilespmem:s6+$0xF0] =	vst v13;
	v13 =	vld [tilespmem:s7+$0xC810]  }
0x712: {  	[tilespmem:s6+$0xE0] =	vst v5;
	v5 =	vld [tilespmem:s16+$0x1930];
	s16 =	smov.u32 s1;
	s1 =	sld [smem:$0x772]  }
0x713: {  	v8 =	vadd.bf16 v8, v14;
	v9 =	vadd.bf16 v10, v9;
	v10 =	vld [tilespmem:s22+$0x3230];
	s22 =	smov.u32 s4;
	s4 =	sld [smem:$0x773]  }
0x714: {  	v14 =	vld [tilespmem:s5+$0x7D30];
	v7 =	vadd.bf16 v7, v11;
	v4 =	vadd.bf16 v4, v12  }
0x715: {  	s15 =	smov.u32 s21;
	s21 =	smov.u32 s30;
	s30 =	sld [smem:$0x775];
	v11 =	vld [tilespmem:s1+$0x4B30]  }
0x716: {  	s18 =	smov.u32 s31;
	s31 =	smov.u32 s0;
	s0 =	rddreg [dreg:$0x1d];
	v6 =	vadd.bf16 v6, v15;
	v7 =	vadd.bf16 v7, v8;
	v8 =	vld [tilespmem:s4+$0x6430];
	v12 =	vunpack.i.u.bf16.f32 v4  }
0x717: {  	v4 =	vunpack.i.l.bf16.f32 v4;
	[tilespmem:s6+$0xFFFFFF30] =	vst v12;
	v12 =	vld [tilespmem:s0+$0xAF30]  }
0x718: {  	s5 =	sld [smem:$0x788];
	[tilespmem:s6+$0xFFFFFF20] =	vst v4;
	v4 =	vunpack.i.u.bf16.f32 v6;
	v6 =	vunpack.i.l.bf16.f32 v6;
	v7 =	vadd.bf16 v7, v9;
	v9 =	vld [tilespmem:s30+$0x9630]  }
0x719: {  	v3 =	vadd.bf16 v5, v3;
	v5 =	vld [tilespmem:s10+$0x20];
	[tilespmem:s6+$0xFFFFFFA0] =	vst v6  }
0x71a: {  	[tilespmem:s6+$0xFFFFFFB0] =	vst v4;
	v4 =	vld [tilespmem:s2+$0x3220];
	v6 =	vadd.bf16 v7, v13  }
0x71b: {  	v7 =	vadd.bf16 v11, v10;
	v10 =	vld [tilespmem:s5+$0x1920]  }
0x71c: {  	v13 =	vld [tilespmem:s11+$0x4B20];
	v11 =	vunpack.i.u.bf16.f32 v6;
	v6 =	vunpack.i.l.bf16.f32 v6  }
0x71d: {  	[tilespmem:s6+$0x20] =	vst v6;
	v6 =	vld [tilespmem:s24+$0x6420]  }
0x71e: {  	v3 =	vadd.bf16 v7, v3;
	v7 =	vadd.bf16 v12, v9;
	v9 =	vld [tilespmem:s9+$0x7D20]  }
0x71f: {  	s0 =	smov.u32 s20;
	[tilespmem:s6+$0x30] =	vst v11;
	v11 =	vld [tilespmem:s19+$0x9620]  }
0x720: {  	[smem:$0x789] =	sst s23;
	v8 =	vadd.bf16 v14, v8;
	v12 =	vld [tilespmem:s0+$0x7D20]  }
0x721: {  	s4 =	smov.u32 s13;
	s13 =	smov.u32 s29;
	v5 =	vadd.bf16 v10, v5;
	v10 =	vld [tilespmem:s23+$0x20];
	s23 =	sld [smem:$0x776]  }
0x722: {  	v7 =	vadd.bf16 v7, v8;
	v8 =	vld [tilespmem:s13+$0xAF20]  }
0x723: {  	v14 =	vld [tilespmem:s31+$0x3220];
	v4 =	vadd.bf16 v13, v4  }
0x724: {  	s30 =	smov.u32 s26;
	s26 =	smov.u32 s28;
	v3 =	vadd.bf16 v7, v3;
	v7 =	vld [tilespmem:s23+$0x1920]  }
0x725: {  	v4 =	vadd.bf16 v4, v5;
	v5 =	vld [tilespmem:s26+$0x3220]  }
0x726: {  	v6 =	vadd.bf16 v9, v6;
	v9 =	vld [tilespmem:s12+$0x4B20]  }
0x727: {  	v13 =	vld [tilespmem:s21+$0x9620];
	v8 =	vadd.bf16 v8, v11  }
0x728: {  	v11 =	vld [tilespmem:s25+$0x6420]  }
0x729: {  	v6 =	vadd.bf16 v8, v6;
	v7 =	vadd.bf16 v7, v10;
	v10 =	vld [tilespmem:s17+$0xAF20]  }
0x72a: {  	[dreg:$0x1e] =	wrdreg s25;
	v15 =	vld [tilespmem:s22+$0x4B20]  }
0x72b: {  	[smem:$0x787] =	sst s10;
	v8 =	vadd.bf16 v6, v4;
	v4 =	vadd.bf16 v9, v5;
	v5 =	vld [tilespmem:s14+$0x20]  }
0x72c: {  	[dreg:$0x1c] =	wrdreg s16;
	s1 =	smov.u32 s7;
	v6 =	vld [tilespmem:s16+$0x1920]  }
0x72d: {  	s29 =	rddreg [dreg:$0xe];
	s7 =	smov.u32 s1;
	s20 =	smov.u32 s2;
	v9 =	vadd.bf16 v12, v11  }
0x72e: {  	s28 =	smov.u32 s8;
	s10 =	smov.u32 s24;
	s2 =	smov.u32 s19;
	v11 =	vadd.bf16 v4, v7;
	v4 =	vadd.bf16 v10, v13;
	v10 =	vld [tilespmem:s15+$0x6420]  }
0x72f: {  	[dreg:$0x1d] =	wrdreg s28;
	s5 =	smov.u32 s11;
	s11 =	smov.u32 s9;
	v13 =	vld [tilespmem:s4+$0x7D20]  }
.Ltmp11:
0x730: {  	s24 =	smov.u32 s13;
	s19 =	smov.u32 s26;
	v14 =	vadd.bf16 v15, v14;
	v12 =	vld [tilespmem:s18+$0xC820];
	(pc) =	sbr.rel @p1 .LBB2_19-.Ltmp11, $4  }
0x731: {  	s13 =	smov.u32 s4;
	s4 =	smov.u32 s30;
	v5 =	vadd.bf16 v6, v5;
	v9 =	vadd.bf16 v4, v9;
	v4 =	vld [tilespmem:s30+$0x9620];
	s30 =	sld [smem:$0x777]  }
0x732: {  	s9 =	smov.u32 s3;
	s26 =	smov.u32 s12;
	s8 =	smov.u32 s23;
	v7 =	vld [tilespmem:s28+$0xAF20]  }
0x733: {  	s23 =	smov.u32 s21;
	s17 =	smov.u32 s31;
	s31 =	smov.u32 s18;
	v6 =	vld [tilespmem:s1+$0xC820];
	v5 =	vadd.bf16 v14, v5  }
0x734: {  	s16 =	smov.u32 s22;
	s14 =	smov.u32 s15;
	v9 =	vadd.bf16 v9, v11;
	v11 =	vld [tilespmem:s3+$0xC820];
	v10 =	vadd.bf16 v13, v10;
	s0 =	sadd.s32 $0x24, s30  }
0x735: {  	v8 =	vadd.bf16 v8, v12;
	_ =	sdelay $0x1  }
0x736: {  	s0 =	rddreg [dreg:$0x3];
	v13 =	vunpack.i.l.bf16.f32 v8  }
0x737: {  	s1 =	rddreg [dreg:$0x9];
	v40 =	vld [tilespmem:s0+$0xC830];
	[tilespmem:s6+$0xFFFFFF40] =	vst v13  }
0x738: {  	v14 =	vld [tilespmem:s1+$0xC830];
	v8 =	vunpack.i.u.bf16.f32 v8;
	s3 =	rddreg [dreg:$0x8]  }
0x739: {  	[tilespmem:s6+$0xFFFFFF50] =	vst v8;
	v41 =	vld [tilespmem:s3+$0xC830]  }
0x73a: {  	v16 =	vld [tilespmem:s20+$0x3230]  }
0x73b: {  	v17 =	vld [tilespmem:s5+$0x4B30]  }
0x73c: {  	v42 =	vld [tilespmem:s10+$0x6430]  }
0x73d: {  	v18 =	vld [tilespmem:s11+$0x7D30]  }
0x73e: {  	v9 =	vadd.bf16 v9, v11;
	s12 =	sld [smem:$0x787];
	v19 =	vld [tilespmem:s2+$0x9630]  }
0x73f: {  	s15 =	sld [smem:$0x788];
	v45 =	vld [tilespmem:s24+$0xAF30]  }
0x740: {  	v4 =	vadd.bf16 v7, v4;
	v56 =	vld [tilespmem:s31+$0xC830];
	v43 =	vunpack.i.u.bf16.f32 v9  }
0x741: {  	v44 =	vunpack.i.l.bf16.f32 v9;
	[tilespmem:s6+$0xFFFFFFD0] =	vst v43;
	v8 =	vld [tilespmem:s12+$0x30]  }
0x742: {  	v4 =	vadd.bf16 v4, v10;
	[tilespmem:s6+$0xFFFFFFC0] =	vst v44;
	v15 =	vld [tilespmem:s15+$0x1930]  }
0x743: {  	v46 =	vld [tilespmem:s8+$0x1930]  }
0x744: {  	v4 =	vadd.bf16 v4, v5;
	v47 =	vld [tilespmem:s19+$0x3230]  }
0x745: {  	v20 =	vld [tilespmem:s26+$0x4B30]  }
0x746: {  	s18 =	sld [smem:$0x789];
	v4 =	vadd.bf16 v4, v6;
	v23 =	vld [tilespmem:s23+$0x9630]  }
0x747: {  	s20 =	rddreg [dreg:$0x1e];
	v58 =	vld [tilespmem:s9+$0xC830]  }
0x748: {  	s21 =	rddreg [dreg:$0x1f];
	v48 =	vld [tilespmem:s20+$0x6430];
	v22 =	vunpack.i.l.bf16.f32 v4  }
0x749: {  	v21 =	vld [tilespmem:s21+$0x7D30];
	[tilespmem:s6+$0x40] =	vst v22  }
0x74a: {  	v4 =	vunpack.i.u.bf16.f32 v4;
	v7 =	vld [tilespmem:s18+$0x30];
	s22 =	rddreg [dreg:$0x1b]  }
0x74b: {  	[tilespmem:s6+$0x50] =	vst v4;
	v49 =	vld [tilespmem:s22+$0xAF30]  }
0x74c: {  	v25 =	vld [tilespmem:s17+$0x3230]  }
0x74d: {  	v1 =	vadd.bf16 v1, v40;
	v2 =	vadd.bf16 v2, v14;
	v26 =	vld [tilespmem:s16+$0x4B30]  }
0x74e: {  	v11 =	vadd.bf16 v18, v42;
	v9 =	vadd.bf16 v45, v19;
	v50 =	vld [tilespmem:s14+$0x6430]  }
0x74f: {  	v51 =	vadd.bf16 v17, v16;
	s23 =	rddreg [dreg:$0x19];
	v8 =	vadd.bf16 v15, v8;
	v52 =	vld [tilespmem:s13+$0x7D30]  }
0x750: {  	v9 =	vadd.bf16 v9, v11;
	s24 =	rddreg [dreg:$0x1c];
	v53 =	vld [tilespmem:s4+$0x9630];
	v5 =	vadd.bf16 v20, v47  }
0x751: {  	s25 =	rddreg [dreg:$0x1d];
	v4 =	vld [tilespmem:s23+$0x30];
	v6 =	vadd.bf16 v21, v48;
	v8 =	vadd.bf16 v51, v8  }
0x752: {  	v57 =	vunpack.i.u.bf16.f32 v1;
	s26 =	rddreg [dreg:$0x1a];
	v24 =	vld [tilespmem:s24+$0x1930];
	v7 =	vadd.bf16 v46, v7;
	v55 =	vadd.bf16 v49, v23  }
0x753: {  	v1 =	vunpack.i.l.bf16.f32 v1;
	v3 =	vadd.bf16 v3, v41;
	v54 =	vld [tilespmem:s25+$0xAF30];
	[tilespmem:s26+$0xFFFFFF70] =	vst v57;
	v8 =	vadd.bf16 v9, v8  }
0x754: {  	v60 =	vunpack.i.l.bf16.f32 v2;
	[tilespmem:s26+$0xFFFFFF60] =	vst v1;
	v5 =	vadd.bf16 v5, v7;
	v6 =	vadd.bf16 v55, v6  }
0x755: {  	v2 =	vunpack.i.u.bf16.f32 v2;
	[tilespmem:s26+$0xFFFFFFE0] =	vst v60;
	v59 =	vadd.bf16 v26, v25  }
0x756: {  	[tilespmem:s26+$0xFFFFFFF0] =	vst v2;
	v2 =	vunpack.i.l.bf16.f32 v3;
	v62 =	vadd.bf16 v8, v56;
	v5 =	vadd.bf16 v6, v5  }
0x757: {  	v3 =	vunpack.i.u.bf16.f32 v3;
	[tilespmem:s26+$0x60] =	vst v2;
	v1 =	vadd.bf16 v52, v50;
	v4 =	vadd.bf16 v24, v4  }
0x758: {  	[tilespmem:s26+$0x70] =	vst v3;
	v10 =	vadd.bf16 v54, v53;
	v3 =	vunpack.i.u.bf16.f32 v62;
	v2 =	vadd.bf16 v5, v58  }
0x759: {  	v61 =	vld [tilespmem:s7+$0xC830];
	v63 =	vunpack.i.l.bf16.f32 v62;
	[tilespmem:s6+$0xFFFFFF70] =	vst v3  }
0x75a: {  	v4 =	vadd.bf16 v59, v4;
	v1 =	vadd.bf16 v10, v1;
	[tilespmem:s6+$0xFFFFFF60] =	vst v63;
	v3 =	vunpack.i.l.bf16.f32 v2  }
0x75b: {  	v2 =	vunpack.i.u.bf16.f32 v2;
	[tilespmem:s6+$0xFFFFFFE0] =	vst v3  }
0x75c: {  	v1 =	vadd.bf16 v1, v4;
	s0 =	sld [smem:$0x78A];
	[tilespmem:s6+$0xFFFFFFF0] =	vst v2  }
0x75d: {  	s1 =	sld [smem:$0x7FC]  }
0x75e: {  	v1 =	vadd.bf16 v1, v61  }
0x75f: {  	s0 =	sshll.u32 s0, $0xC  }
0x760: {  	s28 =	rddreg [dreg:$0x1];
	v2 =	vunpack.i.l.bf16.f32 v1;
	s0 =	sadd.s32 s1, s0  }
0x761: {  	s29 =	simm.s32 $0x0;
	s30 =	simm.s32 $0x1BE00;
	v1 =	vunpack.i.u.bf16.f32 v1;
	[tilespmem:s6+$0x60] =	vst v2;
	s0 =	sshrl.u32 s0, $0x3  }
.Ltmp12:
0x762: {  	s31 =	simm.s32 $0x5;
	[tilespmem:s6+$0x70] =	vst v1;
	s0 =	sadd.s32 s28, s0;
	(pc) =	sbr.rel .LBB2_21-.Ltmp12, $4  }
0x763: {  	[hbm4b:s0+s29] =	stream.linear.scatter [tilespmem:s30], [sflag:$0x5], $0x1000, $0x38;
	[tilespmem:$0x1DE00] =	vst v63  }
0x764: {  	_ =	swait.ge [sflag:s31], $0x1000  }
0x765: {  	[sflag:s31] =	ssyncset.done $0x0  }
0x766: {  	s4 =	sld [smem:$0x7E4];
	[sflag:s31] =	ssyncadd.s32 $0xFFFFF000  }
.LBB2_2:
0x767: {  	s9 =	simm.s32 $0x98  }
0x768: {  	s3 =	simm.s32 $0x3;
	s1 =	simm.s32 $0x95;
	s7 =	simm.s32 $0xE100  }
.Ltmp13:
0x769: {  	s23 =	simm.s32 $0x6;
	[smem:$0x7DF] =	sst s1;
	(pc) =	sbr.rel .LBB2_11-.Ltmp13, $4  }
0x76a: {  	s31 =	simm.s32 $0x5;
	s24 =	simm.s32 $0x8;
	[smem:$0x7E0] =	sst s23  }
0x76b: {  	s2 =	simm.s32 $0x10;
	s25 =	simm.s32 $0x97;
	[smem:$0x7E1] =	sst s24  }
0x76c: {  	s10 =	simm.s32 $0x4;
	s26 =	simm.s32 $0x5;
	[smem:$0x7E2] =	sst s25  }
0x76d: {  	v2 =	vmov v1;
	s8 =	simm.s32 $0x7;
	s11 =	simm.s32 $0x95;
	[smem:$0x7E3] =	sst s26  }
.LBB2_4:
0x76e: {  	s30 =	simm.s32 $0xE100;
	s1 =	simm.s32 $0x98;
	s9 =	simm.s32 $0x1B8  }
0x76f: {  	s3 =	simm.s32 $0x123;
	s18 =	simm.s32 $0x95;
	[smem:$0x7DA] =	sst s1  }
0x770: {  	s7 =	simm.s32 $0xE120;
	s19 =	simm.s32 $0x6;
	[smem:$0x7DF] =	sst s18  }
0x771: {  	s31 =	simm.s32 $0x125;
	s20 =	simm.s32 $0x126;
	[smem:$0x7DB] =	sst s19  }
0x772: {  	s21 =	simm.s32 $0x8;
	s24 =	simm.s32 $0x128;
	[smem:$0x7E0] =	sst s20  }
0x773: {  	s2 =	simm.s32 $0x10;
	s29 =	smov.u32 s23;
	[smem:$0x7DC] =	sst s21  }
.Ltmp14:
0x774: {  	s4 =	simm.s32 $0x97;
	[smem:$0x7E1] =	sst s24;
	(pc) =	sbr.rel .LBB2_11-.Ltmp14, $4  }
0x775: {  	s25 =	simm.s32 $0x1B7;
	s10 =	simm.s32 $0x124;
	[smem:$0x7DD] =	sst s4  }
0x776: {  	s5 =	simm.s32 $0x7;
	s26 =	simm.s32 $0x5;
	[smem:$0x7E2] =	sst s25  }
0x777: {  	s8 =	simm.s32 $0x127;
	s11 =	simm.s32 $0x1B5;
	[smem:$0x7DE] =	sst s5  }
0x778: {  	v16 =	vmov v1;
	v2 =	vmov v5;
	s1 =	smov.u32 s17;
	[smem:$0x7E3] =	sst s26;
	s21 =	simm.s32 $0x3  }
.LBB2_6:
0x779: {  	[smem:$0x7D6] =	sst s23  }
0x77a: {  	s0 =	simm.s32 $0x1B8;
	[smem:$0x7D7] =	sst s17  }
0x77b: {  	s4 =	simm.s32 $0x125;
	[smem:$0x7DA] =	sst s0  }
0x77c: {  	s5 =	simm.s32 $0x126;
	[smem:$0x7E3] =	sst s4  }
0x77d: {  	s6 =	simm.s32 $0x128;
	[smem:$0x7DB] =	sst s5  }
0x77e: {  	s30 =	simm.s32 $0xE120;
	s12 =	simm.s32 $0x1B7;
	[smem:$0x7DC] =	sst s6  }
0x77f: {  	s21 =	simm.s32 $0x123;
	s13 =	simm.s32 $0x1B5;
	[smem:$0x7DD] =	sst s12  }
0x780: {  	s15 =	simm.s32 $0x6;
	s5 =	simm.s32 $0x127;
	[smem:$0x7DF] =	sst s13  }
.Ltmp15:
0x781: {  	s12 =	simm.s32 $0x98;
	[smem:$0x7DE] =	sst s5;
	(pc) =	sbr.rel .LBB2_11-.Ltmp15, $4  }
0x782: {  	s28 =	simm.s32 $0x8;
	s13 =	simm.s32 $0x248;
	[smem:$0x7D8] =	sst s12  }
0x783: {  	s24 =	simm.s32 $0xE100;
	[smem:$0x7E1] =	sst s13;
	s12 =	simm.s32 $0x246  }
0x784: {  	s4 =	simm.s32 $0x97;
	s13 =	simm.s32 $0x2D7;
	[smem:$0x7E0] =	sst s12  }
0x785: {  	v15 =	vmovc v4;
	v17 =	vmov v1;
	v16 =	vmov v5;
	s0 =	simm.s32 $0x124;
	s6 =	simm.s32 $0x7;
	v12 =	vmov v3;
	[smem:$0x7E2] =	sst s13  }
.LBB2_8:
0x786: {  	s0 =	simm.s32 $0x1B8  }
0x787: {  	s30 =	simm.s32 $0xE140;
	s21 =	simm.s32 $0x243;
	[smem:$0x7D6] =	sst s29  }
0x788: {  	s16 =	simm.s32 $0x2D8;
	s9 =	simm.s32 $0x3F8;
	[smem:$0x7D7] =	sst s1  }
0x789: {  	s3 =	simm.s32 $0x363;
	s17 =	simm.s32 $0x245;
	[smem:$0x7D8] =	sst s0  }
0x78a: {  	s7 =	simm.s32 $0xE160;
	s31 =	simm.s32 $0x365;
	[smem:$0x7DA] =	sst s16  }
0x78b: {  	s18 =	simm.s32 $0x246;
	s19 =	simm.s32 $0x366;
	[smem:$0x7E3] =	sst s17  }
0x78c: {  	s20 =	simm.s32 $0x248;
	s23 =	simm.s32 $0x368;
	[smem:$0x7DB] =	sst s18  }
0x78d: {  	s24 =	simm.s32 $0x2D7;
	s25 =	simm.s32 $0x3F7;
	[smem:$0x7E0] =	sst s19  }
0x78e: {  	s10 =	simm.s32 $0x364;
	s26 =	simm.s32 $0x247;
	[smem:$0x7DC] =	sst s20  }
0x78f: {  	s1 =	smov.u32 s22;
	s29 =	smov.u32 s8;
	[smem:$0x7E1] =	sst s23  }
0x790: {  	s8 =	simm.s32 $0x367;
	s2 =	simm.s32 $0x2D5;
	[smem:$0x7DD] =	sst s24  }
0x791: {  	s11 =	simm.s32 $0x3F5;
	s14 =	simm.s32 $0x14F80;
	[smem:$0x7E2] =	sst s25  }
0x792: {  	s22 =	simm.s32 $0x10;
	s28 =	simm.s32 $0x128;
	[smem:$0x7DE] =	sst s26  }
.Ltmp16:
0x793: {  	s6 =	simm.s32 $0x127;
	[smem:$0x7DF] =	sst s2;
	(pc) =	sbr.rel .LBB2_11-.Ltmp16, $4  }
0x794: {  	s4 =	simm.s32 $0x1B7;
	s0 =	simm.s32 $0x244;
	s16 =	sld [smem:$0x7E5]  }
0x795: {  	s18 =	simm.s32 $0x98;
	s19 =	simm.s32 $0x8;
	s20 =	simm.s32 $0xE100  }
0x796: {  	s23 =	sld [smem:$0x7D1];
	s25 =	simm.s32 $0x7;
	s26 =	simm.s32 $0x97  }
0x797: {  	v16 =	vmov v2;
	v17 =	vmov v5;
	v2 =	vmov v18;
	s17 =	sld [smem:$0x7D2];
	s24 =	simm.s32 $0xE120;
	s2 =	simm.s32 $0x50  }
.LBB2_22:
0x798: {  	_ =	sfence.sel $0x180000  }
0x799: {  	[bflag:$0x0] =	sbarrier.arrive $0xFFFF  }
0x79a: {  	_ =	strace $0x90000047  }
0x79b: {  	s0 =	stileid.u32;
	[bflag:$0x2] =	sbarrier.arrive $0xFFFF  }
0x79c: {  	p0 =	sne.s32 s0, $0x0;
	s0 =	rddreg [dreg:$0x2]  }
0x79d: {  	s0 =	sadd.s32 @!p0 $0x100000, s0  }
0x79e: {  	[sflag:s0] =	ssyncadd.tile.s32 @!p0 $0x1;
	_ =	shalt  }
.Lfunc_end2:
_tile_overlayer_lowered:
.L_overlay_start_2:
0x79f: {  	(tag) =	ssettag $0x2  }
0x7a0: {  	s0 =	rddreg [dreg:$0x0];
	s2 =	stileid.u32  }
0x7a1: {  	s1 =	rddreg [dreg:$0x1];
	p0 =	sne.s32 s2, $0x0  }
0x7a2: {  	s3 =	rddreg [dreg:$0x2];
	[bflag:$0x3] =	sbarrier.arrive $0xFFFF;
	s2 =	simm.s32 @!p0 $0x1C05  }
0x7a3: {  	[timem:s3], [sflag:s2] =	dma.local @!p0 [hbm:s0], s1  }
0x7a4: {  	s0 =	simm.s32 @!p0 $0x5  }
0x7a5: {  	_ =	swait.ge @!p0 [sflag:s0], s1  }
0x7a6: {  	s1 =	ssub.s32 @!p0 $0x0, s1;
	[sflag:s0] =	ssyncset.done @!p0 $0x0  }
0x7a7: {  	[sflag:s0] =	ssyncadd.s32 @!p0 s1  }
0x7a8: {  	[bflag:$0x3] =	sbarrier.arrive $0xFFFF  }
0x7a9: {  	_ =	shalt  }

</sc_bundles>
